<compile_context>
chip_gen: v7x
topology: tpu7x:2x2x1
jax: 0.10.2.dev20260603
libtpu: 0.0.44.dev20260713+nightly
codegen_flags: <defaults>
</compile_context>

<pallas_src>
import functools

import jax
import jax.numpy as jnp
from jax import lax
from jax.experimental import pallas as pl
from jax.experimental.pallas import tpu as pltpu
from jax.experimental.pallas import tpu_sc as plsc

EMBED_DIM = 16
BATCH = 16384
LANES = 16

_info = plsc.get_sparse_core_info()
_NC, _NS = _info.num_cores, _info.num_subcores
_NW = _NC * _NS
_BPW = BATCH // _NW
_WAVE = 16
_NWAVE = _BPW // _WAVE

_mesh = plsc.VectorSubcoreMesh(core_axis_name="c", subcore_axis_name="s")


@functools.partial(
    pl.kernel,
    mesh=_mesh,
    out_type=jax.ShapeDtypeStruct((EMBED_DIM, BATCH), jnp.float32),
    scratch_types=[
        pltpu.VMEM((_BPW,), jnp.int32),
        pltpu.VMEM((3, EMBED_DIM, _WAVE * 128), jnp.float32),
        pltpu.VMEM((EMBED_DIM, _BPW), jnp.float32),
        pltpu.SemaphoreType.DMA,
        pltpu.SemaphoreType.DMA,
        pltpu.SemaphoreType.DMA,
    ],
    compiler_params=pltpu.CompilerParams(needs_layout_passes=False),
)
def _gather_kernel(table_hbm, idx_hbm, out_hbm, idx_v, blk_v, out_v, s0, s1, s2):
    wid = lax.axis_index("s") * _NC + lax.axis_index("c")
    base = wid * _BPW
    pltpu.sync_copy(idx_hbm.at[pl.ds(base, _BPW)], idx_v)
    lane = lax.iota(jnp.int32, LANES)

    def wave_idx(w):
        return idx_v[pl.ds(w * _WAVE, _WAVE)]

    def wave_offs(vs):
        return lax.shift_left(lax.shift_right_logical(vs, 7), 7)

    tcols = lax.iota(jnp.int32, LANES) * 128

    def fire(w, buf, sem):
        offs = wave_offs(wave_idx(w))
        for t in range(_WAVE):
            off = pl.multiple_of(offs[t], 128)
            pltpu.make_async_copy(
                table_hbm.at[:, pl.ds(off, 128)],
                blk_v.at[buf, :, pl.ds(t * 128, 128)],
                sem,
            ).start()

    def drain_extract(w, buf, sem):
        pltpu.make_async_copy(
            table_hbm.at[:, pl.ds(0, _WAVE * 128)], blk_v.at[buf], sem
        ).wait()
        vs = wave_idx(w)
        cols = (vs - wave_offs(vs)) + tcols
        bvec = jnp.full((LANES,), buf, jnp.int32)
        for d in range(EMBED_DIM):
            vec = plsc.load_gather(
                blk_v, [bvec, jnp.full((LANES,), d, jnp.int32), cols]
            )
            out_v[d, pl.ds(w * _WAVE, _WAVE)] = vec

    fire(0, 0, s0)
    fire(1, 1, s1)

    def body(j, carry):
        w = 3 * j
        fire(w + 2, 2, s2)
        drain_extract(w, 0, s0)
        fire(w + 3, 0, s0)
        drain_extract(w + 1, 1, s1)
        fire(w + 4, 1, s1)
        drain_extract(w + 2, 2, s2)
        return carry

    lax.fori_loop(0, (_NWAVE - 2) // 3, body, 0)
    drain_extract(_NWAVE - 2, 0, s0)
    drain_extract(_NWAVE - 1, 1, s1)
    pltpu.sync_copy(out_v, out_hbm.at[:, pl.ds(base, _BPW)])


def kernel(g, h, r, norm, node_attri):
    table_t = node_attri.T
    idx = h.reshape(BATCH)
    out_t = _gather_kernel(table_t, idx)
    return out_t.T

# --- scband reference (transcript-rebuilt; emitter-appended) ---
"""Pipeline reference for scband-embedding-layer-attri-1846835937996 (READ-ONLY COPY).

The authoritative reference and input builder live on the scoring server;
editing this copy changes nothing except your own understanding.
"""

import jax, jax.numpy as jnp
import numpy as np

VOCAB = 1000000
EMBED_DIM = 16
BATCH = 16384

def setup_inputs(seed: int = 0) -> dict:
    key = jax.random.key(seed)
    k1, k2, k3 = jax.random.split(key, 3)
    node_attri = jax.random.normal(k1, (VOCAB, EMBED_DIM), dtype=jnp.float32)
    h = jax.random.randint(k2, (BATCH, 1), 0, VOCAB, dtype=jnp.int32)
    r = jax.random.randint(k3, (BATCH,), 0, 10, dtype=jnp.int32)
    norm = jax.random.uniform(jax.random.fold_in(key, 7), (BATCH,), dtype=jnp.float32)
    g = 0  # unused graph placeholder
    return {"g": g, "h": h, "r": r, "norm": norm, "node_attri": node_attri}

def reference(g, h, r, norm, node_attri):
    # forward: return self.embedding(h.squeeze())
    idx = jnp.squeeze(h)
    return jnp.take(node_attri, idx, axis=0)

if __name__ == "__main__":
    import jax
    _d = setup_inputs()
    print(jax.jit(kernel)(*tuple(_d.values())))

</pallas_src>

<mosaic_0001>
#map = affine_map<(d0, d1) -> (0, 0)>
#map1 = affine_map<(d0, d1) -> (0)>
module attributes {stable_mosaic.version = 14 : i64} {
  func.func @_gather_kernel(%arg0: i32, %arg1: i32, %arg2: memref<16x1000000xf32, #tpu.memory_space<hbm>>, %arg3: memref<16384xi32, #tpu.memory_space<hbm>>, %arg4: memref<16x16384xf32, #tpu.memory_space<hbm>>, %arg5: memref<512xi32, #tpu.memory_space<vmem>>, %arg6: memref<3x16x2048xf32, #tpu.memory_space<vmem>>, %arg7: memref<16x512xf32, #tpu.memory_space<vmem>>, %arg8: memref<!tpu.dma_semaphore, #tpu.memory_space<semaphore_mem>>, %arg9: memref<!tpu.dma_semaphore, #tpu.memory_space<semaphore_mem>>, %arg10: memref<!tpu.dma_semaphore, #tpu.memory_space<semaphore_mem>>) attributes {dimension_semantics = [#tpu.dimension_semantics<core_parallel>, #tpu.dimension_semantics<subcore_parallel>], iteration_bounds = array<i64: 2, 16>, scalar_prefetch = 0 : i64, scratch_operands = 6 : i64, tpu.core_type = #tpu.core_type<sc_vector_subcore>, window_params = [{transform_indices = #map}, {transform_indices = #map1}, {transform_indices = #map}]} {
    %mul3A = arith.constant 2 : i32
    %mul3A_0 = arith.muli %arg1, %mul3A : i32
    %add3A = arith.addi %mul3A_0, %arg0 : i32
    %mul3A_1 = arith.constant 512 : i32
    %mul3A_2 = arith.muli %add3A, %mul3A_1 : i32
    "tpu.region"() ({
      %run_scoped3A = tpu.sem_alloc : memref<!tpu.dma_semaphore, #tpu.memory_space<semaphore_mem>>
      %dma_start3A_806 = tpu.memref_slice %arg3[%mul3A_2] : memref<16384xi32, #tpu.memory_space<hbm>> -> memref<512xi32, #tpu.memory_space<hbm>>
      %dma_start3A_807 = tpu.memref_slice %arg3[%mul3A_2] : memref<16384xi32, #tpu.memory_space<hbm>> -> memref<512xi32, #tpu.memory_space<hbm>>
      tpu.enqueue_dma source(%dma_start3A_807 : memref<512xi32, #tpu.memory_space<hbm>>) target(%arg5 : memref<512xi32, #tpu.memory_space<vmem>>) target_semaphore(%run_scoped3A : memref<!tpu.dma_semaphore, #tpu.memory_space<semaphore_mem>>)
      %dma_wait3A_808 = tpu.memref_slice %arg3[%mul3A_2] : memref<16384xi32, #tpu.memory_space<hbm>> -> memref<512xi32, #tpu.memory_space<hbm>>
      %dma_wait3A_809 = tpu.memref_slice %arg3[%mul3A_2] : memref<16384xi32, #tpu.memory_space<hbm>> -> memref<512xi32, #tpu.memory_space<hbm>>
      tpu.wait_dma2 semaphore(%run_scoped3A : memref<!tpu.dma_semaphore, #tpu.memory_space<semaphore_mem>>) src(%dma_wait3A_809 : memref<512xi32, #tpu.memory_space<hbm>>) dst(%arg5 : memref<512xi32, #tpu.memory_space<vmem>>)
      tpu.yield
    }) : () -> ()
    %iota3A = tpu.iota {dimensions = array<i32: 0>} : vector<16xi32>
    %iota3A_3 = tpu.iota {dimensions = array<i32: 0>} : vector<16xi32>
    %mul3A_4 = arith.constant 128 : i32
    %mul3A_5 = vector.broadcast %mul3A_4 : i32 to vector<16xi32>
    %mul3A_6 = arith.muli %iota3A_3, %mul3A_5 : vector<16xi32>
    %get3A = arith.constant 0 : index
    %get3A_7 = tpu.vector_load %arg5[%get3A] {strides = array<i32>} : memref<512xi32, #tpu.memory_space<vmem>>, vector<16xi32>,
    %shift_right_logical3A = arith.constant 7 : i32
    %shift_right_logical3A_8 = vector.broadcast %shift_right_logical3A : i32 to vector<16xi32>
    %shift_right_logical3A_9 = arith.shrui %get3A_7, %shift_right_logical3A_8 : vector<16xi32>
    %shift_left3A = arith.constant 7 : i32
    %shift_left3A_10 = vector.broadcast %shift_left3A : i32 to vector<16xi32>
    %shift_left3A_11 = arith.shli %shift_right_logical3A_9, %shift_left3A_10 : vector<16xi32>
    %slice3A = vector.extract_strided_slice %shift_left3A_11 {offsets = [0], sizes = [1], strides = [1]} : vector<16xi32> to vector<1xi32>
    %squeeze3A = vector.extract %slice3A[0] : i32 from vector<1xi32>
    %multiple_of3A = tpu.assume_multiple %squeeze3A, 128 : i32
    %dma_start3A = arith.constant 0 : i32
    %dma_start3A_12 = arith.constant 0 : i32
    %dma_start3A_13 = arith.constant 0 : i32
    %dma_start3A_14 = tpu.memref_slice %arg6[%dma_start3A, %dma_start3A_12, %dma_start3A_13] : memref<3x16x2048xf32, #tpu.memory_space<vmem>> -> memref<1x16x128xf32, #tpu.memory_space<vmem>>
    %dma_start3A_15 = tpu.memref_squeeze %dma_start3A_14 : memref<1x16x128xf32, #tpu.memory_space<vmem>> -> memref<16x128xf32, #tpu.memory_space<vmem>>
    %dma_start3A_16 = arith.constant 0 : i32
    %dma_start3A_17 = tpu.memref_slice %arg2[%dma_start3A_16, %multiple_of3A] : memref<16x1000000xf32, #tpu.memory_space<hbm>> -> memref<16x128xf32, #tpu.memory_space<hbm>>
    %dma_start3A_18 = arith.constant 0 : i32
    %dma_start3A_19 = arith.constant 0 : i32
    %dma_start3A_20 = tpu.memref_slice %arg6[%dma_start3A, %dma_start3A_18, %dma_start3A_19] : memref<3x16x2048xf32, #tpu.memory_space<vmem>> -> memref<1x16x128xf32, #tpu.memory_space<vmem>>
    %dma_start3A_21 = tpu.memref_squeeze %dma_start3A_20 : memref<1x16x128xf32, #tpu.memory_space<vmem>> -> memref<16x128xf32, #tpu.memory_space<vmem>>
    %dma_start3A_22 = arith.constant 0 : i32
    %dma_start3A_23 = tpu.memref_slice %arg2[%dma_start3A_22, %multiple_of3A] : memref<16x1000000xf32, #tpu.memory_space<hbm>> -> memref<16x128xf32, #tpu.memory_space<hbm>>
    tpu.enqueue_dma source(%dma_start3A_23 : memref<16x128xf32, #tpu.memory_space<hbm>>) target(%dma_start3A_21 : memref<16x128xf32, #tpu.memory_space<vmem>>) target_semaphore(%arg8 : memref<!tpu.dma_semaphore, #tpu.memory_space<semaphore_mem>>)
    %slice3A_24 = vector.extract_strided_slice %shift_left3A_11 {offsets = [1], sizes = [1], strides = [1]} : vector<16xi32> to vector<1xi32>
    %squeeze3A_25 = vector.extract %slice3A_24[0] : i32 from vector<1xi32>
    %multiple_of3A_26 = tpu.assume_multiple %squeeze3A_25, 128 : i32
    %dma_start3A_27 = arith.constant 0 : i32
    %dma_start3A_28 = arith.constant 0 : i32
    %dma_start3A_29 = arith.constant 128 : i32
    %dma_start3A_30 = tpu.memref_slice %arg6[%dma_start3A_27, %dma_start3A_28, %dma_start3A_29] : memref<3x16x2048xf32, #tpu.memory_space<vmem>> -> memref<1x16x128xf32, #tpu.memory_space<vmem>>
    %dma_start3A_31 = tpu.memref_squeeze %dma_start3A_30 : memref<1x16x128xf32, #tpu.memory_space<vmem>> -> memref<16x128xf32, #tpu.memory_space<vmem>>
    %dma_start3A_32 = arith.constant 0 : i32
    %dma_start3A_33 = tpu.memref_slice %arg2[%dma_start3A_32, %multiple_of3A_26] : memref<16x1000000xf32, #tpu.memory_space<hbm>> -> memref<16x128xf32, #tpu.memory_space<hbm>>
    %dma_start3A_34 = arith.constant 0 : i32
    %dma_start3A_35 = arith.constant 128 : i32
    %dma_start3A_36 = tpu.memref_slice %arg6[%dma_start3A_27, %dma_start3A_34, %dma_start3A_35] : memref<3x16x2048xf32, #tpu.memory_space<vmem>> -> memref<1x16x128xf32, #tpu.memory_space<vmem>>
    %dma_start3A_37 = tpu.memref_squeeze %dma_start3A_36 : memref<1x16x128xf32, #tpu.memory_space<vmem>> -> memref<16x128xf32, #tpu.memory_space<vmem>>
    %dma_start3A_38 = arith.constant 0 : i32
    %dma_start3A_39 = tpu.memref_slice %arg2[%dma_start3A_38, %multiple_of3A_26] : memref<16x1000000xf32, #tpu.memory_space<hbm>> -> memref<16x128xf32, #tpu.memory_space<hbm>>
    tpu.enqueue_dma source(%dma_start3A_39 : memref<16x128xf32, #tpu.memory_space<hbm>>) target(%dma_start3A_37 : memref<16x128xf32, #tpu.memory_space<vmem>>) target_semaphore(%arg8 : memref<!tpu.dma_semaphore, #tpu.memory_space<semaphore_mem>>)
    %slice3A_40 = vector.extract_strided_slice %shift_left3A_11 {offsets = [2], sizes = [1], strides = [1]} : vector<16xi32> to vector<1xi32>
    %squeeze3A_41 = vector.extract %slice3A_40[0] : i32 from vector<1xi32>
    %multiple_of3A_42 = tpu.assume_multiple %squeeze3A_41, 128 : i32
    %dma_start3A_43 = arith.constant 0 : i32
    %dma_start3A_44 = arith.constant 0 : i32
    %dma_start3A_45 = arith.constant 256 : i32
    %dma_start3A_46 = tpu.memref_slice %arg6[%dma_start3A_43, %dma_start3A_44, %dma_start3A_45] : memref<3x16x2048xf32, #tpu.memory_space<vmem>> -> memref<1x16x128xf32, #tpu.memory_space<vmem>>
    %dma_start3A_47 = tpu.memref_squeeze %dma_start3A_46 : memref<1x16x128xf32, #tpu.memory_space<vmem>> -> memref<16x128xf32, #tpu.memory_space<vmem>>
    %dma_start3A_48 = arith.constant 0 : i32
    %dma_start3A_49 = tpu.memref_slice %arg2[%dma_start3A_48, %multiple_of3A_42] : memref<16x1000000xf32, #tpu.memory_space<hbm>> -> memref<16x128xf32, #tpu.memory_space<hbm>>
    %dma_start3A_50 = arith.constant 0 : i32
    %dma_start3A_51 = arith.constant 256 : i32
    %dma_start3A_52 = tpu.memref_slice %arg6[%dma_start3A_43, %dma_start3A_50, %dma_start3A_51] : memref<3x16x2048xf32, #tpu.memory_space<vmem>> -> memref<1x16x128xf32, #tpu.memory_space<vmem>>
    %dma_start3A_53 = tpu.memref_squeeze %dma_start3A_52 : memref<1x16x128xf32, #tpu.memory_space<vmem>> -> memref<16x128xf32, #tpu.memory_space<vmem>>
    %dma_start3A_54 = arith.constant 0 : i32
    %dma_start3A_55 = tpu.memref_slice %arg2[%dma_start3A_54, %multiple_of3A_42] : memref<16x1000000xf32, #tpu.memory_space<hbm>> -> memref<16x128xf32, #tpu.memory_space<hbm>>
    tpu.enqueue_dma source(%dma_start3A_55 : memref<16x128xf32, #tpu.memory_space<hbm>>) target(%dma_start3A_53 : memref<16x128xf32, #tpu.memory_space<vmem>>) target_semaphore(%arg8 : memref<!tpu.dma_semaphore, #tpu.memory_space<semaphore_mem>>)
    %slice3A_56 = vector.extract_strided_slice %shift_left3A_11 {offsets = [3], sizes = [1], strides = [1]} : vector<16xi32> to vector<1xi32>
    %squeeze3A_57 = vector.extract %slice3A_56[0] : i32 from vector<1xi32>
    %multiple_of3A_58 = tpu.assume_multiple %squeeze3A_57, 128 : i32
    %dma_start3A_59 = arith.constant 0 : i32
    %dma_start3A_60 = arith.constant 0 : i32
    %dma_start3A_61 = arith.constant 384 : i32
    %dma_start3A_62 = tpu.memref_slice %arg6[%dma_start3A_59, %dma_start3A_60, %dma_start3A_61] : memref<3x16x2048xf32, #tpu.memory_space<vmem>> -> memref<1x16x128xf32, #tpu.memory_space<vmem>>
    %dma_start3A_63 = tpu.memref_squeeze %dma_start3A_62 : memref<1x16x128xf32, #tpu.memory_space<vmem>> -> memref<16x128xf32, #tpu.memory_space<vmem>>
    %dma_start3A_64 = arith.constant 0 : i32
    %dma_start3A_65 = tpu.memref_slice %arg2[%dma_start3A_64, %multiple_of3A_58] : memref<16x1000000xf32, #tpu.memory_space<hbm>> -> memref<16x128xf32, #tpu.memory_space<hbm>>
    %dma_start3A_66 = arith.constant 0 : i32
    %dma_start3A_67 = arith.constant 384 : i32
    %dma_start3A_68 = tpu.memref_slice %arg6[%dma_start3A_59, %dma_start3A_66, %dma_start3A_67] : memref<3x16x2048xf32, #tpu.memory_space<vmem>> -> memref<1x16x128xf32, #tpu.memory_space<vmem>>
    %dma_start3A_69 = tpu.memref_squeeze %dma_start3A_68 : memref<1x16x128xf32, #tpu.memory_space<vmem>> -> memref<16x128xf32, #tpu.memory_space<vmem>>
    %dma_start3A_70 = arith.constant 0 : i32
    %dma_start3A_71 = tpu.memref_slice %arg2[%dma_start3A_70, %multiple_of3A_58] : memref<16x1000000xf32, #tpu.memory_space<hbm>> -> memref<16x128xf32, #tpu.memory_space<hbm>>
    tpu.enqueue_dma source(%dma_start3A_71 : memref<16x128xf32, #tpu.memory_space<hbm>>) target(%dma_start3A_69 : memref<16x128xf32, #tpu.memory_space<vmem>>) target_semaphore(%arg8 : memref<!tpu.dma_semaphore, #tpu.memory_space<semaphore_mem>>)
    %slice3A_72 = vector.extract_strided_slice %shift_left3A_11 {offsets = [4], sizes = [1], strides = [1]} : vector<16xi32> to vector<1xi32>
    %squeeze3A_73 = vector.extract %slice3A_72[0] : i32 from vector<1xi32>
    %multiple_of3A_74 = tpu.assume_multiple %squeeze3A_73, 128 : i32
    %dma_start3A_75 = arith.constant 0 : i32
    %dma_start3A_76 = arith.constant 0 : i32
    %dma_start3A_77 = arith.constant 512 : i32
    %dma_start3A_78 = tpu.memref_slice %arg6[%dma_start3A_75, %dma_start3A_76, %dma_start3A_77] : memref<3x16x2048xf32, #tpu.memory_space<vmem>> -> memref<1x16x128xf32, #tpu.memory_space<vmem>>
    %dma_start3A_79 = tpu.memref_squeeze %dma_start3A_78 : memref<1x16x128xf32, #tpu.memory_space<vmem>> -> memref<16x128xf32, #tpu.memory_space<vmem>>
    %dma_start3A_80 = arith.constant 0 : i32
    %dma_start3A_81 = tpu.memref_slice %arg2[%dma_start3A_80, %multiple_of3A_74] : memref<16x1000000xf32, #tpu.memory_space<hbm>> -> memref<16x128xf32, #tpu.memory_space<hbm>>
    %dma_start3A_82 = arith.constant 0 : i32
    %dma_start3A_83 = arith.constant 512 : i32
    %dma_start3A_84 = tpu.memref_slice %arg6[%dma_start3A_75, %dma_start3A_82, %dma_start3A_83] : memref<3x16x2048xf32, #tpu.memory_space<vmem>> -> memref<1x16x128xf32, #tpu.memory_space<vmem>>
    %dma_start3A_85 = tpu.memref_squeeze %dma_start3A_84 : memref<1x16x128xf32, #tpu.memory_space<vmem>> -> memref<16x128xf32, #tpu.memory_space<vmem>>
    %dma_start3A_86 = arith.constant 0 : i32
    %dma_start3A_87 = tpu.memref_slice %arg2[%dma_start3A_86, %multiple_of3A_74] : memref<16x1000000xf32, #tpu.memory_space<hbm>> -> memref<16x128xf32, #tpu.memory_space<hbm>>
    tpu.enqueue_dma source(%dma_start3A_87 : memref<16x128xf32, #tpu.memory_space<hbm>>) target(%dma_start3A_85 : memref<16x128xf32, #tpu.memory_space<vmem>>) target_semaphore(%arg8 : memref<!tpu.dma_semaphore, #tpu.memory_space<semaphore_mem>>)
    %slice3A_88 = vector.extract_strided_slice %shift_left3A_11 {offsets = [5], sizes = [1], strides = [1]} : vector<16xi32> to vector<1xi32>
    %squeeze3A_89 = vector.extract %slice3A_88[0] : i32 from vector<1xi32>
    %multiple_of3A_90 = tpu.assume_multiple %squeeze3A_89, 128 : i32
    %dma_start3A_91 = arith.constant 0 : i32
    %dma_start3A_92 = arith.constant 0 : i32
    %dma_start3A_93 = arith.constant 640 : i32
    %dma_start3A_94 = tpu.memref_slice %arg6[%dma_start3A_91, %dma_start3A_92, %dma_start3A_93] : memref<3x16x2048xf32, #tpu.memory_space<vmem>> -> memref<1x16x128xf32, #tpu.memory_space<vmem>>
    %dma_start3A_95 = tpu.memref_squeeze %dma_start3A_94 : memref<1x16x128xf32, #tpu.memory_space<vmem>> -> memref<16x128xf32, #tpu.memory_space<vmem>>
    %dma_start3A_96 = arith.constant 0 : i32
    %dma_start3A_97 = tpu.memref_slice %arg2[%dma_start3A_96, %multiple_of3A_90] : memref<16x1000000xf32, #tpu.memory_space<hbm>> -> memref<16x128xf32, #tpu.memory_space<hbm>>
    %dma_start3A_98 = arith.constant 0 : i32
    %dma_start3A_99 = arith.constant 640 : i32
    %dma_start3A_100 = tpu.memref_slice %arg6[%dma_start3A_91, %dma_start3A_98, %dma_start3A_99] : memref<3x16x2048xf32, #tpu.memory_space<vmem>> -> memref<1x16x128xf32, #tpu.memory_space<vmem>>
    %dma_start3A_101 = tpu.memref_squeeze %dma_start3A_100 : memref<1x16x128xf32, #tpu.memory_space<vmem>> -> memref<16x128xf32, #tpu.memory_space<vmem>>
    %dma_start3A_102 = arith.constant 0 : i32
    %dma_start3A_103 = tpu.memref_slice %arg2[%dma_start3A_102, %multiple_of3A_90] : memref<16x1000000xf32, #tpu.memory_space<hbm>> -> memref<16x128xf32, #tpu.memory_space<hbm>>
    tpu.enqueue_dma source(%dma_start3A_103 : memref<16x128xf32, #tpu.memory_space<hbm>>) target(%dma_start3A_101 : memref<16x128xf32, #tpu.memory_space<vmem>>) target_semaphore(%arg8 : memref<!tpu.dma_semaphore, #tpu.memory_space<semaphore_mem>>)
    %slice3A_104 = vector.extract_strided_slice %shift_left3A_11 {offsets = [6], sizes = [1], strides = [1]} : vector<16xi32> to vector<1xi32>
    %squeeze3A_105 = vector.extract %slice3A_104[0] : i32 from vector<1xi32>
    %multiple_of3A_106 = tpu.assume_multiple %squeeze3A_105, 128 : i32
    %dma_start3A_107 = arith.constant 0 : i32
    %dma_start3A_108 = arith.constant 0 : i32
    %dma_start3A_109 = arith.constant 768 : i32
    %dma_start3A_110 = tpu.memref_slice %arg6[%dma_start3A_107, %dma_start3A_108, %dma_start3A_109] : memref<3x16x2048xf32, #tpu.memory_space<vmem>> -> memref<1x16x128xf32, #tpu.memory_space<vmem>>
    %dma_start3A_111 = tpu.memref_squeeze %dma_start3A_110 : memref<1x16x128xf32, #tpu.memory_space<vmem>> -> memref<16x128xf32, #tpu.memory_space<vmem>>
    %dma_start3A_112 = arith.constant 0 : i32
    %dma_start3A_113 = tpu.memref_slice %arg2[%dma_start3A_112, %multiple_of3A_106] : memref<16x1000000xf32, #tpu.memory_space<hbm>> -> memref<16x128xf32, #tpu.memory_space<hbm>>
    %dma_start3A_114 = arith.constant 0 : i32
    %dma_start3A_115 = arith.constant 768 : i32
    %dma_start3A_116 = tpu.memref_slice %arg6[%dma_start3A_107, %dma_start3A_114, %dma_start3A_115] : memref<3x16x2048xf32, #tpu.memory_space<vmem>> -> memref<1x16x128xf32, #tpu.memory_space<vmem>>
    %dma_start3A_117 = tpu.memref_squeeze %dma_start3A_116 : memref<1x16x128xf32, #tpu.memory_space<vmem>> -> memref<16x128xf32, #tpu.memory_space<vmem>>
    %dma_start3A_118 = arith.constant 0 : i32
    %dma_start3A_119 = tpu.memref_slice %arg2[%dma_start3A_118, %multiple_of3A_106] : memref<16x1000000xf32, #tpu.memory_space<hbm>> -> memref<16x128xf32, #tpu.memory_space<hbm>>
    tpu.enqueue_dma source(%dma_start3A_119 : memref<16x128xf32, #tpu.memory_space<hbm>>) target(%dma_start3A_117 : memref<16x128xf32, #tpu.memory_space<vmem>>) target_semaphore(%arg8 : memref<!tpu.dma_semaphore, #tpu.memory_space<semaphore_mem>>)
    %slice3A_120 = vector.extract_strided_slice %shift_left3A_11 {offsets = [7], sizes = [1], strides = [1]} : vector<16xi32> to vector<1xi32>
    %squeeze3A_121 = vector.extract %slice3A_120[0] : i32 from vector<1xi32>
    %multiple_of3A_122 = tpu.assume_multiple %squeeze3A_121, 128 : i32
    %dma_start3A_123 = arith.constant 0 : i32
    %dma_start3A_124 = arith.constant 0 : i32
    %dma_start3A_125 = arith.constant 896 : i32
    %dma_start3A_126 = tpu.memref_slice %arg6[%dma_start3A_123, %dma_start3A_124, %dma_start3A_125] : memref<3x16x2048xf32, #tpu.memory_space<vmem>> -> memref<1x16x128xf32, #tpu.memory_space<vmem>>
    %dma_start3A_127 = tpu.memref_squeeze %dma_start3A_126 : memref<1x16x128xf32, #tpu.memory_space<vmem>> -> memref<16x128xf32, #tpu.memory_space<vmem>>
    %dma_start3A_128 = arith.constant 0 : i32
    %dma_start3A_129 = tpu.memref_slice %arg2[%dma_start3A_128, %multiple_of3A_122] : memref<16x1000000xf32, #tpu.memory_space<hbm>> -> memref<16x128xf32, #tpu.memory_space<hbm>>
    %dma_start3A_130 = arith.constant 0 : i32
    %dma_start3A_131 = arith.constant 896 : i32
    %dma_start3A_132 = tpu.memref_slice %arg6[%dma_start3A_123, %dma_start3A_130, %dma_start3A_131] : memref<3x16x2048xf32, #tpu.memory_space<vmem>> -> memref<1x16x128xf32, #tpu.memory_space<vmem>>
    %dma_start3A_133 = tpu.memref_squeeze %dma_start3A_132 : memref<1x16x128xf32, #tpu.memory_space<vmem>> -> memref<16x128xf32, #tpu.memory_space<vmem>>
    %dma_start3A_134 = arith.constant 0 : i32
    %dma_start3A_135 = tpu.memref_slice %arg2[%dma_start3A_134, %multiple_of3A_122] : memref<16x1000000xf32, #tpu.memory_space<hbm>> -> memref<16x128xf32, #tpu.memory_space<hbm>>
    tpu.enqueue_dma source(%dma_start3A_135 : memref<16x128xf32, #tpu.memory_space<hbm>>) target(%dma_start3A_133 : memref<16x128xf32, #tpu.memory_space<vmem>>) target_semaphore(%arg8 : memref<!tpu.dma_semaphore, #tpu.memory_space<semaphore_mem>>)
    %slice3A_136 = vector.extract_strided_slice %shift_left3A_11 {offsets = [8], sizes = [1], strides = [1]} : vector<16xi32> to vector<1xi32>
    %squeeze3A_137 = vector.extract %slice3A_136[0] : i32 from vector<1xi32>
    %multiple_of3A_138 = tpu.assume_multiple %squeeze3A_137, 128 : i32
    %dma_start3A_139 = arith.constant 0 : i32
    %dma_start3A_140 = arith.constant 0 : i32
    %dma_start3A_141 = arith.constant 1024 : i32
    %dma_start3A_142 = tpu.memref_slice %arg6[%dma_start3A_139, %dma_start3A_140, %dma_start3A_141] : memref<3x16x2048xf32, #tpu.memory_space<vmem>> -> memref<1x16x128xf32, #tpu.memory_space<vmem>>
    %dma_start3A_143 = tpu.memref_squeeze %dma_start3A_142 : memref<1x16x128xf32, #tpu.memory_space<vmem>> -> memref<16x128xf32, #tpu.memory_space<vmem>>
    %dma_start3A_144 = arith.constant 0 : i32
    %dma_start3A_145 = tpu.memref_slice %arg2[%dma_start3A_144, %multiple_of3A_138] : memref<16x1000000xf32, #tpu.memory_space<hbm>> -> memref<16x128xf32, #tpu.memory_space<hbm>>
    %dma_start3A_146 = arith.constant 0 : i32
    %dma_start3A_147 = arith.constant 1024 : i32
    %dma_start3A_148 = tpu.memref_slice %arg6[%dma_start3A_139, %dma_start3A_146, %dma_start3A_147] : memref<3x16x2048xf32, #tpu.memory_space<vmem>> -> memref<1x16x128xf32, #tpu.memory_space<vmem>>
    %dma_start3A_149 = tpu.memref_squeeze %dma_start3A_148 : memref<1x16x128xf32, #tpu.memory_space<vmem>> -> memref<16x128xf32, #tpu.memory_space<vmem>>
    %dma_start3A_150 = arith.constant 0 : i32
    %dma_start3A_151 = tpu.memref_slice %arg2[%dma_start3A_150, %multiple_of3A_138] : memref<16x1000000xf32, #tpu.memory_space<hbm>> -> memref<16x128xf32, #tpu.memory_space<hbm>>
    tpu.enqueue_dma source(%dma_start3A_151 : memref<16x128xf32, #tpu.memory_space<hbm>>) target(%dma_start3A_149 : memref<16x128xf32, #tpu.memory_space<vmem>>) target_semaphore(%arg8 : memref<!tpu.dma_semaphore, #tpu.memory_space<semaphore_mem>>)
    %slice3A_152 = vector.extract_strided_slice %shift_left3A_11 {offsets = [9], sizes = [1], strides = [1]} : vector<16xi32> to vector<1xi32>
    %squeeze3A_153 = vector.extract %slice3A_152[0] : i32 from vector<1xi32>
    %multiple_of3A_154 = tpu.assume_multiple %squeeze3A_153, 128 : i32
    %dma_start3A_155 = arith.constant 0 : i32
    %dma_start3A_156 = arith.constant 0 : i32
    %dma_start3A_157 = arith.constant 1152 : i32
    %dma_start3A_158 = tpu.memref_slice %arg6[%dma_start3A_155, %dma_start3A_156, %dma_start3A_157] : memref<3x16x2048xf32, #tpu.memory_space<vmem>> -> memref<1x16x128xf32, #tpu.memory_space<vmem>>
    %dma_start3A_159 = tpu.memref_squeeze %dma_start3A_158 : memref<1x16x128xf32, #tpu.memory_space<vmem>> -> memref<16x128xf32, #tpu.memory_space<vmem>>
    %dma_start3A_160 = arith.constant 0 : i32
    %dma_start3A_161 = tpu.memref_slice %arg2[%dma_start3A_160, %multiple_of3A_154] : memref<16x1000000xf32, #tpu.memory_space<hbm>> -> memref<16x128xf32, #tpu.memory_space<hbm>>
    %dma_start3A_162 = arith.constant 0 : i32
    %dma_start3A_163 = arith.constant 1152 : i32
    %dma_start3A_164 = tpu.memref_slice %arg6[%dma_start3A_155, %dma_start3A_162, %dma_start3A_163] : memref<3x16x2048xf32, #tpu.memory_space<vmem>> -> memref<1x16x128xf32, #tpu.memory_space<vmem>>
    %dma_start3A_165 = tpu.memref_squeeze %dma_start3A_164 : memref<1x16x128xf32, #tpu.memory_space<vmem>> -> memref<16x128xf32, #tpu.memory_space<vmem>>
    %dma_start3A_166 = arith.constant 0 : i32
    %dma_start3A_167 = tpu.memref_slice %arg2[%dma_start3A_166, %multiple_of3A_154] : memref<16x1000000xf32, #tpu.memory_space<hbm>> -> memref<16x128xf32, #tpu.memory_space<hbm>>
    tpu.enqueue_dma source(%dma_start3A_167 : memref<16x128xf32, #tpu.memory_space<hbm>>) target(%dma_start3A_165 : memref<16x128xf32, #tpu.memory_space<vmem>>) target_semaphore(%arg8 : memref<!tpu.dma_semaphore, #tpu.memory_space<semaphore_mem>>)
    %slice3A_168 = vector.extract_strided_slice %shift_left3A_11 {offsets = [10], sizes = [1], strides = [1]} : vector<16xi32> to vector<1xi32>
    %squeeze3A_169 = vector.extract %slice3A_168[0] : i32 from vector<1xi32>
    %multiple_of3A_170 = tpu.assume_multiple %squeeze3A_169, 128 : i32
    %dma_start3A_171 = arith.constant 0 : i32
    %dma_start3A_172 = arith.constant 0 : i32
    %dma_start3A_173 = arith.constant 1280 : i32
    %dma_start3A_174 = tpu.memref_slice %arg6[%dma_start3A_171, %dma_start3A_172, %dma_start3A_173] : memref<3x16x2048xf32, #tpu.memory_space<vmem>> -> memref<1x16x128xf32, #tpu.memory_space<vmem>>
    %dma_start3A_175 = tpu.memref_squeeze %dma_start3A_174 : memref<1x16x128xf32, #tpu.memory_space<vmem>> -> memref<16x128xf32, #tpu.memory_space<vmem>>
    %dma_start3A_176 = arith.constant 0 : i32
    %dma_start3A_177 = tpu.memref_slice %arg2[%dma_start3A_176, %multiple_of3A_170] : memref<16x1000000xf32, #tpu.memory_space<hbm>> -> memref<16x128xf32, #tpu.memory_space<hbm>>
    %dma_start3A_178 = arith.constant 0 : i32
    %dma_start3A_179 = arith.constant 1280 : i32
    %dma_start3A_180 = tpu.memref_slice %arg6[%dma_start3A_171, %dma_start3A_178, %dma_start3A_179] : memref<3x16x2048xf32, #tpu.memory_space<vmem>> -> memref<1x16x128xf32, #tpu.memory_space<vmem>>
    %dma_start3A_181 = tpu.memref_squeeze %dma_start3A_180 : memref<1x16x128xf32, #tpu.memory_space<vmem>> -> memref<16x128xf32, #tpu.memory_space<vmem>>
    %dma_start3A_182 = arith.constant 0 : i32
    %dma_start3A_183 = tpu.memref_slice %arg2[%dma_start3A_182, %multiple_of3A_170] : memref<16x1000000xf32, #tpu.memory_space<hbm>> -> memref<16x128xf32, #tpu.memory_space<hbm>>
    tpu.enqueue_dma source(%dma_start3A_183 : memref<16x128xf32, #tpu.memory_space<hbm>>) target(%dma_start3A_181 : memref<16x128xf32, #tpu.memory_space<vmem>>) target_semaphore(%arg8 : memref<!tpu.dma_semaphore, #tpu.memory_space<semaphore_mem>>)
    %slice3A_184 = vector.extract_strided_slice %shift_left3A_11 {offsets = [11], sizes = [1], strides = [1]} : vector<16xi32> to vector<1xi32>
    %squeeze3A_185 = vector.extract %slice3A_184[0] : i32 from vector<1xi32>
    %multiple_of3A_186 = tpu.assume_multiple %squeeze3A_185, 128 : i32
    %dma_start3A_187 = arith.constant 0 : i32
    %dma_start3A_188 = arith.constant 0 : i32
    %dma_start3A_189 = arith.constant 1408 : i32
    %dma_start3A_190 = tpu.memref_slice %arg6[%dma_start3A_187, %dma_start3A_188, %dma_start3A_189] : memref<3x16x2048xf32, #tpu.memory_space<vmem>> -> memref<1x16x128xf32, #tpu.memory_space<vmem>>
    %dma_start3A_191 = tpu.memref_squeeze %dma_start3A_190 : memref<1x16x128xf32, #tpu.memory_space<vmem>> -> memref<16x128xf32, #tpu.memory_space<vmem>>
    %dma_start3A_192 = arith.constant 0 : i32
    %dma_start3A_193 = tpu.memref_slice %arg2[%dma_start3A_192, %multiple_of3A_186] : memref<16x1000000xf32, #tpu.memory_space<hbm>> -> memref<16x128xf32, #tpu.memory_space<hbm>>
    %dma_start3A_194 = arith.constant 0 : i32
    %dma_start3A_195 = arith.constant 1408 : i32
    %dma_start3A_196 = tpu.memref_slice %arg6[%dma_start3A_187, %dma_start3A_194, %dma_start3A_195] : memref<3x16x2048xf32, #tpu.memory_space<vmem>> -> memref<1x16x128xf32, #tpu.memory_space<vmem>>
    %dma_start3A_197 = tpu.memref_squeeze %dma_start3A_196 : memref<1x16x128xf32, #tpu.memory_space<vmem>> -> memref<16x128xf32, #tpu.memory_space<vmem>>
    %dma_start3A_198 = arith.constant 0 : i32
    %dma_start3A_199 = tpu.memref_slice %arg2[%dma_start3A_198, %multiple_of3A_186] : memref<16x1000000xf32, #tpu.memory_space<hbm>> -> memref<16x128xf32, #tpu.memory_space<hbm>>
    tpu.enqueue_dma source(%dma_start3A_199 : memref<16x128xf32, #tpu.memory_space<hbm>>) target(%dma_start3A_197 : memref<16x128xf32, #tpu.memory_space<vmem>>) target_semaphore(%arg8 : memref<!tpu.dma_semaphore, #tpu.memory_space<semaphore_mem>>)
    %slice3A_200 = vector.extract_strided_slice %shift_left3A_11 {offsets = [12], sizes = [1], strides = [1]} : vector<16xi32> to vector<1xi32>
    %squeeze3A_201 = vector.extract %slice3A_200[0] : i32 from vector<1xi32>
    %multiple_of3A_202 = tpu.assume_multiple %squeeze3A_201, 128 : i32
    %dma_start3A_203 = arith.constant 0 : i32
    %dma_start3A_204 = arith.constant 0 : i32
    %dma_start3A_205 = arith.constant 1536 : i32
    %dma_start3A_206 = tpu.memref_slice %arg6[%dma_start3A_203, %dma_start3A_204, %dma_start3A_205] : memref<3x16x2048xf32, #tpu.memory_space<vmem>> -> memref<1x16x128xf32, #tpu.memory_space<vmem>>
    %dma_start3A_207 = tpu.memref_squeeze %dma_start3A_206 : memref<1x16x128xf32, #tpu.memory_space<vmem>> -> memref<16x128xf32, #tpu.memory_space<vmem>>
    %dma_start3A_208 = arith.constant 0 : i32
    %dma_start3A_209 = tpu.memref_slice %arg2[%dma_start3A_208, %multiple_of3A_202] : memref<16x1000000xf32, #tpu.memory_space<hbm>> -> memref<16x128xf32, #tpu.memory_space<hbm>>
    %dma_start3A_210 = arith.constant 0 : i32
    %dma_start3A_211 = arith.constant 1536 : i32
    %dma_start3A_212 = tpu.memref_slice %arg6[%dma_start3A_203, %dma_start3A_210, %dma_start3A_211] : memref<3x16x2048xf32, #tpu.memory_space<vmem>> -> memref<1x16x128xf32, #tpu.memory_space<vmem>>
    %dma_start3A_213 = tpu.memref_squeeze %dma_start3A_212 : memref<1x16x128xf32, #tpu.memory_space<vmem>> -> memref<16x128xf32, #tpu.memory_space<vmem>>
    %dma_start3A_214 = arith.constant 0 : i32
    %dma_start3A_215 = tpu.memref_slice %arg2[%dma_start3A_214, %multiple_of3A_202] : memref<16x1000000xf32, #tpu.memory_space<hbm>> -> memref<16x128xf32, #tpu.memory_space<hbm>>
    tpu.enqueue_dma source(%dma_start3A_215 : memref<16x128xf32, #tpu.memory_space<hbm>>) target(%dma_start3A_213 : memref<16x128xf32, #tpu.memory_space<vmem>>) target_semaphore(%arg8 : memref<!tpu.dma_semaphore, #tpu.memory_space<semaphore_mem>>)
    %slice3A_216 = vector.extract_strided_slice %shift_left3A_11 {offsets = [13], sizes = [1], strides = [1]} : vector<16xi32> to vector<1xi32>
    %squeeze3A_217 = vector.extract %slice3A_216[0] : i32 from vector<1xi32>
    %multiple_of3A_218 = tpu.assume_multiple %squeeze3A_217, 128 : i32
    %dma_start3A_219 = arith.constant 0 : i32
    %dma_start3A_220 = arith.constant 0 : i32
    %dma_start3A_221 = arith.constant 1664 : i32
    %dma_start3A_222 = tpu.memref_slice %arg6[%dma_start3A_219, %dma_start3A_220, %dma_start3A_221] : memref<3x16x2048xf32, #tpu.memory_space<vmem>> -> memref<1x16x128xf32, #tpu.memory_space<vmem>>
    %dma_start3A_223 = tpu.memref_squeeze %dma_start3A_222 : memref<1x16x128xf32, #tpu.memory_space<vmem>> -> memref<16x128xf32, #tpu.memory_space<vmem>>
    %dma_start3A_224 = arith.constant 0 : i32
    %dma_start3A_225 = tpu.memref_slice %arg2[%dma_start3A_224, %multiple_of3A_218] : memref<16x1000000xf32, #tpu.memory_space<hbm>> -> memref<16x128xf32, #tpu.memory_space<hbm>>
    %dma_start3A_226 = arith.constant 0 : i32
    %dma_start3A_227 = arith.constant 1664 : i32
    %dma_start3A_228 = tpu.memref_slice %arg6[%dma_start3A_219, %dma_start3A_226, %dma_start3A_227] : memref<3x16x2048xf32, #tpu.memory_space<vmem>> -> memref<1x16x128xf32, #tpu.memory_space<vmem>>
    %dma_start3A_229 = tpu.memref_squeeze %dma_start3A_228 : memref<1x16x128xf32, #tpu.memory_space<vmem>> -> memref<16x128xf32, #tpu.memory_space<vmem>>
    %dma_start3A_230 = arith.constant 0 : i32
    %dma_start3A_231 = tpu.memref_slice %arg2[%dma_start3A_230, %multiple_of3A_218] : memref<16x1000000xf32, #tpu.memory_space<hbm>> -> memref<16x128xf32, #tpu.memory_space<hbm>>
    tpu.enqueue_dma source(%dma_start3A_231 : memref<16x128xf32, #tpu.memory_space<hbm>>) target(%dma_start3A_229 : memref<16x128xf32, #tpu.memory_space<vmem>>) target_semaphore(%arg8 : memref<!tpu.dma_semaphore, #tpu.memory_space<semaphore_mem>>)
    %slice3A_232 = vector.extract_strided_slice %shift_left3A_11 {offsets = [14], sizes = [1], strides = [1]} : vector<16xi32> to vector<1xi32>
    %squeeze3A_233 = vector.extract %slice3A_232[0] : i32 from vector<1xi32>
    %multiple_of3A_234 = tpu.assume_multiple %squeeze3A_233, 128 : i32
    %dma_start3A_235 = arith.constant 0 : i32
    %dma_start3A_236 = arith.constant 0 : i32
    %dma_start3A_237 = arith.constant 1792 : i32
    %dma_start3A_238 = tpu.memref_slice %arg6[%dma_start3A_235, %dma_start3A_236, %dma_start3A_237] : memref<3x16x2048xf32, #tpu.memory_space<vmem>> -> memref<1x16x128xf32, #tpu.memory_space<vmem>>
    %dma_start3A_239 = tpu.memref_squeeze %dma_start3A_238 : memref<1x16x128xf32, #tpu.memory_space<vmem>> -> memref<16x128xf32, #tpu.memory_space<vmem>>
    %dma_start3A_240 = arith.constant 0 : i32
    %dma_start3A_241 = tpu.memref_slice %arg2[%dma_start3A_240, %multiple_of3A_234] : memref<16x1000000xf32, #tpu.memory_space<hbm>> -> memref<16x128xf32, #tpu.memory_space<hbm>>
    %dma_start3A_242 = arith.constant 0 : i32
    %dma_start3A_243 = arith.constant 1792 : i32
    %dma_start3A_244 = tpu.memref_slice %arg6[%dma_start3A_235, %dma_start3A_242, %dma_start3A_243] : memref<3x16x2048xf32, #tpu.memory_space<vmem>> -> memref<1x16x128xf32, #tpu.memory_space<vmem>>
    %dma_start3A_245 = tpu.memref_squeeze %dma_start3A_244 : memref<1x16x128xf32, #tpu.memory_space<vmem>> -> memref<16x128xf32, #tpu.memory_space<vmem>>
    %dma_start3A_246 = arith.constant 0 : i32
    %dma_start3A_247 = tpu.memref_slice %arg2[%dma_start3A_246, %multiple_of3A_234] : memref<16x1000000xf32, #tpu.memory_space<hbm>> -> memref<16x128xf32, #tpu.memory_space<hbm>>
    tpu.enqueue_dma source(%dma_start3A_247 : memref<16x128xf32, #tpu.memory_space<hbm>>) target(%dma_start3A_245 : memref<16x128xf32, #tpu.memory_space<vmem>>) target_semaphore(%arg8 : memref<!tpu.dma_semaphore, #tpu.memory_space<semaphore_mem>>)
    %slice3A_248 = vector.extract_strided_slice %shift_left3A_11 {offsets = [15], sizes = [1], strides = [1]} : vector<16xi32> to vector<1xi32>
    %squeeze3A_249 = vector.extract %slice3A_248[0] : i32 from vector<1xi32>
    %multiple_of3A_250 = tpu.assume_multiple %squeeze3A_249, 128 : i32
    %dma_start3A_251 = arith.constant 0 : i32
    %dma_start3A_252 = arith.constant 0 : i32
    %dma_start3A_253 = arith.constant 1920 : i32
    %dma_start3A_254 = tpu.memref_slice %arg6[%dma_start3A_251, %dma_start3A_252, %dma_start3A_253] : memref<3x16x2048xf32, #tpu.memory_space<vmem>> -> memref<1x16x128xf32, #tpu.memory_space<vmem>>
    %dma_start3A_255 = tpu.memref_squeeze %dma_start3A_254 : memref<1x16x128xf32, #tpu.memory_space<vmem>> -> memref<16x128xf32, #tpu.memory_space<vmem>>
    %dma_start3A_256 = arith.constant 0 : i32
    %dma_start3A_257 = tpu.memref_slice %arg2[%dma_start3A_256, %multiple_of3A_250] : memref<16x1000000xf32, #tpu.memory_space<hbm>> -> memref<16x128xf32, #tpu.memory_space<hbm>>
    %dma_start3A_258 = arith.constant 0 : i32
    %dma_start3A_259 = arith.constant 1920 : i32
    %dma_start3A_260 = tpu.memref_slice %arg6[%dma_start3A_251, %dma_start3A_258, %dma_start3A_259] : memref<3x16x2048xf32, #tpu.memory_space<vmem>> -> memref<1x16x128xf32, #tpu.memory_space<vmem>>
    %dma_start3A_261 = tpu.memref_squeeze %dma_start3A_260 : memref<1x16x128xf32, #tpu.memory_space<vmem>> -> memref<16x128xf32, #tpu.memory_space<vmem>>
    %dma_start3A_262 = arith.constant 0 : i32
    %dma_start3A_263 = tpu.memref_slice %arg2[%dma_start3A_262, %multiple_of3A_250] : memref<16x1000000xf32, #tpu.memory_space<hbm>> -> memref<16x128xf32, #tpu.memory_space<hbm>>
    tpu.enqueue_dma source(%dma_start3A_263 : memref<16x128xf32, #tpu.memory_space<hbm>>) target(%dma_start3A_261 : memref<16x128xf32, #tpu.memory_space<vmem>>) target_semaphore(%arg8 : memref<!tpu.dma_semaphore, #tpu.memory_space<semaphore_mem>>)
    %get3A_264 = arith.constant 16 : index
    %get3A_265 = tpu.vector_load %arg5[%get3A_264] {strides = array<i32>} : memref<512xi32, #tpu.memory_space<vmem>>, vector<16xi32>,
    %shift_right_logical3A_266 = arith.constant 7 : i32
    %shift_right_logical3A_267 = vector.broadcast %shift_right_logical3A_266 : i32 to vector<16xi32>
    %shift_right_logical3A_268 = arith.shrui %get3A_265, %shift_right_logical3A_267 : vector<16xi32>
    %shift_left3A_269 = arith.constant 7 : i32
    %shift_left3A_270 = vector.broadcast %shift_left3A_269 : i32 to vector<16xi32>
    %shift_left3A_271 = arith.shli %shift_right_logical3A_268, %shift_left3A_270 : vector<16xi32>
    %slice3A_272 = vector.extract_strided_slice %shift_left3A_271 {offsets = [0], sizes = [1], strides = [1]} : vector<16xi32> to vector<1xi32>
    %squeeze3A_273 = vector.extract %slice3A_272[0] : i32 from vector<1xi32>
    %multiple_of3A_274 = tpu.assume_multiple %squeeze3A_273, 128 : i32
    %dma_start3A_275 = arith.constant 1 : i32
    %dma_start3A_276 = arith.constant 0 : i32
    %dma_start3A_277 = arith.constant 0 : i32
    %dma_start3A_278 = tpu.memref_slice %arg6[%dma_start3A_275, %dma_start3A_276, %dma_start3A_277] : memref<3x16x2048xf32, #tpu.memory_space<vmem>> -> memref<1x16x128xf32, #tpu.memory_space<vmem>>
    %dma_start3A_279 = tpu.memref_squeeze %dma_start3A_278 : memref<1x16x128xf32, #tpu.memory_space<vmem>> -> memref<16x128xf32, #tpu.memory_space<vmem>>
    %dma_start3A_280 = arith.constant 0 : i32
    %dma_start3A_281 = tpu.memref_slice %arg2[%dma_start3A_280, %multiple_of3A_274] : memref<16x1000000xf32, #tpu.memory_space<hbm>> -> memref<16x128xf32, #tpu.memory_space<hbm>>
    %dma_start3A_282 = arith.constant 0 : i32
    %dma_start3A_283 = arith.constant 0 : i32
    %dma_start3A_284 = tpu.memref_slice %arg6[%dma_start3A_275, %dma_start3A_282, %dma_start3A_283] : memref<3x16x2048xf32, #tpu.memory_space<vmem>> -> memref<1x16x128xf32, #tpu.memory_space<vmem>>
    %dma_start3A_285 = tpu.memref_squeeze %dma_start3A_284 : memref<1x16x128xf32, #tpu.memory_space<vmem>> -> memref<16x128xf32, #tpu.memory_space<vmem>>
    %dma_start3A_286 = arith.constant 0 : i32
    %dma_start3A_287 = tpu.memref_slice %arg2[%dma_start3A_286, %multiple_of3A_274] : memref<16x1000000xf32, #tpu.memory_space<hbm>> -> memref<16x128xf32, #tpu.memory_space<hbm>>
    tpu.enqueue_dma source(%dma_start3A_287 : memref<16x128xf32, #tpu.memory_space<hbm>>) target(%dma_start3A_285 : memref<16x128xf32, #tpu.memory_space<vmem>>) target_semaphore(%arg9 : memref<!tpu.dma_semaphore, #tpu.memory_space<semaphore_mem>>)
    %slice3A_288 = vector.extract_strided_slice %shift_left3A_271 {offsets = [1], sizes = [1], strides = [1]} : vector<16xi32> to vector<1xi32>
    %squeeze3A_289 = vector.extract %slice3A_288[0] : i32 from vector<1xi32>
    %multiple_of3A_290 = tpu.assume_multiple %squeeze3A_289, 128 : i32
    %dma_start3A_291 = arith.constant 1 : i32
    %dma_start3A_292 = arith.constant 0 : i32
    %dma_start3A_293 = arith.constant 128 : i32
    %dma_start3A_294 = tpu.memref_slice %arg6[%dma_start3A_291, %dma_start3A_292, %dma_start3A_293] : memref<3x16x2048xf32, #tpu.memory_space<vmem>> -> memref<1x16x128xf32, #tpu.memory_space<vmem>>
    %dma_start3A_295 = tpu.memref_squeeze %dma_start3A_294 : memref<1x16x128xf32, #tpu.memory_space<vmem>> -> memref<16x128xf32, #tpu.memory_space<vmem>>
    %dma_start3A_296 = arith.constant 0 : i32
    %dma_start3A_297 = tpu.memref_slice %arg2[%dma_start3A_296, %multiple_of3A_290] : memref<16x1000000xf32, #tpu.memory_space<hbm>> -> memref<16x128xf32, #tpu.memory_space<hbm>>
    %dma_start3A_298 = arith.constant 0 : i32
    %dma_start3A_299 = arith.constant 128 : i32
    %dma_start3A_300 = tpu.memref_slice %arg6[%dma_start3A_291, %dma_start3A_298, %dma_start3A_299] : memref<3x16x2048xf32, #tpu.memory_space<vmem>> -> memref<1x16x128xf32, #tpu.memory_space<vmem>>
    %dma_start3A_301 = tpu.memref_squeeze %dma_start3A_300 : memref<1x16x128xf32, #tpu.memory_space<vmem>> -> memref<16x128xf32, #tpu.memory_space<vmem>>
    %dma_start3A_302 = arith.constant 0 : i32
    %dma_start3A_303 = tpu.memref_slice %arg2[%dma_start3A_302, %multiple_of3A_290] : memref<16x1000000xf32, #tpu.memory_space<hbm>> -> memref<16x128xf32, #tpu.memory_space<hbm>>
    tpu.enqueue_dma source(%dma_start3A_303 : memref<16x128xf32, #tpu.memory_space<hbm>>) target(%dma_start3A_301 : memref<16x128xf32, #tpu.memory_space<vmem>>) target_semaphore(%arg9 : memref<!tpu.dma_semaphore, #tpu.memory_space<semaphore_mem>>)
    %slice3A_304 = vector.extract_strided_slice %shift_left3A_271 {offsets = [2], sizes = [1], strides = [1]} : vector<16xi32> to vector<1xi32>
    %squeeze3A_305 = vector.extract %slice3A_304[0] : i32 from vector<1xi32>
    %multiple_of3A_306 = tpu.assume_multiple %squeeze3A_305, 128 : i32
    %dma_start3A_307 = arith.constant 1 : i32
    %dma_start3A_308 = arith.constant 0 : i32
    %dma_start3A_309 = arith.constant 256 : i32
    %dma_start3A_310 = tpu.memref_slice %arg6[%dma_start3A_307, %dma_start3A_308, %dma_start3A_309] : memref<3x16x2048xf32, #tpu.memory_space<vmem>> -> memref<1x16x128xf32, #tpu.memory_space<vmem>>
    %dma_start3A_311 = tpu.memref_squeeze %dma_start3A_310 : memref<1x16x128xf32, #tpu.memory_space<vmem>> -> memref<16x128xf32, #tpu.memory_space<vmem>>
    %dma_start3A_312 = arith.constant 0 : i32
    %dma_start3A_313 = tpu.memref_slice %arg2[%dma_start3A_312, %multiple_of3A_306] : memref<16x1000000xf32, #tpu.memory_space<hbm>> -> memref<16x128xf32, #tpu.memory_space<hbm>>
    %dma_start3A_314 = arith.constant 0 : i32
    %dma_start3A_315 = arith.constant 256 : i32
    %dma_start3A_316 = tpu.memref_slice %arg6[%dma_start3A_307, %dma_start3A_314, %dma_start3A_315] : memref<3x16x2048xf32, #tpu.memory_space<vmem>> -> memref<1x16x128xf32, #tpu.memory_space<vmem>>
    %dma_start3A_317 = tpu.memref_squeeze %dma_start3A_316 : memref<1x16x128xf32, #tpu.memory_space<vmem>> -> memref<16x128xf32, #tpu.memory_space<vmem>>
    %dma_start3A_318 = arith.constant 0 : i32
    %dma_start3A_319 = tpu.memref_slice %arg2[%dma_start3A_318, %multiple_of3A_306] : memref<16x1000000xf32, #tpu.memory_space<hbm>> -> memref<16x128xf32, #tpu.memory_space<hbm>>
    tpu.enqueue_dma source(%dma_start3A_319 : memref<16x128xf32, #tpu.memory_space<hbm>>) target(%dma_start3A_317 : memref<16x128xf32, #tpu.memory_space<vmem>>) target_semaphore(%arg9 : memref<!tpu.dma_semaphore, #tpu.memory_space<semaphore_mem>>)
    %slice3A_320 = vector.extract_strided_slice %shift_left3A_271 {offsets = [3], sizes = [1], strides = [1]} : vector<16xi32> to vector<1xi32>
    %squeeze3A_321 = vector.extract %slice3A_320[0] : i32 from vector<1xi32>
    %multiple_of3A_322 = tpu.assume_multiple %squeeze3A_321, 128 : i32
    %dma_start3A_323 = arith.constant 1 : i32
    %dma_start3A_324 = arith.constant 0 : i32
    %dma_start3A_325 = arith.constant 384 : i32
    %dma_start3A_326 = tpu.memref_slice %arg6[%dma_start3A_323, %dma_start3A_324, %dma_start3A_325] : memref<3x16x2048xf32, #tpu.memory_space<vmem>> -> memref<1x16x128xf32, #tpu.memory_space<vmem>>
    %dma_start3A_327 = tpu.memref_squeeze %dma_start3A_326 : memref<1x16x128xf32, #tpu.memory_space<vmem>> -> memref<16x128xf32, #tpu.memory_space<vmem>>
    %dma_start3A_328 = arith.constant 0 : i32
    %dma_start3A_329 = tpu.memref_slice %arg2[%dma_start3A_328, %multiple_of3A_322] : memref<16x1000000xf32, #tpu.memory_space<hbm>> -> memref<16x128xf32, #tpu.memory_space<hbm>>
    %dma_start3A_330 = arith.constant 0 : i32
    %dma_start3A_331 = arith.constant 384 : i32
    %dma_start3A_332 = tpu.memref_slice %arg6[%dma_start3A_323, %dma_start3A_330, %dma_start3A_331] : memref<3x16x2048xf32, #tpu.memory_space<vmem>> -> memref<1x16x128xf32, #tpu.memory_space<vmem>>
    %dma_start3A_333 = tpu.memref_squeeze %dma_start3A_332 : memref<1x16x128xf32, #tpu.memory_space<vmem>> -> memref<16x128xf32, #tpu.memory_space<vmem>>
    %dma_start3A_334 = arith.constant 0 : i32
    %dma_start3A_335 = tpu.memref_slice %arg2[%dma_start3A_334, %multiple_of3A_322] : memref<16x1000000xf32, #tpu.memory_space<hbm>> -> memref<16x128xf32, #tpu.memory_space<hbm>>
    tpu.enqueue_dma source(%dma_start3A_335 : memref<16x128xf32, #tpu.memory_space<hbm>>) target(%dma_start3A_333 : memref<16x128xf32, #tpu.memory_space<vmem>>) target_semaphore(%arg9 : memref<!tpu.dma_semaphore, #tpu.memory_space<semaphore_mem>>)
    %slice3A_336 = vector.extract_strided_slice %shift_left3A_271 {offsets = [4], sizes = [1], strides = [1]} : vector<16xi32> to vector<1xi32>
    %squeeze3A_337 = vector.extract %slice3A_336[0] : i32 from vector<1xi32>
    %multiple_of3A_338 = tpu.assume_multiple %squeeze3A_337, 128 : i32
    %dma_start3A_339 = arith.constant 1 : i32
    %dma_start3A_340 = arith.constant 0 : i32
    %dma_start3A_341 = arith.constant 512 : i32
    %dma_start3A_342 = tpu.memref_slice %arg6[%dma_start3A_339, %dma_start3A_340, %dma_start3A_341] : memref<3x16x2048xf32, #tpu.memory_space<vmem>> -> memref<1x16x128xf32, #tpu.memory_space<vmem>>
    %dma_start3A_343 = tpu.memref_squeeze %dma_start3A_342 : memref<1x16x128xf32, #tpu.memory_space<vmem>> -> memref<16x128xf32, #tpu.memory_space<vmem>>
    %dma_start3A_344 = arith.constant 0 : i32
    %dma_start3A_345 = tpu.memref_slice %arg2[%dma_start3A_344, %multiple_of3A_338] : memref<16x1000000xf32, #tpu.memory_space<hbm>> -> memref<16x128xf32, #tpu.memory_space<hbm>>
    %dma_start3A_346 = arith.constant 0 : i32
    %dma_start3A_347 = arith.constant 512 : i32
    %dma_start3A_348 = tpu.memref_slice %arg6[%dma_start3A_339, %dma_start3A_346, %dma_start3A_347] : memref<3x16x2048xf32, #tpu.memory_space<vmem>> -> memref<1x16x128xf32, #tpu.memory_space<vmem>>
    %dma_start3A_349 = tpu.memref_squeeze %dma_start3A_348 : memref<1x16x128xf32, #tpu.memory_space<vmem>> -> memref<16x128xf32, #tpu.memory_space<vmem>>
    %dma_start3A_350 = arith.constant 0 : i32
    %dma_start3A_351 = tpu.memref_slice %arg2[%dma_start3A_350, %multiple_of3A_338] : memref<16x1000000xf32, #tpu.memory_space<hbm>> -> memref<16x128xf32, #tpu.memory_space<hbm>>
    tpu.enqueue_dma source(%dma_start3A_351 : memref<16x128xf32, #tpu.memory_space<hbm>>) target(%dma_start3A_349 : memref<16x128xf32, #tpu.memory_space<vmem>>) target_semaphore(%arg9 : memref<!tpu.dma_semaphore, #tpu.memory_space<semaphore_mem>>)
    %slice3A_352 = vector.extract_strided_slice %shift_left3A_271 {offsets = [5], sizes = [1], strides = [1]} : vector<16xi32> to vector<1xi32>
    %squeeze3A_353 = vector.extract %slice3A_352[0] : i32 from vector<1xi32>
    %multiple_of3A_354 = tpu.assume_multiple %squeeze3A_353, 128 : i32
    %dma_start3A_355 = arith.constant 1 : i32
    %dma_start3A_356 = arith.constant 0 : i32
    %dma_start3A_357 = arith.constant 640 : i32
    %dma_start3A_358 = tpu.memref_slice %arg6[%dma_start3A_355, %dma_start3A_356, %dma_start3A_357] : memref<3x16x2048xf32, #tpu.memory_space<vmem>> -> memref<1x16x128xf32, #tpu.memory_space<vmem>>
    %dma_start3A_359 = tpu.memref_squeeze %dma_start3A_358 : memref<1x16x128xf32, #tpu.memory_space<vmem>> -> memref<16x128xf32, #tpu.memory_space<vmem>>
    %dma_start3A_360 = arith.constant 0 : i32
    %dma_start3A_361 = tpu.memref_slice %arg2[%dma_start3A_360, %multiple_of3A_354] : memref<16x1000000xf32, #tpu.memory_space<hbm>> -> memref<16x128xf32, #tpu.memory_space<hbm>>
    %dma_start3A_362 = arith.constant 0 : i32
    %dma_start3A_363 = arith.constant 640 : i32
    %dma_start3A_364 = tpu.memref_slice %arg6[%dma_start3A_355, %dma_start3A_362, %dma_start3A_363] : memref<3x16x2048xf32, #tpu.memory_space<vmem>> -> memref<1x16x128xf32, #tpu.memory_space<vmem>>
    %dma_start3A_365 = tpu.memref_squeeze %dma_start3A_364 : memref<1x16x128xf32, #tpu.memory_space<vmem>> -> memref<16x128xf32, #tpu.memory_space<vmem>>
    %dma_start3A_366 = arith.constant 0 : i32
    %dma_start3A_367 = tpu.memref_slice %arg2[%dma_start3A_366, %multiple_of3A_354] : memref<16x1000000xf32, #tpu.memory_space<hbm>> -> memref<16x128xf32, #tpu.memory_space<hbm>>
    tpu.enqueue_dma source(%dma_start3A_367 : memref<16x128xf32, #tpu.memory_space<hbm>>) target(%dma_start3A_365 : memref<16x128xf32, #tpu.memory_space<vmem>>) target_semaphore(%arg9 : memref<!tpu.dma_semaphore, #tpu.memory_space<semaphore_mem>>)
    %slice3A_368 = vector.extract_strided_slice %shift_left3A_271 {offsets = [6], sizes = [1], strides = [1]} : vector<16xi32> to vector<1xi32>
    %squeeze3A_369 = vector.extract %slice3A_368[0] : i32 from vector<1xi32>
    %multiple_of3A_370 = tpu.assume_multiple %squeeze3A_369, 128 : i32
    %dma_start3A_371 = arith.constant 1 : i32
    %dma_start3A_372 = arith.constant 0 : i32
    %dma_start3A_373 = arith.constant 768 : i32
    %dma_start3A_374 = tpu.memref_slice %arg6[%dma_start3A_371, %dma_start3A_372, %dma_start3A_373] : memref<3x16x2048xf32, #tpu.memory_space<vmem>> -> memref<1x16x128xf32, #tpu.memory_space<vmem>>
    %dma_start3A_375 = tpu.memref_squeeze %dma_start3A_374 : memref<1x16x128xf32, #tpu.memory_space<vmem>> -> memref<16x128xf32, #tpu.memory_space<vmem>>
    %dma_start3A_376 = arith.constant 0 : i32
    %dma_start3A_377 = tpu.memref_slice %arg2[%dma_start3A_376, %multiple_of3A_370] : memref<16x1000000xf32, #tpu.memory_space<hbm>> -> memref<16x128xf32, #tpu.memory_space<hbm>>
    %dma_start3A_378 = arith.constant 0 : i32
    %dma_start3A_379 = arith.constant 768 : i32
    %dma_start3A_380 = tpu.memref_slice %arg6[%dma_start3A_371, %dma_start3A_378, %dma_start3A_379] : memref<3x16x2048xf32, #tpu.memory_space<vmem>> -> memref<1x16x128xf32, #tpu.memory_space<vmem>>
    %dma_start3A_381 = tpu.memref_squeeze %dma_start3A_380 : memref<1x16x128xf32, #tpu.memory_space<vmem>> -> memref<16x128xf32, #tpu.memory_space<vmem>>
    %dma_start3A_382 = arith.constant 0 : i32
    %dma_start3A_383 = tpu.memref_slice %arg2[%dma_start3A_382, %multiple_of3A_370] : memref<16x1000000xf32, #tpu.memory_space<hbm>> -> memref<16x128xf32, #tpu.memory_space<hbm>>
    tpu.enqueue_dma source(%dma_start3A_383 : memref<16x128xf32, #tpu.memory_space<hbm>>) target(%dma_start3A_381 : memref<16x128xf32, #tpu.memory_space<vmem>>) target_semaphore(%arg9 : memref<!tpu.dma_semaphore, #tpu.memory_space<semaphore_mem>>)
    %slice3A_384 = vector.extract_strided_slice %shift_left3A_271 {offsets = [7], sizes = [1], strides = [1]} : vector<16xi32> to vector<1xi32>
    %squeeze3A_385 = vector.extract %slice3A_384[0] : i32 from vector<1xi32>
    %multiple_of3A_386 = tpu.assume_multiple %squeeze3A_385, 128 : i32
    %dma_start3A_387 = arith.constant 1 : i32
    %dma_start3A_388 = arith.constant 0 : i32
    %dma_start3A_389 = arith.constant 896 : i32
    %dma_start3A_390 = tpu.memref_slice %arg6[%dma_start3A_387, %dma_start3A_388, %dma_start3A_389] : memref<3x16x2048xf32, #tpu.memory_space<vmem>> -> memref<1x16x128xf32, #tpu.memory_space<vmem>>
    %dma_start3A_391 = tpu.memref_squeeze %dma_start3A_390 : memref<1x16x128xf32, #tpu.memory_space<vmem>> -> memref<16x128xf32, #tpu.memory_space<vmem>>
    %dma_start3A_392 = arith.constant 0 : i32
    %dma_start3A_393 = tpu.memref_slice %arg2[%dma_start3A_392, %multiple_of3A_386] : memref<16x1000000xf32, #tpu.memory_space<hbm>> -> memref<16x128xf32, #tpu.memory_space<hbm>>
    %dma_start3A_394 = arith.constant 0 : i32
    %dma_start3A_395 = arith.constant 896 : i32
    %dma_start3A_396 = tpu.memref_slice %arg6[%dma_start3A_387, %dma_start3A_394, %dma_start3A_395] : memref<3x16x2048xf32, #tpu.memory_space<vmem>> -> memref<1x16x128xf32, #tpu.memory_space<vmem>>
    %dma_start3A_397 = tpu.memref_squeeze %dma_start3A_396 : memref<1x16x128xf32, #tpu.memory_space<vmem>> -> memref<16x128xf32, #tpu.memory_space<vmem>>
    %dma_start3A_398 = arith.constant 0 : i32
    %dma_start3A_399 = tpu.memref_slice %arg2[%dma_start3A_398, %multiple_of3A_386] : memref<16x1000000xf32, #tpu.memory_space<hbm>> -> memref<16x128xf32, #tpu.memory_space<hbm>>
    tpu.enqueue_dma source(%dma_start3A_399 : memref<16x128xf32, #tpu.memory_space<hbm>>) target(%dma_start3A_397 : memref<16x128xf32, #tpu.memory_space<vmem>>) target_semaphore(%arg9 : memref<!tpu.dma_semaphore, #tpu.memory_space<semaphore_mem>>)
    %slice3A_400 = vector.extract_strided_slice %shift_left3A_271 {offsets = [8], sizes = [1], strides = [1]} : vector<16xi32> to vector<1xi32>
    %squeeze3A_401 = vector.extract %slice3A_400[0] : i32 from vector<1xi32>
    %multiple_of3A_402 = tpu.assume_multiple %squeeze3A_401, 128 : i32
    %dma_start3A_403 = arith.constant 1 : i32
    %dma_start3A_404 = arith.constant 0 : i32
    %dma_start3A_405 = arith.constant 1024 : i32
    %dma_start3A_406 = tpu.memref_slice %arg6[%dma_start3A_403, %dma_start3A_404, %dma_start3A_405] : memref<3x16x2048xf32, #tpu.memory_space<vmem>> -> memref<1x16x128xf32, #tpu.memory_space<vmem>>
    %dma_start3A_407 = tpu.memref_squeeze %dma_start3A_406 : memref<1x16x128xf32, #tpu.memory_space<vmem>> -> memref<16x128xf32, #tpu.memory_space<vmem>>
    %dma_start3A_408 = arith.constant 0 : i32
    %dma_start3A_409 = tpu.memref_slice %arg2[%dma_start3A_408, %multiple_of3A_402] : memref<16x1000000xf32, #tpu.memory_space<hbm>> -> memref<16x128xf32, #tpu.memory_space<hbm>>
    %dma_start3A_410 = arith.constant 0 : i32
    %dma_start3A_411 = arith.constant 1024 : i32
    %dma_start3A_412 = tpu.memref_slice %arg6[%dma_start3A_403, %dma_start3A_410, %dma_start3A_411] : memref<3x16x2048xf32, #tpu.memory_space<vmem>> -> memref<1x16x128xf32, #tpu.memory_space<vmem>>
    %dma_start3A_413 = tpu.memref_squeeze %dma_start3A_412 : memref<1x16x128xf32, #tpu.memory_space<vmem>> -> memref<16x128xf32, #tpu.memory_space<vmem>>
    %dma_start3A_414 = arith.constant 0 : i32
    %dma_start3A_415 = tpu.memref_slice %arg2[%dma_start3A_414, %multiple_of3A_402] : memref<16x1000000xf32, #tpu.memory_space<hbm>> -> memref<16x128xf32, #tpu.memory_space<hbm>>
    tpu.enqueue_dma source(%dma_start3A_415 : memref<16x128xf32, #tpu.memory_space<hbm>>) target(%dma_start3A_413 : memref<16x128xf32, #tpu.memory_space<vmem>>) target_semaphore(%arg9 : memref<!tpu.dma_semaphore, #tpu.memory_space<semaphore_mem>>)
    %slice3A_416 = vector.extract_strided_slice %shift_left3A_271 {offsets = [9], sizes = [1], strides = [1]} : vector<16xi32> to vector<1xi32>
    %squeeze3A_417 = vector.extract %slice3A_416[0] : i32 from vector<1xi32>
    %multiple_of3A_418 = tpu.assume_multiple %squeeze3A_417, 128 : i32
    %dma_start3A_419 = arith.constant 1 : i32
    %dma_start3A_420 = arith.constant 0 : i32
    %dma_start3A_421 = arith.constant 1152 : i32
    %dma_start3A_422 = tpu.memref_slice %arg6[%dma_start3A_419, %dma_start3A_420, %dma_start3A_421] : memref<3x16x2048xf32, #tpu.memory_space<vmem>> -> memref<1x16x128xf32, #tpu.memory_space<vmem>>
    %dma_start3A_423 = tpu.memref_squeeze %dma_start3A_422 : memref<1x16x128xf32, #tpu.memory_space<vmem>> -> memref<16x128xf32, #tpu.memory_space<vmem>>
    %dma_start3A_424 = arith.constant 0 : i32
    %dma_start3A_425 = tpu.memref_slice %arg2[%dma_start3A_424, %multiple_of3A_418] : memref<16x1000000xf32, #tpu.memory_space<hbm>> -> memref<16x128xf32, #tpu.memory_space<hbm>>
    %dma_start3A_426 = arith.constant 0 : i32
    %dma_start3A_427 = arith.constant 1152 : i32
    %dma_start3A_428 = tpu.memref_slice %arg6[%dma_start3A_419, %dma_start3A_426, %dma_start3A_427] : memref<3x16x2048xf32, #tpu.memory_space<vmem>> -> memref<1x16x128xf32, #tpu.memory_space<vmem>>
    %dma_start3A_429 = tpu.memref_squeeze %dma_start3A_428 : memref<1x16x128xf32, #tpu.memory_space<vmem>> -> memref<16x128xf32, #tpu.memory_space<vmem>>
    %dma_start3A_430 = arith.constant 0 : i32
    %dma_start3A_431 = tpu.memref_slice %arg2[%dma_start3A_430, %multiple_of3A_418] : memref<16x1000000xf32, #tpu.memory_space<hbm>> -> memref<16x128xf32, #tpu.memory_space<hbm>>
    tpu.enqueue_dma source(%dma_start3A_431 : memref<16x128xf32, #tpu.memory_space<hbm>>) target(%dma_start3A_429 : memref<16x128xf32, #tpu.memory_space<vmem>>) target_semaphore(%arg9 : memref<!tpu.dma_semaphore, #tpu.memory_space<semaphore_mem>>)
    %slice3A_432 = vector.extract_strided_slice %shift_left3A_271 {offsets = [10], sizes = [1], strides = [1]} : vector<16xi32> to vector<1xi32>
    %squeeze3A_433 = vector.extract %slice3A_432[0] : i32 from vector<1xi32>
    %multiple_of3A_434 = tpu.assume_multiple %squeeze3A_433, 128 : i32
    %dma_start3A_435 = arith.constant 1 : i32
    %dma_start3A_436 = arith.constant 0 : i32
    %dma_start3A_437 = arith.constant 1280 : i32
    %dma_start3A_438 = tpu.memref_slice %arg6[%dma_start3A_435, %dma_start3A_436, %dma_start3A_437] : memref<3x16x2048xf32, #tpu.memory_space<vmem>> -> memref<1x16x128xf32, #tpu.memory_space<vmem>>
    %dma_start3A_439 = tpu.memref_squeeze %dma_start3A_438 : memref<1x16x128xf32, #tpu.memory_space<vmem>> -> memref<16x128xf32, #tpu.memory_space<vmem>>
    %dma_start3A_440 = arith.constant 0 : i32
    %dma_start3A_441 = tpu.memref_slice %arg2[%dma_start3A_440, %multiple_of3A_434] : memref<16x1000000xf32, #tpu.memory_space<hbm>> -> memref<16x128xf32, #tpu.memory_space<hbm>>
    %dma_start3A_442 = arith.constant 0 : i32
    %dma_start3A_443 = arith.constant 1280 : i32
    %dma_start3A_444 = tpu.memref_slice %arg6[%dma_start3A_435, %dma_start3A_442, %dma_start3A_443] : memref<3x16x2048xf32, #tpu.memory_space<vmem>> -> memref<1x16x128xf32, #tpu.memory_space<vmem>>
    %dma_start3A_445 = tpu.memref_squeeze %dma_start3A_444 : memref<1x16x128xf32, #tpu.memory_space<vmem>> -> memref<16x128xf32, #tpu.memory_space<vmem>>
    %dma_start3A_446 = arith.constant 0 : i32
    %dma_start3A_447 = tpu.memref_slice %arg2[%dma_start3A_446, %multiple_of3A_434] : memref<16x1000000xf32, #tpu.memory_space<hbm>> -> memref<16x128xf32, #tpu.memory_space<hbm>>
    tpu.enqueue_dma source(%dma_start3A_447 : memref<16x128xf32, #tpu.memory_space<hbm>>) target(%dma_start3A_445 : memref<16x128xf32, #tpu.memory_space<vmem>>) target_semaphore(%arg9 : memref<!tpu.dma_semaphore, #tpu.memory_space<semaphore_mem>>)
    %slice3A_448 = vector.extract_strided_slice %shift_left3A_271 {offsets = [11], sizes = [1], strides = [1]} : vector<16xi32> to vector<1xi32>
    %squeeze3A_449 = vector.extract %slice3A_448[0] : i32 from vector<1xi32>
    %multiple_of3A_450 = tpu.assume_multiple %squeeze3A_449, 128 : i32
    %dma_start3A_451 = arith.constant 1 : i32
    %dma_start3A_452 = arith.constant 0 : i32
    %dma_start3A_453 = arith.constant 1408 : i32
    %dma_start3A_454 = tpu.memref_slice %arg6[%dma_start3A_451, %dma_start3A_452, %dma_start3A_453] : memref<3x16x2048xf32, #tpu.memory_space<vmem>> -> memref<1x16x128xf32, #tpu.memory_space<vmem>>
    %dma_start3A_455 = tpu.memref_squeeze %dma_start3A_454 : memref<1x16x128xf32, #tpu.memory_space<vmem>> -> memref<16x128xf32, #tpu.memory_space<vmem>>
    %dma_start3A_456 = arith.constant 0 : i32
    %dma_start3A_457 = tpu.memref_slice %arg2[%dma_start3A_456, %multiple_of3A_450] : memref<16x1000000xf32, #tpu.memory_space<hbm>> -> memref<16x128xf32, #tpu.memory_space<hbm>>
    %dma_start3A_458 = arith.constant 0 : i32
    %dma_start3A_459 = arith.constant 1408 : i32
    %dma_start3A_460 = tpu.memref_slice %arg6[%dma_start3A_451, %dma_start3A_458, %dma_start3A_459] : memref<3x16x2048xf32, #tpu.memory_space<vmem>> -> memref<1x16x128xf32, #tpu.memory_space<vmem>>
    %dma_start3A_461 = tpu.memref_squeeze %dma_start3A_460 : memref<1x16x128xf32, #tpu.memory_space<vmem>> -> memref<16x128xf32, #tpu.memory_space<vmem>>
    %dma_start3A_462 = arith.constant 0 : i32
    %dma_start3A_463 = tpu.memref_slice %arg2[%dma_start3A_462, %multiple_of3A_450] : memref<16x1000000xf32, #tpu.memory_space<hbm>> -> memref<16x128xf32, #tpu.memory_space<hbm>>
    tpu.enqueue_dma source(%dma_start3A_463 : memref<16x128xf32, #tpu.memory_space<hbm>>) target(%dma_start3A_461 : memref<16x128xf32, #tpu.memory_space<vmem>>) target_semaphore(%arg9 : memref<!tpu.dma_semaphore, #tpu.memory_space<semaphore_mem>>)
    %slice3A_464 = vector.extract_strided_slice %shift_left3A_271 {offsets = [12], sizes = [1], strides = [1]} : vector<16xi32> to vector<1xi32>
    %squeeze3A_465 = vector.extract %slice3A_464[0] : i32 from vector<1xi32>
    %multiple_of3A_466 = tpu.assume_multiple %squeeze3A_465, 128 : i32
    %dma_start3A_467 = arith.constant 1 : i32
    %dma_start3A_468 = arith.constant 0 : i32
    %dma_start3A_469 = arith.constant 1536 : i32
    %dma_start3A_470 = tpu.memref_slice %arg6[%dma_start3A_467, %dma_start3A_468, %dma_start3A_469] : memref<3x16x2048xf32, #tpu.memory_space<vmem>> -> memref<1x16x128xf32, #tpu.memory_space<vmem>>
    %dma_start3A_471 = tpu.memref_squeeze %dma_start3A_470 : memref<1x16x128xf32, #tpu.memory_space<vmem>> -> memref<16x128xf32, #tpu.memory_space<vmem>>
    %dma_start3A_472 = arith.constant 0 : i32
    %dma_start3A_473 = tpu.memref_slice %arg2[%dma_start3A_472, %multiple_of3A_466] : memref<16x1000000xf32, #tpu.memory_space<hbm>> -> memref<16x128xf32, #tpu.memory_space<hbm>>
    %dma_start3A_474 = arith.constant 0 : i32
    %dma_start3A_475 = arith.constant 1536 : i32
    %dma_start3A_476 = tpu.memref_slice %arg6[%dma_start3A_467, %dma_start3A_474, %dma_start3A_475] : memref<3x16x2048xf32, #tpu.memory_space<vmem>> -> memref<1x16x128xf32, #tpu.memory_space<vmem>>
    %dma_start3A_477 = tpu.memref_squeeze %dma_start3A_476 : memref<1x16x128xf32, #tpu.memory_space<vmem>> -> memref<16x128xf32, #tpu.memory_space<vmem>>
    %dma_start3A_478 = arith.constant 0 : i32
    %dma_start3A_479 = tpu.memref_slice %arg2[%dma_start3A_478, %multiple_of3A_466] : memref<16x1000000xf32, #tpu.memory_space<hbm>> -> memref<16x128xf32, #tpu.memory_space<hbm>>
    tpu.enqueue_dma source(%dma_start3A_479 : memref<16x128xf32, #tpu.memory_space<hbm>>) target(%dma_start3A_477 : memref<16x128xf32, #tpu.memory_space<vmem>>) target_semaphore(%arg9 : memref<!tpu.dma_semaphore, #tpu.memory_space<semaphore_mem>>)
    %slice3A_480 = vector.extract_strided_slice %shift_left3A_271 {offsets = [13], sizes = [1], strides = [1]} : vector<16xi32> to vector<1xi32>
    %squeeze3A_481 = vector.extract %slice3A_480[0] : i32 from vector<1xi32>
    %multiple_of3A_482 = tpu.assume_multiple %squeeze3A_481, 128 : i32
    %dma_start3A_483 = arith.constant 1 : i32
    %dma_start3A_484 = arith.constant 0 : i32
    %dma_start3A_485 = arith.constant 1664 : i32
    %dma_start3A_486 = tpu.memref_slice %arg6[%dma_start3A_483, %dma_start3A_484, %dma_start3A_485] : memref<3x16x2048xf32, #tpu.memory_space<vmem>> -> memref<1x16x128xf32, #tpu.memory_space<vmem>>
    %dma_start3A_487 = tpu.memref_squeeze %dma_start3A_486 : memref<1x16x128xf32, #tpu.memory_space<vmem>> -> memref<16x128xf32, #tpu.memory_space<vmem>>
    %dma_start3A_488 = arith.constant 0 : i32
    %dma_start3A_489 = tpu.memref_slice %arg2[%dma_start3A_488, %multiple_of3A_482] : memref<16x1000000xf32, #tpu.memory_space<hbm>> -> memref<16x128xf32, #tpu.memory_space<hbm>>
    %dma_start3A_490 = arith.constant 0 : i32
    %dma_start3A_491 = arith.constant 1664 : i32
    %dma_start3A_492 = tpu.memref_slice %arg6[%dma_start3A_483, %dma_start3A_490, %dma_start3A_491] : memref<3x16x2048xf32, #tpu.memory_space<vmem>> -> memref<1x16x128xf32, #tpu.memory_space<vmem>>
    %dma_start3A_493 = tpu.memref_squeeze %dma_start3A_492 : memref<1x16x128xf32, #tpu.memory_space<vmem>> -> memref<16x128xf32, #tpu.memory_space<vmem>>
    %dma_start3A_494 = arith.constant 0 : i32
    %dma_start3A_495 = tpu.memref_slice %arg2[%dma_start3A_494, %multiple_of3A_482] : memref<16x1000000xf32, #tpu.memory_space<hbm>> -> memref<16x128xf32, #tpu.memory_space<hbm>>
    tpu.enqueue_dma source(%dma_start3A_495 : memref<16x128xf32, #tpu.memory_space<hbm>>) target(%dma_start3A_493 : memref<16x128xf32, #tpu.memory_space<vmem>>) target_semaphore(%arg9 : memref<!tpu.dma_semaphore, #tpu.memory_space<semaphore_mem>>)
    %slice3A_496 = vector.extract_strided_slice %shift_left3A_271 {offsets = [14], sizes = [1], strides = [1]} : vector<16xi32> to vector<1xi32>
    %squeeze3A_497 = vector.extract %slice3A_496[0] : i32 from vector<1xi32>
    %multiple_of3A_498 = tpu.assume_multiple %squeeze3A_497, 128 : i32
    %dma_start3A_499 = arith.constant 1 : i32
    %dma_start3A_500 = arith.constant 0 : i32
    %dma_start3A_501 = arith.constant 1792 : i32
    %dma_start3A_502 = tpu.memref_slice %arg6[%dma_start3A_499, %dma_start3A_500, %dma_start3A_501] : memref<3x16x2048xf32, #tpu.memory_space<vmem>> -> memref<1x16x128xf32, #tpu.memory_space<vmem>>
    %dma_start3A_503 = tpu.memref_squeeze %dma_start3A_502 : memref<1x16x128xf32, #tpu.memory_space<vmem>> -> memref<16x128xf32, #tpu.memory_space<vmem>>
    %dma_start3A_504 = arith.constant 0 : i32
    %dma_start3A_505 = tpu.memref_slice %arg2[%dma_start3A_504, %multiple_of3A_498] : memref<16x1000000xf32, #tpu.memory_space<hbm>> -> memref<16x128xf32, #tpu.memory_space<hbm>>
    %dma_start3A_506 = arith.constant 0 : i32
    %dma_start3A_507 = arith.constant 1792 : i32
    %dma_start3A_508 = tpu.memref_slice %arg6[%dma_start3A_499, %dma_start3A_506, %dma_start3A_507] : memref<3x16x2048xf32, #tpu.memory_space<vmem>> -> memref<1x16x128xf32, #tpu.memory_space<vmem>>
    %dma_start3A_509 = tpu.memref_squeeze %dma_start3A_508 : memref<1x16x128xf32, #tpu.memory_space<vmem>> -> memref<16x128xf32, #tpu.memory_space<vmem>>
    %dma_start3A_510 = arith.constant 0 : i32
    %dma_start3A_511 = tpu.memref_slice %arg2[%dma_start3A_510, %multiple_of3A_498] : memref<16x1000000xf32, #tpu.memory_space<hbm>> -> memref<16x128xf32, #tpu.memory_space<hbm>>
    tpu.enqueue_dma source(%dma_start3A_511 : memref<16x128xf32, #tpu.memory_space<hbm>>) target(%dma_start3A_509 : memref<16x128xf32, #tpu.memory_space<vmem>>) target_semaphore(%arg9 : memref<!tpu.dma_semaphore, #tpu.memory_space<semaphore_mem>>)
    %slice3A_512 = vector.extract_strided_slice %shift_left3A_271 {offsets = [15], sizes = [1], strides = [1]} : vector<16xi32> to vector<1xi32>
    %squeeze3A_513 = vector.extract %slice3A_512[0] : i32 from vector<1xi32>
    %multiple_of3A_514 = tpu.assume_multiple %squeeze3A_513, 128 : i32
    %dma_start3A_515 = arith.constant 1 : i32
    %dma_start3A_516 = arith.constant 0 : i32
    %dma_start3A_517 = arith.constant 1920 : i32
    %dma_start3A_518 = tpu.memref_slice %arg6[%dma_start3A_515, %dma_start3A_516, %dma_start3A_517] : memref<3x16x2048xf32, #tpu.memory_space<vmem>> -> memref<1x16x128xf32, #tpu.memory_space<vmem>>
    %dma_start3A_519 = tpu.memref_squeeze %dma_start3A_518 : memref<1x16x128xf32, #tpu.memory_space<vmem>> -> memref<16x128xf32, #tpu.memory_space<vmem>>
    %dma_start3A_520 = arith.constant 0 : i32
    %dma_start3A_521 = tpu.memref_slice %arg2[%dma_start3A_520, %multiple_of3A_514] : memref<16x1000000xf32, #tpu.memory_space<hbm>> -> memref<16x128xf32, #tpu.memory_space<hbm>>
    %dma_start3A_522 = arith.constant 0 : i32
    %dma_start3A_523 = arith.constant 1920 : i32
    %dma_start3A_524 = tpu.memref_slice %arg6[%dma_start3A_515, %dma_start3A_522, %dma_start3A_523] : memref<3x16x2048xf32, #tpu.memory_space<vmem>> -> memref<1x16x128xf32, #tpu.memory_space<vmem>>
    %dma_start3A_525 = tpu.memref_squeeze %dma_start3A_524 : memref<1x16x128xf32, #tpu.memory_space<vmem>> -> memref<16x128xf32, #tpu.memory_space<vmem>>
    %dma_start3A_526 = arith.constant 0 : i32
    %dma_start3A_527 = tpu.memref_slice %arg2[%dma_start3A_526, %multiple_of3A_514] : memref<16x1000000xf32, #tpu.memory_space<hbm>> -> memref<16x128xf32, #tpu.memory_space<hbm>>
    tpu.enqueue_dma source(%dma_start3A_527 : memref<16x128xf32, #tpu.memory_space<hbm>>) target(%dma_start3A_525 : memref<16x128xf32, #tpu.memory_space<vmem>>) target_semaphore(%arg9 : memref<!tpu.dma_semaphore, #tpu.memory_space<semaphore_mem>>)
    %scan3A = arith.constant 0 : i32
    %scan3A_528 = arith.constant 0 : i32
    %scan3A_529 = arith.constant 10 : i32
    %scan3A_530 = arith.addi %scan3A_528, %scan3A_529 : i32
    %scan3A_531 = arith.constant 1 : i32
    scf.for %scan3A_806 = %scan3A_528 to %scan3A_530 step %scan3A_531  : i32 {
      %mul3A_807 = arith.constant 3 : i32
      %mul3A_808 = arith.muli %mul3A_807, %scan3A_806 : i32
      %add3A_809 = arith.constant 2 : i32
      %add3A_810 = arith.addi %mul3A_808, %add3A_809 : i32
      %mul3A_811 = arith.constant 16 : i32
      %mul3A_812 = arith.muli %add3A_810, %mul3A_811 : i32
      %get3A_813 = arith.index_cast %mul3A_812 : i32 to index
      %get3A_814 = tpu.vector_load %arg5[%get3A_813] {strides = array<i32>} : memref<512xi32, #tpu.memory_space<vmem>>, vector<16xi32>,
      %shift_right_logical3A_815 = arith.constant 7 : i32
      %shift_right_logical3A_816 = vector.broadcast %shift_right_logical3A_815 : i32 to vector<16xi32>
      %shift_right_logical3A_817 = arith.shrui %get3A_814, %shift_right_logical3A_816 : vector<16xi32>
      %shift_left3A_818 = arith.constant 7 : i32
      %shift_left3A_819 = vector.broadcast %shift_left3A_818 : i32 to vector<16xi32>
      %shift_left3A_820 = arith.shli %shift_right_logical3A_817, %shift_left3A_819 : vector<16xi32>
      %slice3A_821 = vector.extract_strided_slice %shift_left3A_820 {offsets = [0], sizes = [1], strides = [1]} : vector<16xi32> to vector<1xi32>
      %squeeze3A_822 = vector.extract %slice3A_821[0] : i32 from vector<1xi32>
      %multiple_of3A_823 = tpu.assume_multiple %squeeze3A_822, 128 : i32
      %dma_start3A_824 = arith.constant 2 : i32
      %dma_start3A_825 = arith.constant 0 : i32
      %dma_start3A_826 = arith.constant 0 : i32
      %dma_start3A_827 = tpu.memref_slice %arg6[%dma_start3A_824, %dma_start3A_825, %dma_start3A_826] : memref<3x16x2048xf32, #tpu.memory_space<vmem>> -> memref<1x16x128xf32, #tpu.memory_space<vmem>>
      %dma_start3A_828 = tpu.memref_squeeze %dma_start3A_827 : memref<1x16x128xf32, #tpu.memory_space<vmem>> -> memref<16x128xf32, #tpu.memory_space<vmem>>
      %dma_start3A_829 = arith.constant 0 : i32
      %dma_start3A_830 = tpu.memref_slice %arg2[%dma_start3A_829, %multiple_of3A_823] : memref<16x1000000xf32, #tpu.memory_space<hbm>> -> memref<16x128xf32, #tpu.memory_space<hbm>>
      %dma_start3A_831 = arith.constant 0 : i32
      %dma_start3A_832 = arith.constant 0 : i32
      %dma_start3A_833 = tpu.memref_slice %arg6[%dma_start3A_824, %dma_start3A_831, %dma_start3A_832] : memref<3x16x2048xf32, #tpu.memory_space<vmem>> -> memref<1x16x128xf32, #tpu.memory_space<vmem>>
      %dma_start3A_834 = tpu.memref_squeeze %dma_start3A_833 : memref<1x16x128xf32, #tpu.memory_space<vmem>> -> memref<16x128xf32, #tpu.memory_space<vmem>>
      %dma_start3A_835 = arith.constant 0 : i32
      %dma_start3A_836 = tpu.memref_slice %arg2[%dma_start3A_835, %multiple_of3A_823] : memref<16x1000000xf32, #tpu.memory_space<hbm>> -> memref<16x128xf32, #tpu.memory_space<hbm>>
      tpu.enqueue_dma source(%dma_start3A_836 : memref<16x128xf32, #tpu.memory_space<hbm>>) target(%dma_start3A_834 : memref<16x128xf32, #tpu.memory_space<vmem>>) target_semaphore(%arg10 : memref<!tpu.dma_semaphore, #tpu.memory_space<semaphore_mem>>)
      %slice3A_837 = vector.extract_strided_slice %shift_left3A_820 {offsets = [1], sizes = [1], strides = [1]} : vector<16xi32> to vector<1xi32>
      %squeeze3A_838 = vector.extract %slice3A_837[0] : i32 from vector<1xi32>
      %multiple_of3A_839 = tpu.assume_multiple %squeeze3A_838, 128 : i32
      %dma_start3A_840 = arith.constant 2 : i32
      %dma_start3A_841 = arith.constant 0 : i32
      %dma_start3A_842 = arith.constant 128 : i32
      %dma_start3A_843 = tpu.memref_slice %arg6[%dma_start3A_840, %dma_start3A_841, %dma_start3A_842] : memref<3x16x2048xf32, #tpu.memory_space<vmem>> -> memref<1x16x128xf32, #tpu.memory_space<vmem>>
      %dma_start3A_844 = tpu.memref_squeeze %dma_start3A_843 : memref<1x16x128xf32, #tpu.memory_space<vmem>> -> memref<16x128xf32, #tpu.memory_space<vmem>>
      %dma_start3A_845 = arith.constant 0 : i32
      %dma_start3A_846 = tpu.memref_slice %arg2[%dma_start3A_845, %multiple_of3A_839] : memref<16x1000000xf32, #tpu.memory_space<hbm>> -> memref<16x128xf32, #tpu.memory_space<hbm>>
      %dma_start3A_847 = arith.constant 0 : i32
      %dma_start3A_848 = arith.constant 128 : i32
      %dma_start3A_849 = tpu.memref_slice %arg6[%dma_start3A_840, %dma_start3A_847, %dma_start3A_848] : memref<3x16x2048xf32, #tpu.memory_space<vmem>> -> memref<1x16x128xf32, #tpu.memory_space<vmem>>
      %dma_start3A_850 = tpu.memref_squeeze %dma_start3A_849 : memref<1x16x128xf32, #tpu.memory_space<vmem>> -> memref<16x128xf32, #tpu.memory_space<vmem>>
      %dma_start3A_851 = arith.constant 0 : i32
      %dma_start3A_852 = tpu.memref_slice %arg2[%dma_start3A_851, %multiple_of3A_839] : memref<16x1000000xf32, #tpu.memory_space<hbm>> -> memref<16x128xf32, #tpu.memory_space<hbm>>
      tpu.enqueue_dma source(%dma_start3A_852 : memref<16x128xf32, #tpu.memory_space<hbm>>) target(%dma_start3A_850 : memref<16x128xf32, #tpu.memory_space<vmem>>) target_semaphore(%arg10 : memref<!tpu.dma_semaphore, #tpu.memory_space<semaphore_mem>>)
      %slice3A_853 = vector.extract_strided_slice %shift_left3A_820 {offsets = [2], sizes = [1], strides = [1]} : vector<16xi32> to vector<1xi32>
      %squeeze3A_854 = vector.extract %slice3A_853[0] : i32 from vector<1xi32>
      %multiple_of3A_855 = tpu.assume_multiple %squeeze3A_854, 128 : i32
      %dma_start3A_856 = arith.constant 2 : i32
      %dma_start3A_857 = arith.constant 0 : i32
      %dma_start3A_858 = arith.constant 256 : i32
      %dma_start3A_859 = tpu.memref_slice %arg6[%dma_start3A_856, %dma_start3A_857, %dma_start3A_858] : memref<3x16x2048xf32, #tpu.memory_space<vmem>> -> memref<1x16x128xf32, #tpu.memory_space<vmem>>
      %dma_start3A_860 = tpu.memref_squeeze %dma_start3A_859 : memref<1x16x128xf32, #tpu.memory_space<vmem>> -> memref<16x128xf32, #tpu.memory_space<vmem>>
      %dma_start3A_861 = arith.constant 0 : i32
      %dma_start3A_862 = tpu.memref_slice %arg2[%dma_start3A_861, %multiple_of3A_855] : memref<16x1000000xf32, #tpu.memory_space<hbm>> -> memref<16x128xf32, #tpu.memory_space<hbm>>
      %dma_start3A_863 = arith.constant 0 : i32
      %dma_start3A_864 = arith.constant 256 : i32
      %dma_start3A_865 = tpu.memref_slice %arg6[%dma_start3A_856, %dma_start3A_863, %dma_start3A_864] : memref<3x16x2048xf32, #tpu.memory_space<vmem>> -> memref<1x16x128xf32, #tpu.memory_space<vmem>>
      %dma_start3A_866 = tpu.memref_squeeze %dma_start3A_865 : memref<1x16x128xf32, #tpu.memory_space<vmem>> -> memref<16x128xf32, #tpu.memory_space<vmem>>
      %dma_start3A_867 = arith.constant 0 : i32
      %dma_start3A_868 = tpu.memref_slice %arg2[%dma_start3A_867, %multiple_of3A_855] : memref<16x1000000xf32, #tpu.memory_space<hbm>> -> memref<16x128xf32, #tpu.memory_space<hbm>>
      tpu.enqueue_dma source(%dma_start3A_868 : memref<16x128xf32, #tpu.memory_space<hbm>>) target(%dma_start3A_866 : memref<16x128xf32, #tpu.memory_space<vmem>>) target_semaphore(%arg10 : memref<!tpu.dma_semaphore, #tpu.memory_space<semaphore_mem>>)
      %slice3A_869 = vector.extract_strided_slice %shift_left3A_820 {offsets = [3], sizes = [1], strides = [1]} : vector<16xi32> to vector<1xi32>
      %squeeze3A_870 = vector.extract %slice3A_869[0] : i32 from vector<1xi32>
      %multiple_of3A_871 = tpu.assume_multiple %squeeze3A_870, 128 : i32
      %dma_start3A_872 = arith.constant 2 : i32
      %dma_start3A_873 = arith.constant 0 : i32
      %dma_start3A_874 = arith.constant 384 : i32
      %dma_start3A_875 = tpu.memref_slice %arg6[%dma_start3A_872, %dma_start3A_873, %dma_start3A_874] : memref<3x16x2048xf32, #tpu.memory_space<vmem>> -> memref<1x16x128xf32, #tpu.memory_space<vmem>>
      %dma_start3A_876 = tpu.memref_squeeze %dma_start3A_875 : memref<1x16x128xf32, #tpu.memory_space<vmem>> -> memref<16x128xf32, #tpu.memory_space<vmem>>
      %dma_start3A_877 = arith.constant 0 : i32
      %dma_start3A_878 = tpu.memref_slice %arg2[%dma_start3A_877, %multiple_of3A_871] : memref<16x1000000xf32, #tpu.memory_space<hbm>> -> memref<16x128xf32, #tpu.memory_space<hbm>>
      %dma_start3A_879 = arith.constant 0 : i32
      %dma_start3A_880 = arith.constant 384 : i32
      %dma_start3A_881 = tpu.memref_slice %arg6[%dma_start3A_872, %dma_start3A_879, %dma_start3A_880] : memref<3x16x2048xf32, #tpu.memory_space<vmem>> -> memref<1x16x128xf32, #tpu.memory_space<vmem>>
      %dma_start3A_882 = tpu.memref_squeeze %dma_start3A_881 : memref<1x16x128xf32, #tpu.memory_space<vmem>> -> memref<16x128xf32, #tpu.memory_space<vmem>>
      %dma_start3A_883 = arith.constant 0 : i32
      %dma_start3A_884 = tpu.memref_slice %arg2[%dma_start3A_883, %multiple_of3A_871] : memref<16x1000000xf32, #tpu.memory_space<hbm>> -> memref<16x128xf32, #tpu.memory_space<hbm>>
      tpu.enqueue_dma source(%dma_start3A_884 : memref<16x128xf32, #tpu.memory_space<hbm>>) target(%dma_start3A_882 : memref<16x128xf32, #tpu.memory_space<vmem>>) target_semaphore(%arg10 : memref<!tpu.dma_semaphore, #tpu.memory_space<semaphore_mem>>)
      %slice3A_885 = vector.extract_strided_slice %shift_left3A_820 {offsets = [4], sizes = [1], strides = [1]} : vector<16xi32> to vector<1xi32>
      %squeeze3A_886 = vector.extract %slice3A_885[0] : i32 from vector<1xi32>
      %multiple_of3A_887 = tpu.assume_multiple %squeeze3A_886, 128 : i32
      %dma_start3A_888 = arith.constant 2 : i32
      %dma_start3A_889 = arith.constant 0 : i32
      %dma_start3A_890 = arith.constant 512 : i32
      %dma_start3A_891 = tpu.memref_slice %arg6[%dma_start3A_888, %dma_start3A_889, %dma_start3A_890] : memref<3x16x2048xf32, #tpu.memory_space<vmem>> -> memref<1x16x128xf32, #tpu.memory_space<vmem>>
      %dma_start3A_892 = tpu.memref_squeeze %dma_start3A_891 : memref<1x16x128xf32, #tpu.memory_space<vmem>> -> memref<16x128xf32, #tpu.memory_space<vmem>>
      %dma_start3A_893 = arith.constant 0 : i32
      %dma_start3A_894 = tpu.memref_slice %arg2[%dma_start3A_893, %multiple_of3A_887] : memref<16x1000000xf32, #tpu.memory_space<hbm>> -> memref<16x128xf32, #tpu.memory_space<hbm>>
      %dma_start3A_895 = arith.constant 0 : i32
      %dma_start3A_896 = arith.constant 512 : i32
      %dma_start3A_897 = tpu.memref_slice %arg6[%dma_start3A_888, %dma_start3A_895, %dma_start3A_896] : memref<3x16x2048xf32, #tpu.memory_space<vmem>> -> memref<1x16x128xf32, #tpu.memory_space<vmem>>
      %dma_start3A_898 = tpu.memref_squeeze %dma_start3A_897 : memref<1x16x128xf32, #tpu.memory_space<vmem>> -> memref<16x128xf32, #tpu.memory_space<vmem>>
      %dma_start3A_899 = arith.constant 0 : i32
      %dma_start3A_900 = tpu.memref_slice %arg2[%dma_start3A_899, %multiple_of3A_887] : memref<16x1000000xf32, #tpu.memory_space<hbm>> -> memref<16x128xf32, #tpu.memory_space<hbm>>
      tpu.enqueue_dma source(%dma_start3A_900 : memref<16x128xf32, #tpu.memory_space<hbm>>) target(%dma_start3A_898 : memref<16x128xf32, #tpu.memory_space<vmem>>) target_semaphore(%arg10 : memref<!tpu.dma_semaphore, #tpu.memory_space<semaphore_mem>>)
      %slice3A_901 = vector.extract_strided_slice %shift_left3A_820 {offsets = [5], sizes = [1], strides = [1]} : vector<16xi32> to vector<1xi32>
      %squeeze3A_902 = vector.extract %slice3A_901[0] : i32 from vector<1xi32>
      %multiple_of3A_903 = tpu.assume_multiple %squeeze3A_902, 128 : i32
      %dma_start3A_904 = arith.constant 2 : i32
      %dma_start3A_905 = arith.constant 0 : i32
      %dma_start3A_906 = arith.constant 640 : i32
      %dma_start3A_907 = tpu.memref_slice %arg6[%dma_start3A_904, %dma_start3A_905, %dma_start3A_906] : memref<3x16x2048xf32, #tpu.memory_space<vmem>> -> memref<1x16x128xf32, #tpu.memory_space<vmem>>
      %dma_start3A_908 = tpu.memref_squeeze %dma_start3A_907 : memref<1x16x128xf32, #tpu.memory_space<vmem>> -> memref<16x128xf32, #tpu.memory_space<vmem>>
      %dma_start3A_909 = arith.constant 0 : i32
      %dma_start3A_910 = tpu.memref_slice %arg2[%dma_start3A_909, %multiple_of3A_903] : memref<16x1000000xf32, #tpu.memory_space<hbm>> -> memref<16x128xf32, #tpu.memory_space<hbm>>
      %dma_start3A_911 = arith.constant 0 : i32
      %dma_start3A_912 = arith.constant 640 : i32
      %dma_start3A_913 = tpu.memref_slice %arg6[%dma_start3A_904, %dma_start3A_911, %dma_start3A_912] : memref<3x16x2048xf32, #tpu.memory_space<vmem>> -> memref<1x16x128xf32, #tpu.memory_space<vmem>>
      %dma_start3A_914 = tpu.memref_squeeze %dma_start3A_913 : memref<1x16x128xf32, #tpu.memory_space<vmem>> -> memref<16x128xf32, #tpu.memory_space<vmem>>
      %dma_start3A_915 = arith.constant 0 : i32
      %dma_start3A_916 = tpu.memref_slice %arg2[%dma_start3A_915, %multiple_of3A_903] : memref<16x1000000xf32, #tpu.memory_space<hbm>> -> memref<16x128xf32, #tpu.memory_space<hbm>>
      tpu.enqueue_dma source(%dma_start3A_916 : memref<16x128xf32, #tpu.memory_space<hbm>>) target(%dma_start3A_914 : memref<16x128xf32, #tpu.memory_space<vmem>>) target_semaphore(%arg10 : memref<!tpu.dma_semaphore, #tpu.memory_space<semaphore_mem>>)
      %slice3A_917 = vector.extract_strided_slice %shift_left3A_820 {offsets = [6], sizes = [1], strides = [1]} : vector<16xi32> to vector<1xi32>
      %squeeze3A_918 = vector.extract %slice3A_917[0] : i32 from vector<1xi32>
      %multiple_of3A_919 = tpu.assume_multiple %squeeze3A_918, 128 : i32
      %dma_start3A_920 = arith.constant 2 : i32
      %dma_start3A_921 = arith.constant 0 : i32
      %dma_start3A_922 = arith.constant 768 : i32
      %dma_start3A_923 = tpu.memref_slice %arg6[%dma_start3A_920, %dma_start3A_921, %dma_start3A_922] : memref<3x16x2048xf32, #tpu.memory_space<vmem>> -> memref<1x16x128xf32, #tpu.memory_space<vmem>>
      %dma_start3A_924 = tpu.memref_squeeze %dma_start3A_923 : memref<1x16x128xf32, #tpu.memory_space<vmem>> -> memref<16x128xf32, #tpu.memory_space<vmem>>
      %dma_start3A_925 = arith.constant 0 : i32
      %dma_start3A_926 = tpu.memref_slice %arg2[%dma_start3A_925, %multiple_of3A_919] : memref<16x1000000xf32, #tpu.memory_space<hbm>> -> memref<16x128xf32, #tpu.memory_space<hbm>>
      %dma_start3A_927 = arith.constant 0 : i32
      %dma_start3A_928 = arith.constant 768 : i32
      %dma_start3A_929 = tpu.memref_slice %arg6[%dma_start3A_920, %dma_start3A_927, %dma_start3A_928] : memref<3x16x2048xf32, #tpu.memory_space<vmem>> -> memref<1x16x128xf32, #tpu.memory_space<vmem>>
      %dma_start3A_930 = tpu.memref_squeeze %dma_start3A_929 : memref<1x16x128xf32, #tpu.memory_space<vmem>> -> memref<16x128xf32, #tpu.memory_space<vmem>>
      %dma_start3A_931 = arith.constant 0 : i32
      %dma_start3A_932 = tpu.memref_slice %arg2[%dma_start3A_931, %multiple_of3A_919] : memref<16x1000000xf32, #tpu.memory_space<hbm>> -> memref<16x128xf32, #tpu.memory_space<hbm>>
      tpu.enqueue_dma source(%dma_start3A_932 : memref<16x128xf32, #tpu.memory_space<hbm>>) target(%dma_start3A_930 : memref<16x128xf32, #tpu.memory_space<vmem>>) target_semaphore(%arg10 : memref<!tpu.dma_semaphore, #tpu.memory_space<semaphore_mem>>)
      %slice3A_933 = vector.extract_strided_slice %shift_left3A_820 {offsets = [7], sizes = [1], strides = [1]} : vector<16xi32> to vector<1xi32>
      %squeeze3A_934 = vector.extract %slice3A_933[0] : i32 from vector<1xi32>
      %multiple_of3A_935 = tpu.assume_multiple %squeeze3A_934, 128 : i32
      %dma_start3A_936 = arith.constant 2 : i32
      %dma_start3A_937 = arith.constant 0 : i32
      %dma_start3A_938 = arith.constant 896 : i32
      %dma_start3A_939 = tpu.memref_slice %arg6[%dma_start3A_936, %dma_start3A_937, %dma_start3A_938] : memref<3x16x2048xf32, #tpu.memory_space<vmem>> -> memref<1x16x128xf32, #tpu.memory_space<vmem>>
      %dma_start3A_940 = tpu.memref_squeeze %dma_start3A_939 : memref<1x16x128xf32, #tpu.memory_space<vmem>> -> memref<16x128xf32, #tpu.memory_space<vmem>>
      %dma_start3A_941 = arith.constant 0 : i32
      %dma_start3A_942 = tpu.memref_slice %arg2[%dma_start3A_941, %multiple_of3A_935] : memref<16x1000000xf32, #tpu.memory_space<hbm>> -> memref<16x128xf32, #tpu.memory_space<hbm>>
      %dma_start3A_943 = arith.constant 0 : i32
      %dma_start3A_944 = arith.constant 896 : i32
      %dma_start3A_945 = tpu.memref_slice %arg6[%dma_start3A_936, %dma_start3A_943, %dma_start3A_944] : memref<3x16x2048xf32, #tpu.memory_space<vmem>> -> memref<1x16x128xf32, #tpu.memory_space<vmem>>
      %dma_start3A_946 = tpu.memref_squeeze %dma_start3A_945 : memref<1x16x128xf32, #tpu.memory_space<vmem>> -> memref<16x128xf32, #tpu.memory_space<vmem>>
      %dma_start3A_947 = arith.constant 0 : i32
      %dma_start3A_948 = tpu.memref_slice %arg2[%dma_start3A_947, %multiple_of3A_935] : memref<16x1000000xf32, #tpu.memory_space<hbm>> -> memref<16x128xf32, #tpu.memory_space<hbm>>
      tpu.enqueue_dma source(%dma_start3A_948 : memref<16x128xf32, #tpu.memory_space<hbm>>) target(%dma_start3A_946 : memref<16x128xf32, #tpu.memory_space<vmem>>) target_semaphore(%arg10 : memref<!tpu.dma_semaphore, #tpu.memory_space<semaphore_mem>>)
      %slice3A_949 = vector.extract_strided_slice %shift_left3A_820 {offsets = [8], sizes = [1], strides = [1]} : vector<16xi32> to vector<1xi32>
      %squeeze3A_950 = vector.extract %slice3A_949[0] : i32 from vector<1xi32>
      %multiple_of3A_951 = tpu.assume_multiple %squeeze3A_950, 128 : i32
      %dma_start3A_952 = arith.constant 2 : i32
      %dma_start3A_953 = arith.constant 0 : i32
      %dma_start3A_954 = arith.constant 1024 : i32
      %dma_start3A_955 = tpu.memref_slice %arg6[%dma_start3A_952, %dma_start3A_953, %dma_start3A_954] : memref<3x16x2048xf32, #tpu.memory_space<vmem>> -> memref<1x16x128xf32, #tpu.memory_space<vmem>>
      %dma_start3A_956 = tpu.memref_squeeze %dma_start3A_955 : memref<1x16x128xf32, #tpu.memory_space<vmem>> -> memref<16x128xf32, #tpu.memory_space<vmem>>
      %dma_start3A_957 = arith.constant 0 : i32
      %dma_start3A_958 = tpu.memref_slice %arg2[%dma_start3A_957, %multiple_of3A_951] : memref<16x1000000xf32, #tpu.memory_space<hbm>> -> memref<16x128xf32, #tpu.memory_space<hbm>>
      %dma_start3A_959 = arith.constant 0 : i32
      %dma_start3A_960 = arith.constant 1024 : i32
      %dma_start3A_961 = tpu.memref_slice %arg6[%dma_start3A_952, %dma_start3A_959, %dma_start3A_960] : memref<3x16x2048xf32, #tpu.memory_space<vmem>> -> memref<1x16x128xf32, #tpu.memory_space<vmem>>
      %dma_start3A_962 = tpu.memref_squeeze %dma_start3A_961 : memref<1x16x128xf32, #tpu.memory_space<vmem>> -> memref<16x128xf32, #tpu.memory_space<vmem>>
      %dma_start3A_963 = arith.constant 0 : i32
      %dma_start3A_964 = tpu.memref_slice %arg2[%dma_start3A_963, %multiple_of3A_951] : memref<16x1000000xf32, #tpu.memory_space<hbm>> -> memref<16x128xf32, #tpu.memory_space<hbm>>
      tpu.enqueue_dma source(%dma_start3A_964 : memref<16x128xf32, #tpu.memory_space<hbm>>) target(%dma_start3A_962 : memref<16x128xf32, #tpu.memory_space<vmem>>) target_semaphore(%arg10 : memref<!tpu.dma_semaphore, #tpu.memory_space<semaphore_mem>>)
      %slice3A_965 = vector.extract_strided_slice %shift_left3A_820 {offsets = [9], sizes = [1], strides = [1]} : vector<16xi32> to vector<1xi32>
      %squeeze3A_966 = vector.extract %slice3A_965[0] : i32 from vector<1xi32>
      %multiple_of3A_967 = tpu.assume_multiple %squeeze3A_966, 128 : i32
      %dma_start3A_968 = arith.constant 2 : i32
      %dma_start3A_969 = arith.constant 0 : i32
      %dma_start3A_970 = arith.constant 1152 : i32
      %dma_start3A_971 = tpu.memref_slice %arg6[%dma_start3A_968, %dma_start3A_969, %dma_start3A_970] : memref<3x16x2048xf32, #tpu.memory_space<vmem>> -> memref<1x16x128xf32, #tpu.memory_space<vmem>>
      %dma_start3A_972 = tpu.memref_squeeze %dma_start3A_971 : memref<1x16x128xf32, #tpu.memory_space<vmem>> -> memref<16x128xf32, #tpu.memory_space<vmem>>
      %dma_start3A_973 = arith.constant 0 : i32
      %dma_start3A_974 = tpu.memref_slice %arg2[%dma_start3A_973, %multiple_of3A_967] : memref<16x1000000xf32, #tpu.memory_space<hbm>> -> memref<16x128xf32, #tpu.memory_space<hbm>>
      %dma_start3A_975 = arith.constant 0 : i32
      %dma_start3A_976 = arith.constant 1152 : i32
      %dma_start3A_977 = tpu.memref_slice %arg6[%dma_start3A_968, %dma_start3A_975, %dma_start3A_976] : memref<3x16x2048xf32, #tpu.memory_space<vmem>> -> memref<1x16x128xf32, #tpu.memory_space<vmem>>
      %dma_start3A_978 = tpu.memref_squeeze %dma_start3A_977 : memref<1x16x128xf32, #tpu.memory_space<vmem>> -> memref<16x128xf32, #tpu.memory_space<vmem>>
      %dma_start3A_979 = arith.constant 0 : i32
      %dma_start3A_980 = tpu.memref_slice %arg2[%dma_start3A_979, %multiple_of3A_967] : memref<16x1000000xf32, #tpu.memory_space<hbm>> -> memref<16x128xf32, #tpu.memory_space<hbm>>
      tpu.enqueue_dma source(%dma_start3A_980 : memref<16x128xf32, #tpu.memory_space<hbm>>) target(%dma_start3A_978 : memref<16x128xf32, #tpu.memory_space<vmem>>) target_semaphore(%arg10 : memref<!tpu.dma_semaphore, #tpu.memory_space<semaphore_mem>>)
      %slice3A_981 = vector.extract_strided_slice %shift_left3A_820 {offsets = [10], sizes = [1], strides = [1]} : vector<16xi32> to vector<1xi32>
      %squeeze3A_982 = vector.extract %slice3A_981[0] : i32 from vector<1xi32>
      %multiple_of3A_983 = tpu.assume_multiple %squeeze3A_982, 128 : i32
      %dma_start3A_984 = arith.constant 2 : i32
      %dma_start3A_985 = arith.constant 0 : i32
      %dma_start3A_986 = arith.constant 1280 : i32
      %dma_start3A_987 = tpu.memref_slice %arg6[%dma_start3A_984, %dma_start3A_985, %dma_start3A_986] : memref<3x16x2048xf32, #tpu.memory_space<vmem>> -> memref<1x16x128xf32, #tpu.memory_space<vmem>>
      %dma_start3A_988 = tpu.memref_squeeze %dma_start3A_987 : memref<1x16x128xf32, #tpu.memory_space<vmem>> -> memref<16x128xf32, #tpu.memory_space<vmem>>
      %dma_start3A_989 = arith.constant 0 : i32
      %dma_start3A_990 = tpu.memref_slice %arg2[%dma_start3A_989, %multiple_of3A_983] : memref<16x1000000xf32, #tpu.memory_space<hbm>> -> memref<16x128xf32, #tpu.memory_space<hbm>>
      %dma_start3A_991 = arith.constant 0 : i32
      %dma_start3A_992 = arith.constant 1280 : i32
      %dma_start3A_993 = tpu.memref_slice %arg6[%dma_start3A_984, %dma_start3A_991, %dma_start3A_992] : memref<3x16x2048xf32, #tpu.memory_space<vmem>> -> memref<1x16x128xf32, #tpu.memory_space<vmem>>
      %dma_start3A_994 = tpu.memref_squeeze %dma_start3A_993 : memref<1x16x128xf32, #tpu.memory_space<vmem>> -> memref<16x128xf32, #tpu.memory_space<vmem>>
      %dma_start3A_995 = arith.constant 0 : i32
      %dma_start3A_996 = tpu.memref_slice %arg2[%dma_start3A_995, %multiple_of3A_983] : memref<16x1000000xf32, #tpu.memory_space<hbm>> -> memref<16x128xf32, #tpu.memory_space<hbm>>
      tpu.enqueue_dma source(%dma_start3A_996 : memref<16x128xf32, #tpu.memory_space<hbm>>) target(%dma_start3A_994 : memref<16x128xf32, #tpu.memory_space<vmem>>) target_semaphore(%arg10 : memref<!tpu.dma_semaphore, #tpu.memory_space<semaphore_mem>>)
      %slice3A_997 = vector.extract_strided_slice %shift_left3A_820 {offsets = [11], sizes = [1], strides = [1]} : vector<16xi32> to vector<1xi32>
      %squeeze3A_998 = vector.extract %slice3A_997[0] : i32 from vector<1xi32>
      %multiple_of3A_999 = tpu.assume_multiple %squeeze3A_998, 128 : i32
      %dma_start3A_1000 = arith.constant 2 : i32
      %dma_start3A_1001 = arith.constant 0 : i32
      %dma_start3A_1002 = arith.constant 1408 : i32
      %dma_start3A_1003 = tpu.memref_slice %arg6[%dma_start3A_1000, %dma_start3A_1001, %dma_start3A_1002] : memref<3x16x2048xf32, #tpu.memory_space<vmem>> -> memref<1x16x128xf32, #tpu.memory_space<vmem>>
      %dma_start3A_1004 = tpu.memref_squeeze %dma_start3A_1003 : memref<1x16x128xf32, #tpu.memory_space<vmem>> -> memref<16x128xf32, #tpu.memory_space<vmem>>
      %dma_start3A_1005 = arith.constant 0 : i32
      %dma_start3A_1006 = tpu.memref_slice %arg2[%dma_start3A_1005, %multiple_of3A_999] : memref<16x1000000xf32, #tpu.memory_space<hbm>> -> memref<16x128xf32, #tpu.memory_space<hbm>>
      %dma_start3A_1007 = arith.constant 0 : i32
      %dma_start3A_1008 = arith.constant 1408 : i32
      %dma_start3A_1009 = tpu.memref_slice %arg6[%dma_start3A_1000, %dma_start3A_1007, %dma_start3A_1008] : memref<3x16x2048xf32, #tpu.memory_space<vmem>> -> memref<1x16x128xf32, #tpu.memory_space<vmem>>
      %dma_start3A_1010 = tpu.memref_squeeze %dma_start3A_1009 : memref<1x16x128xf32, #tpu.memory_space<vmem>> -> memref<16x128xf32, #tpu.memory_space<vmem>>
      %dma_start3A_1011 = arith.constant 0 : i32
      %dma_start3A_1012 = tpu.memref_slice %arg2[%dma_start3A_1011, %multiple_of3A_999] : memref<16x1000000xf32, #tpu.memory_space<hbm>> -> memref<16x128xf32, #tpu.memory_space<hbm>>
      tpu.enqueue_dma source(%dma_start3A_1012 : memref<16x128xf32, #tpu.memory_space<hbm>>) target(%dma_start3A_1010 : memref<16x128xf32, #tpu.memory_space<vmem>>) target_semaphore(%arg10 : memref<!tpu.dma_semaphore, #tpu.memory_space<semaphore_mem>>)
      %slice3A_1013 = vector.extract_strided_slice %shift_left3A_820 {offsets = [12], sizes = [1], strides = [1]} : vector<16xi32> to vector<1xi32>
      %squeeze3A_1014 = vector.extract %slice3A_1013[0] : i32 from vector<1xi32>
      %multiple_of3A_1015 = tpu.assume_multiple %squeeze3A_1014, 128 : i32
      %dma_start3A_1016 = arith.constant 2 : i32
      %dma_start3A_1017 = arith.constant 0 : i32
      %dma_start3A_1018 = arith.constant 1536 : i32
      %dma_start3A_1019 = tpu.memref_slice %arg6[%dma_start3A_1016, %dma_start3A_1017, %dma_start3A_1018] : memref<3x16x2048xf32, #tpu.memory_space<vmem>> -> memref<1x16x128xf32, #tpu.memory_space<vmem>>
      %dma_start3A_1020 = tpu.memref_squeeze %dma_start3A_1019 : memref<1x16x128xf32, #tpu.memory_space<vmem>> -> memref<16x128xf32, #tpu.memory_space<vmem>>
      %dma_start3A_1021 = arith.constant 0 : i32
      %dma_start3A_1022 = tpu.memref_slice %arg2[%dma_start3A_1021, %multiple_of3A_1015] : memref<16x1000000xf32, #tpu.memory_space<hbm>> -> memref<16x128xf32, #tpu.memory_space<hbm>>
      %dma_start3A_1023 = arith.constant 0 : i32
      %dma_start3A_1024 = arith.constant 1536 : i32
      %dma_start3A_1025 = tpu.memref_slice %arg6[%dma_start3A_1016, %dma_start3A_1023, %dma_start3A_1024] : memref<3x16x2048xf32, #tpu.memory_space<vmem>> -> memref<1x16x128xf32, #tpu.memory_space<vmem>>
      %dma_start3A_1026 = tpu.memref_squeeze %dma_start3A_1025 : memref<1x16x128xf32, #tpu.memory_space<vmem>> -> memref<16x128xf32, #tpu.memory_space<vmem>>
      %dma_start3A_1027 = arith.constant 0 : i32
      %dma_start3A_1028 = tpu.memref_slice %arg2[%dma_start3A_1027, %multiple_of3A_1015] : memref<16x1000000xf32, #tpu.memory_space<hbm>> -> memref<16x128xf32, #tpu.memory_space<hbm>>
      tpu.enqueue_dma source(%dma_start3A_1028 : memref<16x128xf32, #tpu.memory_space<hbm>>) target(%dma_start3A_1026 : memref<16x128xf32, #tpu.memory_space<vmem>>) target_semaphore(%arg10 : memref<!tpu.dma_semaphore, #tpu.memory_space<semaphore_mem>>)
      %slice3A_1029 = vector.extract_strided_slice %shift_left3A_820 {offsets = [13], sizes = [1], strides = [1]} : vector<16xi32> to vector<1xi32>
      %squeeze3A_1030 = vector.extract %slice3A_1029[0] : i32 from vector<1xi32>
      %multiple_of3A_1031 = tpu.assume_multiple %squeeze3A_1030, 128 : i32
      %dma_start3A_1032 = arith.constant 2 : i32
      %dma_start3A_1033 = arith.constant 0 : i32
      %dma_start3A_1034 = arith.constant 1664 : i32
      %dma_start3A_1035 = tpu.memref_slice %arg6[%dma_start3A_1032, %dma_start3A_1033, %dma_start3A_1034] : memref<3x16x2048xf32, #tpu.memory_space<vmem>> -> memref<1x16x128xf32, #tpu.memory_space<vmem>>
      %dma_start3A_1036 = tpu.memref_squeeze %dma_start3A_1035 : memref<1x16x128xf32, #tpu.memory_space<vmem>> -> memref<16x128xf32, #tpu.memory_space<vmem>>
      %dma_start3A_1037 = arith.constant 0 : i32
      %dma_start3A_1038 = tpu.memref_slice %arg2[%dma_start3A_1037, %multiple_of3A_1031] : memref<16x1000000xf32, #tpu.memory_space<hbm>> -> memref<16x128xf32, #tpu.memory_space<hbm>>
      %dma_start3A_1039 = arith.constant 0 : i32
      %dma_start3A_1040 = arith.constant 1664 : i32
      %dma_start3A_1041 = tpu.memref_slice %arg6[%dma_start3A_1032, %dma_start3A_1039, %dma_start3A_1040] : memref<3x16x2048xf32, #tpu.memory_space<vmem>> -> memref<1x16x128xf32, #tpu.memory_space<vmem>>
      %dma_start3A_1042 = tpu.memref_squeeze %dma_start3A_1041 : memref<1x16x128xf32, #tpu.memory_space<vmem>> -> memref<16x128xf32, #tpu.memory_space<vmem>>
      %dma_start3A_1043 = arith.constant 0 : i32
      %dma_start3A_1044 = tpu.memref_slice %arg2[%dma_start3A_1043, %multiple_of3A_1031] : memref<16x1000000xf32, #tpu.memory_space<hbm>> -> memref<16x128xf32, #tpu.memory_space<hbm>>
      tpu.enqueue_dma source(%dma_start3A_1044 : memref<16x128xf32, #tpu.memory_space<hbm>>) target(%dma_start3A_1042 : memref<16x128xf32, #tpu.memory_space<vmem>>) target_semaphore(%arg10 : memref<!tpu.dma_semaphore, #tpu.memory_space<semaphore_mem>>)
      %slice3A_1045 = vector.extract_strided_slice %shift_left3A_820 {offsets = [14], sizes = [1], strides = [1]} : vector<16xi32> to vector<1xi32>
      %squeeze3A_1046 = vector.extract %slice3A_1045[0] : i32 from vector<1xi32>
      %multiple_of3A_1047 = tpu.assume_multiple %squeeze3A_1046, 128 : i32
      %dma_start3A_1048 = arith.constant 2 : i32
      %dma_start3A_1049 = arith.constant 0 : i32
      %dma_start3A_1050 = arith.constant 1792 : i32
      %dma_start3A_1051 = tpu.memref_slice %arg6[%dma_start3A_1048, %dma_start3A_1049, %dma_start3A_1050] : memref<3x16x2048xf32, #tpu.memory_space<vmem>> -> memref<1x16x128xf32, #tpu.memory_space<vmem>>
      %dma_start3A_1052 = tpu.memref_squeeze %dma_start3A_1051 : memref<1x16x128xf32, #tpu.memory_space<vmem>> -> memref<16x128xf32, #tpu.memory_space<vmem>>
      %dma_start3A_1053 = arith.constant 0 : i32
      %dma_start3A_1054 = tpu.memref_slice %arg2[%dma_start3A_1053, %multiple_of3A_1047] : memref<16x1000000xf32, #tpu.memory_space<hbm>> -> memref<16x128xf32, #tpu.memory_space<hbm>>
      %dma_start3A_1055 = arith.constant 0 : i32
      %dma_start3A_1056 = arith.constant 1792 : i32
      %dma_start3A_1057 = tpu.memref_slice %arg6[%dma_start3A_1048, %dma_start3A_1055, %dma_start3A_1056] : memref<3x16x2048xf32, #tpu.memory_space<vmem>> -> memref<1x16x128xf32, #tpu.memory_space<vmem>>
      %dma_start3A_1058 = tpu.memref_squeeze %dma_start3A_1057 : memref<1x16x128xf32, #tpu.memory_space<vmem>> -> memref<16x128xf32, #tpu.memory_space<vmem>>
      %dma_start3A_1059 = arith.constant 0 : i32
      %dma_start3A_1060 = tpu.memref_slice %arg2[%dma_start3A_1059, %multiple_of3A_1047] : memref<16x1000000xf32, #tpu.memory_space<hbm>> -> memref<16x128xf32, #tpu.memory_space<hbm>>
      tpu.enqueue_dma source(%dma_start3A_1060 : memref<16x128xf32, #tpu.memory_space<hbm>>) target(%dma_start3A_1058 : memref<16x128xf32, #tpu.memory_space<vmem>>) target_semaphore(%arg10 : memref<!tpu.dma_semaphore, #tpu.memory_space<semaphore_mem>>)
      %slice3A_1061 = vector.extract_strided_slice %shift_left3A_820 {offsets = [15], sizes = [1], strides = [1]} : vector<16xi32> to vector<1xi32>
      %squeeze3A_1062 = vector.extract %slice3A_1061[0] : i32 from vector<1xi32>
      %multiple_of3A_1063 = tpu.assume_multiple %squeeze3A_1062, 128 : i32
      %dma_start3A_1064 = arith.constant 2 : i32
      %dma_start3A_1065 = arith.constant 0 : i32
      %dma_start3A_1066 = arith.constant 1920 : i32
      %dma_start3A_1067 = tpu.memref_slice %arg6[%dma_start3A_1064, %dma_start3A_1065, %dma_start3A_1066] : memref<3x16x2048xf32, #tpu.memory_space<vmem>> -> memref<1x16x128xf32, #tpu.memory_space<vmem>>
      %dma_start3A_1068 = tpu.memref_squeeze %dma_start3A_1067 : memref<1x16x128xf32, #tpu.memory_space<vmem>> -> memref<16x128xf32, #tpu.memory_space<vmem>>
      %dma_start3A_1069 = arith.constant 0 : i32
      %dma_start3A_1070 = tpu.memref_slice %arg2[%dma_start3A_1069, %multiple_of3A_1063] : memref<16x1000000xf32, #tpu.memory_space<hbm>> -> memref<16x128xf32, #tpu.memory_space<hbm>>
      %dma_start3A_1071 = arith.constant 0 : i32
      %dma_start3A_1072 = arith.constant 1920 : i32
      %dma_start3A_1073 = tpu.memref_slice %arg6[%dma_start3A_1064, %dma_start3A_1071, %dma_start3A_1072] : memref<3x16x2048xf32, #tpu.memory_space<vmem>> -> memref<1x16x128xf32, #tpu.memory_space<vmem>>
      %dma_start3A_1074 = tpu.memref_squeeze %dma_start3A_1073 : memref<1x16x128xf32, #tpu.memory_space<vmem>> -> memref<16x128xf32, #tpu.memory_space<vmem>>
      %dma_start3A_1075 = arith.constant 0 : i32
      %dma_start3A_1076 = tpu.memref_slice %arg2[%dma_start3A_1075, %multiple_of3A_1063] : memref<16x1000000xf32, #tpu.memory_space<hbm>> -> memref<16x128xf32, #tpu.memory_space<hbm>>
      tpu.enqueue_dma source(%dma_start3A_1076 : memref<16x128xf32, #tpu.memory_space<hbm>>) target(%dma_start3A_1074 : memref<16x128xf32, #tpu.memory_space<vmem>>) target_semaphore(%arg10 : memref<!tpu.dma_semaphore, #tpu.memory_space<semaphore_mem>>)
      %dma_wait3A_1077 = arith.constant 0 : i32
      %dma_wait3A_1078 = arith.constant 0 : i32
      %dma_wait3A_1079 = arith.constant 0 : i32
      %dma_wait3A_1080 = tpu.memref_slice %arg6[%dma_wait3A_1077, %dma_wait3A_1078, %dma_wait3A_1079] : memref<3x16x2048xf32, #tpu.memory_space<vmem>> -> memref<1x16x2048xf32, #tpu.memory_space<vmem>>
      %dma_wait3A_1081 = tpu.memref_squeeze %dma_wait3A_1080 : memref<1x16x2048xf32, #tpu.memory_space<vmem>> -> memref<16x2048xf32, #tpu.memory_space<vmem>>
      %dma_wait3A_1082 = arith.constant 0 : i32
      %dma_wait3A_1083 = arith.constant 0 : i32
      %dma_wait3A_1084 = tpu.memref_slice %arg2[%dma_wait3A_1082, %dma_wait3A_1083] : memref<16x1000000xf32, #tpu.memory_space<hbm>> -> memref<16x2048xf32, #tpu.memory_space<hbm>>
      %dma_wait3A_1085 = arith.constant 0 : i32
      %dma_wait3A_1086 = arith.constant 0 : i32
      %dma_wait3A_1087 = tpu.memref_slice %arg6[%dma_wait3A_1077, %dma_wait3A_1085, %dma_wait3A_1086] : memref<3x16x2048xf32, #tpu.memory_space<vmem>> -> memref<1x16x2048xf32, #tpu.memory_space<vmem>>
      %dma_wait3A_1088 = tpu.memref_squeeze %dma_wait3A_1087 : memref<1x16x2048xf32, #tpu.memory_space<vmem>> -> memref<16x2048xf32, #tpu.memory_space<vmem>>
      %dma_wait3A_1089 = arith.constant 0 : i32
      %dma_wait3A_1090 = arith.constant 0 : i32
      %dma_wait3A_1091 = tpu.memref_slice %arg2[%dma_wait3A_1089, %dma_wait3A_1090] : memref<16x1000000xf32, #tpu.memory_space<hbm>> -> memref<16x2048xf32, #tpu.memory_space<hbm>>
      tpu.wait_dma2 semaphore(%arg8 : memref<!tpu.dma_semaphore, #tpu.memory_space<semaphore_mem>>) src(%dma_wait3A_1091 : memref<16x2048xf32, #tpu.memory_space<hbm>>) dst(%dma_wait3A_1088 : memref<16x2048xf32, #tpu.memory_space<vmem>>)
      %mul3A_1092 = arith.constant 16 : i32
      %mul3A_1093 = arith.muli %mul3A_808, %mul3A_1092 : i32
      %get3A_1094 = arith.index_cast %mul3A_1093 : i32 to index
      %get3A_1095 = tpu.vector_load %arg5[%get3A_1094] {strides = array<i32>} : memref<512xi32, #tpu.memory_space<vmem>>, vector<16xi32>,
      %shift_right_logical3A_1096 = arith.constant 7 : i32
      %shift_right_logical3A_1097 = vector.broadcast %shift_right_logical3A_1096 : i32 to vector<16xi32>
      %shift_right_logical3A_1098 = arith.shrui %get3A_1095, %shift_right_logical3A_1097 : vector<16xi32>
      %shift_left3A_1099 = arith.constant 7 : i32
      %shift_left3A_1100 = vector.broadcast %shift_left3A_1099 : i32 to vector<16xi32>
      %shift_left3A_1101 = arith.shli %shift_right_logical3A_1098, %shift_left3A_1100 : vector<16xi32>
      %sub3A_1102 = arith.subi %get3A_1095, %shift_left3A_1101 : vector<16xi32>
      %add3A_1103 = arith.addi %sub3A_1102, %mul3A_6 : vector<16xi32>
      %broadcast_in_dim3A_1104 = arith.constant 0 : i32
      %broadcast_in_dim3A_1105 = vector.broadcast %broadcast_in_dim3A_1104 : i32 to vector<16xi32>
      %broadcast_in_dim3A_1106 = arith.constant 0 : i32
      %broadcast_in_dim3A_1107 = vector.broadcast %broadcast_in_dim3A_1106 : i32 to vector<16xi32>
      %gather3A_1108 = tpu.vector_load_idx %arg6[%broadcast_in_dim3A_1105, %broadcast_in_dim3A_1107, %add3A_1103] : memref<3x16x2048xf32, #tpu.memory_space<vmem>>[vector<16xi32>, vector<16xi32>, vector<16xi32>], vector<16xf32>,
      %mul3A_1109 = arith.constant 16 : i32
      %mul3A_1110 = arith.muli %mul3A_808, %mul3A_1109 : i32
      %swap3A_1111 = arith.constant 0 : i32
      %swap3A_1112 = arith.index_cast %swap3A_1111 : i32 to index
      %swap3A_1113 = arith.index_cast %mul3A_1110 : i32 to index
      %swap3A_1114 = tpu.vector_load %arg7[%swap3A_1112, %swap3A_1113] {strides = array<i32>} : memref<16x512xf32, #tpu.memory_space<vmem>>, vector<16xf32>,
      tpu.vector_store %arg7[%swap3A_1112, %swap3A_1113], %gather3A_1108 {strides = array<i32>} : memref<16x512xf32, #tpu.memory_space<vmem>>, vector<16xf32>,
      %broadcast_in_dim3A_1115 = arith.constant 1 : i32
      %broadcast_in_dim3A_1116 = vector.broadcast %broadcast_in_dim3A_1115 : i32 to vector<16xi32>
      %gather3A_1117 = tpu.vector_load_idx %arg6[%broadcast_in_dim3A_1105, %broadcast_in_dim3A_1116, %add3A_1103] : memref<3x16x2048xf32, #tpu.memory_space<vmem>>[vector<16xi32>, vector<16xi32>, vector<16xi32>], vector<16xf32>,
      %mul3A_1118 = arith.constant 16 : i32
      %mul3A_1119 = arith.muli %mul3A_808, %mul3A_1118 : i32
      %swap3A_1120 = arith.constant 1 : i32
      %swap3A_1121 = arith.index_cast %swap3A_1120 : i32 to index
      %swap3A_1122 = arith.index_cast %mul3A_1119 : i32 to index
      %swap3A_1123 = tpu.vector_load %arg7[%swap3A_1121, %swap3A_1122] {strides = array<i32>} : memref<16x512xf32, #tpu.memory_space<vmem>>, vector<16xf32>,
      tpu.vector_store %arg7[%swap3A_1121, %swap3A_1122], %gather3A_1117 {strides = array<i32>} : memref<16x512xf32, #tpu.memory_space<vmem>>, vector<16xf32>,
      %broadcast_in_dim3A_1124 = arith.constant 2 : i32
      %broadcast_in_dim3A_1125 = vector.broadcast %broadcast_in_dim3A_1124 : i32 to vector<16xi32>
      %gather3A_1126 = tpu.vector_load_idx %arg6[%broadcast_in_dim3A_1105, %broadcast_in_dim3A_1125, %add3A_1103] : memref<3x16x2048xf32, #tpu.memory_space<vmem>>[vector<16xi32>, vector<16xi32>, vector<16xi32>], vector<16xf32>,
      %mul3A_1127 = arith.constant 16 : i32
      %mul3A_1128 = arith.muli %mul3A_808, %mul3A_1127 : i32
      %swap3A_1129 = arith.constant 2 : i32
      %swap3A_1130 = arith.index_cast %swap3A_1129 : i32 to index
      %swap3A_1131 = arith.index_cast %mul3A_1128 : i32 to index
      %swap3A_1132 = tpu.vector_load %arg7[%swap3A_1130, %swap3A_1131] {strides = array<i32>} : memref<16x512xf32, #tpu.memory_space<vmem>>, vector<16xf32>,
      tpu.vector_store %arg7[%swap3A_1130, %swap3A_1131], %gather3A_1126 {strides = array<i32>} : memref<16x512xf32, #tpu.memory_space<vmem>>, vector<16xf32>,
      %broadcast_in_dim3A_1133 = arith.constant 3 : i32
      %broadcast_in_dim3A_1134 = vector.broadcast %broadcast_in_dim3A_1133 : i32 to vector<16xi32>
      %gather3A_1135 = tpu.vector_load_idx %arg6[%broadcast_in_dim3A_1105, %broadcast_in_dim3A_1134, %add3A_1103] : memref<3x16x2048xf32, #tpu.memory_space<vmem>>[vector<16xi32>, vector<16xi32>, vector<16xi32>], vector<16xf32>,
      %mul3A_1136 = arith.constant 16 : i32
      %mul3A_1137 = arith.muli %mul3A_808, %mul3A_1136 : i32
      %swap3A_1138 = arith.constant 3 : i32
      %swap3A_1139 = arith.index_cast %swap3A_1138 : i32 to index
      %swap3A_1140 = arith.index_cast %mul3A_1137 : i32 to index
      %swap3A_1141 = tpu.vector_load %arg7[%swap3A_1139, %swap3A_1140] {strides = array<i32>} : memref<16x512xf32, #tpu.memory_space<vmem>>, vector<16xf32>,
      tpu.vector_store %arg7[%swap3A_1139, %swap3A_1140], %gather3A_1135 {strides = array<i32>} : memref<16x512xf32, #tpu.memory_space<vmem>>, vector<16xf32>,
      %broadcast_in_dim3A_1142 = arith.constant 4 : i32
      %broadcast_in_dim3A_1143 = vector.broadcast %broadcast_in_dim3A_1142 : i32 to vector<16xi32>
      %gather3A_1144 = tpu.vector_load_idx %arg6[%broadcast_in_dim3A_1105, %broadcast_in_dim3A_1143, %add3A_1103] : memref<3x16x2048xf32, #tpu.memory_space<vmem>>[vector<16xi32>, vector<16xi32>, vector<16xi32>], vector<16xf32>,
      %mul3A_1145 = arith.constant 16 : i32
      %mul3A_1146 = arith.muli %mul3A_808, %mul3A_1145 : i32
      %swap3A_1147 = arith.constant 4 : i32
      %swap3A_1148 = arith.index_cast %swap3A_1147 : i32 to index
      %swap3A_1149 = arith.index_cast %mul3A_1146 : i32 to index
      %swap3A_1150 = tpu.vector_load %arg7[%swap3A_1148, %swap3A_1149] {strides = array<i32>} : memref<16x512xf32, #tpu.memory_space<vmem>>, vector<16xf32>,
      tpu.vector_store %arg7[%swap3A_1148, %swap3A_1149], %gather3A_1144 {strides = array<i32>} : memref<16x512xf32, #tpu.memory_space<vmem>>, vector<16xf32>,
      %broadcast_in_dim3A_1151 = arith.constant 5 : i32
      %broadcast_in_dim3A_1152 = vector.broadcast %broadcast_in_dim3A_1151 : i32 to vector<16xi32>
      %gather3A_1153 = tpu.vector_load_idx %arg6[%broadcast_in_dim3A_1105, %broadcast_in_dim3A_1152, %add3A_1103] : memref<3x16x2048xf32, #tpu.memory_space<vmem>>[vector<16xi32>, vector<16xi32>, vector<16xi32>], vector<16xf32>,
      %mul3A_1154 = arith.constant 16 : i32
      %mul3A_1155 = arith.muli %mul3A_808, %mul3A_1154 : i32
      %swap3A_1156 = arith.constant 5 : i32
      %swap3A_1157 = arith.index_cast %swap3A_1156 : i32 to index
      %swap3A_1158 = arith.index_cast %mul3A_1155 : i32 to index
      %swap3A_1159 = tpu.vector_load %arg7[%swap3A_1157, %swap3A_1158] {strides = array<i32>} : memref<16x512xf32, #tpu.memory_space<vmem>>, vector<16xf32>,
      tpu.vector_store %arg7[%swap3A_1157, %swap3A_1158], %gather3A_1153 {strides = array<i32>} : memref<16x512xf32, #tpu.memory_space<vmem>>, vector<16xf32>,
      %broadcast_in_dim3A_1160 = arith.constant 6 : i32
      %broadcast_in_dim3A_1161 = vector.broadcast %broadcast_in_dim3A_1160 : i32 to vector<16xi32>
      %gather3A_1162 = tpu.vector_load_idx %arg6[%broadcast_in_dim3A_1105, %broadcast_in_dim3A_1161, %add3A_1103] : memref<3x16x2048xf32, #tpu.memory_space<vmem>>[vector<16xi32>, vector<16xi32>, vector<16xi32>], vector<16xf32>,
      %mul3A_1163 = arith.constant 16 : i32
      %mul3A_1164 = arith.muli %mul3A_808, %mul3A_1163 : i32
      %swap3A_1165 = arith.constant 6 : i32
      %swap3A_1166 = arith.index_cast %swap3A_1165 : i32 to index
      %swap3A_1167 = arith.index_cast %mul3A_1164 : i32 to index
      %swap3A_1168 = tpu.vector_load %arg7[%swap3A_1166, %swap3A_1167] {strides = array<i32>} : memref<16x512xf32, #tpu.memory_space<vmem>>, vector<16xf32>,
      tpu.vector_store %arg7[%swap3A_1166, %swap3A_1167], %gather3A_1162 {strides = array<i32>} : memref<16x512xf32, #tpu.memory_space<vmem>>, vector<16xf32>,
      %broadcast_in_dim3A_1169 = arith.constant 7 : i32
      %broadcast_in_dim3A_1170 = vector.broadcast %broadcast_in_dim3A_1169 : i32 to vector<16xi32>
      %gather3A_1171 = tpu.vector_load_idx %arg6[%broadcast_in_dim3A_1105, %broadcast_in_dim3A_1170, %add3A_1103] : memref<3x16x2048xf32, #tpu.memory_space<vmem>>[vector<16xi32>, vector<16xi32>, vector<16xi32>], vector<16xf32>,
      %mul3A_1172 = arith.constant 16 : i32
      %mul3A_1173 = arith.muli %mul3A_808, %mul3A_1172 : i32
      %swap3A_1174 = arith.constant 7 : i32
      %swap3A_1175 = arith.index_cast %swap3A_1174 : i32 to index
      %swap3A_1176 = arith.index_cast %mul3A_1173 : i32 to index
      %swap3A_1177 = tpu.vector_load %arg7[%swap3A_1175, %swap3A_1176] {strides = array<i32>} : memref<16x512xf32, #tpu.memory_space<vmem>>, vector<16xf32>,
      tpu.vector_store %arg7[%swap3A_1175, %swap3A_1176], %gather3A_1171 {strides = array<i32>} : memref<16x512xf32, #tpu.memory_space<vmem>>, vector<16xf32>,
      %broadcast_in_dim3A_1178 = arith.constant 8 : i32
      %broadcast_in_dim3A_1179 = vector.broadcast %broadcast_in_dim3A_1178 : i32 to vector<16xi32>
      %gather3A_1180 = tpu.vector_load_idx %arg6[%broadcast_in_dim3A_1105, %broadcast_in_dim3A_1179, %add3A_1103] : memref<3x16x2048xf32, #tpu.memory_space<vmem>>[vector<16xi32>, vector<16xi32>, vector<16xi32>], vector<16xf32>,
      %mul3A_1181 = arith.constant 16 : i32
      %mul3A_1182 = arith.muli %mul3A_808, %mul3A_1181 : i32
      %swap3A_1183 = arith.constant 8 : i32
      %swap3A_1184 = arith.index_cast %swap3A_1183 : i32 to index
      %swap3A_1185 = arith.index_cast %mul3A_1182 : i32 to index
      %swap3A_1186 = tpu.vector_load %arg7[%swap3A_1184, %swap3A_1185] {strides = array<i32>} : memref<16x512xf32, #tpu.memory_space<vmem>>, vector<16xf32>,
      tpu.vector_store %arg7[%swap3A_1184, %swap3A_1185], %gather3A_1180 {strides = array<i32>} : memref<16x512xf32, #tpu.memory_space<vmem>>, vector<16xf32>,
      %broadcast_in_dim3A_1187 = arith.constant 9 : i32
      %broadcast_in_dim3A_1188 = vector.broadcast %broadcast_in_dim3A_1187 : i32 to vector<16xi32>
      %gather3A_1189 = tpu.vector_load_idx %arg6[%broadcast_in_dim3A_1105, %broadcast_in_dim3A_1188, %add3A_1103] : memref<3x16x2048xf32, #tpu.memory_space<vmem>>[vector<16xi32>, vector<16xi32>, vector<16xi32>], vector<16xf32>,
      %mul3A_1190 = arith.constant 16 : i32
      %mul3A_1191 = arith.muli %mul3A_808, %mul3A_1190 : i32
      %swap3A_1192 = arith.constant 9 : i32
      %swap3A_1193 = arith.index_cast %swap3A_1192 : i32 to index
      %swap3A_1194 = arith.index_cast %mul3A_1191 : i32 to index
      %swap3A_1195 = tpu.vector_load %arg7[%swap3A_1193, %swap3A_1194] {strides = array<i32>} : memref<16x512xf32, #tpu.memory_space<vmem>>, vector<16xf32>,
      tpu.vector_store %arg7[%swap3A_1193, %swap3A_1194], %gather3A_1189 {strides = array<i32>} : memref<16x512xf32, #tpu.memory_space<vmem>>, vector<16xf32>,
      %broadcast_in_dim3A_1196 = arith.constant 10 : i32
      %broadcast_in_dim3A_1197 = vector.broadcast %broadcast_in_dim3A_1196 : i32 to vector<16xi32>
      %gather3A_1198 = tpu.vector_load_idx %arg6[%broadcast_in_dim3A_1105, %broadcast_in_dim3A_1197, %add3A_1103] : memref<3x16x2048xf32, #tpu.memory_space<vmem>>[vector<16xi32>, vector<16xi32>, vector<16xi32>], vector<16xf32>,
      %mul3A_1199 = arith.constant 16 : i32
      %mul3A_1200 = arith.muli %mul3A_808, %mul3A_1199 : i32
      %swap3A_1201 = arith.constant 10 : i32
      %swap3A_1202 = arith.index_cast %swap3A_1201 : i32 to index
      %swap3A_1203 = arith.index_cast %mul3A_1200 : i32 to index
      %swap3A_1204 = tpu.vector_load %arg7[%swap3A_1202, %swap3A_1203] {strides = array<i32>} : memref<16x512xf32, #tpu.memory_space<vmem>>, vector<16xf32>,
      tpu.vector_store %arg7[%swap3A_1202, %swap3A_1203], %gather3A_1198 {strides = array<i32>} : memref<16x512xf32, #tpu.memory_space<vmem>>, vector<16xf32>,
      %broadcast_in_dim3A_1205 = arith.constant 11 : i32
      %broadcast_in_dim3A_1206 = vector.broadcast %broadcast_in_dim3A_1205 : i32 to vector<16xi32>
      %gather3A_1207 = tpu.vector_load_idx %arg6[%broadcast_in_dim3A_1105, %broadcast_in_dim3A_1206, %add3A_1103] : memref<3x16x2048xf32, #tpu.memory_space<vmem>>[vector<16xi32>, vector<16xi32>, vector<16xi32>], vector<16xf32>,
      %mul3A_1208 = arith.constant 16 : i32
      %mul3A_1209 = arith.muli %mul3A_808, %mul3A_1208 : i32
      %swap3A_1210 = arith.constant 11 : i32
      %swap3A_1211 = arith.index_cast %swap3A_1210 : i32 to index
      %swap3A_1212 = arith.index_cast %mul3A_1209 : i32 to index
      %swap3A_1213 = tpu.vector_load %arg7[%swap3A_1211, %swap3A_1212] {strides = array<i32>} : memref<16x512xf32, #tpu.memory_space<vmem>>, vector<16xf32>,
      tpu.vector_store %arg7[%swap3A_1211, %swap3A_1212], %gather3A_1207 {strides = array<i32>} : memref<16x512xf32, #tpu.memory_space<vmem>>, vector<16xf32>,
      %broadcast_in_dim3A_1214 = arith.constant 12 : i32
      %broadcast_in_dim3A_1215 = vector.broadcast %broadcast_in_dim3A_1214 : i32 to vector<16xi32>
      %gather3A_1216 = tpu.vector_load_idx %arg6[%broadcast_in_dim3A_1105, %broadcast_in_dim3A_1215, %add3A_1103] : memref<3x16x2048xf32, #tpu.memory_space<vmem>>[vector<16xi32>, vector<16xi32>, vector<16xi32>], vector<16xf32>,
      %mul3A_1217 = arith.constant 16 : i32
      %mul3A_1218 = arith.muli %mul3A_808, %mul3A_1217 : i32
      %swap3A_1219 = arith.constant 12 : i32
      %swap3A_1220 = arith.index_cast %swap3A_1219 : i32 to index
      %swap3A_1221 = arith.index_cast %mul3A_1218 : i32 to index
      %swap3A_1222 = tpu.vector_load %arg7[%swap3A_1220, %swap3A_1221] {strides = array<i32>} : memref<16x512xf32, #tpu.memory_space<vmem>>, vector<16xf32>,
      tpu.vector_store %arg7[%swap3A_1220, %swap3A_1221], %gather3A_1216 {strides = array<i32>} : memref<16x512xf32, #tpu.memory_space<vmem>>, vector<16xf32>,
      %broadcast_in_dim3A_1223 = arith.constant 13 : i32
      %broadcast_in_dim3A_1224 = vector.broadcast %broadcast_in_dim3A_1223 : i32 to vector<16xi32>
      %gather3A_1225 = tpu.vector_load_idx %arg6[%broadcast_in_dim3A_1105, %broadcast_in_dim3A_1224, %add3A_1103] : memref<3x16x2048xf32, #tpu.memory_space<vmem>>[vector<16xi32>, vector<16xi32>, vector<16xi32>], vector<16xf32>,
      %mul3A_1226 = arith.constant 16 : i32
      %mul3A_1227 = arith.muli %mul3A_808, %mul3A_1226 : i32
      %swap3A_1228 = arith.constant 13 : i32
      %swap3A_1229 = arith.index_cast %swap3A_1228 : i32 to index
      %swap3A_1230 = arith.index_cast %mul3A_1227 : i32 to index
      %swap3A_1231 = tpu.vector_load %arg7[%swap3A_1229, %swap3A_1230] {strides = array<i32>} : memref<16x512xf32, #tpu.memory_space<vmem>>, vector<16xf32>,
      tpu.vector_store %arg7[%swap3A_1229, %swap3A_1230], %gather3A_1225 {strides = array<i32>} : memref<16x512xf32, #tpu.memory_space<vmem>>, vector<16xf32>,
      %broadcast_in_dim3A_1232 = arith.constant 14 : i32
      %broadcast_in_dim3A_1233 = vector.broadcast %broadcast_in_dim3A_1232 : i32 to vector<16xi32>
      %gather3A_1234 = tpu.vector_load_idx %arg6[%broadcast_in_dim3A_1105, %broadcast_in_dim3A_1233, %add3A_1103] : memref<3x16x2048xf32, #tpu.memory_space<vmem>>[vector<16xi32>, vector<16xi32>, vector<16xi32>], vector<16xf32>,
      %mul3A_1235 = arith.constant 16 : i32
      %mul3A_1236 = arith.muli %mul3A_808, %mul3A_1235 : i32
      %swap3A_1237 = arith.constant 14 : i32
      %swap3A_1238 = arith.index_cast %swap3A_1237 : i32 to index
      %swap3A_1239 = arith.index_cast %mul3A_1236 : i32 to index
      %swap3A_1240 = tpu.vector_load %arg7[%swap3A_1238, %swap3A_1239] {strides = array<i32>} : memref<16x512xf32, #tpu.memory_space<vmem>>, vector<16xf32>,
      tpu.vector_store %arg7[%swap3A_1238, %swap3A_1239], %gather3A_1234 {strides = array<i32>} : memref<16x512xf32, #tpu.memory_space<vmem>>, vector<16xf32>,
      %broadcast_in_dim3A_1241 = arith.constant 15 : i32
      %broadcast_in_dim3A_1242 = vector.broadcast %broadcast_in_dim3A_1241 : i32 to vector<16xi32>
      %gather3A_1243 = tpu.vector_load_idx %arg6[%broadcast_in_dim3A_1105, %broadcast_in_dim3A_1242, %add3A_1103] : memref<3x16x2048xf32, #tpu.memory_space<vmem>>[vector<16xi32>, vector<16xi32>, vector<16xi32>], vector<16xf32>,
      %mul3A_1244 = arith.constant 16 : i32
      %mul3A_1245 = arith.muli %mul3A_808, %mul3A_1244 : i32
      %swap3A_1246 = arith.constant 15 : i32
      %swap3A_1247 = arith.index_cast %swap3A_1246 : i32 to index
      %swap3A_1248 = arith.index_cast %mul3A_1245 : i32 to index
      %swap3A_1249 = tpu.vector_load %arg7[%swap3A_1247, %swap3A_1248] {strides = array<i32>} : memref<16x512xf32, #tpu.memory_space<vmem>>, vector<16xf32>,
      tpu.vector_store %arg7[%swap3A_1247, %swap3A_1248], %gather3A_1243 {strides = array<i32>} : memref<16x512xf32, #tpu.memory_space<vmem>>, vector<16xf32>,
      %add3A_1250 = arith.constant 3 : i32
      %add3A_1251 = arith.addi %mul3A_808, %add3A_1250 : i32
      %mul3A_1252 = arith.constant 16 : i32
      %mul3A_1253 = arith.muli %add3A_1251, %mul3A_1252 : i32
      %get3A_1254 = arith.index_cast %mul3A_1253 : i32 to index
      %get3A_1255 = tpu.vector_load %arg5[%get3A_1254] {strides = array<i32>} : memref<512xi32, #tpu.memory_space<vmem>>, vector<16xi32>,
      %shift_right_logical3A_1256 = arith.constant 7 : i32
      %shift_right_logical3A_1257 = vector.broadcast %shift_right_logical3A_1256 : i32 to vector<16xi32>
      %shift_right_logical3A_1258 = arith.shrui %get3A_1255, %shift_right_logical3A_1257 : vector<16xi32>
      %shift_left3A_1259 = arith.constant 7 : i32
      %shift_left3A_1260 = vector.broadcast %shift_left3A_1259 : i32 to vector<16xi32>
      %shift_left3A_1261 = arith.shli %shift_right_logical3A_1258, %shift_left3A_1260 : vector<16xi32>
      %slice3A_1262 = vector.extract_strided_slice %shift_left3A_1261 {offsets = [0], sizes = [1], strides = [1]} : vector<16xi32> to vector<1xi32>
      %squeeze3A_1263 = vector.extract %slice3A_1262[0] : i32 from vector<1xi32>
      %multiple_of3A_1264 = tpu.assume_multiple %squeeze3A_1263, 128 : i32
      %dma_start3A_1265 = arith.constant 0 : i32
      %dma_start3A_1266 = arith.constant 0 : i32
      %dma_start3A_1267 = arith.constant 0 : i32
      %dma_start3A_1268 = tpu.memref_slice %arg6[%dma_start3A_1265, %dma_start3A_1266, %dma_start3A_1267] : memref<3x16x2048xf32, #tpu.memory_space<vmem>> -> memref<1x16x128xf32, #tpu.memory_space<vmem>>
      %dma_start3A_1269 = tpu.memref_squeeze %dma_start3A_1268 : memref<1x16x128xf32, #tpu.memory_space<vmem>> -> memref<16x128xf32, #tpu.memory_space<vmem>>
      %dma_start3A_1270 = arith.constant 0 : i32
      %dma_start3A_1271 = tpu.memref_slice %arg2[%dma_start3A_1270, %multiple_of3A_1264] : memref<16x1000000xf32, #tpu.memory_space<hbm>> -> memref<16x128xf32, #tpu.memory_space<hbm>>
      %dma_start3A_1272 = arith.constant 0 : i32
      %dma_start3A_1273 = arith.constant 0 : i32
      %dma_start3A_1274 = tpu.memref_slice %arg6[%dma_start3A_1265, %dma_start3A_1272, %dma_start3A_1273] : memref<3x16x2048xf32, #tpu.memory_space<vmem>> -> memref<1x16x128xf32, #tpu.memory_space<vmem>>
      %dma_start3A_1275 = tpu.memref_squeeze %dma_start3A_1274 : memref<1x16x128xf32, #tpu.memory_space<vmem>> -> memref<16x128xf32, #tpu.memory_space<vmem>>
      %dma_start3A_1276 = arith.constant 0 : i32
      %dma_start3A_1277 = tpu.memref_slice %arg2[%dma_start3A_1276, %multiple_of3A_1264] : memref<16x1000000xf32, #tpu.memory_space<hbm>> -> memref<16x128xf32, #tpu.memory_space<hbm>>
      tpu.enqueue_dma source(%dma_start3A_1277 : memref<16x128xf32, #tpu.memory_space<hbm>>) target(%dma_start3A_1275 : memref<16x128xf32, #tpu.memory_space<vmem>>) target_semaphore(%arg8 : memref<!tpu.dma_semaphore, #tpu.memory_space<semaphore_mem>>)
      %slice3A_1278 = vector.extract_strided_slice %shift_left3A_1261 {offsets = [1], sizes = [1], strides = [1]} : vector<16xi32> to vector<1xi32>
      %squeeze3A_1279 = vector.extract %slice3A_1278[0] : i32 from vector<1xi32>
      %multiple_of3A_1280 = tpu.assume_multiple %squeeze3A_1279, 128 : i32
      %dma_start3A_1281 = arith.constant 0 : i32
      %dma_start3A_1282 = arith.constant 0 : i32
      %dma_start3A_1283 = arith.constant 128 : i32
      %dma_start3A_1284 = tpu.memref_slice %arg6[%dma_start3A_1281, %dma_start3A_1282, %dma_start3A_1283] : memref<3x16x2048xf32, #tpu.memory_space<vmem>> -> memref<1x16x128xf32, #tpu.memory_space<vmem>>
      %dma_start3A_1285 = tpu.memref_squeeze %dma_start3A_1284 : memref<1x16x128xf32, #tpu.memory_space<vmem>> -> memref<16x128xf32, #tpu.memory_space<vmem>>
      %dma_start3A_1286 = arith.constant 0 : i32
      %dma_start3A_1287 = tpu.memref_slice %arg2[%dma_start3A_1286, %multiple_of3A_1280] : memref<16x1000000xf32, #tpu.memory_space<hbm>> -> memref<16x128xf32, #tpu.memory_space<hbm>>
      %dma_start3A_1288 = arith.constant 0 : i32
      %dma_start3A_1289 = arith.constant 128 : i32
      %dma_start3A_1290 = tpu.memref_slice %arg6[%dma_start3A_1281, %dma_start3A_1288, %dma_start3A_1289] : memref<3x16x2048xf32, #tpu.memory_space<vmem>> -> memref<1x16x128xf32, #tpu.memory_space<vmem>>
      %dma_start3A_1291 = tpu.memref_squeeze %dma_start3A_1290 : memref<1x16x128xf32, #tpu.memory_space<vmem>> -> memref<16x128xf32, #tpu.memory_space<vmem>>
      %dma_start3A_1292 = arith.constant 0 : i32
      %dma_start3A_1293 = tpu.memref_slice %arg2[%dma_start3A_1292, %multiple_of3A_1280] : memref<16x1000000xf32, #tpu.memory_space<hbm>> -> memref<16x128xf32, #tpu.memory_space<hbm>>
      tpu.enqueue_dma source(%dma_start3A_1293 : memref<16x128xf32, #tpu.memory_space<hbm>>) target(%dma_start3A_1291 : memref<16x128xf32, #tpu.memory_space<vmem>>) target_semaphore(%arg8 : memref<!tpu.dma_semaphore, #tpu.memory_space<semaphore_mem>>)
      %slice3A_1294 = vector.extract_strided_slice %shift_left3A_1261 {offsets = [2], sizes = [1], strides = [1]} : vector<16xi32> to vector<1xi32>
      %squeeze3A_1295 = vector.extract %slice3A_1294[0] : i32 from vector<1xi32>
      %multiple_of3A_1296 = tpu.assume_multiple %squeeze3A_1295, 128 : i32
      %dma_start3A_1297 = arith.constant 0 : i32
      %dma_start3A_1298 = arith.constant 0 : i32
      %dma_start3A_1299 = arith.constant 256 : i32
      %dma_start3A_1300 = tpu.memref_slice %arg6[%dma_start3A_1297, %dma_start3A_1298, %dma_start3A_1299] : memref<3x16x2048xf32, #tpu.memory_space<vmem>> -> memref<1x16x128xf32, #tpu.memory_space<vmem>>
      %dma_start3A_1301 = tpu.memref_squeeze %dma_start3A_1300 : memref<1x16x128xf32, #tpu.memory_space<vmem>> -> memref<16x128xf32, #tpu.memory_space<vmem>>
      %dma_start3A_1302 = arith.constant 0 : i32
      %dma_start3A_1303 = tpu.memref_slice %arg2[%dma_start3A_1302, %multiple_of3A_1296] : memref<16x1000000xf32, #tpu.memory_space<hbm>> -> memref<16x128xf32, #tpu.memory_space<hbm>>
      %dma_start3A_1304 = arith.constant 0 : i32
      %dma_start3A_1305 = arith.constant 256 : i32
      %dma_start3A_1306 = tpu.memref_slice %arg6[%dma_start3A_1297, %dma_start3A_1304, %dma_start3A_1305] : memref<3x16x2048xf32, #tpu.memory_space<vmem>> -> memref<1x16x128xf32, #tpu.memory_space<vmem>>
      %dma_start3A_1307 = tpu.memref_squeeze %dma_start3A_1306 : memref<1x16x128xf32, #tpu.memory_space<vmem>> -> memref<16x128xf32, #tpu.memory_space<vmem>>
      %dma_start3A_1308 = arith.constant 0 : i32
      %dma_start3A_1309 = tpu.memref_slice %arg2[%dma_start3A_1308, %multiple_of3A_1296] : memref<16x1000000xf32, #tpu.memory_space<hbm>> -> memref<16x128xf32, #tpu.memory_space<hbm>>
      tpu.enqueue_dma source(%dma_start3A_1309 : memref<16x128xf32, #tpu.memory_space<hbm>>) target(%dma_start3A_1307 : memref<16x128xf32, #tpu.memory_space<vmem>>) target_semaphore(%arg8 : memref<!tpu.dma_semaphore, #tpu.memory_space<semaphore_mem>>)
      %slice3A_1310 = vector.extract_strided_slice %shift_left3A_1261 {offsets = [3], sizes = [1], strides = [1]} : vector<16xi32> to vector<1xi32>
      %squeeze3A_1311 = vector.extract %slice3A_1310[0] : i32 from vector<1xi32>
      %multiple_of3A_1312 = tpu.assume_multiple %squeeze3A_1311, 128 : i32
      %dma_start3A_1313 = arith.constant 0 : i32
      %dma_start3A_1314 = arith.constant 0 : i32
      %dma_start3A_1315 = arith.constant 384 : i32
      %dma_start3A_1316 = tpu.memref_slice %arg6[%dma_start3A_1313, %dma_start3A_1314, %dma_start3A_1315] : memref<3x16x2048xf32, #tpu.memory_space<vmem>> -> memref<1x16x128xf32, #tpu.memory_space<vmem>>
      %dma_start3A_1317 = tpu.memref_squeeze %dma_start3A_1316 : memref<1x16x128xf32, #tpu.memory_space<vmem>> -> memref<16x128xf32, #tpu.memory_space<vmem>>
      %dma_start3A_1318 = arith.constant 0 : i32
      %dma_start3A_1319 = tpu.memref_slice %arg2[%dma_start3A_1318, %multiple_of3A_1312] : memref<16x1000000xf32, #tpu.memory_space<hbm>> -> memref<16x128xf32, #tpu.memory_space<hbm>>
      %dma_start3A_1320 = arith.constant 0 : i32
      %dma_start3A_1321 = arith.constant 384 : i32
      %dma_start3A_1322 = tpu.memref_slice %arg6[%dma_start3A_1313, %dma_start3A_1320, %dma_start3A_1321] : memref<3x16x2048xf32, #tpu.memory_space<vmem>> -> memref<1x16x128xf32, #tpu.memory_space<vmem>>
      %dma_start3A_1323 = tpu.memref_squeeze %dma_start3A_1322 : memref<1x16x128xf32, #tpu.memory_space<vmem>> -> memref<16x128xf32, #tpu.memory_space<vmem>>
      %dma_start3A_1324 = arith.constant 0 : i32
      %dma_start3A_1325 = tpu.memref_slice %arg2[%dma_start3A_1324, %multiple_of3A_1312] : memref<16x1000000xf32, #tpu.memory_space<hbm>> -> memref<16x128xf32, #tpu.memory_space<hbm>>
      tpu.enqueue_dma source(%dma_start3A_1325 : memref<16x128xf32, #tpu.memory_space<hbm>>) target(%dma_start3A_1323 : memref<16x128xf32, #tpu.memory_space<vmem>>) target_semaphore(%arg8 : memref<!tpu.dma_semaphore, #tpu.memory_space<semaphore_mem>>)
      %slice3A_1326 = vector.extract_strided_slice %shift_left3A_1261 {offsets = [4], sizes = [1], strides = [1]} : vector<16xi32> to vector<1xi32>
      %squeeze3A_1327 = vector.extract %slice3A_1326[0] : i32 from vector<1xi32>
      %multiple_of3A_1328 = tpu.assume_multiple %squeeze3A_1327, 128 : i32
      %dma_start3A_1329 = arith.constant 0 : i32
      %dma_start3A_1330 = arith.constant 0 : i32
      %dma_start3A_1331 = arith.constant 512 : i32
      %dma_start3A_1332 = tpu.memref_slice %arg6[%dma_start3A_1329, %dma_start3A_1330, %dma_start3A_1331] : memref<3x16x2048xf32, #tpu.memory_space<vmem>> -> memref<1x16x128xf32, #tpu.memory_space<vmem>>
      %dma_start3A_1333 = tpu.memref_squeeze %dma_start3A_1332 : memref<1x16x128xf32, #tpu.memory_space<vmem>> -> memref<16x128xf32, #tpu.memory_space<vmem>>
      %dma_start3A_1334 = arith.constant 0 : i32
      %dma_start3A_1335 = tpu.memref_slice %arg2[%dma_start3A_1334, %multiple_of3A_1328] : memref<16x1000000xf32, #tpu.memory_space<hbm>> -> memref<16x128xf32, #tpu.memory_space<hbm>>
      %dma_start3A_1336 = arith.constant 0 : i32
      %dma_start3A_1337 = arith.constant 512 : i32
      %dma_start3A_1338 = tpu.memref_slice %arg6[%dma_start3A_1329, %dma_start3A_1336, %dma_start3A_1337] : memref<3x16x2048xf32, #tpu.memory_space<vmem>> -> memref<1x16x128xf32, #tpu.memory_space<vmem>>
      %dma_start3A_1339 = tpu.memref_squeeze %dma_start3A_1338 : memref<1x16x128xf32, #tpu.memory_space<vmem>> -> memref<16x128xf32, #tpu.memory_space<vmem>>
      %dma_start3A_1340 = arith.constant 0 : i32
      %dma_start3A_1341 = tpu.memref_slice %arg2[%dma_start3A_1340, %multiple_of3A_1328] : memref<16x1000000xf32, #tpu.memory_space<hbm>> -> memref<16x128xf32, #tpu.memory_space<hbm>>
      tpu.enqueue_dma source(%dma_start3A_1341 : memref<16x128xf32, #tpu.memory_space<hbm>>) target(%dma_start3A_1339 : memref<16x128xf32, #tpu.memory_space<vmem>>) target_semaphore(%arg8 : memref<!tpu.dma_semaphore, #tpu.memory_space<semaphore_mem>>)
      %slice3A_1342 = vector.extract_strided_slice %shift_left3A_1261 {offsets = [5], sizes = [1], strides = [1]} : vector<16xi32> to vector<1xi32>
      %squeeze3A_1343 = vector.extract %slice3A_1342[0] : i32 from vector<1xi32>
      %multiple_of3A_1344 = tpu.assume_multiple %squeeze3A_1343, 128 : i32
      %dma_start3A_1345 = arith.constant 0 : i32
      %dma_start3A_1346 = arith.constant 0 : i32
      %dma_start3A_1347 = arith.constant 640 : i32
      %dma_start3A_1348 = tpu.memref_slice %arg6[%dma_start3A_1345, %dma_start3A_1346, %dma_start3A_1347] : memref<3x16x2048xf32, #tpu.memory_space<vmem>> -> memref<1x16x128xf32, #tpu.memory_space<vmem>>
      %dma_start3A_1349 = tpu.memref_squeeze %dma_start3A_1348 : memref<1x16x128xf32, #tpu.memory_space<vmem>> -> memref<16x128xf32, #tpu.memory_space<vmem>>
      %dma_start3A_1350 = arith.constant 0 : i32
      %dma_start3A_1351 = tpu.memref_slice %arg2[%dma_start3A_1350, %multiple_of3A_1344] : memref<16x1000000xf32, #tpu.memory_space<hbm>> -> memref<16x128xf32, #tpu.memory_space<hbm>>
      %dma_start3A_1352 = arith.constant 0 : i32
      %dma_start3A_1353 = arith.constant 640 : i32
      %dma_start3A_1354 = tpu.memref_slice %arg6[%dma_start3A_1345, %dma_start3A_1352, %dma_start3A_1353] : memref<3x16x2048xf32, #tpu.memory_space<vmem>> -> memref<1x16x128xf32, #tpu.memory_space<vmem>>
      %dma_start3A_1355 = tpu.memref_squeeze %dma_start3A_1354 : memref<1x16x128xf32, #tpu.memory_space<vmem>> -> memref<16x128xf32, #tpu.memory_space<vmem>>
      %dma_start3A_1356 = arith.constant 0 : i32
      %dma_start3A_1357 = tpu.memref_slice %arg2[%dma_start3A_1356, %multiple_of3A_1344] : memref<16x1000000xf32, #tpu.memory_space<hbm>> -> memref<16x128xf32, #tpu.memory_space<hbm>>
      tpu.enqueue_dma source(%dma_start3A_1357 : memref<16x128xf32, #tpu.memory_space<hbm>>) target(%dma_start3A_1355 : memref<16x128xf32, #tpu.memory_space<vmem>>) target_semaphore(%arg8 : memref<!tpu.dma_semaphore, #tpu.memory_space<semaphore_mem>>)
      %slice3A_1358 = vector.extract_strided_slice %shift_left3A_1261 {offsets = [6], sizes = [1], strides = [1]} : vector<16xi32> to vector<1xi32>
      %squeeze3A_1359 = vector.extract %slice3A_1358[0] : i32 from vector<1xi32>
      %multiple_of3A_1360 = tpu.assume_multiple %squeeze3A_1359, 128 : i32
      %dma_start3A_1361 = arith.constant 0 : i32
      %dma_start3A_1362 = arith.constant 0 : i32
      %dma_start3A_1363 = arith.constant 768 : i32
      %dma_start3A_1364 = tpu.memref_slice %arg6[%dma_start3A_1361, %dma_start3A_1362, %dma_start3A_1363] : memref<3x16x2048xf32, #tpu.memory_space<vmem>> -> memref<1x16x128xf32, #tpu.memory_space<vmem>>
      %dma_start3A_1365 = tpu.memref_squeeze %dma_start3A_1364 : memref<1x16x128xf32, #tpu.memory_space<vmem>> -> memref<16x128xf32, #tpu.memory_space<vmem>>
      %dma_start3A_1366 = arith.constant 0 : i32
      %dma_start3A_1367 = tpu.memref_slice %arg2[%dma_start3A_1366, %multiple_of3A_1360] : memref<16x1000000xf32, #tpu.memory_space<hbm>> -> memref<16x128xf32, #tpu.memory_space<hbm>>
      %dma_start3A_1368 = arith.constant 0 : i32
      %dma_start3A_1369 = arith.constant 768 : i32
      %dma_start3A_1370 = tpu.memref_slice %arg6[%dma_start3A_1361, %dma_start3A_1368, %dma_start3A_1369] : memref<3x16x2048xf32, #tpu.memory_space<vmem>> -> memref<1x16x128xf32, #tpu.memory_space<vmem>>
      %dma_start3A_1371 = tpu.memref_squeeze %dma_start3A_1370 : memref<1x16x128xf32, #tpu.memory_space<vmem>> -> memref<16x128xf32, #tpu.memory_space<vmem>>
      %dma_start3A_1372 = arith.constant 0 : i32
      %dma_start3A_1373 = tpu.memref_slice %arg2[%dma_start3A_1372, %multiple_of3A_1360] : memref<16x1000000xf32, #tpu.memory_space<hbm>> -> memref<16x128xf32, #tpu.memory_space<hbm>>
      tpu.enqueue_dma source(%dma_start3A_1373 : memref<16x128xf32, #tpu.memory_space<hbm>>) target(%dma_start3A_1371 : memref<16x128xf32, #tpu.memory_space<vmem>>) target_semaphore(%arg8 : memref<!tpu.dma_semaphore, #tpu.memory_space<semaphore_mem>>)
      %slice3A_1374 = vector.extract_strided_slice %shift_left3A_1261 {offsets = [7], sizes = [1], strides = [1]} : vector<16xi32> to vector<1xi32>
      %squeeze3A_1375 = vector.extract %slice3A_1374[0] : i32 from vector<1xi32>
      %multiple_of3A_1376 = tpu.assume_multiple %squeeze3A_1375, 128 : i32
      %dma_start3A_1377 = arith.constant 0 : i32
      %dma_start3A_1378 = arith.constant 0 : i32
      %dma_start3A_1379 = arith.constant 896 : i32
      %dma_start3A_1380 = tpu.memref_slice %arg6[%dma_start3A_1377, %dma_start3A_1378, %dma_start3A_1379] : memref<3x16x2048xf32, #tpu.memory_space<vmem>> -> memref<1x16x128xf32, #tpu.memory_space<vmem>>
      %dma_start3A_1381 = tpu.memref_squeeze %dma_start3A_1380 : memref<1x16x128xf32, #tpu.memory_space<vmem>> -> memref<16x128xf32, #tpu.memory_space<vmem>>
      %dma_start3A_1382 = arith.constant 0 : i32
      %dma_start3A_1383 = tpu.memref_slice %arg2[%dma_start3A_1382, %multiple_of3A_1376] : memref<16x1000000xf32, #tpu.memory_space<hbm>> -> memref<16x128xf32, #tpu.memory_space<hbm>>
      %dma_start3A_1384 = arith.constant 0 : i32
      %dma_start3A_1385 = arith.constant 896 : i32
      %dma_start3A_1386 = tpu.memref_slice %arg6[%dma_start3A_1377, %dma_start3A_1384, %dma_start3A_1385] : memref<3x16x2048xf32, #tpu.memory_space<vmem>> -> memref<1x16x128xf32, #tpu.memory_space<vmem>>
      %dma_start3A_1387 = tpu.memref_squeeze %dma_start3A_1386 : memref<1x16x128xf32, #tpu.memory_space<vmem>> -> memref<16x128xf32, #tpu.memory_space<vmem>>
      %dma_start3A_1388 = arith.constant 0 : i32
      %dma_start3A_1389 = tpu.memref_slice %arg2[%dma_start3A_1388, %multiple_of3A_1376] : memref<16x1000000xf32, #tpu.memory_space<hbm>> -> memref<16x128xf32, #tpu.memory_space<hbm>>
      tpu.enqueue_dma source(%dma_start3A_1389 : memref<16x128xf32, #tpu.memory_space<hbm>>) target(%dma_start3A_1387 : memref<16x128xf32, #tpu.memory_space<vmem>>) target_semaphore(%arg8 : memref<!tpu.dma_semaphore, #tpu.memory_space<semaphore_mem>>)
      %slice3A_1390 = vector.extract_strided_slice %shift_left3A_1261 {offsets = [8], sizes = [1], strides = [1]} : vector<16xi32> to vector<1xi32>
      %squeeze3A_1391 = vector.extract %slice3A_1390[0] : i32 from vector<1xi32>
      %multiple_of3A_1392 = tpu.assume_multiple %squeeze3A_1391, 128 : i32
      %dma_start3A_1393 = arith.constant 0 : i32
      %dma_start3A_1394 = arith.constant 0 : i32
      %dma_start3A_1395 = arith.constant 1024 : i32
      %dma_start3A_1396 = tpu.memref_slice %arg6[%dma_start3A_1393, %dma_start3A_1394, %dma_start3A_1395] : memref<3x16x2048xf32, #tpu.memory_space<vmem>> -> memref<1x16x128xf32, #tpu.memory_space<vmem>>
      %dma_start3A_1397 = tpu.memref_squeeze %dma_start3A_1396 : memref<1x16x128xf32, #tpu.memory_space<vmem>> -> memref<16x128xf32, #tpu.memory_space<vmem>>
      %dma_start3A_1398 = arith.constant 0 : i32
      %dma_start3A_1399 = tpu.memref_slice %arg2[%dma_start3A_1398, %multiple_of3A_1392] : memref<16x1000000xf32, #tpu.memory_space<hbm>> -> memref<16x128xf32, #tpu.memory_space<hbm>>
      %dma_start3A_1400 = arith.constant 0 : i32
      %dma_start3A_1401 = arith.constant 1024 : i32
      %dma_start3A_1402 = tpu.memref_slice %arg6[%dma_start3A_1393, %dma_start3A_1400, %dma_start3A_1401] : memref<3x16x2048xf32, #tpu.memory_space<vmem>> -> memref<1x16x128xf32, #tpu.memory_space<vmem>>
      %dma_start3A_1403 = tpu.memref_squeeze %dma_start3A_1402 : memref<1x16x128xf32, #tpu.memory_space<vmem>> -> memref<16x128xf32, #tpu.memory_space<vmem>>
      %dma_start3A_1404 = arith.constant 0 : i32
      %dma_start3A_1405 = tpu.memref_slice %arg2[%dma_start3A_1404, %multiple_of3A_1392] : memref<16x1000000xf32, #tpu.memory_space<hbm>> -> memref<16x128xf32, #tpu.memory_space<hbm>>
      tpu.enqueue_dma source(%dma_start3A_1405 : memref<16x128xf32, #tpu.memory_space<hbm>>) target(%dma_start3A_1403 : memref<16x128xf32, #tpu.memory_space<vmem>>) target_semaphore(%arg8 : memref<!tpu.dma_semaphore, #tpu.memory_space<semaphore_mem>>)
      %slice3A_1406 = vector.extract_strided_slice %shift_left3A_1261 {offsets = [9], sizes = [1], strides = [1]} : vector<16xi32> to vector<1xi32>
      %squeeze3A_1407 = vector.extract %slice3A_1406[0] : i32 from vector<1xi32>
      %multiple_of3A_1408 = tpu.assume_multiple %squeeze3A_1407, 128 : i32
      %dma_start3A_1409 = arith.constant 0 : i32
      %dma_start3A_1410 = arith.constant 0 : i32
      %dma_start3A_1411 = arith.constant 1152 : i32
      %dma_start3A_1412 = tpu.memref_slice %arg6[%dma_start3A_1409, %dma_start3A_1410, %dma_start3A_1411] : memref<3x16x2048xf32, #tpu.memory_space<vmem>> -> memref<1x16x128xf32, #tpu.memory_space<vmem>>
      %dma_start3A_1413 = tpu.memref_squeeze %dma_start3A_1412 : memref<1x16x128xf32, #tpu.memory_space<vmem>> -> memref<16x128xf32, #tpu.memory_space<vmem>>
      %dma_start3A_1414 = arith.constant 0 : i32
      %dma_start3A_1415 = tpu.memref_slice %arg2[%dma_start3A_1414, %multiple_of3A_1408] : memref<16x1000000xf32, #tpu.memory_space<hbm>> -> memref<16x128xf32, #tpu.memory_space<hbm>>
      %dma_start3A_1416 = arith.constant 0 : i32
      %dma_start3A_1417 = arith.constant 1152 : i32
      %dma_start3A_1418 = tpu.memref_slice %arg6[%dma_start3A_1409, %dma_start3A_1416, %dma_start3A_1417] : memref<3x16x2048xf32, #tpu.memory_space<vmem>> -> memref<1x16x128xf32, #tpu.memory_space<vmem>>
      %dma_start3A_1419 = tpu.memref_squeeze %dma_start3A_1418 : memref<1x16x128xf32, #tpu.memory_space<vmem>> -> memref<16x128xf32, #tpu.memory_space<vmem>>
      %dma_start3A_1420 = arith.constant 0 : i32
      %dma_start3A_1421 = tpu.memref_slice %arg2[%dma_start3A_1420, %multiple_of3A_1408] : memref<16x1000000xf32, #tpu.memory_space<hbm>> -> memref<16x128xf32, #tpu.memory_space<hbm>>
      tpu.enqueue_dma source(%dma_start3A_1421 : memref<16x128xf32, #tpu.memory_space<hbm>>) target(%dma_start3A_1419 : memref<16x128xf32, #tpu.memory_space<vmem>>) target_semaphore(%arg8 : memref<!tpu.dma_semaphore, #tpu.memory_space<semaphore_mem>>)
      %slice3A_1422 = vector.extract_strided_slice %shift_left3A_1261 {offsets = [10], sizes = [1], strides = [1]} : vector<16xi32> to vector<1xi32>
      %squeeze3A_1423 = vector.extract %slice3A_1422[0] : i32 from vector<1xi32>
      %multiple_of3A_1424 = tpu.assume_multiple %squeeze3A_1423, 128 : i32
      %dma_start3A_1425 = arith.constant 0 : i32
      %dma_start3A_1426 = arith.constant 0 : i32
      %dma_start3A_1427 = arith.constant 1280 : i32
      %dma_start3A_1428 = tpu.memref_slice %arg6[%dma_start3A_1425, %dma_start3A_1426, %dma_start3A_1427] : memref<3x16x2048xf32, #tpu.memory_space<vmem>> -> memref<1x16x128xf32, #tpu.memory_space<vmem>>
      %dma_start3A_1429 = tpu.memref_squeeze %dma_start3A_1428 : memref<1x16x128xf32, #tpu.memory_space<vmem>> -> memref<16x128xf32, #tpu.memory_space<vmem>>
      %dma_start3A_1430 = arith.constant 0 : i32
      %dma_start3A_1431 = tpu.memref_slice %arg2[%dma_start3A_1430, %multiple_of3A_1424] : memref<16x1000000xf32, #tpu.memory_space<hbm>> -> memref<16x128xf32, #tpu.memory_space<hbm>>
      %dma_start3A_1432 = arith.constant 0 : i32
      %dma_start3A_1433 = arith.constant 1280 : i32
      %dma_start3A_1434 = tpu.memref_slice %arg6[%dma_start3A_1425, %dma_start3A_1432, %dma_start3A_1433] : memref<3x16x2048xf32, #tpu.memory_space<vmem>> -> memref<1x16x128xf32, #tpu.memory_space<vmem>>
      %dma_start3A_1435 = tpu.memref_squeeze %dma_start3A_1434 : memref<1x16x128xf32, #tpu.memory_space<vmem>> -> memref<16x128xf32, #tpu.memory_space<vmem>>
      %dma_start3A_1436 = arith.constant 0 : i32
      %dma_start3A_1437 = tpu.memref_slice %arg2[%dma_start3A_1436, %multiple_of3A_1424] : memref<16x1000000xf32, #tpu.memory_space<hbm>> -> memref<16x128xf32, #tpu.memory_space<hbm>>
      tpu.enqueue_dma source(%dma_start3A_1437 : memref<16x128xf32, #tpu.memory_space<hbm>>) target(%dma_start3A_1435 : memref<16x128xf32, #tpu.memory_space<vmem>>) target_semaphore(%arg8 : memref<!tpu.dma_semaphore, #tpu.memory_space<semaphore_mem>>)
      %slice3A_1438 = vector.extract_strided_slice %shift_left3A_1261 {offsets = [11], sizes = [1], strides = [1]} : vector<16xi32> to vector<1xi32>
      %squeeze3A_1439 = vector.extract %slice3A_1438[0] : i32 from vector<1xi32>
      %multiple_of3A_1440 = tpu.assume_multiple %squeeze3A_1439, 128 : i32
      %dma_start3A_1441 = arith.constant 0 : i32
      %dma_start3A_1442 = arith.constant 0 : i32
      %dma_start3A_1443 = arith.constant 1408 : i32
      %dma_start3A_1444 = tpu.memref_slice %arg6[%dma_start3A_1441, %dma_start3A_1442, %dma_start3A_1443] : memref<3x16x2048xf32, #tpu.memory_space<vmem>> -> memref<1x16x128xf32, #tpu.memory_space<vmem>>
      %dma_start3A_1445 = tpu.memref_squeeze %dma_start3A_1444 : memref<1x16x128xf32, #tpu.memory_space<vmem>> -> memref<16x128xf32, #tpu.memory_space<vmem>>
      %dma_start3A_1446 = arith.constant 0 : i32
      %dma_start3A_1447 = tpu.memref_slice %arg2[%dma_start3A_1446, %multiple_of3A_1440] : memref<16x1000000xf32, #tpu.memory_space<hbm>> -> memref<16x128xf32, #tpu.memory_space<hbm>>
      %dma_start3A_1448 = arith.constant 0 : i32
      %dma_start3A_1449 = arith.constant 1408 : i32
      %dma_start3A_1450 = tpu.memref_slice %arg6[%dma_start3A_1441, %dma_start3A_1448, %dma_start3A_1449] : memref<3x16x2048xf32, #tpu.memory_space<vmem>> -> memref<1x16x128xf32, #tpu.memory_space<vmem>>
      %dma_start3A_1451 = tpu.memref_squeeze %dma_start3A_1450 : memref<1x16x128xf32, #tpu.memory_space<vmem>> -> memref<16x128xf32, #tpu.memory_space<vmem>>
      %dma_start3A_1452 = arith.constant 0 : i32
      %dma_start3A_1453 = tpu.memref_slice %arg2[%dma_start3A_1452, %multiple_of3A_1440] : memref<16x1000000xf32, #tpu.memory_space<hbm>> -> memref<16x128xf32, #tpu.memory_space<hbm>>
      tpu.enqueue_dma source(%dma_start3A_1453 : memref<16x128xf32, #tpu.memory_space<hbm>>) target(%dma_start3A_1451 : memref<16x128xf32, #tpu.memory_space<vmem>>) target_semaphore(%arg8 : memref<!tpu.dma_semaphore, #tpu.memory_space<semaphore_mem>>)
      %slice3A_1454 = vector.extract_strided_slice %shift_left3A_1261 {offsets = [12], sizes = [1], strides = [1]} : vector<16xi32> to vector<1xi32>
      %squeeze3A_1455 = vector.extract %slice3A_1454[0] : i32 from vector<1xi32>
      %multiple_of3A_1456 = tpu.assume_multiple %squeeze3A_1455, 128 : i32
      %dma_start3A_1457 = arith.constant 0 : i32
      %dma_start3A_1458 = arith.constant 0 : i32
      %dma_start3A_1459 = arith.constant 1536 : i32
      %dma_start3A_1460 = tpu.memref_slice %arg6[%dma_start3A_1457, %dma_start3A_1458, %dma_start3A_1459] : memref<3x16x2048xf32, #tpu.memory_space<vmem>> -> memref<1x16x128xf32, #tpu.memory_space<vmem>>
      %dma_start3A_1461 = tpu.memref_squeeze %dma_start3A_1460 : memref<1x16x128xf32, #tpu.memory_space<vmem>> -> memref<16x128xf32, #tpu.memory_space<vmem>>
      %dma_start3A_1462 = arith.constant 0 : i32
      %dma_start3A_1463 = tpu.memref_slice %arg2[%dma_start3A_1462, %multiple_of3A_1456] : memref<16x1000000xf32, #tpu.memory_space<hbm>> -> memref<16x128xf32, #tpu.memory_space<hbm>>
      %dma_start3A_1464 = arith.constant 0 : i32
      %dma_start3A_1465 = arith.constant 1536 : i32
      %dma_start3A_1466 = tpu.memref_slice %arg6[%dma_start3A_1457, %dma_start3A_1464, %dma_start3A_1465] : memref<3x16x2048xf32, #tpu.memory_space<vmem>> -> memref<1x16x128xf32, #tpu.memory_space<vmem>>
      %dma_start3A_1467 = tpu.memref_squeeze %dma_start3A_1466 : memref<1x16x128xf32, #tpu.memory_space<vmem>> -> memref<16x128xf32, #tpu.memory_space<vmem>>
      %dma_start3A_1468 = arith.constant 0 : i32
      %dma_start3A_1469 = tpu.memref_slice %arg2[%dma_start3A_1468, %multiple_of3A_1456] : memref<16x1000000xf32, #tpu.memory_space<hbm>> -> memref<16x128xf32, #tpu.memory_space<hbm>>
      tpu.enqueue_dma source(%dma_start3A_1469 : memref<16x128xf32, #tpu.memory_space<hbm>>) target(%dma_start3A_1467 : memref<16x128xf32, #tpu.memory_space<vmem>>) target_semaphore(%arg8 : memref<!tpu.dma_semaphore, #tpu.memory_space<semaphore_mem>>)
      %slice3A_1470 = vector.extract_strided_slice %shift_left3A_1261 {offsets = [13], sizes = [1], strides = [1]} : vector<16xi32> to vector<1xi32>
      %squeeze3A_1471 = vector.extract %slice3A_1470[0] : i32 from vector<1xi32>
      %multiple_of3A_1472 = tpu.assume_multiple %squeeze3A_1471, 128 : i32
      %dma_start3A_1473 = arith.constant 0 : i32
      %dma_start3A_1474 = arith.constant 0 : i32
      %dma_start3A_1475 = arith.constant 1664 : i32
      %dma_start3A_1476 = tpu.memref_slice %arg6[%dma_start3A_1473, %dma_start3A_1474, %dma_start3A_1475] : memref<3x16x2048xf32, #tpu.memory_space<vmem>> -> memref<1x16x128xf32, #tpu.memory_space<vmem>>
      %dma_start3A_1477 = tpu.memref_squeeze %dma_start3A_1476 : memref<1x16x128xf32, #tpu.memory_space<vmem>> -> memref<16x128xf32, #tpu.memory_space<vmem>>
      %dma_start3A_1478 = arith.constant 0 : i32
      %dma_start3A_1479 = tpu.memref_slice %arg2[%dma_start3A_1478, %multiple_of3A_1472] : memref<16x1000000xf32, #tpu.memory_space<hbm>> -> memref<16x128xf32, #tpu.memory_space<hbm>>
      %dma_start3A_1480 = arith.constant 0 : i32
      %dma_start3A_1481 = arith.constant 1664 : i32
      %dma_start3A_1482 = tpu.memref_slice %arg6[%dma_start3A_1473, %dma_start3A_1480, %dma_start3A_1481] : memref<3x16x2048xf32, #tpu.memory_space<vmem>> -> memref<1x16x128xf32, #tpu.memory_space<vmem>>
      %dma_start3A_1483 = tpu.memref_squeeze %dma_start3A_1482 : memref<1x16x128xf32, #tpu.memory_space<vmem>> -> memref<16x128xf32, #tpu.memory_space<vmem>>
      %dma_start3A_1484 = arith.constant 0 : i32
      %dma_start3A_1485 = tpu.memref_slice %arg2[%dma_start3A_1484, %multiple_of3A_1472] : memref<16x1000000xf32, #tpu.memory_space<hbm>> -> memref<16x128xf32, #tpu.memory_space<hbm>>
      tpu.enqueue_dma source(%dma_start3A_1485 : memref<16x128xf32, #tpu.memory_space<hbm>>) target(%dma_start3A_1483 : memref<16x128xf32, #tpu.memory_space<vmem>>) target_semaphore(%arg8 : memref<!tpu.dma_semaphore, #tpu.memory_space<semaphore_mem>>)
      %slice3A_1486 = vector.extract_strided_slice %shift_left3A_1261 {offsets = [14], sizes = [1], strides = [1]} : vector<16xi32> to vector<1xi32>
      %squeeze3A_1487 = vector.extract %slice3A_1486[0] : i32 from vector<1xi32>
      %multiple_of3A_1488 = tpu.assume_multiple %squeeze3A_1487, 128 : i32
      %dma_start3A_1489 = arith.constant 0 : i32
      %dma_start3A_1490 = arith.constant 0 : i32
      %dma_start3A_1491 = arith.constant 1792 : i32
      %dma_start3A_1492 = tpu.memref_slice %arg6[%dma_start3A_1489, %dma_start3A_1490, %dma_start3A_1491] : memref<3x16x2048xf32, #tpu.memory_space<vmem>> -> memref<1x16x128xf32, #tpu.memory_space<vmem>>
      %dma_start3A_1493 = tpu.memref_squeeze %dma_start3A_1492 : memref<1x16x128xf32, #tpu.memory_space<vmem>> -> memref<16x128xf32, #tpu.memory_space<vmem>>
      %dma_start3A_1494 = arith.constant 0 : i32
      %dma_start3A_1495 = tpu.memref_slice %arg2[%dma_start3A_1494, %multiple_of3A_1488] : memref<16x1000000xf32, #tpu.memory_space<hbm>> -> memref<16x128xf32, #tpu.memory_space<hbm>>
      %dma_start3A_1496 = arith.constant 0 : i32
      %dma_start3A_1497 = arith.constant 1792 : i32
      %dma_start3A_1498 = tpu.memref_slice %arg6[%dma_start3A_1489, %dma_start3A_1496, %dma_start3A_1497] : memref<3x16x2048xf32, #tpu.memory_space<vmem>> -> memref<1x16x128xf32, #tpu.memory_space<vmem>>
      %dma_start3A_1499 = tpu.memref_squeeze %dma_start3A_1498 : memref<1x16x128xf32, #tpu.memory_space<vmem>> -> memref<16x128xf32, #tpu.memory_space<vmem>>
      %dma_start3A_1500 = arith.constant 0 : i32
      %dma_start3A_1501 = tpu.memref_slice %arg2[%dma_start3A_1500, %multiple_of3A_1488] : memref<16x1000000xf32, #tpu.memory_space<hbm>> -> memref<16x128xf32, #tpu.memory_space<hbm>>
      tpu.enqueue_dma source(%dma_start3A_1501 : memref<16x128xf32, #tpu.memory_space<hbm>>) target(%dma_start3A_1499 : memref<16x128xf32, #tpu.memory_space<vmem>>) target_semaphore(%arg8 : memref<!tpu.dma_semaphore, #tpu.memory_space<semaphore_mem>>)
      %slice3A_1502 = vector.extract_strided_slice %shift_left3A_1261 {offsets = [15], sizes = [1], strides = [1]} : vector<16xi32> to vector<1xi32>
      %squeeze3A_1503 = vector.extract %slice3A_1502[0] : i32 from vector<1xi32>
      %multiple_of3A_1504 = tpu.assume_multiple %squeeze3A_1503, 128 : i32
      %dma_start3A_1505 = arith.constant 0 : i32
      %dma_start3A_1506 = arith.constant 0 : i32
      %dma_start3A_1507 = arith.constant 1920 : i32
      %dma_start3A_1508 = tpu.memref_slice %arg6[%dma_start3A_1505, %dma_start3A_1506, %dma_start3A_1507] : memref<3x16x2048xf32, #tpu.memory_space<vmem>> -> memref<1x16x128xf32, #tpu.memory_space<vmem>>
      %dma_start3A_1509 = tpu.memref_squeeze %dma_start3A_1508 : memref<1x16x128xf32, #tpu.memory_space<vmem>> -> memref<16x128xf32, #tpu.memory_space<vmem>>
      %dma_start3A_1510 = arith.constant 0 : i32
      %dma_start3A_1511 = tpu.memref_slice %arg2[%dma_start3A_1510, %multiple_of3A_1504] : memref<16x1000000xf32, #tpu.memory_space<hbm>> -> memref<16x128xf32, #tpu.memory_space<hbm>>
      %dma_start3A_1512 = arith.constant 0 : i32
      %dma_start3A_1513 = arith.constant 1920 : i32
      %dma_start3A_1514 = tpu.memref_slice %arg6[%dma_start3A_1505, %dma_start3A_1512, %dma_start3A_1513] : memref<3x16x2048xf32, #tpu.memory_space<vmem>> -> memref<1x16x128xf32, #tpu.memory_space<vmem>>
      %dma_start3A_1515 = tpu.memref_squeeze %dma_start3A_1514 : memref<1x16x128xf32, #tpu.memory_space<vmem>> -> memref<16x128xf32, #tpu.memory_space<vmem>>
      %dma_start3A_1516 = arith.constant 0 : i32
      %dma_start3A_1517 = tpu.memref_slice %arg2[%dma_start3A_1516, %multiple_of3A_1504] : memref<16x1000000xf32, #tpu.memory_space<hbm>> -> memref<16x128xf32, #tpu.memory_space<hbm>>
      tpu.enqueue_dma source(%dma_start3A_1517 : memref<16x128xf32, #tpu.memory_space<hbm>>) target(%dma_start3A_1515 : memref<16x128xf32, #tpu.memory_space<vmem>>) target_semaphore(%arg8 : memref<!tpu.dma_semaphore, #tpu.memory_space<semaphore_mem>>)
      %add3A_1518 = arith.constant 1 : i32
      %add3A_1519 = arith.addi %mul3A_808, %add3A_1518 : i32
      %dma_wait3A_1520 = arith.constant 1 : i32
      %dma_wait3A_1521 = arith.constant 0 : i32
      %dma_wait3A_1522 = arith.constant 0 : i32
      %dma_wait3A_1523 = tpu.memref_slice %arg6[%dma_wait3A_1520, %dma_wait3A_1521, %dma_wait3A_1522] : memref<3x16x2048xf32, #tpu.memory_space<vmem>> -> memref<1x16x2048xf32, #tpu.memory_space<vmem>>
      %dma_wait3A_1524 = tpu.memref_squeeze %dma_wait3A_1523 : memref<1x16x2048xf32, #tpu.memory_space<vmem>> -> memref<16x2048xf32, #tpu.memory_space<vmem>>
      %dma_wait3A_1525 = arith.constant 0 : i32
      %dma_wait3A_1526 = arith.constant 0 : i32
      %dma_wait3A_1527 = tpu.memref_slice %arg2[%dma_wait3A_1525, %dma_wait3A_1526] : memref<16x1000000xf32, #tpu.memory_space<hbm>> -> memref<16x2048xf32, #tpu.memory_space<hbm>>
      %dma_wait3A_1528 = arith.constant 0 : i32
      %dma_wait3A_1529 = arith.constant 0 : i32
      %dma_wait3A_1530 = tpu.memref_slice %arg6[%dma_wait3A_1520, %dma_wait3A_1528, %dma_wait3A_1529] : memref<3x16x2048xf32, #tpu.memory_space<vmem>> -> memref<1x16x2048xf32, #tpu.memory_space<vmem>>
      %dma_wait3A_1531 = tpu.memref_squeeze %dma_wait3A_1530 : memref<1x16x2048xf32, #tpu.memory_space<vmem>> -> memref<16x2048xf32, #tpu.memory_space<vmem>>
      %dma_wait3A_1532 = arith.constant 0 : i32
      %dma_wait3A_1533 = arith.constant 0 : i32
      %dma_wait3A_1534 = tpu.memref_slice %arg2[%dma_wait3A_1532, %dma_wait3A_1533] : memref<16x1000000xf32, #tpu.memory_space<hbm>> -> memref<16x2048xf32, #tpu.memory_space<hbm>>
      tpu.wait_dma2 semaphore(%arg9 : memref<!tpu.dma_semaphore, #tpu.memory_space<semaphore_mem>>) src(%dma_wait3A_1534 : memref<16x2048xf32, #tpu.memory_space<hbm>>) dst(%dma_wait3A_1531 : memref<16x2048xf32, #tpu.memory_space<vmem>>)
      %mul3A_1535 = arith.constant 16 : i32
      %mul3A_1536 = arith.muli %add3A_1519, %mul3A_1535 : i32
      %get3A_1537 = arith.index_cast %mul3A_1536 : i32 to index
      %get3A_1538 = tpu.vector_load %arg5[%get3A_1537] {strides = array<i32>} : memref<512xi32, #tpu.memory_space<vmem>>, vector<16xi32>,
      %shift_right_logical3A_1539 = arith.constant 7 : i32
      %shift_right_logical3A_1540 = vector.broadcast %shift_right_logical3A_1539 : i32 to vector<16xi32>
      %shift_right_logical3A_1541 = arith.shrui %get3A_1538, %shift_right_logical3A_1540 : vector<16xi32>
      %shift_left3A_1542 = arith.constant 7 : i32
      %shift_left3A_1543 = vector.broadcast %shift_left3A_1542 : i32 to vector<16xi32>
      %shift_left3A_1544 = arith.shli %shift_right_logical3A_1541, %shift_left3A_1543 : vector<16xi32>
      %sub3A_1545 = arith.subi %get3A_1538, %shift_left3A_1544 : vector<16xi32>
      %add3A_1546 = arith.addi %sub3A_1545, %mul3A_6 : vector<16xi32>
      %broadcast_in_dim3A_1547 = arith.constant 1 : i32
      %broadcast_in_dim3A_1548 = vector.broadcast %broadcast_in_dim3A_1547 : i32 to vector<16xi32>
      %broadcast_in_dim3A_1549 = arith.constant 0 : i32
      %broadcast_in_dim3A_1550 = vector.broadcast %broadcast_in_dim3A_1549 : i32 to vector<16xi32>
      %gather3A_1551 = tpu.vector_load_idx %arg6[%broadcast_in_dim3A_1548, %broadcast_in_dim3A_1550, %add3A_1546] : memref<3x16x2048xf32, #tpu.memory_space<vmem>>[vector<16xi32>, vector<16xi32>, vector<16xi32>], vector<16xf32>,
      %mul3A_1552 = arith.constant 16 : i32
      %mul3A_1553 = arith.muli %add3A_1519, %mul3A_1552 : i32
      %swap3A_1554 = arith.constant 0 : i32
      %swap3A_1555 = arith.index_cast %swap3A_1554 : i32 to index
      %swap3A_1556 = arith.index_cast %mul3A_1553 : i32 to index
      %swap3A_1557 = tpu.vector_load %arg7[%swap3A_1555, %swap3A_1556] {strides = array<i32>} : memref<16x512xf32, #tpu.memory_space<vmem>>, vector<16xf32>,
      tpu.vector_store %arg7[%swap3A_1555, %swap3A_1556], %gather3A_1551 {strides = array<i32>} : memref<16x512xf32, #tpu.memory_space<vmem>>, vector<16xf32>,
      %broadcast_in_dim3A_1558 = arith.constant 1 : i32
      %broadcast_in_dim3A_1559 = vector.broadcast %broadcast_in_dim3A_1558 : i32 to vector<16xi32>
      %gather3A_1560 = tpu.vector_load_idx %arg6[%broadcast_in_dim3A_1548, %broadcast_in_dim3A_1559, %add3A_1546] : memref<3x16x2048xf32, #tpu.memory_space<vmem>>[vector<16xi32>, vector<16xi32>, vector<16xi32>], vector<16xf32>,
      %mul3A_1561 = arith.constant 16 : i32
      %mul3A_1562 = arith.muli %add3A_1519, %mul3A_1561 : i32
      %swap3A_1563 = arith.constant 1 : i32
      %swap3A_1564 = arith.index_cast %swap3A_1563 : i32 to index
      %swap3A_1565 = arith.index_cast %mul3A_1562 : i32 to index
      %swap3A_1566 = tpu.vector_load %arg7[%swap3A_1564, %swap3A_1565] {strides = array<i32>} : memref<16x512xf32, #tpu.memory_space<vmem>>, vector<16xf32>,
      tpu.vector_store %arg7[%swap3A_1564, %swap3A_1565], %gather3A_1560 {strides = array<i32>} : memref<16x512xf32, #tpu.memory_space<vmem>>, vector<16xf32>,
      %broadcast_in_dim3A_1567 = arith.constant 2 : i32
      %broadcast_in_dim3A_1568 = vector.broadcast %broadcast_in_dim3A_1567 : i32 to vector<16xi32>
      %gather3A_1569 = tpu.vector_load_idx %arg6[%broadcast_in_dim3A_1548, %broadcast_in_dim3A_1568, %add3A_1546] : memref<3x16x2048xf32, #tpu.memory_space<vmem>>[vector<16xi32>, vector<16xi32>, vector<16xi32>], vector<16xf32>,
      %mul3A_1570 = arith.constant 16 : i32
      %mul3A_1571 = arith.muli %add3A_1519, %mul3A_1570 : i32
      %swap3A_1572 = arith.constant 2 : i32
      %swap3A_1573 = arith.index_cast %swap3A_1572 : i32 to index
      %swap3A_1574 = arith.index_cast %mul3A_1571 : i32 to index
      %swap3A_1575 = tpu.vector_load %arg7[%swap3A_1573, %swap3A_1574] {strides = array<i32>} : memref<16x512xf32, #tpu.memory_space<vmem>>, vector<16xf32>,
      tpu.vector_store %arg7[%swap3A_1573, %swap3A_1574], %gather3A_1569 {strides = array<i32>} : memref<16x512xf32, #tpu.memory_space<vmem>>, vector<16xf32>,
      %broadcast_in_dim3A_1576 = arith.constant 3 : i32
      %broadcast_in_dim3A_1577 = vector.broadcast %broadcast_in_dim3A_1576 : i32 to vector<16xi32>
      %gather3A_1578 = tpu.vector_load_idx %arg6[%broadcast_in_dim3A_1548, %broadcast_in_dim3A_1577, %add3A_1546] : memref<3x16x2048xf32, #tpu.memory_space<vmem>>[vector<16xi32>, vector<16xi32>, vector<16xi32>], vector<16xf32>,
      %mul3A_1579 = arith.constant 16 : i32
      %mul3A_1580 = arith.muli %add3A_1519, %mul3A_1579 : i32
      %swap3A_1581 = arith.constant 3 : i32
      %swap3A_1582 = arith.index_cast %swap3A_1581 : i32 to index
      %swap3A_1583 = arith.index_cast %mul3A_1580 : i32 to index
      %swap3A_1584 = tpu.vector_load %arg7[%swap3A_1582, %swap3A_1583] {strides = array<i32>} : memref<16x512xf32, #tpu.memory_space<vmem>>, vector<16xf32>,
      tpu.vector_store %arg7[%swap3A_1582, %swap3A_1583], %gather3A_1578 {strides = array<i32>} : memref<16x512xf32, #tpu.memory_space<vmem>>, vector<16xf32>,
      %broadcast_in_dim3A_1585 = arith.constant 4 : i32
      %broadcast_in_dim3A_1586 = vector.broadcast %broadcast_in_dim3A_1585 : i32 to vector<16xi32>
      %gather3A_1587 = tpu.vector_load_idx %arg6[%broadcast_in_dim3A_1548, %broadcast_in_dim3A_1586, %add3A_1546] : memref<3x16x2048xf32, #tpu.memory_space<vmem>>[vector<16xi32>, vector<16xi32>, vector<16xi32>], vector<16xf32>,
      %mul3A_1588 = arith.constant 16 : i32
      %mul3A_1589 = arith.muli %add3A_1519, %mul3A_1588 : i32
      %swap3A_1590 = arith.constant 4 : i32
      %swap3A_1591 = arith.index_cast %swap3A_1590 : i32 to index
      %swap3A_1592 = arith.index_cast %mul3A_1589 : i32 to index
      %swap3A_1593 = tpu.vector_load %arg7[%swap3A_1591, %swap3A_1592] {strides = array<i32>} : memref<16x512xf32, #tpu.memory_space<vmem>>, vector<16xf32>,
      tpu.vector_store %arg7[%swap3A_1591, %swap3A_1592], %gather3A_1587 {strides = array<i32>} : memref<16x512xf32, #tpu.memory_space<vmem>>, vector<16xf32>,
      %broadcast_in_dim3A_1594 = arith.constant 5 : i32
      %broadcast_in_dim3A_1595 = vector.broadcast %broadcast_in_dim3A_1594 : i32 to vector<16xi32>
      %gather3A_1596 = tpu.vector_load_idx %arg6[%broadcast_in_dim3A_1548, %broadcast_in_dim3A_1595, %add3A_1546] : memref<3x16x2048xf32, #tpu.memory_space<vmem>>[vector<16xi32>, vector<16xi32>, vector<16xi32>], vector<16xf32>,
      %mul3A_1597 = arith.constant 16 : i32
      %mul3A_1598 = arith.muli %add3A_1519, %mul3A_1597 : i32
      %swap3A_1599 = arith.constant 5 : i32
      %swap3A_1600 = arith.index_cast %swap3A_1599 : i32 to index
      %swap3A_1601 = arith.index_cast %mul3A_1598 : i32 to index
      %swap3A_1602 = tpu.vector_load %arg7[%swap3A_1600, %swap3A_1601] {strides = array<i32>} : memref<16x512xf32, #tpu.memory_space<vmem>>, vector<16xf32>,
      tpu.vector_store %arg7[%swap3A_1600, %swap3A_1601], %gather3A_1596 {strides = array<i32>} : memref<16x512xf32, #tpu.memory_space<vmem>>, vector<16xf32>,
      %broadcast_in_dim3A_1603 = arith.constant 6 : i32
      %broadcast_in_dim3A_1604 = vector.broadcast %broadcast_in_dim3A_1603 : i32 to vector<16xi32>
      %gather3A_1605 = tpu.vector_load_idx %arg6[%broadcast_in_dim3A_1548, %broadcast_in_dim3A_1604, %add3A_1546] : memref<3x16x2048xf32, #tpu.memory_space<vmem>>[vector<16xi32>, vector<16xi32>, vector<16xi32>], vector<16xf32>,
      %mul3A_1606 = arith.constant 16 : i32
      %mul3A_1607 = arith.muli %add3A_1519, %mul3A_1606 : i32
      %swap3A_1608 = arith.constant 6 : i32
      %swap3A_1609 = arith.index_cast %swap3A_1608 : i32 to index
      %swap3A_1610 = arith.index_cast %mul3A_1607 : i32 to index
      %swap3A_1611 = tpu.vector_load %arg7[%swap3A_1609, %swap3A_1610] {strides = array<i32>} : memref<16x512xf32, #tpu.memory_space<vmem>>, vector<16xf32>,
      tpu.vector_store %arg7[%swap3A_1609, %swap3A_1610], %gather3A_1605 {strides = array<i32>} : memref<16x512xf32, #tpu.memory_space<vmem>>, vector<16xf32>,
      %broadcast_in_dim3A_1612 = arith.constant 7 : i32
      %broadcast_in_dim3A_1613 = vector.broadcast %broadcast_in_dim3A_1612 : i32 to vector<16xi32>
      %gather3A_1614 = tpu.vector_load_idx %arg6[%broadcast_in_dim3A_1548, %broadcast_in_dim3A_1613, %add3A_1546] : memref<3x16x2048xf32, #tpu.memory_space<vmem>>[vector<16xi32>, vector<16xi32>, vector<16xi32>], vector<16xf32>,
      %mul3A_1615 = arith.constant 16 : i32
      %mul3A_1616 = arith.muli %add3A_1519, %mul3A_1615 : i32
      %swap3A_1617 = arith.constant 7 : i32
      %swap3A_1618 = arith.index_cast %swap3A_1617 : i32 to index
      %swap3A_1619 = arith.index_cast %mul3A_1616 : i32 to index
      %swap3A_1620 = tpu.vector_load %arg7[%swap3A_1618, %swap3A_1619] {strides = array<i32>} : memref<16x512xf32, #tpu.memory_space<vmem>>, vector<16xf32>,
      tpu.vector_store %arg7[%swap3A_1618, %swap3A_1619], %gather3A_1614 {strides = array<i32>} : memref<16x512xf32, #tpu.memory_space<vmem>>, vector<16xf32>,
      %broadcast_in_dim3A_1621 = arith.constant 8 : i32
      %broadcast_in_dim3A_1622 = vector.broadcast %broadcast_in_dim3A_1621 : i32 to vector<16xi32>
      %gather3A_1623 = tpu.vector_load_idx %arg6[%broadcast_in_dim3A_1548, %broadcast_in_dim3A_1622, %add3A_1546] : memref<3x16x2048xf32, #tpu.memory_space<vmem>>[vector<16xi32>, vector<16xi32>, vector<16xi32>], vector<16xf32>,
      %mul3A_1624 = arith.constant 16 : i32
      %mul3A_1625 = arith.muli %add3A_1519, %mul3A_1624 : i32
      %swap3A_1626 = arith.constant 8 : i32
      %swap3A_1627 = arith.index_cast %swap3A_1626 : i32 to index
      %swap3A_1628 = arith.index_cast %mul3A_1625 : i32 to index
      %swap3A_1629 = tpu.vector_load %arg7[%swap3A_1627, %swap3A_1628] {strides = array<i32>} : memref<16x512xf32, #tpu.memory_space<vmem>>, vector<16xf32>,
      tpu.vector_store %arg7[%swap3A_1627, %swap3A_1628], %gather3A_1623 {strides = array<i32>} : memref<16x512xf32, #tpu.memory_space<vmem>>, vector<16xf32>,
      %broadcast_in_dim3A_1630 = arith.constant 9 : i32
      %broadcast_in_dim3A_1631 = vector.broadcast %broadcast_in_dim3A_1630 : i32 to vector<16xi32>
      %gather3A_1632 = tpu.vector_load_idx %arg6[%broadcast_in_dim3A_1548, %broadcast_in_dim3A_1631, %add3A_1546] : memref<3x16x2048xf32, #tpu.memory_space<vmem>>[vector<16xi32>, vector<16xi32>, vector<16xi32>], vector<16xf32>,
      %mul3A_1633 = arith.constant 16 : i32
      %mul3A_1634 = arith.muli %add3A_1519, %mul3A_1633 : i32
      %swap3A_1635 = arith.constant 9 : i32
      %swap3A_1636 = arith.index_cast %swap3A_1635 : i32 to index
      %swap3A_1637 = arith.index_cast %mul3A_1634 : i32 to index
      %swap3A_1638 = tpu.vector_load %arg7[%swap3A_1636, %swap3A_1637] {strides = array<i32>} : memref<16x512xf32, #tpu.memory_space<vmem>>, vector<16xf32>,
      tpu.vector_store %arg7[%swap3A_1636, %swap3A_1637], %gather3A_1632 {strides = array<i32>} : memref<16x512xf32, #tpu.memory_space<vmem>>, vector<16xf32>,
      %broadcast_in_dim3A_1639 = arith.constant 10 : i32
      %broadcast_in_dim3A_1640 = vector.broadcast %broadcast_in_dim3A_1639 : i32 to vector<16xi32>
      %gather3A_1641 = tpu.vector_load_idx %arg6[%broadcast_in_dim3A_1548, %broadcast_in_dim3A_1640, %add3A_1546] : memref<3x16x2048xf32, #tpu.memory_space<vmem>>[vector<16xi32>, vector<16xi32>, vector<16xi32>], vector<16xf32>,
      %mul3A_1642 = arith.constant 16 : i32
      %mul3A_1643 = arith.muli %add3A_1519, %mul3A_1642 : i32
      %swap3A_1644 = arith.constant 10 : i32
      %swap3A_1645 = arith.index_cast %swap3A_1644 : i32 to index
      %swap3A_1646 = arith.index_cast %mul3A_1643 : i32 to index
      %swap3A_1647 = tpu.vector_load %arg7[%swap3A_1645, %swap3A_1646] {strides = array<i32>} : memref<16x512xf32, #tpu.memory_space<vmem>>, vector<16xf32>,
      tpu.vector_store %arg7[%swap3A_1645, %swap3A_1646], %gather3A_1641 {strides = array<i32>} : memref<16x512xf32, #tpu.memory_space<vmem>>, vector<16xf32>,
      %broadcast_in_dim3A_1648 = arith.constant 11 : i32
      %broadcast_in_dim3A_1649 = vector.broadcast %broadcast_in_dim3A_1648 : i32 to vector<16xi32>
      %gather3A_1650 = tpu.vector_load_idx %arg6[%broadcast_in_dim3A_1548, %broadcast_in_dim3A_1649, %add3A_1546] : memref<3x16x2048xf32, #tpu.memory_space<vmem>>[vector<16xi32>, vector<16xi32>, vector<16xi32>], vector<16xf32>,
      %mul3A_1651 = arith.constant 16 : i32
      %mul3A_1652 = arith.muli %add3A_1519, %mul3A_1651 : i32
      %swap3A_1653 = arith.constant 11 : i32
      %swap3A_1654 = arith.index_cast %swap3A_1653 : i32 to index
      %swap3A_1655 = arith.index_cast %mul3A_1652 : i32 to index
      %swap3A_1656 = tpu.vector_load %arg7[%swap3A_1654, %swap3A_1655] {strides = array<i32>} : memref<16x512xf32, #tpu.memory_space<vmem>>, vector<16xf32>,
      tpu.vector_store %arg7[%swap3A_1654, %swap3A_1655], %gather3A_1650 {strides = array<i32>} : memref<16x512xf32, #tpu.memory_space<vmem>>, vector<16xf32>,
      %broadcast_in_dim3A_1657 = arith.constant 12 : i32
      %broadcast_in_dim3A_1658 = vector.broadcast %broadcast_in_dim3A_1657 : i32 to vector<16xi32>
      %gather3A_1659 = tpu.vector_load_idx %arg6[%broadcast_in_dim3A_1548, %broadcast_in_dim3A_1658, %add3A_1546] : memref<3x16x2048xf32, #tpu.memory_space<vmem>>[vector<16xi32>, vector<16xi32>, vector<16xi32>], vector<16xf32>,
      %mul3A_1660 = arith.constant 16 : i32
      %mul3A_1661 = arith.muli %add3A_1519, %mul3A_1660 : i32
      %swap3A_1662 = arith.constant 12 : i32
      %swap3A_1663 = arith.index_cast %swap3A_1662 : i32 to index
      %swap3A_1664 = arith.index_cast %mul3A_1661 : i32 to index
      %swap3A_1665 = tpu.vector_load %arg7[%swap3A_1663, %swap3A_1664] {strides = array<i32>} : memref<16x512xf32, #tpu.memory_space<vmem>>, vector<16xf32>,
      tpu.vector_store %arg7[%swap3A_1663, %swap3A_1664], %gather3A_1659 {strides = array<i32>} : memref<16x512xf32, #tpu.memory_space<vmem>>, vector<16xf32>,
      %broadcast_in_dim3A_1666 = arith.constant 13 : i32
      %broadcast_in_dim3A_1667 = vector.broadcast %broadcast_in_dim3A_1666 : i32 to vector<16xi32>
      %gather3A_1668 = tpu.vector_load_idx %arg6[%broadcast_in_dim3A_1548, %broadcast_in_dim3A_1667, %add3A_1546] : memref<3x16x2048xf32, #tpu.memory_space<vmem>>[vector<16xi32>, vector<16xi32>, vector<16xi32>], vector<16xf32>,
      %mul3A_1669 = arith.constant 16 : i32
      %mul3A_1670 = arith.muli %add3A_1519, %mul3A_1669 : i32
      %swap3A_1671 = arith.constant 13 : i32
      %swap3A_1672 = arith.index_cast %swap3A_1671 : i32 to index
      %swap3A_1673 = arith.index_cast %mul3A_1670 : i32 to index
      %swap3A_1674 = tpu.vector_load %arg7[%swap3A_1672, %swap3A_1673] {strides = array<i32>} : memref<16x512xf32, #tpu.memory_space<vmem>>, vector<16xf32>,
      tpu.vector_store %arg7[%swap3A_1672, %swap3A_1673], %gather3A_1668 {strides = array<i32>} : memref<16x512xf32, #tpu.memory_space<vmem>>, vector<16xf32>,
      %broadcast_in_dim3A_1675 = arith.constant 14 : i32
      %broadcast_in_dim3A_1676 = vector.broadcast %broadcast_in_dim3A_1675 : i32 to vector<16xi32>
      %gather3A_1677 = tpu.vector_load_idx %arg6[%broadcast_in_dim3A_1548, %broadcast_in_dim3A_1676, %add3A_1546] : memref<3x16x2048xf32, #tpu.memory_space<vmem>>[vector<16xi32>, vector<16xi32>, vector<16xi32>], vector<16xf32>,
      %mul3A_1678 = arith.constant 16 : i32
      %mul3A_1679 = arith.muli %add3A_1519, %mul3A_1678 : i32
      %swap3A_1680 = arith.constant 14 : i32
      %swap3A_1681 = arith.index_cast %swap3A_1680 : i32 to index
      %swap3A_1682 = arith.index_cast %mul3A_1679 : i32 to index
      %swap3A_1683 = tpu.vector_load %arg7[%swap3A_1681, %swap3A_1682] {strides = array<i32>} : memref<16x512xf32, #tpu.memory_space<vmem>>, vector<16xf32>,
      tpu.vector_store %arg7[%swap3A_1681, %swap3A_1682], %gather3A_1677 {strides = array<i32>} : memref<16x512xf32, #tpu.memory_space<vmem>>, vector<16xf32>,
      %broadcast_in_dim3A_1684 = arith.constant 15 : i32
      %broadcast_in_dim3A_1685 = vector.broadcast %broadcast_in_dim3A_1684 : i32 to vector<16xi32>
      %gather3A_1686 = tpu.vector_load_idx %arg6[%broadcast_in_dim3A_1548, %broadcast_in_dim3A_1685, %add3A_1546] : memref<3x16x2048xf32, #tpu.memory_space<vmem>>[vector<16xi32>, vector<16xi32>, vector<16xi32>], vector<16xf32>,
      %mul3A_1687 = arith.constant 16 : i32
      %mul3A_1688 = arith.muli %add3A_1519, %mul3A_1687 : i32
      %swap3A_1689 = arith.constant 15 : i32
      %swap3A_1690 = arith.index_cast %swap3A_1689 : i32 to index
      %swap3A_1691 = arith.index_cast %mul3A_1688 : i32 to index
      %swap3A_1692 = tpu.vector_load %arg7[%swap3A_1690, %swap3A_1691] {strides = array<i32>} : memref<16x512xf32, #tpu.memory_space<vmem>>, vector<16xf32>,
      tpu.vector_store %arg7[%swap3A_1690, %swap3A_1691], %gather3A_1686 {strides = array<i32>} : memref<16x512xf32, #tpu.memory_space<vmem>>, vector<16xf32>,
      %add3A_1693 = arith.constant 4 : i32
      %add3A_1694 = arith.addi %mul3A_808, %add3A_1693 : i32
      %mul3A_1695 = arith.constant 16 : i32
      %mul3A_1696 = arith.muli %add3A_1694, %mul3A_1695 : i32
      %get3A_1697 = arith.index_cast %mul3A_1696 : i32 to index
      %get3A_1698 = tpu.vector_load %arg5[%get3A_1697] {strides = array<i32>} : memref<512xi32, #tpu.memory_space<vmem>>, vector<16xi32>,
      %shift_right_logical3A_1699 = arith.constant 7 : i32
      %shift_right_logical3A_1700 = vector.broadcast %shift_right_logical3A_1699 : i32 to vector<16xi32>
      %shift_right_logical3A_1701 = arith.shrui %get3A_1698, %shift_right_logical3A_1700 : vector<16xi32>
      %shift_left3A_1702 = arith.constant 7 : i32
      %shift_left3A_1703 = vector.broadcast %shift_left3A_1702 : i32 to vector<16xi32>
      %shift_left3A_1704 = arith.shli %shift_right_logical3A_1701, %shift_left3A_1703 : vector<16xi32>
      %slice3A_1705 = vector.extract_strided_slice %shift_left3A_1704 {offsets = [0], sizes = [1], strides = [1]} : vector<16xi32> to vector<1xi32>
      %squeeze3A_1706 = vector.extract %slice3A_1705[0] : i32 from vector<1xi32>
      %multiple_of3A_1707 = tpu.assume_multiple %squeeze3A_1706, 128 : i32
      %dma_start3A_1708 = arith.constant 1 : i32
      %dma_start3A_1709 = arith.constant 0 : i32
      %dma_start3A_1710 = arith.constant 0 : i32
      %dma_start3A_1711 = tpu.memref_slice %arg6[%dma_start3A_1708, %dma_start3A_1709, %dma_start3A_1710] : memref<3x16x2048xf32, #tpu.memory_space<vmem>> -> memref<1x16x128xf32, #tpu.memory_space<vmem>>
      %dma_start3A_1712 = tpu.memref_squeeze %dma_start3A_1711 : memref<1x16x128xf32, #tpu.memory_space<vmem>> -> memref<16x128xf32, #tpu.memory_space<vmem>>
      %dma_start3A_1713 = arith.constant 0 : i32
      %dma_start3A_1714 = tpu.memref_slice %arg2[%dma_start3A_1713, %multiple_of3A_1707] : memref<16x1000000xf32, #tpu.memory_space<hbm>> -> memref<16x128xf32, #tpu.memory_space<hbm>>
      %dma_start3A_1715 = arith.constant 0 : i32
      %dma_start3A_1716 = arith.constant 0 : i32
      %dma_start3A_1717 = tpu.memref_slice %arg6[%dma_start3A_1708, %dma_start3A_1715, %dma_start3A_1716] : memref<3x16x2048xf32, #tpu.memory_space<vmem>> -> memref<1x16x128xf32, #tpu.memory_space<vmem>>
      %dma_start3A_1718 = tpu.memref_squeeze %dma_start3A_1717 : memref<1x16x128xf32, #tpu.memory_space<vmem>> -> memref<16x128xf32, #tpu.memory_space<vmem>>
      %dma_start3A_1719 = arith.constant 0 : i32
      %dma_start3A_1720 = tpu.memref_slice %arg2[%dma_start3A_1719, %multiple_of3A_1707] : memref<16x1000000xf32, #tpu.memory_space<hbm>> -> memref<16x128xf32, #tpu.memory_space<hbm>>
      tpu.enqueue_dma source(%dma_start3A_1720 : memref<16x128xf32, #tpu.memory_space<hbm>>) target(%dma_start3A_1718 : memref<16x128xf32, #tpu.memory_space<vmem>>) target_semaphore(%arg9 : memref<!tpu.dma_semaphore, #tpu.memory_space<semaphore_mem>>)
      %slice3A_1721 = vector.extract_strided_slice %shift_left3A_1704 {offsets = [1], sizes = [1], strides = [1]} : vector<16xi32> to vector<1xi32>
      %squeeze3A_1722 = vector.extract %slice3A_1721[0] : i32 from vector<1xi32>
      %multiple_of3A_1723 = tpu.assume_multiple %squeeze3A_1722, 128 : i32
      %dma_start3A_1724 = arith.constant 1 : i32
      %dma_start3A_1725 = arith.constant 0 : i32
      %dma_start3A_1726 = arith.constant 128 : i32
      %dma_start3A_1727 = tpu.memref_slice %arg6[%dma_start3A_1724, %dma_start3A_1725, %dma_start3A_1726] : memref<3x16x2048xf32, #tpu.memory_space<vmem>> -> memref<1x16x128xf32, #tpu.memory_space<vmem>>
      %dma_start3A_1728 = tpu.memref_squeeze %dma_start3A_1727 : memref<1x16x128xf32, #tpu.memory_space<vmem>> -> memref<16x128xf32, #tpu.memory_space<vmem>>
      %dma_start3A_1729 = arith.constant 0 : i32
      %dma_start3A_1730 = tpu.memref_slice %arg2[%dma_start3A_1729, %multiple_of3A_1723] : memref<16x1000000xf32, #tpu.memory_space<hbm>> -> memref<16x128xf32, #tpu.memory_space<hbm>>
      %dma_start3A_1731 = arith.constant 0 : i32
      %dma_start3A_1732 = arith.constant 128 : i32
      %dma_start3A_1733 = tpu.memref_slice %arg6[%dma_start3A_1724, %dma_start3A_1731, %dma_start3A_1732] : memref<3x16x2048xf32, #tpu.memory_space<vmem>> -> memref<1x16x128xf32, #tpu.memory_space<vmem>>
      %dma_start3A_1734 = tpu.memref_squeeze %dma_start3A_1733 : memref<1x16x128xf32, #tpu.memory_space<vmem>> -> memref<16x128xf32, #tpu.memory_space<vmem>>
      %dma_start3A_1735 = arith.constant 0 : i32
      %dma_start3A_1736 = tpu.memref_slice %arg2[%dma_start3A_1735, %multiple_of3A_1723] : memref<16x1000000xf32, #tpu.memory_space<hbm>> -> memref<16x128xf32, #tpu.memory_space<hbm>>
      tpu.enqueue_dma source(%dma_start3A_1736 : memref<16x128xf32, #tpu.memory_space<hbm>>) target(%dma_start3A_1734 : memref<16x128xf32, #tpu.memory_space<vmem>>) target_semaphore(%arg9 : memref<!tpu.dma_semaphore, #tpu.memory_space<semaphore_mem>>)
      %slice3A_1737 = vector.extract_strided_slice %shift_left3A_1704 {offsets = [2], sizes = [1], strides = [1]} : vector<16xi32> to vector<1xi32>
      %squeeze3A_1738 = vector.extract %slice3A_1737[0] : i32 from vector<1xi32>
      %multiple_of3A_1739 = tpu.assume_multiple %squeeze3A_1738, 128 : i32
      %dma_start3A_1740 = arith.constant 1 : i32
      %dma_start3A_1741 = arith.constant 0 : i32
      %dma_start3A_1742 = arith.constant 256 : i32
      %dma_start3A_1743 = tpu.memref_slice %arg6[%dma_start3A_1740, %dma_start3A_1741, %dma_start3A_1742] : memref<3x16x2048xf32, #tpu.memory_space<vmem>> -> memref<1x16x128xf32, #tpu.memory_space<vmem>>
      %dma_start3A_1744 = tpu.memref_squeeze %dma_start3A_1743 : memref<1x16x128xf32, #tpu.memory_space<vmem>> -> memref<16x128xf32, #tpu.memory_space<vmem>>
      %dma_start3A_1745 = arith.constant 0 : i32
      %dma_start3A_1746 = tpu.memref_slice %arg2[%dma_start3A_1745, %multiple_of3A_1739] : memref<16x1000000xf32, #tpu.memory_space<hbm>> -> memref<16x128xf32, #tpu.memory_space<hbm>>
      %dma_start3A_1747 = arith.constant 0 : i32
      %dma_start3A_1748 = arith.constant 256 : i32
      %dma_start3A_1749 = tpu.memref_slice %arg6[%dma_start3A_1740, %dma_start3A_1747, %dma_start3A_1748] : memref<3x16x2048xf32, #tpu.memory_space<vmem>> -> memref<1x16x128xf32, #tpu.memory_space<vmem>>
      %dma_start3A_1750 = tpu.memref_squeeze %dma_start3A_1749 : memref<1x16x128xf32, #tpu.memory_space<vmem>> -> memref<16x128xf32, #tpu.memory_space<vmem>>
      %dma_start3A_1751 = arith.constant 0 : i32
      %dma_start3A_1752 = tpu.memref_slice %arg2[%dma_start3A_1751, %multiple_of3A_1739] : memref<16x1000000xf32, #tpu.memory_space<hbm>> -> memref<16x128xf32, #tpu.memory_space<hbm>>
      tpu.enqueue_dma source(%dma_start3A_1752 : memref<16x128xf32, #tpu.memory_space<hbm>>) target(%dma_start3A_1750 : memref<16x128xf32, #tpu.memory_space<vmem>>) target_semaphore(%arg9 : memref<!tpu.dma_semaphore, #tpu.memory_space<semaphore_mem>>)
      %slice3A_1753 = vector.extract_strided_slice %shift_left3A_1704 {offsets = [3], sizes = [1], strides = [1]} : vector<16xi32> to vector<1xi32>
      %squeeze3A_1754 = vector.extract %slice3A_1753[0] : i32 from vector<1xi32>
      %multiple_of3A_1755 = tpu.assume_multiple %squeeze3A_1754, 128 : i32
      %dma_start3A_1756 = arith.constant 1 : i32
      %dma_start3A_1757 = arith.constant 0 : i32
      %dma_start3A_1758 = arith.constant 384 : i32
      %dma_start3A_1759 = tpu.memref_slice %arg6[%dma_start3A_1756, %dma_start3A_1757, %dma_start3A_1758] : memref<3x16x2048xf32, #tpu.memory_space<vmem>> -> memref<1x16x128xf32, #tpu.memory_space<vmem>>
      %dma_start3A_1760 = tpu.memref_squeeze %dma_start3A_1759 : memref<1x16x128xf32, #tpu.memory_space<vmem>> -> memref<16x128xf32, #tpu.memory_space<vmem>>
      %dma_start3A_1761 = arith.constant 0 : i32
      %dma_start3A_1762 = tpu.memref_slice %arg2[%dma_start3A_1761, %multiple_of3A_1755] : memref<16x1000000xf32, #tpu.memory_space<hbm>> -> memref<16x128xf32, #tpu.memory_space<hbm>>
      %dma_start3A_1763 = arith.constant 0 : i32
      %dma_start3A_1764 = arith.constant 384 : i32
      %dma_start3A_1765 = tpu.memref_slice %arg6[%dma_start3A_1756, %dma_start3A_1763, %dma_start3A_1764] : memref<3x16x2048xf32, #tpu.memory_space<vmem>> -> memref<1x16x128xf32, #tpu.memory_space<vmem>>
      %dma_start3A_1766 = tpu.memref_squeeze %dma_start3A_1765 : memref<1x16x128xf32, #tpu.memory_space<vmem>> -> memref<16x128xf32, #tpu.memory_space<vmem>>
      %dma_start3A_1767 = arith.constant 0 : i32
      %dma_start3A_1768 = tpu.memref_slice %arg2[%dma_start3A_1767, %multiple_of3A_1755] : memref<16x1000000xf32, #tpu.memory_space<hbm>> -> memref<16x128xf32, #tpu.memory_space<hbm>>
      tpu.enqueue_dma source(%dma_start3A_1768 : memref<16x128xf32, #tpu.memory_space<hbm>>) target(%dma_start3A_1766 : memref<16x128xf32, #tpu.memory_space<vmem>>) target_semaphore(%arg9 : memref<!tpu.dma_semaphore, #tpu.memory_space<semaphore_mem>>)
      %slice3A_1769 = vector.extract_strided_slice %shift_left3A_1704 {offsets = [4], sizes = [1], strides = [1]} : vector<16xi32> to vector<1xi32>
      %squeeze3A_1770 = vector.extract %slice3A_1769[0] : i32 from vector<1xi32>
      %multiple_of3A_1771 = tpu.assume_multiple %squeeze3A_1770, 128 : i32
      %dma_start3A_1772 = arith.constant 1 : i32
      %dma_start3A_1773 = arith.constant 0 : i32
      %dma_start3A_1774 = arith.constant 512 : i32
      %dma_start3A_1775 = tpu.memref_slice %arg6[%dma_start3A_1772, %dma_start3A_1773, %dma_start3A_1774] : memref<3x16x2048xf32, #tpu.memory_space<vmem>> -> memref<1x16x128xf32, #tpu.memory_space<vmem>>
      %dma_start3A_1776 = tpu.memref_squeeze %dma_start3A_1775 : memref<1x16x128xf32, #tpu.memory_space<vmem>> -> memref<16x128xf32, #tpu.memory_space<vmem>>
      %dma_start3A_1777 = arith.constant 0 : i32
      %dma_start3A_1778 = tpu.memref_slice %arg2[%dma_start3A_1777, %multiple_of3A_1771] : memref<16x1000000xf32, #tpu.memory_space<hbm>> -> memref<16x128xf32, #tpu.memory_space<hbm>>
      %dma_start3A_1779 = arith.constant 0 : i32
      %dma_start3A_1780 = arith.constant 512 : i32
      %dma_start3A_1781 = tpu.memref_slice %arg6[%dma_start3A_1772, %dma_start3A_1779, %dma_start3A_1780] : memref<3x16x2048xf32, #tpu.memory_space<vmem>> -> memref<1x16x128xf32, #tpu.memory_space<vmem>>
      %dma_start3A_1782 = tpu.memref_squeeze %dma_start3A_1781 : memref<1x16x128xf32, #tpu.memory_space<vmem>> -> memref<16x128xf32, #tpu.memory_space<vmem>>
      %dma_start3A_1783 = arith.constant 0 : i32
      %dma_start3A_1784 = tpu.memref_slice %arg2[%dma_start3A_1783, %multiple_of3A_1771] : memref<16x1000000xf32, #tpu.memory_space<hbm>> -> memref<16x128xf32, #tpu.memory_space<hbm>>
      tpu.enqueue_dma source(%dma_start3A_1784 : memref<16x128xf32, #tpu.memory_space<hbm>>) target(%dma_start3A_1782 : memref<16x128xf32, #tpu.memory_space<vmem>>) target_semaphore(%arg9 : memref<!tpu.dma_semaphore, #tpu.memory_space<semaphore_mem>>)
      %slice3A_1785 = vector.extract_strided_slice %shift_left3A_1704 {offsets = [5], sizes = [1], strides = [1]} : vector<16xi32> to vector<1xi32>
      %squeeze3A_1786 = vector.extract %slice3A_1785[0] : i32 from vector<1xi32>
      %multiple_of3A_1787 = tpu.assume_multiple %squeeze3A_1786, 128 : i32
      %dma_start3A_1788 = arith.constant 1 : i32
      %dma_start3A_1789 = arith.constant 0 : i32
      %dma_start3A_1790 = arith.constant 640 : i32
      %dma_start3A_1791 = tpu.memref_slice %arg6[%dma_start3A_1788, %dma_start3A_1789, %dma_start3A_1790] : memref<3x16x2048xf32, #tpu.memory_space<vmem>> -> memref<1x16x128xf32, #tpu.memory_space<vmem>>
      %dma_start3A_1792 = tpu.memref_squeeze %dma_start3A_1791 : memref<1x16x128xf32, #tpu.memory_space<vmem>> -> memref<16x128xf32, #tpu.memory_space<vmem>>
      %dma_start3A_1793 = arith.constant 0 : i32
      %dma_start3A_1794 = tpu.memref_slice %arg2[%dma_start3A_1793, %multiple_of3A_1787] : memref<16x1000000xf32, #tpu.memory_space<hbm>> -> memref<16x128xf32, #tpu.memory_space<hbm>>
      %dma_start3A_1795 = arith.constant 0 : i32
      %dma_start3A_1796 = arith.constant 640 : i32
      %dma_start3A_1797 = tpu.memref_slice %arg6[%dma_start3A_1788, %dma_start3A_1795, %dma_start3A_1796] : memref<3x16x2048xf32, #tpu.memory_space<vmem>> -> memref<1x16x128xf32, #tpu.memory_space<vmem>>
      %dma_start3A_1798 = tpu.memref_squeeze %dma_start3A_1797 : memref<1x16x128xf32, #tpu.memory_space<vmem>> -> memref<16x128xf32, #tpu.memory_space<vmem>>
      %dma_start3A_1799 = arith.constant 0 : i32
      %dma_start3A_1800 = tpu.memref_slice %arg2[%dma_start3A_1799, %multiple_of3A_1787] : memref<16x1000000xf32, #tpu.memory_space<hbm>> -> memref<16x128xf32, #tpu.memory_space<hbm>>
      tpu.enqueue_dma source(%dma_start3A_1800 : memref<16x128xf32, #tpu.memory_space<hbm>>) target(%dma_start3A_1798 : memref<16x128xf32, #tpu.memory_space<vmem>>) target_semaphore(%arg9 : memref<!tpu.dma_semaphore, #tpu.memory_space<semaphore_mem>>)
      %slice3A_1801 = vector.extract_strided_slice %shift_left3A_1704 {offsets = [6], sizes = [1], strides = [1]} : vector<16xi32> to vector<1xi32>
      %squeeze3A_1802 = vector.extract %slice3A_1801[0] : i32 from vector<1xi32>
      %multiple_of3A_1803 = tpu.assume_multiple %squeeze3A_1802, 128 : i32
      %dma_start3A_1804 = arith.constant 1 : i32
      %dma_start3A_1805 = arith.constant 0 : i32
      %dma_start3A_1806 = arith.constant 768 : i32
      %dma_start3A_1807 = tpu.memref_slice %arg6[%dma_start3A_1804, %dma_start3A_1805, %dma_start3A_1806] : memref<3x16x2048xf32, #tpu.memory_space<vmem>> -> memref<1x16x128xf32, #tpu.memory_space<vmem>>
      %dma_start3A_1808 = tpu.memref_squeeze %dma_start3A_1807 : memref<1x16x128xf32, #tpu.memory_space<vmem>> -> memref<16x128xf32, #tpu.memory_space<vmem>>
      %dma_start3A_1809 = arith.constant 0 : i32
      %dma_start3A_1810 = tpu.memref_slice %arg2[%dma_start3A_1809, %multiple_of3A_1803] : memref<16x1000000xf32, #tpu.memory_space<hbm>> -> memref<16x128xf32, #tpu.memory_space<hbm>>
      %dma_start3A_1811 = arith.constant 0 : i32
      %dma_start3A_1812 = arith.constant 768 : i32
      %dma_start3A_1813 = tpu.memref_slice %arg6[%dma_start3A_1804, %dma_start3A_1811, %dma_start3A_1812] : memref<3x16x2048xf32, #tpu.memory_space<vmem>> -> memref<1x16x128xf32, #tpu.memory_space<vmem>>
      %dma_start3A_1814 = tpu.memref_squeeze %dma_start3A_1813 : memref<1x16x128xf32, #tpu.memory_space<vmem>> -> memref<16x128xf32, #tpu.memory_space<vmem>>
      %dma_start3A_1815 = arith.constant 0 : i32
      %dma_start3A_1816 = tpu.memref_slice %arg2[%dma_start3A_1815, %multiple_of3A_1803] : memref<16x1000000xf32, #tpu.memory_space<hbm>> -> memref<16x128xf32, #tpu.memory_space<hbm>>
      tpu.enqueue_dma source(%dma_start3A_1816 : memref<16x128xf32, #tpu.memory_space<hbm>>) target(%dma_start3A_1814 : memref<16x128xf32, #tpu.memory_space<vmem>>) target_semaphore(%arg9 : memref<!tpu.dma_semaphore, #tpu.memory_space<semaphore_mem>>)
      %slice3A_1817 = vector.extract_strided_slice %shift_left3A_1704 {offsets = [7], sizes = [1], strides = [1]} : vector<16xi32> to vector<1xi32>
      %squeeze3A_1818 = vector.extract %slice3A_1817[0] : i32 from vector<1xi32>
      %multiple_of3A_1819 = tpu.assume_multiple %squeeze3A_1818, 128 : i32
      %dma_start3A_1820 = arith.constant 1 : i32
      %dma_start3A_1821 = arith.constant 0 : i32
      %dma_start3A_1822 = arith.constant 896 : i32
      %dma_start3A_1823 = tpu.memref_slice %arg6[%dma_start3A_1820, %dma_start3A_1821, %dma_start3A_1822] : memref<3x16x2048xf32, #tpu.memory_space<vmem>> -> memref<1x16x128xf32, #tpu.memory_space<vmem>>
      %dma_start3A_1824 = tpu.memref_squeeze %dma_start3A_1823 : memref<1x16x128xf32, #tpu.memory_space<vmem>> -> memref<16x128xf32, #tpu.memory_space<vmem>>
      %dma_start3A_1825 = arith.constant 0 : i32
      %dma_start3A_1826 = tpu.memref_slice %arg2[%dma_start3A_1825, %multiple_of3A_1819] : memref<16x1000000xf32, #tpu.memory_space<hbm>> -> memref<16x128xf32, #tpu.memory_space<hbm>>
      %dma_start3A_1827 = arith.constant 0 : i32
      %dma_start3A_1828 = arith.constant 896 : i32
      %dma_start3A_1829 = tpu.memref_slice %arg6[%dma_start3A_1820, %dma_start3A_1827, %dma_start3A_1828] : memref<3x16x2048xf32, #tpu.memory_space<vmem>> -> memref<1x16x128xf32, #tpu.memory_space<vmem>>
      %dma_start3A_1830 = tpu.memref_squeeze %dma_start3A_1829 : memref<1x16x128xf32, #tpu.memory_space<vmem>> -> memref<16x128xf32, #tpu.memory_space<vmem>>
      %dma_start3A_1831 = arith.constant 0 : i32
      %dma_start3A_1832 = tpu.memref_slice %arg2[%dma_start3A_1831, %multiple_of3A_1819] : memref<16x1000000xf32, #tpu.memory_space<hbm>> -> memref<16x128xf32, #tpu.memory_space<hbm>>
      tpu.enqueue_dma source(%dma_start3A_1832 : memref<16x128xf32, #tpu.memory_space<hbm>>) target(%dma_start3A_1830 : memref<16x128xf32, #tpu.memory_space<vmem>>) target_semaphore(%arg9 : memref<!tpu.dma_semaphore, #tpu.memory_space<semaphore_mem>>)
      %slice3A_1833 = vector.extract_strided_slice %shift_left3A_1704 {offsets = [8], sizes = [1], strides = [1]} : vector<16xi32> to vector<1xi32>
      %squeeze3A_1834 = vector.extract %slice3A_1833[0] : i32 from vector<1xi32>
      %multiple_of3A_1835 = tpu.assume_multiple %squeeze3A_1834, 128 : i32
      %dma_start3A_1836 = arith.constant 1 : i32
      %dma_start3A_1837 = arith.constant 0 : i32
      %dma_start3A_1838 = arith.constant 1024 : i32
      %dma_start3A_1839 = tpu.memref_slice %arg6[%dma_start3A_1836, %dma_start3A_1837, %dma_start3A_1838] : memref<3x16x2048xf32, #tpu.memory_space<vmem>> -> memref<1x16x128xf32, #tpu.memory_space<vmem>>
      %dma_start3A_1840 = tpu.memref_squeeze %dma_start3A_1839 : memref<1x16x128xf32, #tpu.memory_space<vmem>> -> memref<16x128xf32, #tpu.memory_space<vmem>>
      %dma_start3A_1841 = arith.constant 0 : i32
      %dma_start3A_1842 = tpu.memref_slice %arg2[%dma_start3A_1841, %multiple_of3A_1835] : memref<16x1000000xf32, #tpu.memory_space<hbm>> -> memref<16x128xf32, #tpu.memory_space<hbm>>
      %dma_start3A_1843 = arith.constant 0 : i32
      %dma_start3A_1844 = arith.constant 1024 : i32
      %dma_start3A_1845 = tpu.memref_slice %arg6[%dma_start3A_1836, %dma_start3A_1843, %dma_start3A_1844] : memref<3x16x2048xf32, #tpu.memory_space<vmem>> -> memref<1x16x128xf32, #tpu.memory_space<vmem>>
      %dma_start3A_1846 = tpu.memref_squeeze %dma_start3A_1845 : memref<1x16x128xf32, #tpu.memory_space<vmem>> -> memref<16x128xf32, #tpu.memory_space<vmem>>
      %dma_start3A_1847 = arith.constant 0 : i32
      %dma_start3A_1848 = tpu.memref_slice %arg2[%dma_start3A_1847, %multiple_of3A_1835] : memref<16x1000000xf32, #tpu.memory_space<hbm>> -> memref<16x128xf32, #tpu.memory_space<hbm>>
      tpu.enqueue_dma source(%dma_start3A_1848 : memref<16x128xf32, #tpu.memory_space<hbm>>) target(%dma_start3A_1846 : memref<16x128xf32, #tpu.memory_space<vmem>>) target_semaphore(%arg9 : memref<!tpu.dma_semaphore, #tpu.memory_space<semaphore_mem>>)
      %slice3A_1849 = vector.extract_strided_slice %shift_left3A_1704 {offsets = [9], sizes = [1], strides = [1]} : vector<16xi32> to vector<1xi32>
      %squeeze3A_1850 = vector.extract %slice3A_1849[0] : i32 from vector<1xi32>
      %multiple_of3A_1851 = tpu.assume_multiple %squeeze3A_1850, 128 : i32
      %dma_start3A_1852 = arith.constant 1 : i32
      %dma_start3A_1853 = arith.constant 0 : i32
      %dma_start3A_1854 = arith.constant 1152 : i32
      %dma_start3A_1855 = tpu.memref_slice %arg6[%dma_start3A_1852, %dma_start3A_1853, %dma_start3A_1854] : memref<3x16x2048xf32, #tpu.memory_space<vmem>> -> memref<1x16x128xf32, #tpu.memory_space<vmem>>
      %dma_start3A_1856 = tpu.memref_squeeze %dma_start3A_1855 : memref<1x16x128xf32, #tpu.memory_space<vmem>> -> memref<16x128xf32, #tpu.memory_space<vmem>>
      %dma_start3A_1857 = arith.constant 0 : i32
      %dma_start3A_1858 = tpu.memref_slice %arg2[%dma_start3A_1857, %multiple_of3A_1851] : memref<16x1000000xf32, #tpu.memory_space<hbm>> -> memref<16x128xf32, #tpu.memory_space<hbm>>
      %dma_start3A_1859 = arith.constant 0 : i32
      %dma_start3A_1860 = arith.constant 1152 : i32
      %dma_start3A_1861 = tpu.memref_slice %arg6[%dma_start3A_1852, %dma_start3A_1859, %dma_start3A_1860] : memref<3x16x2048xf32, #tpu.memory_space<vmem>> -> memref<1x16x128xf32, #tpu.memory_space<vmem>>
      %dma_start3A_1862 = tpu.memref_squeeze %dma_start3A_1861 : memref<1x16x128xf32, #tpu.memory_space<vmem>> -> memref<16x128xf32, #tpu.memory_space<vmem>>
      %dma_start3A_1863 = arith.constant 0 : i32
      %dma_start3A_1864 = tpu.memref_slice %arg2[%dma_start3A_1863, %multiple_of3A_1851] : memref<16x1000000xf32, #tpu.memory_space<hbm>> -> memref<16x128xf32, #tpu.memory_space<hbm>>
      tpu.enqueue_dma source(%dma_start3A_1864 : memref<16x128xf32, #tpu.memory_space<hbm>>) target(%dma_start3A_1862 : memref<16x128xf32, #tpu.memory_space<vmem>>) target_semaphore(%arg9 : memref<!tpu.dma_semaphore, #tpu.memory_space<semaphore_mem>>)
      %slice3A_1865 = vector.extract_strided_slice %shift_left3A_1704 {offsets = [10], sizes = [1], strides = [1]} : vector<16xi32> to vector<1xi32>
      %squeeze3A_1866 = vector.extract %slice3A_1865[0] : i32 from vector<1xi32>
      %multiple_of3A_1867 = tpu.assume_multiple %squeeze3A_1866, 128 : i32
      %dma_start3A_1868 = arith.constant 1 : i32
      %dma_start3A_1869 = arith.constant 0 : i32
      %dma_start3A_1870 = arith.constant 1280 : i32
      %dma_start3A_1871 = tpu.memref_slice %arg6[%dma_start3A_1868, %dma_start3A_1869, %dma_start3A_1870] : memref<3x16x2048xf32, #tpu.memory_space<vmem>> -> memref<1x16x128xf32, #tpu.memory_space<vmem>>
      %dma_start3A_1872 = tpu.memref_squeeze %dma_start3A_1871 : memref<1x16x128xf32, #tpu.memory_space<vmem>> -> memref<16x128xf32, #tpu.memory_space<vmem>>
      %dma_start3A_1873 = arith.constant 0 : i32
      %dma_start3A_1874 = tpu.memref_slice %arg2[%dma_start3A_1873, %multiple_of3A_1867] : memref<16x1000000xf32, #tpu.memory_space<hbm>> -> memref<16x128xf32, #tpu.memory_space<hbm>>
      %dma_start3A_1875 = arith.constant 0 : i32
      %dma_start3A_1876 = arith.constant 1280 : i32
      %dma_start3A_1877 = tpu.memref_slice %arg6[%dma_start3A_1868, %dma_start3A_1875, %dma_start3A_1876] : memref<3x16x2048xf32, #tpu.memory_space<vmem>> -> memref<1x16x128xf32, #tpu.memory_space<vmem>>
      %dma_start3A_1878 = tpu.memref_squeeze %dma_start3A_1877 : memref<1x16x128xf32, #tpu.memory_space<vmem>> -> memref<16x128xf32, #tpu.memory_space<vmem>>
      %dma_start3A_1879 = arith.constant 0 : i32
      %dma_start3A_1880 = tpu.memref_slice %arg2[%dma_start3A_1879, %multiple_of3A_1867] : memref<16x1000000xf32, #tpu.memory_space<hbm>> -> memref<16x128xf32, #tpu.memory_space<hbm>>
      tpu.enqueue_dma source(%dma_start3A_1880 : memref<16x128xf32, #tpu.memory_space<hbm>>) target(%dma_start3A_1878 : memref<16x128xf32, #tpu.memory_space<vmem>>) target_semaphore(%arg9 : memref<!tpu.dma_semaphore, #tpu.memory_space<semaphore_mem>>)
      %slice3A_1881 = vector.extract_strided_slice %shift_left3A_1704 {offsets = [11], sizes = [1], strides = [1]} : vector<16xi32> to vector<1xi32>
      %squeeze3A_1882 = vector.extract %slice3A_1881[0] : i32 from vector<1xi32>
      %multiple_of3A_1883 = tpu.assume_multiple %squeeze3A_1882, 128 : i32
      %dma_start3A_1884 = arith.constant 1 : i32
      %dma_start3A_1885 = arith.constant 0 : i32
      %dma_start3A_1886 = arith.constant 1408 : i32
      %dma_start3A_1887 = tpu.memref_slice %arg6[%dma_start3A_1884, %dma_start3A_1885, %dma_start3A_1886] : memref<3x16x2048xf32, #tpu.memory_space<vmem>> -> memref<1x16x128xf32, #tpu.memory_space<vmem>>
      %dma_start3A_1888 = tpu.memref_squeeze %dma_start3A_1887 : memref<1x16x128xf32, #tpu.memory_space<vmem>> -> memref<16x128xf32, #tpu.memory_space<vmem>>
      %dma_start3A_1889 = arith.constant 0 : i32
      %dma_start3A_1890 = tpu.memref_slice %arg2[%dma_start3A_1889, %multiple_of3A_1883] : memref<16x1000000xf32, #tpu.memory_space<hbm>> -> memref<16x128xf32, #tpu.memory_space<hbm>>
      %dma_start3A_1891 = arith.constant 0 : i32
      %dma_start3A_1892 = arith.constant 1408 : i32
      %dma_start3A_1893 = tpu.memref_slice %arg6[%dma_start3A_1884, %dma_start3A_1891, %dma_start3A_1892] : memref<3x16x2048xf32, #tpu.memory_space<vmem>> -> memref<1x16x128xf32, #tpu.memory_space<vmem>>
      %dma_start3A_1894 = tpu.memref_squeeze %dma_start3A_1893 : memref<1x16x128xf32, #tpu.memory_space<vmem>> -> memref<16x128xf32, #tpu.memory_space<vmem>>
      %dma_start3A_1895 = arith.constant 0 : i32
      %dma_start3A_1896 = tpu.memref_slice %arg2[%dma_start3A_1895, %multiple_of3A_1883] : memref<16x1000000xf32, #tpu.memory_space<hbm>> -> memref<16x128xf32, #tpu.memory_space<hbm>>
      tpu.enqueue_dma source(%dma_start3A_1896 : memref<16x128xf32, #tpu.memory_space<hbm>>) target(%dma_start3A_1894 : memref<16x128xf32, #tpu.memory_space<vmem>>) target_semaphore(%arg9 : memref<!tpu.dma_semaphore, #tpu.memory_space<semaphore_mem>>)
      %slice3A_1897 = vector.extract_strided_slice %shift_left3A_1704 {offsets = [12], sizes = [1], strides = [1]} : vector<16xi32> to vector<1xi32>
      %squeeze3A_1898 = vector.extract %slice3A_1897[0] : i32 from vector<1xi32>
      %multiple_of3A_1899 = tpu.assume_multiple %squeeze3A_1898, 128 : i32
      %dma_start3A_1900 = arith.constant 1 : i32
      %dma_start3A_1901 = arith.constant 0 : i32
      %dma_start3A_1902 = arith.constant 1536 : i32
      %dma_start3A_1903 = tpu.memref_slice %arg6[%dma_start3A_1900, %dma_start3A_1901, %dma_start3A_1902] : memref<3x16x2048xf32, #tpu.memory_space<vmem>> -> memref<1x16x128xf32, #tpu.memory_space<vmem>>
      %dma_start3A_1904 = tpu.memref_squeeze %dma_start3A_1903 : memref<1x16x128xf32, #tpu.memory_space<vmem>> -> memref<16x128xf32, #tpu.memory_space<vmem>>
      %dma_start3A_1905 = arith.constant 0 : i32
      %dma_start3A_1906 = tpu.memref_slice %arg2[%dma_start3A_1905, %multiple_of3A_1899] : memref<16x1000000xf32, #tpu.memory_space<hbm>> -> memref<16x128xf32, #tpu.memory_space<hbm>>
      %dma_start3A_1907 = arith.constant 0 : i32
      %dma_start3A_1908 = arith.constant 1536 : i32
      %dma_start3A_1909 = tpu.memref_slice %arg6[%dma_start3A_1900, %dma_start3A_1907, %dma_start3A_1908] : memref<3x16x2048xf32, #tpu.memory_space<vmem>> -> memref<1x16x128xf32, #tpu.memory_space<vmem>>
      %dma_start3A_1910 = tpu.memref_squeeze %dma_start3A_1909 : memref<1x16x128xf32, #tpu.memory_space<vmem>> -> memref<16x128xf32, #tpu.memory_space<vmem>>
      %dma_start3A_1911 = arith.constant 0 : i32
      %dma_start3A_1912 = tpu.memref_slice %arg2[%dma_start3A_1911, %multiple_of3A_1899] : memref<16x1000000xf32, #tpu.memory_space<hbm>> -> memref<16x128xf32, #tpu.memory_space<hbm>>
      tpu.enqueue_dma source(%dma_start3A_1912 : memref<16x128xf32, #tpu.memory_space<hbm>>) target(%dma_start3A_1910 : memref<16x128xf32, #tpu.memory_space<vmem>>) target_semaphore(%arg9 : memref<!tpu.dma_semaphore, #tpu.memory_space<semaphore_mem>>)
      %slice3A_1913 = vector.extract_strided_slice %shift_left3A_1704 {offsets = [13], sizes = [1], strides = [1]} : vector<16xi32> to vector<1xi32>
      %squeeze3A_1914 = vector.extract %slice3A_1913[0] : i32 from vector<1xi32>
      %multiple_of3A_1915 = tpu.assume_multiple %squeeze3A_1914, 128 : i32
      %dma_start3A_1916 = arith.constant 1 : i32
      %dma_start3A_1917 = arith.constant 0 : i32
      %dma_start3A_1918 = arith.constant 1664 : i32
      %dma_start3A_1919 = tpu.memref_slice %arg6[%dma_start3A_1916, %dma_start3A_1917, %dma_start3A_1918] : memref<3x16x2048xf32, #tpu.memory_space<vmem>> -> memref<1x16x128xf32, #tpu.memory_space<vmem>>
      %dma_start3A_1920 = tpu.memref_squeeze %dma_start3A_1919 : memref<1x16x128xf32, #tpu.memory_space<vmem>> -> memref<16x128xf32, #tpu.memory_space<vmem>>
      %dma_start3A_1921 = arith.constant 0 : i32
      %dma_start3A_1922 = tpu.memref_slice %arg2[%dma_start3A_1921, %multiple_of3A_1915] : memref<16x1000000xf32, #tpu.memory_space<hbm>> -> memref<16x128xf32, #tpu.memory_space<hbm>>
      %dma_start3A_1923 = arith.constant 0 : i32
      %dma_start3A_1924 = arith.constant 1664 : i32
      %dma_start3A_1925 = tpu.memref_slice %arg6[%dma_start3A_1916, %dma_start3A_1923, %dma_start3A_1924] : memref<3x16x2048xf32, #tpu.memory_space<vmem>> -> memref<1x16x128xf32, #tpu.memory_space<vmem>>
      %dma_start3A_1926 = tpu.memref_squeeze %dma_start3A_1925 : memref<1x16x128xf32, #tpu.memory_space<vmem>> -> memref<16x128xf32, #tpu.memory_space<vmem>>
      %dma_start3A_1927 = arith.constant 0 : i32
      %dma_start3A_1928 = tpu.memref_slice %arg2[%dma_start3A_1927, %multiple_of3A_1915] : memref<16x1000000xf32, #tpu.memory_space<hbm>> -> memref<16x128xf32, #tpu.memory_space<hbm>>
      tpu.enqueue_dma source(%dma_start3A_1928 : memref<16x128xf32, #tpu.memory_space<hbm>>) target(%dma_start3A_1926 : memref<16x128xf32, #tpu.memory_space<vmem>>) target_semaphore(%arg9 : memref<!tpu.dma_semaphore, #tpu.memory_space<semaphore_mem>>)
      %slice3A_1929 = vector.extract_strided_slice %shift_left3A_1704 {offsets = [14], sizes = [1], strides = [1]} : vector<16xi32> to vector<1xi32>
      %squeeze3A_1930 = vector.extract %slice3A_1929[0] : i32 from vector<1xi32>
      %multiple_of3A_1931 = tpu.assume_multiple %squeeze3A_1930, 128 : i32
      %dma_start3A_1932 = arith.constant 1 : i32
      %dma_start3A_1933 = arith.constant 0 : i32
      %dma_start3A_1934 = arith.constant 1792 : i32
      %dma_start3A_1935 = tpu.memref_slice %arg6[%dma_start3A_1932, %dma_start3A_1933, %dma_start3A_1934] : memref<3x16x2048xf32, #tpu.memory_space<vmem>> -> memref<1x16x128xf32, #tpu.memory_space<vmem>>
      %dma_start3A_1936 = tpu.memref_squeeze %dma_start3A_1935 : memref<1x16x128xf32, #tpu.memory_space<vmem>> -> memref<16x128xf32, #tpu.memory_space<vmem>>
      %dma_start3A_1937 = arith.constant 0 : i32
      %dma_start3A_1938 = tpu.memref_slice %arg2[%dma_start3A_1937, %multiple_of3A_1931] : memref<16x1000000xf32, #tpu.memory_space<hbm>> -> memref<16x128xf32, #tpu.memory_space<hbm>>
      %dma_start3A_1939 = arith.constant 0 : i32
      %dma_start3A_1940 = arith.constant 1792 : i32
      %dma_start3A_1941 = tpu.memref_slice %arg6[%dma_start3A_1932, %dma_start3A_1939, %dma_start3A_1940] : memref<3x16x2048xf32, #tpu.memory_space<vmem>> -> memref<1x16x128xf32, #tpu.memory_space<vmem>>
      %dma_start3A_1942 = tpu.memref_squeeze %dma_start3A_1941 : memref<1x16x128xf32, #tpu.memory_space<vmem>> -> memref<16x128xf32, #tpu.memory_space<vmem>>
      %dma_start3A_1943 = arith.constant 0 : i32
      %dma_start3A_1944 = tpu.memref_slice %arg2[%dma_start3A_1943, %multiple_of3A_1931] : memref<16x1000000xf32, #tpu.memory_space<hbm>> -> memref<16x128xf32, #tpu.memory_space<hbm>>
      tpu.enqueue_dma source(%dma_start3A_1944 : memref<16x128xf32, #tpu.memory_space<hbm>>) target(%dma_start3A_1942 : memref<16x128xf32, #tpu.memory_space<vmem>>) target_semaphore(%arg9 : memref<!tpu.dma_semaphore, #tpu.memory_space<semaphore_mem>>)
      %slice3A_1945 = vector.extract_strided_slice %shift_left3A_1704 {offsets = [15], sizes = [1], strides = [1]} : vector<16xi32> to vector<1xi32>
      %squeeze3A_1946 = vector.extract %slice3A_1945[0] : i32 from vector<1xi32>
      %multiple_of3A_1947 = tpu.assume_multiple %squeeze3A_1946, 128 : i32
      %dma_start3A_1948 = arith.constant 1 : i32
      %dma_start3A_1949 = arith.constant 0 : i32
      %dma_start3A_1950 = arith.constant 1920 : i32
      %dma_start3A_1951 = tpu.memref_slice %arg6[%dma_start3A_1948, %dma_start3A_1949, %dma_start3A_1950] : memref<3x16x2048xf32, #tpu.memory_space<vmem>> -> memref<1x16x128xf32, #tpu.memory_space<vmem>>
      %dma_start3A_1952 = tpu.memref_squeeze %dma_start3A_1951 : memref<1x16x128xf32, #tpu.memory_space<vmem>> -> memref<16x128xf32, #tpu.memory_space<vmem>>
      %dma_start3A_1953 = arith.constant 0 : i32
      %dma_start3A_1954 = tpu.memref_slice %arg2[%dma_start3A_1953, %multiple_of3A_1947] : memref<16x1000000xf32, #tpu.memory_space<hbm>> -> memref<16x128xf32, #tpu.memory_space<hbm>>
      %dma_start3A_1955 = arith.constant 0 : i32
      %dma_start3A_1956 = arith.constant 1920 : i32
      %dma_start3A_1957 = tpu.memref_slice %arg6[%dma_start3A_1948, %dma_start3A_1955, %dma_start3A_1956] : memref<3x16x2048xf32, #tpu.memory_space<vmem>> -> memref<1x16x128xf32, #tpu.memory_space<vmem>>
      %dma_start3A_1958 = tpu.memref_squeeze %dma_start3A_1957 : memref<1x16x128xf32, #tpu.memory_space<vmem>> -> memref<16x128xf32, #tpu.memory_space<vmem>>
      %dma_start3A_1959 = arith.constant 0 : i32
      %dma_start3A_1960 = tpu.memref_slice %arg2[%dma_start3A_1959, %multiple_of3A_1947] : memref<16x1000000xf32, #tpu.memory_space<hbm>> -> memref<16x128xf32, #tpu.memory_space<hbm>>
      tpu.enqueue_dma source(%dma_start3A_1960 : memref<16x128xf32, #tpu.memory_space<hbm>>) target(%dma_start3A_1958 : memref<16x128xf32, #tpu.memory_space<vmem>>) target_semaphore(%arg9 : memref<!tpu.dma_semaphore, #tpu.memory_space<semaphore_mem>>)
      %add3A_1961 = arith.constant 2 : i32
      %add3A_1962 = arith.addi %mul3A_808, %add3A_1961 : i32
      %dma_wait3A_1963 = arith.constant 2 : i32
      %dma_wait3A_1964 = arith.constant 0 : i32
      %dma_wait3A_1965 = arith.constant 0 : i32
      %dma_wait3A_1966 = tpu.memref_slice %arg6[%dma_wait3A_1963, %dma_wait3A_1964, %dma_wait3A_1965] : memref<3x16x2048xf32, #tpu.memory_space<vmem>> -> memref<1x16x2048xf32, #tpu.memory_space<vmem>>
      %dma_wait3A_1967 = tpu.memref_squeeze %dma_wait3A_1966 : memref<1x16x2048xf32, #tpu.memory_space<vmem>> -> memref<16x2048xf32, #tpu.memory_space<vmem>>
      %dma_wait3A_1968 = arith.constant 0 : i32
      %dma_wait3A_1969 = arith.constant 0 : i32
      %dma_wait3A_1970 = tpu.memref_slice %arg2[%dma_wait3A_1968, %dma_wait3A_1969] : memref<16x1000000xf32, #tpu.memory_space<hbm>> -> memref<16x2048xf32, #tpu.memory_space<hbm>>
      %dma_wait3A_1971 = arith.constant 0 : i32
      %dma_wait3A_1972 = arith.constant 0 : i32
      %dma_wait3A_1973 = tpu.memref_slice %arg6[%dma_wait3A_1963, %dma_wait3A_1971, %dma_wait3A_1972] : memref<3x16x2048xf32, #tpu.memory_space<vmem>> -> memref<1x16x2048xf32, #tpu.memory_space<vmem>>
      %dma_wait3A_1974 = tpu.memref_squeeze %dma_wait3A_1973 : memref<1x16x2048xf32, #tpu.memory_space<vmem>> -> memref<16x2048xf32, #tpu.memory_space<vmem>>
      %dma_wait3A_1975 = arith.constant 0 : i32
      %dma_wait3A_1976 = arith.constant 0 : i32
      %dma_wait3A_1977 = tpu.memref_slice %arg2[%dma_wait3A_1975, %dma_wait3A_1976] : memref<16x1000000xf32, #tpu.memory_space<hbm>> -> memref<16x2048xf32, #tpu.memory_space<hbm>>
      tpu.wait_dma2 semaphore(%arg10 : memref<!tpu.dma_semaphore, #tpu.memory_space<semaphore_mem>>) src(%dma_wait3A_1977 : memref<16x2048xf32, #tpu.memory_space<hbm>>) dst(%dma_wait3A_1974 : memref<16x2048xf32, #tpu.memory_space<vmem>>)
      %mul3A_1978 = arith.constant 16 : i32
      %mul3A_1979 = arith.muli %add3A_1962, %mul3A_1978 : i32
      %get3A_1980 = arith.index_cast %mul3A_1979 : i32 to index
      %get3A_1981 = tpu.vector_load %arg5[%get3A_1980] {strides = array<i32>} : memref<512xi32, #tpu.memory_space<vmem>>, vector<16xi32>,
      %shift_right_logical3A_1982 = arith.constant 7 : i32
      %shift_right_logical3A_1983 = vector.broadcast %shift_right_logical3A_1982 : i32 to vector<16xi32>
      %shift_right_logical3A_1984 = arith.shrui %get3A_1981, %shift_right_logical3A_1983 : vector<16xi32>
      %shift_left3A_1985 = arith.constant 7 : i32
      %shift_left3A_1986 = vector.broadcast %shift_left3A_1985 : i32 to vector<16xi32>
      %shift_left3A_1987 = arith.shli %shift_right_logical3A_1984, %shift_left3A_1986 : vector<16xi32>
      %sub3A_1988 = arith.subi %get3A_1981, %shift_left3A_1987 : vector<16xi32>
      %add3A_1989 = arith.addi %sub3A_1988, %mul3A_6 : vector<16xi32>
      %broadcast_in_dim3A_1990 = arith.constant 2 : i32
      %broadcast_in_dim3A_1991 = vector.broadcast %broadcast_in_dim3A_1990 : i32 to vector<16xi32>
      %broadcast_in_dim3A_1992 = arith.constant 0 : i32
      %broadcast_in_dim3A_1993 = vector.broadcast %broadcast_in_dim3A_1992 : i32 to vector<16xi32>
      %gather3A_1994 = tpu.vector_load_idx %arg6[%broadcast_in_dim3A_1991, %broadcast_in_dim3A_1993, %add3A_1989] : memref<3x16x2048xf32, #tpu.memory_space<vmem>>[vector<16xi32>, vector<16xi32>, vector<16xi32>], vector<16xf32>,
      %mul3A_1995 = arith.constant 16 : i32
      %mul3A_1996 = arith.muli %add3A_1962, %mul3A_1995 : i32
      %swap3A_1997 = arith.constant 0 : i32
      %swap3A_1998 = arith.index_cast %swap3A_1997 : i32 to index
      %swap3A_1999 = arith.index_cast %mul3A_1996 : i32 to index
      %swap3A_2000 = tpu.vector_load %arg7[%swap3A_1998, %swap3A_1999] {strides = array<i32>} : memref<16x512xf32, #tpu.memory_space<vmem>>, vector<16xf32>,
      tpu.vector_store %arg7[%swap3A_1998, %swap3A_1999], %gather3A_1994 {strides = array<i32>} : memref<16x512xf32, #tpu.memory_space<vmem>>, vector<16xf32>,
      %broadcast_in_dim3A_2001 = arith.constant 1 : i32
      %broadcast_in_dim3A_2002 = vector.broadcast %broadcast_in_dim3A_2001 : i32 to vector<16xi32>
      %gather3A_2003 = tpu.vector_load_idx %arg6[%broadcast_in_dim3A_1991, %broadcast_in_dim3A_2002, %add3A_1989] : memref<3x16x2048xf32, #tpu.memory_space<vmem>>[vector<16xi32>, vector<16xi32>, vector<16xi32>], vector<16xf32>,
      %mul3A_2004 = arith.constant 16 : i32
      %mul3A_2005 = arith.muli %add3A_1962, %mul3A_2004 : i32
      %swap3A_2006 = arith.constant 1 : i32
      %swap3A_2007 = arith.index_cast %swap3A_2006 : i32 to index
      %swap3A_2008 = arith.index_cast %mul3A_2005 : i32 to index
      %swap3A_2009 = tpu.vector_load %arg7[%swap3A_2007, %swap3A_2008] {strides = array<i32>} : memref<16x512xf32, #tpu.memory_space<vmem>>, vector<16xf32>,
      tpu.vector_store %arg7[%swap3A_2007, %swap3A_2008], %gather3A_2003 {strides = array<i32>} : memref<16x512xf32, #tpu.memory_space<vmem>>, vector<16xf32>,
      %broadcast_in_dim3A_2010 = arith.constant 2 : i32
      %broadcast_in_dim3A_2011 = vector.broadcast %broadcast_in_dim3A_2010 : i32 to vector<16xi32>
      %gather3A_2012 = tpu.vector_load_idx %arg6[%broadcast_in_dim3A_1991, %broadcast_in_dim3A_2011, %add3A_1989] : memref<3x16x2048xf32, #tpu.memory_space<vmem>>[vector<16xi32>, vector<16xi32>, vector<16xi32>], vector<16xf32>,
      %mul3A_2013 = arith.constant 16 : i32
      %mul3A_2014 = arith.muli %add3A_1962, %mul3A_2013 : i32
      %swap3A_2015 = arith.constant 2 : i32
      %swap3A_2016 = arith.index_cast %swap3A_2015 : i32 to index
      %swap3A_2017 = arith.index_cast %mul3A_2014 : i32 to index
      %swap3A_2018 = tpu.vector_load %arg7[%swap3A_2016, %swap3A_2017] {strides = array<i32>} : memref<16x512xf32, #tpu.memory_space<vmem>>, vector<16xf32>,
      tpu.vector_store %arg7[%swap3A_2016, %swap3A_2017], %gather3A_2012 {strides = array<i32>} : memref<16x512xf32, #tpu.memory_space<vmem>>, vector<16xf32>,
      %broadcast_in_dim3A_2019 = arith.constant 3 : i32
      %broadcast_in_dim3A_2020 = vector.broadcast %broadcast_in_dim3A_2019 : i32 to vector<16xi32>
      %gather3A_2021 = tpu.vector_load_idx %arg6[%broadcast_in_dim3A_1991, %broadcast_in_dim3A_2020, %add3A_1989] : memref<3x16x2048xf32, #tpu.memory_space<vmem>>[vector<16xi32>, vector<16xi32>, vector<16xi32>], vector<16xf32>,
      %mul3A_2022 = arith.constant 16 : i32
      %mul3A_2023 = arith.muli %add3A_1962, %mul3A_2022 : i32
      %swap3A_2024 = arith.constant 3 : i32
      %swap3A_2025 = arith.index_cast %swap3A_2024 : i32 to index
      %swap3A_2026 = arith.index_cast %mul3A_2023 : i32 to index
      %swap3A_2027 = tpu.vector_load %arg7[%swap3A_2025, %swap3A_2026] {strides = array<i32>} : memref<16x512xf32, #tpu.memory_space<vmem>>, vector<16xf32>,
      tpu.vector_store %arg7[%swap3A_2025, %swap3A_2026], %gather3A_2021 {strides = array<i32>} : memref<16x512xf32, #tpu.memory_space<vmem>>, vector<16xf32>,
      %broadcast_in_dim3A_2028 = arith.constant 4 : i32
      %broadcast_in_dim3A_2029 = vector.broadcast %broadcast_in_dim3A_2028 : i32 to vector<16xi32>
      %gather3A_2030 = tpu.vector_load_idx %arg6[%broadcast_in_dim3A_1991, %broadcast_in_dim3A_2029, %add3A_1989] : memref<3x16x2048xf32, #tpu.memory_space<vmem>>[vector<16xi32>, vector<16xi32>, vector<16xi32>], vector<16xf32>,
      %mul3A_2031 = arith.constant 16 : i32
      %mul3A_2032 = arith.muli %add3A_1962, %mul3A_2031 : i32
      %swap3A_2033 = arith.constant 4 : i32
      %swap3A_2034 = arith.index_cast %swap3A_2033 : i32 to index
      %swap3A_2035 = arith.index_cast %mul3A_2032 : i32 to index
      %swap3A_2036 = tpu.vector_load %arg7[%swap3A_2034, %swap3A_2035] {strides = array<i32>} : memref<16x512xf32, #tpu.memory_space<vmem>>, vector<16xf32>,
      tpu.vector_store %arg7[%swap3A_2034, %swap3A_2035], %gather3A_2030 {strides = array<i32>} : memref<16x512xf32, #tpu.memory_space<vmem>>, vector<16xf32>,
      %broadcast_in_dim3A_2037 = arith.constant 5 : i32
      %broadcast_in_dim3A_2038 = vector.broadcast %broadcast_in_dim3A_2037 : i32 to vector<16xi32>
      %gather3A_2039 = tpu.vector_load_idx %arg6[%broadcast_in_dim3A_1991, %broadcast_in_dim3A_2038, %add3A_1989] : memref<3x16x2048xf32, #tpu.memory_space<vmem>>[vector<16xi32>, vector<16xi32>, vector<16xi32>], vector<16xf32>,
      %mul3A_2040 = arith.constant 16 : i32
      %mul3A_2041 = arith.muli %add3A_1962, %mul3A_2040 : i32
      %swap3A_2042 = arith.constant 5 : i32
      %swap3A_2043 = arith.index_cast %swap3A_2042 : i32 to index
      %swap3A_2044 = arith.index_cast %mul3A_2041 : i32 to index
      %swap3A_2045 = tpu.vector_load %arg7[%swap3A_2043, %swap3A_2044] {strides = array<i32>} : memref<16x512xf32, #tpu.memory_space<vmem>>, vector<16xf32>,
      tpu.vector_store %arg7[%swap3A_2043, %swap3A_2044], %gather3A_2039 {strides = array<i32>} : memref<16x512xf32, #tpu.memory_space<vmem>>, vector<16xf32>,
      %broadcast_in_dim3A_2046 = arith.constant 6 : i32
      %broadcast_in_dim3A_2047 = vector.broadcast %broadcast_in_dim3A_2046 : i32 to vector<16xi32>
      %gather3A_2048 = tpu.vector_load_idx %arg6[%broadcast_in_dim3A_1991, %broadcast_in_dim3A_2047, %add3A_1989] : memref<3x16x2048xf32, #tpu.memory_space<vmem>>[vector<16xi32>, vector<16xi32>, vector<16xi32>], vector<16xf32>,
      %mul3A_2049 = arith.constant 16 : i32
      %mul3A_2050 = arith.muli %add3A_1962, %mul3A_2049 : i32
      %swap3A_2051 = arith.constant 6 : i32
      %swap3A_2052 = arith.index_cast %swap3A_2051 : i32 to index
      %swap3A_2053 = arith.index_cast %mul3A_2050 : i32 to index
      %swap3A_2054 = tpu.vector_load %arg7[%swap3A_2052, %swap3A_2053] {strides = array<i32>} : memref<16x512xf32, #tpu.memory_space<vmem>>, vector<16xf32>,
      tpu.vector_store %arg7[%swap3A_2052, %swap3A_2053], %gather3A_2048 {strides = array<i32>} : memref<16x512xf32, #tpu.memory_space<vmem>>, vector<16xf32>,
      %broadcast_in_dim3A_2055 = arith.constant 7 : i32
      %broadcast_in_dim3A_2056 = vector.broadcast %broadcast_in_dim3A_2055 : i32 to vector<16xi32>
      %gather3A_2057 = tpu.vector_load_idx %arg6[%broadcast_in_dim3A_1991, %broadcast_in_dim3A_2056, %add3A_1989] : memref<3x16x2048xf32, #tpu.memory_space<vmem>>[vector<16xi32>, vector<16xi32>, vector<16xi32>], vector<16xf32>,
      %mul3A_2058 = arith.constant 16 : i32
      %mul3A_2059 = arith.muli %add3A_1962, %mul3A_2058 : i32
      %swap3A_2060 = arith.constant 7 : i32
      %swap3A_2061 = arith.index_cast %swap3A_2060 : i32 to index
      %swap3A_2062 = arith.index_cast %mul3A_2059 : i32 to index
      %swap3A_2063 = tpu.vector_load %arg7[%swap3A_2061, %swap3A_2062] {strides = array<i32>} : memref<16x512xf32, #tpu.memory_space<vmem>>, vector<16xf32>,
      tpu.vector_store %arg7[%swap3A_2061, %swap3A_2062], %gather3A_2057 {strides = array<i32>} : memref<16x512xf32, #tpu.memory_space<vmem>>, vector<16xf32>,
      %broadcast_in_dim3A_2064 = arith.constant 8 : i32
      %broadcast_in_dim3A_2065 = vector.broadcast %broadcast_in_dim3A_2064 : i32 to vector<16xi32>
      %gather3A_2066 = tpu.vector_load_idx %arg6[%broadcast_in_dim3A_1991, %broadcast_in_dim3A_2065, %add3A_1989] : memref<3x16x2048xf32, #tpu.memory_space<vmem>>[vector<16xi32>, vector<16xi32>, vector<16xi32>], vector<16xf32>,
      %mul3A_2067 = arith.constant 16 : i32
      %mul3A_2068 = arith.muli %add3A_1962, %mul3A_2067 : i32
      %swap3A_2069 = arith.constant 8 : i32
      %swap3A_2070 = arith.index_cast %swap3A_2069 : i32 to index
      %swap3A_2071 = arith.index_cast %mul3A_2068 : i32 to index
      %swap3A_2072 = tpu.vector_load %arg7[%swap3A_2070, %swap3A_2071] {strides = array<i32>} : memref<16x512xf32, #tpu.memory_space<vmem>>, vector<16xf32>,
      tpu.vector_store %arg7[%swap3A_2070, %swap3A_2071], %gather3A_2066 {strides = array<i32>} : memref<16x512xf32, #tpu.memory_space<vmem>>, vector<16xf32>,
      %broadcast_in_dim3A_2073 = arith.constant 9 : i32
      %broadcast_in_dim3A_2074 = vector.broadcast %broadcast_in_dim3A_2073 : i32 to vector<16xi32>
      %gather3A_2075 = tpu.vector_load_idx %arg6[%broadcast_in_dim3A_1991, %broadcast_in_dim3A_2074, %add3A_1989] : memref<3x16x2048xf32, #tpu.memory_space<vmem>>[vector<16xi32>, vector<16xi32>, vector<16xi32>], vector<16xf32>,
      %mul3A_2076 = arith.constant 16 : i32
      %mul3A_2077 = arith.muli %add3A_1962, %mul3A_2076 : i32
      %swap3A_2078 = arith.constant 9 : i32
      %swap3A_2079 = arith.index_cast %swap3A_2078 : i32 to index
      %swap3A_2080 = arith.index_cast %mul3A_2077 : i32 to index
      %swap3A_2081 = tpu.vector_load %arg7[%swap3A_2079, %swap3A_2080] {strides = array<i32>} : memref<16x512xf32, #tpu.memory_space<vmem>>, vector<16xf32>,
      tpu.vector_store %arg7[%swap3A_2079, %swap3A_2080], %gather3A_2075 {strides = array<i32>} : memref<16x512xf32, #tpu.memory_space<vmem>>, vector<16xf32>,
      %broadcast_in_dim3A_2082 = arith.constant 10 : i32
      %broadcast_in_dim3A_2083 = vector.broadcast %broadcast_in_dim3A_2082 : i32 to vector<16xi32>
      %gather3A_2084 = tpu.vector_load_idx %arg6[%broadcast_in_dim3A_1991, %broadcast_in_dim3A_2083, %add3A_1989] : memref<3x16x2048xf32, #tpu.memory_space<vmem>>[vector<16xi32>, vector<16xi32>, vector<16xi32>], vector<16xf32>,
      %mul3A_2085 = arith.constant 16 : i32
      %mul3A_2086 = arith.muli %add3A_1962, %mul3A_2085 : i32
      %swap3A_2087 = arith.constant 10 : i32
      %swap3A_2088 = arith.index_cast %swap3A_2087 : i32 to index
      %swap3A_2089 = arith.index_cast %mul3A_2086 : i32 to index
      %swap3A_2090 = tpu.vector_load %arg7[%swap3A_2088, %swap3A_2089] {strides = array<i32>} : memref<16x512xf32, #tpu.memory_space<vmem>>, vector<16xf32>,
      tpu.vector_store %arg7[%swap3A_2088, %swap3A_2089], %gather3A_2084 {strides = array<i32>} : memref<16x512xf32, #tpu.memory_space<vmem>>, vector<16xf32>,
      %broadcast_in_dim3A_2091 = arith.constant 11 : i32
      %broadcast_in_dim3A_2092 = vector.broadcast %broadcast_in_dim3A_2091 : i32 to vector<16xi32>
      %gather3A_2093 = tpu.vector_load_idx %arg6[%broadcast_in_dim3A_1991, %broadcast_in_dim3A_2092, %add3A_1989] : memref<3x16x2048xf32, #tpu.memory_space<vmem>>[vector<16xi32>, vector<16xi32>, vector<16xi32>], vector<16xf32>,
      %mul3A_2094 = arith.constant 16 : i32
      %mul3A_2095 = arith.muli %add3A_1962, %mul3A_2094 : i32
      %swap3A_2096 = arith.constant 11 : i32
      %swap3A_2097 = arith.index_cast %swap3A_2096 : i32 to index
      %swap3A_2098 = arith.index_cast %mul3A_2095 : i32 to index
      %swap3A_2099 = tpu.vector_load %arg7[%swap3A_2097, %swap3A_2098] {strides = array<i32>} : memref<16x512xf32, #tpu.memory_space<vmem>>, vector<16xf32>,
      tpu.vector_store %arg7[%swap3A_2097, %swap3A_2098], %gather3A_2093 {strides = array<i32>} : memref<16x512xf32, #tpu.memory_space<vmem>>, vector<16xf32>,
      %broadcast_in_dim3A_2100 = arith.constant 12 : i32
      %broadcast_in_dim3A_2101 = vector.broadcast %broadcast_in_dim3A_2100 : i32 to vector<16xi32>
      %gather3A_2102 = tpu.vector_load_idx %arg6[%broadcast_in_dim3A_1991, %broadcast_in_dim3A_2101, %add3A_1989] : memref<3x16x2048xf32, #tpu.memory_space<vmem>>[vector<16xi32>, vector<16xi32>, vector<16xi32>], vector<16xf32>,
      %mul3A_2103 = arith.constant 16 : i32
      %mul3A_2104 = arith.muli %add3A_1962, %mul3A_2103 : i32
      %swap3A_2105 = arith.constant 12 : i32
      %swap3A_2106 = arith.index_cast %swap3A_2105 : i32 to index
      %swap3A_2107 = arith.index_cast %mul3A_2104 : i32 to index
      %swap3A_2108 = tpu.vector_load %arg7[%swap3A_2106, %swap3A_2107] {strides = array<i32>} : memref<16x512xf32, #tpu.memory_space<vmem>>, vector<16xf32>,
      tpu.vector_store %arg7[%swap3A_2106, %swap3A_2107], %gather3A_2102 {strides = array<i32>} : memref<16x512xf32, #tpu.memory_space<vmem>>, vector<16xf32>,
      %broadcast_in_dim3A_2109 = arith.constant 13 : i32
      %broadcast_in_dim3A_2110 = vector.broadcast %broadcast_in_dim3A_2109 : i32 to vector<16xi32>
      %gather3A_2111 = tpu.vector_load_idx %arg6[%broadcast_in_dim3A_1991, %broadcast_in_dim3A_2110, %add3A_1989] : memref<3x16x2048xf32, #tpu.memory_space<vmem>>[vector<16xi32>, vector<16xi32>, vector<16xi32>], vector<16xf32>,
      %mul3A_2112 = arith.constant 16 : i32
      %mul3A_2113 = arith.muli %add3A_1962, %mul3A_2112 : i32
      %swap3A_2114 = arith.constant 13 : i32
      %swap3A_2115 = arith.index_cast %swap3A_2114 : i32 to index
      %swap3A_2116 = arith.index_cast %mul3A_2113 : i32 to index
      %swap3A_2117 = tpu.vector_load %arg7[%swap3A_2115, %swap3A_2116] {strides = array<i32>} : memref<16x512xf32, #tpu.memory_space<vmem>>, vector<16xf32>,
      tpu.vector_store %arg7[%swap3A_2115, %swap3A_2116], %gather3A_2111 {strides = array<i32>} : memref<16x512xf32, #tpu.memory_space<vmem>>, vector<16xf32>,
      %broadcast_in_dim3A_2118 = arith.constant 14 : i32
      %broadcast_in_dim3A_2119 = vector.broadcast %broadcast_in_dim3A_2118 : i32 to vector<16xi32>
      %gather3A_2120 = tpu.vector_load_idx %arg6[%broadcast_in_dim3A_1991, %broadcast_in_dim3A_2119, %add3A_1989] : memref<3x16x2048xf32, #tpu.memory_space<vmem>>[vector<16xi32>, vector<16xi32>, vector<16xi32>], vector<16xf32>,
      %mul3A_2121 = arith.constant 16 : i32
      %mul3A_2122 = arith.muli %add3A_1962, %mul3A_2121 : i32
      %swap3A_2123 = arith.constant 14 : i32
      %swap3A_2124 = arith.index_cast %swap3A_2123 : i32 to index
      %swap3A_2125 = arith.index_cast %mul3A_2122 : i32 to index
      %swap3A_2126 = tpu.vector_load %arg7[%swap3A_2124, %swap3A_2125] {strides = array<i32>} : memref<16x512xf32, #tpu.memory_space<vmem>>, vector<16xf32>,
      tpu.vector_store %arg7[%swap3A_2124, %swap3A_2125], %gather3A_2120 {strides = array<i32>} : memref<16x512xf32, #tpu.memory_space<vmem>>, vector<16xf32>,
      %broadcast_in_dim3A_2127 = arith.constant 15 : i32
      %broadcast_in_dim3A_2128 = vector.broadcast %broadcast_in_dim3A_2127 : i32 to vector<16xi32>
      %gather3A_2129 = tpu.vector_load_idx %arg6[%broadcast_in_dim3A_1991, %broadcast_in_dim3A_2128, %add3A_1989] : memref<3x16x2048xf32, #tpu.memory_space<vmem>>[vector<16xi32>, vector<16xi32>, vector<16xi32>], vector<16xf32>,
      %mul3A_2130 = arith.constant 16 : i32
      %mul3A_2131 = arith.muli %add3A_1962, %mul3A_2130 : i32
      %swap3A_2132 = arith.constant 15 : i32
      %swap3A_2133 = arith.index_cast %swap3A_2132 : i32 to index
      %swap3A_2134 = arith.index_cast %mul3A_2131 : i32 to index
      %swap3A_2135 = tpu.vector_load %arg7[%swap3A_2133, %swap3A_2134] {strides = array<i32>} : memref<16x512xf32, #tpu.memory_space<vmem>>, vector<16xf32>,
      tpu.vector_store %arg7[%swap3A_2133, %swap3A_2134], %gather3A_2129 {strides = array<i32>} : memref<16x512xf32, #tpu.memory_space<vmem>>, vector<16xf32>,
    }
    %scan3A_532 = arith.constant 10 : i32
    %dma_wait3A = arith.constant 0 : i32
    %dma_wait3A_533 = arith.constant 0 : i32
    %dma_wait3A_534 = arith.constant 0 : i32
    %dma_wait3A_535 = tpu.memref_slice %arg6[%dma_wait3A, %dma_wait3A_533, %dma_wait3A_534] : memref<3x16x2048xf32, #tpu.memory_space<vmem>> -> memref<1x16x2048xf32, #tpu.memory_space<vmem>>
    %dma_wait3A_536 = tpu.memref_squeeze %dma_wait3A_535 : memref<1x16x2048xf32, #tpu.memory_space<vmem>> -> memref<16x2048xf32, #tpu.memory_space<vmem>>
    %dma_wait3A_537 = arith.constant 0 : i32
    %dma_wait3A_538 = arith.constant 0 : i32
    %dma_wait3A_539 = tpu.memref_slice %arg2[%dma_wait3A_537, %dma_wait3A_538] : memref<16x1000000xf32, #tpu.memory_space<hbm>> -> memref<16x2048xf32, #tpu.memory_space<hbm>>
    %dma_wait3A_540 = arith.constant 0 : i32
    %dma_wait3A_541 = arith.constant 0 : i32
    %dma_wait3A_542 = tpu.memref_slice %arg6[%dma_wait3A, %dma_wait3A_540, %dma_wait3A_541] : memref<3x16x2048xf32, #tpu.memory_space<vmem>> -> memref<1x16x2048xf32, #tpu.memory_space<vmem>>
    %dma_wait3A_543 = tpu.memref_squeeze %dma_wait3A_542 : memref<1x16x2048xf32, #tpu.memory_space<vmem>> -> memref<16x2048xf32, #tpu.memory_space<vmem>>
    %dma_wait3A_544 = arith.constant 0 : i32
    %dma_wait3A_545 = arith.constant 0 : i32
    %dma_wait3A_546 = tpu.memref_slice %arg2[%dma_wait3A_544, %dma_wait3A_545] : memref<16x1000000xf32, #tpu.memory_space<hbm>> -> memref<16x2048xf32, #tpu.memory_space<hbm>>
    tpu.wait_dma2 semaphore(%arg8 : memref<!tpu.dma_semaphore, #tpu.memory_space<semaphore_mem>>) src(%dma_wait3A_546 : memref<16x2048xf32, #tpu.memory_space<hbm>>) dst(%dma_wait3A_543 : memref<16x2048xf32, #tpu.memory_space<vmem>>)
    %get3A_547 = arith.constant 480 : index
    %get3A_548 = tpu.vector_load %arg5[%get3A_547] {strides = array<i32>} : memref<512xi32, #tpu.memory_space<vmem>>, vector<16xi32>,
    %shift_right_logical3A_549 = arith.constant 7 : i32
    %shift_right_logical3A_550 = vector.broadcast %shift_right_logical3A_549 : i32 to vector<16xi32>
    %shift_right_logical3A_551 = arith.shrui %get3A_548, %shift_right_logical3A_550 : vector<16xi32>
    %shift_left3A_552 = arith.constant 7 : i32
    %shift_left3A_553 = vector.broadcast %shift_left3A_552 : i32 to vector<16xi32>
    %shift_left3A_554 = arith.shli %shift_right_logical3A_551, %shift_left3A_553 : vector<16xi32>
    %sub3A = arith.subi %get3A_548, %shift_left3A_554 : vector<16xi32>
    %add3A_555 = arith.addi %sub3A, %mul3A_6 : vector<16xi32>
    %broadcast_in_dim3A = arith.constant 0 : i32
    %broadcast_in_dim3A_556 = vector.broadcast %broadcast_in_dim3A : i32 to vector<16xi32>
    %broadcast_in_dim3A_557 = arith.constant 0 : i32
    %broadcast_in_dim3A_558 = vector.broadcast %broadcast_in_dim3A_557 : i32 to vector<16xi32>
    %gather3A = tpu.vector_load_idx %arg6[%broadcast_in_dim3A_556, %broadcast_in_dim3A_558, %add3A_555] : memref<3x16x2048xf32, #tpu.memory_space<vmem>>[vector<16xi32>, vector<16xi32>, vector<16xi32>], vector<16xf32>,
    %swap3A = arith.constant 0 : i32
    %swap3A_559 = arith.index_cast %swap3A : i32 to index
    %swap3A_560 = arith.constant 480 : index
    %swap3A_561 = tpu.vector_load %arg7[%swap3A_559, %swap3A_560] {strides = array<i32>} : memref<16x512xf32, #tpu.memory_space<vmem>>, vector<16xf32>,
    tpu.vector_store %arg7[%swap3A_559, %swap3A_560], %gather3A {strides = array<i32>} : memref<16x512xf32, #tpu.memory_space<vmem>>, vector<16xf32>,
    %broadcast_in_dim3A_562 = arith.constant 1 : i32
    %broadcast_in_dim3A_563 = vector.broadcast %broadcast_in_dim3A_562 : i32 to vector<16xi32>
    %gather3A_564 = tpu.vector_load_idx %arg6[%broadcast_in_dim3A_556, %broadcast_in_dim3A_563, %add3A_555] : memref<3x16x2048xf32, #tpu.memory_space<vmem>>[vector<16xi32>, vector<16xi32>, vector<16xi32>], vector<16xf32>,
    %swap3A_565 = arith.constant 1 : i32
    %swap3A_566 = arith.index_cast %swap3A_565 : i32 to index
    %swap3A_567 = arith.constant 480 : index
    %swap3A_568 = tpu.vector_load %arg7[%swap3A_566, %swap3A_567] {strides = array<i32>} : memref<16x512xf32, #tpu.memory_space<vmem>>, vector<16xf32>,
    tpu.vector_store %arg7[%swap3A_566, %swap3A_567], %gather3A_564 {strides = array<i32>} : memref<16x512xf32, #tpu.memory_space<vmem>>, vector<16xf32>,
    %broadcast_in_dim3A_569 = arith.constant 2 : i32
    %broadcast_in_dim3A_570 = vector.broadcast %broadcast_in_dim3A_569 : i32 to vector<16xi32>
    %gather3A_571 = tpu.vector_load_idx %arg6[%broadcast_in_dim3A_556, %broadcast_in_dim3A_570, %add3A_555] : memref<3x16x2048xf32, #tpu.memory_space<vmem>>[vector<16xi32>, vector<16xi32>, vector<16xi32>], vector<16xf32>,
    %swap3A_572 = arith.constant 2 : i32
    %swap3A_573 = arith.index_cast %swap3A_572 : i32 to index
    %swap3A_574 = arith.constant 480 : index
    %swap3A_575 = tpu.vector_load %arg7[%swap3A_573, %swap3A_574] {strides = array<i32>} : memref<16x512xf32, #tpu.memory_space<vmem>>, vector<16xf32>,
    tpu.vector_store %arg7[%swap3A_573, %swap3A_574], %gather3A_571 {strides = array<i32>} : memref<16x512xf32, #tpu.memory_space<vmem>>, vector<16xf32>,
    %broadcast_in_dim3A_576 = arith.constant 3 : i32
    %broadcast_in_dim3A_577 = vector.broadcast %broadcast_in_dim3A_576 : i32 to vector<16xi32>
    %gather3A_578 = tpu.vector_load_idx %arg6[%broadcast_in_dim3A_556, %broadcast_in_dim3A_577, %add3A_555] : memref<3x16x2048xf32, #tpu.memory_space<vmem>>[vector<16xi32>, vector<16xi32>, vector<16xi32>], vector<16xf32>,
    %swap3A_579 = arith.constant 3 : i32
    %swap3A_580 = arith.index_cast %swap3A_579 : i32 to index
    %swap3A_581 = arith.constant 480 : index
    %swap3A_582 = tpu.vector_load %arg7[%swap3A_580, %swap3A_581] {strides = array<i32>} : memref<16x512xf32, #tpu.memory_space<vmem>>, vector<16xf32>,
    tpu.vector_store %arg7[%swap3A_580, %swap3A_581], %gather3A_578 {strides = array<i32>} : memref<16x512xf32, #tpu.memory_space<vmem>>, vector<16xf32>,
    %broadcast_in_dim3A_583 = arith.constant 4 : i32
    %broadcast_in_dim3A_584 = vector.broadcast %broadcast_in_dim3A_583 : i32 to vector<16xi32>
    %gather3A_585 = tpu.vector_load_idx %arg6[%broadcast_in_dim3A_556, %broadcast_in_dim3A_584, %add3A_555] : memref<3x16x2048xf32, #tpu.memory_space<vmem>>[vector<16xi32>, vector<16xi32>, vector<16xi32>], vector<16xf32>,
    %swap3A_586 = arith.constant 4 : i32
    %swap3A_587 = arith.index_cast %swap3A_586 : i32 to index
    %swap3A_588 = arith.constant 480 : index
    %swap3A_589 = tpu.vector_load %arg7[%swap3A_587, %swap3A_588] {strides = array<i32>} : memref<16x512xf32, #tpu.memory_space<vmem>>, vector<16xf32>,
    tpu.vector_store %arg7[%swap3A_587, %swap3A_588], %gather3A_585 {strides = array<i32>} : memref<16x512xf32, #tpu.memory_space<vmem>>, vector<16xf32>,
    %broadcast_in_dim3A_590 = arith.constant 5 : i32
    %broadcast_in_dim3A_591 = vector.broadcast %broadcast_in_dim3A_590 : i32 to vector<16xi32>
    %gather3A_592 = tpu.vector_load_idx %arg6[%broadcast_in_dim3A_556, %broadcast_in_dim3A_591, %add3A_555] : memref<3x16x2048xf32, #tpu.memory_space<vmem>>[vector<16xi32>, vector<16xi32>, vector<16xi32>], vector<16xf32>,
    %swap3A_593 = arith.constant 5 : i32
    %swap3A_594 = arith.index_cast %swap3A_593 : i32 to index
    %swap3A_595 = arith.constant 480 : index
    %swap3A_596 = tpu.vector_load %arg7[%swap3A_594, %swap3A_595] {strides = array<i32>} : memref<16x512xf32, #tpu.memory_space<vmem>>, vector<16xf32>,
    tpu.vector_store %arg7[%swap3A_594, %swap3A_595], %gather3A_592 {strides = array<i32>} : memref<16x512xf32, #tpu.memory_space<vmem>>, vector<16xf32>,
    %broadcast_in_dim3A_597 = arith.constant 6 : i32
    %broadcast_in_dim3A_598 = vector.broadcast %broadcast_in_dim3A_597 : i32 to vector<16xi32>
    %gather3A_599 = tpu.vector_load_idx %arg6[%broadcast_in_dim3A_556, %broadcast_in_dim3A_598, %add3A_555] : memref<3x16x2048xf32, #tpu.memory_space<vmem>>[vector<16xi32>, vector<16xi32>, vector<16xi32>], vector<16xf32>,
    %swap3A_600 = arith.constant 6 : i32
    %swap3A_601 = arith.index_cast %swap3A_600 : i32 to index
    %swap3A_602 = arith.constant 480 : index
    %swap3A_603 = tpu.vector_load %arg7[%swap3A_601, %swap3A_602] {strides = array<i32>} : memref<16x512xf32, #tpu.memory_space<vmem>>, vector<16xf32>,
    tpu.vector_store %arg7[%swap3A_601, %swap3A_602], %gather3A_599 {strides = array<i32>} : memref<16x512xf32, #tpu.memory_space<vmem>>, vector<16xf32>,
    %broadcast_in_dim3A_604 = arith.constant 7 : i32
    %broadcast_in_dim3A_605 = vector.broadcast %broadcast_in_dim3A_604 : i32 to vector<16xi32>
    %gather3A_606 = tpu.vector_load_idx %arg6[%broadcast_in_dim3A_556, %broadcast_in_dim3A_605, %add3A_555] : memref<3x16x2048xf32, #tpu.memory_space<vmem>>[vector<16xi32>, vector<16xi32>, vector<16xi32>], vector<16xf32>,
    %swap3A_607 = arith.constant 7 : i32
    %swap3A_608 = arith.index_cast %swap3A_607 : i32 to index
    %swap3A_609 = arith.constant 480 : index
    %swap3A_610 = tpu.vector_load %arg7[%swap3A_608, %swap3A_609] {strides = array<i32>} : memref<16x512xf32, #tpu.memory_space<vmem>>, vector<16xf32>,
    tpu.vector_store %arg7[%swap3A_608, %swap3A_609], %gather3A_606 {strides = array<i32>} : memref<16x512xf32, #tpu.memory_space<vmem>>, vector<16xf32>,
    %broadcast_in_dim3A_611 = arith.constant 8 : i32
    %broadcast_in_dim3A_612 = vector.broadcast %broadcast_in_dim3A_611 : i32 to vector<16xi32>
    %gather3A_613 = tpu.vector_load_idx %arg6[%broadcast_in_dim3A_556, %broadcast_in_dim3A_612, %add3A_555] : memref<3x16x2048xf32, #tpu.memory_space<vmem>>[vector<16xi32>, vector<16xi32>, vector<16xi32>], vector<16xf32>,
    %swap3A_614 = arith.constant 8 : i32
    %swap3A_615 = arith.index_cast %swap3A_614 : i32 to index
    %swap3A_616 = arith.constant 480 : index
    %swap3A_617 = tpu.vector_load %arg7[%swap3A_615, %swap3A_616] {strides = array<i32>} : memref<16x512xf32, #tpu.memory_space<vmem>>, vector<16xf32>,
    tpu.vector_store %arg7[%swap3A_615, %swap3A_616], %gather3A_613 {strides = array<i32>} : memref<16x512xf32, #tpu.memory_space<vmem>>, vector<16xf32>,
    %broadcast_in_dim3A_618 = arith.constant 9 : i32
    %broadcast_in_dim3A_619 = vector.broadcast %broadcast_in_dim3A_618 : i32 to vector<16xi32>
    %gather3A_620 = tpu.vector_load_idx %arg6[%broadcast_in_dim3A_556, %broadcast_in_dim3A_619, %add3A_555] : memref<3x16x2048xf32, #tpu.memory_space<vmem>>[vector<16xi32>, vector<16xi32>, vector<16xi32>], vector<16xf32>,
    %swap3A_621 = arith.constant 9 : i32
    %swap3A_622 = arith.index_cast %swap3A_621 : i32 to index
    %swap3A_623 = arith.constant 480 : index
    %swap3A_624 = tpu.vector_load %arg7[%swap3A_622, %swap3A_623] {strides = array<i32>} : memref<16x512xf32, #tpu.memory_space<vmem>>, vector<16xf32>,
    tpu.vector_store %arg7[%swap3A_622, %swap3A_623], %gather3A_620 {strides = array<i32>} : memref<16x512xf32, #tpu.memory_space<vmem>>, vector<16xf32>,
    %broadcast_in_dim3A_625 = arith.constant 10 : i32
    %broadcast_in_dim3A_626 = vector.broadcast %broadcast_in_dim3A_625 : i32 to vector<16xi32>
    %gather3A_627 = tpu.vector_load_idx %arg6[%broadcast_in_dim3A_556, %broadcast_in_dim3A_626, %add3A_555] : memref<3x16x2048xf32, #tpu.memory_space<vmem>>[vector<16xi32>, vector<16xi32>, vector<16xi32>], vector<16xf32>,
    %swap3A_628 = arith.constant 10 : i32
    %swap3A_629 = arith.index_cast %swap3A_628 : i32 to index
    %swap3A_630 = arith.constant 480 : index
    %swap3A_631 = tpu.vector_load %arg7[%swap3A_629, %swap3A_630] {strides = array<i32>} : memref<16x512xf32, #tpu.memory_space<vmem>>, vector<16xf32>,
    tpu.vector_store %arg7[%swap3A_629, %swap3A_630], %gather3A_627 {strides = array<i32>} : memref<16x512xf32, #tpu.memory_space<vmem>>, vector<16xf32>,
    %broadcast_in_dim3A_632 = arith.constant 11 : i32
    %broadcast_in_dim3A_633 = vector.broadcast %broadcast_in_dim3A_632 : i32 to vector<16xi32>
    %gather3A_634 = tpu.vector_load_idx %arg6[%broadcast_in_dim3A_556, %broadcast_in_dim3A_633, %add3A_555] : memref<3x16x2048xf32, #tpu.memory_space<vmem>>[vector<16xi32>, vector<16xi32>, vector<16xi32>], vector<16xf32>,
    %swap3A_635 = arith.constant 11 : i32
    %swap3A_636 = arith.index_cast %swap3A_635 : i32 to index
    %swap3A_637 = arith.constant 480 : index
    %swap3A_638 = tpu.vector_load %arg7[%swap3A_636, %swap3A_637] {strides = array<i32>} : memref<16x512xf32, #tpu.memory_space<vmem>>, vector<16xf32>,
    tpu.vector_store %arg7[%swap3A_636, %swap3A_637], %gather3A_634 {strides = array<i32>} : memref<16x512xf32, #tpu.memory_space<vmem>>, vector<16xf32>,
    %broadcast_in_dim3A_639 = arith.constant 12 : i32
    %broadcast_in_dim3A_640 = vector.broadcast %broadcast_in_dim3A_639 : i32 to vector<16xi32>
    %gather3A_641 = tpu.vector_load_idx %arg6[%broadcast_in_dim3A_556, %broadcast_in_dim3A_640, %add3A_555] : memref<3x16x2048xf32, #tpu.memory_space<vmem>>[vector<16xi32>, vector<16xi32>, vector<16xi32>], vector<16xf32>,
    %swap3A_642 = arith.constant 12 : i32
    %swap3A_643 = arith.index_cast %swap3A_642 : i32 to index
    %swap3A_644 = arith.constant 480 : index
    %swap3A_645 = tpu.vector_load %arg7[%swap3A_643, %swap3A_644] {strides = array<i32>} : memref<16x512xf32, #tpu.memory_space<vmem>>, vector<16xf32>,
    tpu.vector_store %arg7[%swap3A_643, %swap3A_644], %gather3A_641 {strides = array<i32>} : memref<16x512xf32, #tpu.memory_space<vmem>>, vector<16xf32>,
    %broadcast_in_dim3A_646 = arith.constant 13 : i32
    %broadcast_in_dim3A_647 = vector.broadcast %broadcast_in_dim3A_646 : i32 to vector<16xi32>
    %gather3A_648 = tpu.vector_load_idx %arg6[%broadcast_in_dim3A_556, %broadcast_in_dim3A_647, %add3A_555] : memref<3x16x2048xf32, #tpu.memory_space<vmem>>[vector<16xi32>, vector<16xi32>, vector<16xi32>], vector<16xf32>,
    %swap3A_649 = arith.constant 13 : i32
    %swap3A_650 = arith.index_cast %swap3A_649 : i32 to index
    %swap3A_651 = arith.constant 480 : index
    %swap3A_652 = tpu.vector_load %arg7[%swap3A_650, %swap3A_651] {strides = array<i32>} : memref<16x512xf32, #tpu.memory_space<vmem>>, vector<16xf32>,
    tpu.vector_store %arg7[%swap3A_650, %swap3A_651], %gather3A_648 {strides = array<i32>} : memref<16x512xf32, #tpu.memory_space<vmem>>, vector<16xf32>,
    %broadcast_in_dim3A_653 = arith.constant 14 : i32
    %broadcast_in_dim3A_654 = vector.broadcast %broadcast_in_dim3A_653 : i32 to vector<16xi32>
    %gather3A_655 = tpu.vector_load_idx %arg6[%broadcast_in_dim3A_556, %broadcast_in_dim3A_654, %add3A_555] : memref<3x16x2048xf32, #tpu.memory_space<vmem>>[vector<16xi32>, vector<16xi32>, vector<16xi32>], vector<16xf32>,
    %swap3A_656 = arith.constant 14 : i32
    %swap3A_657 = arith.index_cast %swap3A_656 : i32 to index
    %swap3A_658 = arith.constant 480 : index
    %swap3A_659 = tpu.vector_load %arg7[%swap3A_657, %swap3A_658] {strides = array<i32>} : memref<16x512xf32, #tpu.memory_space<vmem>>, vector<16xf32>,
    tpu.vector_store %arg7[%swap3A_657, %swap3A_658], %gather3A_655 {strides = array<i32>} : memref<16x512xf32, #tpu.memory_space<vmem>>, vector<16xf32>,
    %broadcast_in_dim3A_660 = arith.constant 15 : i32
    %broadcast_in_dim3A_661 = vector.broadcast %broadcast_in_dim3A_660 : i32 to vector<16xi32>
    %gather3A_662 = tpu.vector_load_idx %arg6[%broadcast_in_dim3A_556, %broadcast_in_dim3A_661, %add3A_555] : memref<3x16x2048xf32, #tpu.memory_space<vmem>>[vector<16xi32>, vector<16xi32>, vector<16xi32>], vector<16xf32>,
    %swap3A_663 = arith.constant 15 : i32
    %swap3A_664 = arith.index_cast %swap3A_663 : i32 to index
    %swap3A_665 = arith.constant 480 : index
    %swap3A_666 = tpu.vector_load %arg7[%swap3A_664, %swap3A_665] {strides = array<i32>} : memref<16x512xf32, #tpu.memory_space<vmem>>, vector<16xf32>,
    tpu.vector_store %arg7[%swap3A_664, %swap3A_665], %gather3A_662 {strides = array<i32>} : memref<16x512xf32, #tpu.memory_space<vmem>>, vector<16xf32>,
    %dma_wait3A_667 = arith.constant 1 : i32
    %dma_wait3A_668 = arith.constant 0 : i32
    %dma_wait3A_669 = arith.constant 0 : i32
    %dma_wait3A_670 = tpu.memref_slice %arg6[%dma_wait3A_667, %dma_wait3A_668, %dma_wait3A_669] : memref<3x16x2048xf32, #tpu.memory_space<vmem>> -> memref<1x16x2048xf32, #tpu.memory_space<vmem>>
    %dma_wait3A_671 = tpu.memref_squeeze %dma_wait3A_670 : memref<1x16x2048xf32, #tpu.memory_space<vmem>> -> memref<16x2048xf32, #tpu.memory_space<vmem>>
    %dma_wait3A_672 = arith.constant 0 : i32
    %dma_wait3A_673 = arith.constant 0 : i32
    %dma_wait3A_674 = tpu.memref_slice %arg2[%dma_wait3A_672, %dma_wait3A_673] : memref<16x1000000xf32, #tpu.memory_space<hbm>> -> memref<16x2048xf32, #tpu.memory_space<hbm>>
    %dma_wait3A_675 = arith.constant 0 : i32
    %dma_wait3A_676 = arith.constant 0 : i32
    %dma_wait3A_677 = tpu.memref_slice %arg6[%dma_wait3A_667, %dma_wait3A_675, %dma_wait3A_676] : memref<3x16x2048xf32, #tpu.memory_space<vmem>> -> memref<1x16x2048xf32, #tpu.memory_space<vmem>>
    %dma_wait3A_678 = tpu.memref_squeeze %dma_wait3A_677 : memref<1x16x2048xf32, #tpu.memory_space<vmem>> -> memref<16x2048xf32, #tpu.memory_space<vmem>>
    %dma_wait3A_679 = arith.constant 0 : i32
    %dma_wait3A_680 = arith.constant 0 : i32
    %dma_wait3A_681 = tpu.memref_slice %arg2[%dma_wait3A_679, %dma_wait3A_680] : memref<16x1000000xf32, #tpu.memory_space<hbm>> -> memref<16x2048xf32, #tpu.memory_space<hbm>>
    tpu.wait_dma2 semaphore(%arg9 : memref<!tpu.dma_semaphore, #tpu.memory_space<semaphore_mem>>) src(%dma_wait3A_681 : memref<16x2048xf32, #tpu.memory_space<hbm>>) dst(%dma_wait3A_678 : memref<16x2048xf32, #tpu.memory_space<vmem>>)
    %get3A_682 = arith.constant 496 : index
    %get3A_683 = tpu.vector_load %arg5[%get3A_682] {strides = array<i32>} : memref<512xi32, #tpu.memory_space<vmem>>, vector<16xi32>,
    %shift_right_logical3A_684 = arith.constant 7 : i32
    %shift_right_logical3A_685 = vector.broadcast %shift_right_logical3A_684 : i32 to vector<16xi32>
    %shift_right_logical3A_686 = arith.shrui %get3A_683, %shift_right_logical3A_685 : vector<16xi32>
    %shift_left3A_687 = arith.constant 7 : i32
    %shift_left3A_688 = vector.broadcast %shift_left3A_687 : i32 to vector<16xi32>
    %shift_left3A_689 = arith.shli %shift_right_logical3A_686, %shift_left3A_688 : vector<16xi32>
    %sub3A_690 = arith.subi %get3A_683, %shift_left3A_689 : vector<16xi32>
    %add3A_691 = arith.addi %sub3A_690, %mul3A_6 : vector<16xi32>
    %broadcast_in_dim3A_692 = arith.constant 1 : i32
    %broadcast_in_dim3A_693 = vector.broadcast %broadcast_in_dim3A_692 : i32 to vector<16xi32>
    %broadcast_in_dim3A_694 = arith.constant 0 : i32
    %broadcast_in_dim3A_695 = vector.broadcast %broadcast_in_dim3A_694 : i32 to vector<16xi32>
    %gather3A_696 = tpu.vector_load_idx %arg6[%broadcast_in_dim3A_693, %broadcast_in_dim3A_695, %add3A_691] : memref<3x16x2048xf32, #tpu.memory_space<vmem>>[vector<16xi32>, vector<16xi32>, vector<16xi32>], vector<16xf32>,
    %swap3A_697 = arith.constant 0 : i32
    %swap3A_698 = arith.index_cast %swap3A_697 : i32 to index
    %swap3A_699 = arith.constant 496 : index
    %swap3A_700 = tpu.vector_load %arg7[%swap3A_698, %swap3A_699] {strides = array<i32>} : memref<16x512xf32, #tpu.memory_space<vmem>>, vector<16xf32>,
    tpu.vector_store %arg7[%swap3A_698, %swap3A_699], %gather3A_696 {strides = array<i32>} : memref<16x512xf32, #tpu.memory_space<vmem>>, vector<16xf32>,
    %broadcast_in_dim3A_701 = arith.constant 1 : i32
    %broadcast_in_dim3A_702 = vector.broadcast %broadcast_in_dim3A_701 : i32 to vector<16xi32>
    %gather3A_703 = tpu.vector_load_idx %arg6[%broadcast_in_dim3A_693, %broadcast_in_dim3A_702, %add3A_691] : memref<3x16x2048xf32, #tpu.memory_space<vmem>>[vector<16xi32>, vector<16xi32>, vector<16xi32>], vector<16xf32>,
    %swap3A_704 = arith.constant 1 : i32
    %swap3A_705 = arith.index_cast %swap3A_704 : i32 to index
    %swap3A_706 = arith.constant 496 : index
    %swap3A_707 = tpu.vector_load %arg7[%swap3A_705, %swap3A_706] {strides = array<i32>} : memref<16x512xf32, #tpu.memory_space<vmem>>, vector<16xf32>,
    tpu.vector_store %arg7[%swap3A_705, %swap3A_706], %gather3A_703 {strides = array<i32>} : memref<16x512xf32, #tpu.memory_space<vmem>>, vector<16xf32>,
    %broadcast_in_dim3A_708 = arith.constant 2 : i32
    %broadcast_in_dim3A_709 = vector.broadcast %broadcast_in_dim3A_708 : i32 to vector<16xi32>
    %gather3A_710 = tpu.vector_load_idx %arg6[%broadcast_in_dim3A_693, %broadcast_in_dim3A_709, %add3A_691] : memref<3x16x2048xf32, #tpu.memory_space<vmem>>[vector<16xi32>, vector<16xi32>, vector<16xi32>], vector<16xf32>,
    %swap3A_711 = arith.constant 2 : i32
    %swap3A_712 = arith.index_cast %swap3A_711 : i32 to index
    %swap3A_713 = arith.constant 496 : index
    %swap3A_714 = tpu.vector_load %arg7[%swap3A_712, %swap3A_713] {strides = array<i32>} : memref<16x512xf32, #tpu.memory_space<vmem>>, vector<16xf32>,
    tpu.vector_store %arg7[%swap3A_712, %swap3A_713], %gather3A_710 {strides = array<i32>} : memref<16x512xf32, #tpu.memory_space<vmem>>, vector<16xf32>,
    %broadcast_in_dim3A_715 = arith.constant 3 : i32
    %broadcast_in_dim3A_716 = vector.broadcast %broadcast_in_dim3A_715 : i32 to vector<16xi32>
    %gather3A_717 = tpu.vector_load_idx %arg6[%broadcast_in_dim3A_693, %broadcast_in_dim3A_716, %add3A_691] : memref<3x16x2048xf32, #tpu.memory_space<vmem>>[vector<16xi32>, vector<16xi32>, vector<16xi32>], vector<16xf32>,
    %swap3A_718 = arith.constant 3 : i32
    %swap3A_719 = arith.index_cast %swap3A_718 : i32 to index
    %swap3A_720 = arith.constant 496 : index
    %swap3A_721 = tpu.vector_load %arg7[%swap3A_719, %swap3A_720] {strides = array<i32>} : memref<16x512xf32, #tpu.memory_space<vmem>>, vector<16xf32>,
    tpu.vector_store %arg7[%swap3A_719, %swap3A_720], %gather3A_717 {strides = array<i32>} : memref<16x512xf32, #tpu.memory_space<vmem>>, vector<16xf32>,
    %broadcast_in_dim3A_722 = arith.constant 4 : i32
    %broadcast_in_dim3A_723 = vector.broadcast %broadcast_in_dim3A_722 : i32 to vector<16xi32>
    %gather3A_724 = tpu.vector_load_idx %arg6[%broadcast_in_dim3A_693, %broadcast_in_dim3A_723, %add3A_691] : memref<3x16x2048xf32, #tpu.memory_space<vmem>>[vector<16xi32>, vector<16xi32>, vector<16xi32>], vector<16xf32>,
    %swap3A_725 = arith.constant 4 : i32
    %swap3A_726 = arith.index_cast %swap3A_725 : i32 to index
    %swap3A_727 = arith.constant 496 : index
    %swap3A_728 = tpu.vector_load %arg7[%swap3A_726, %swap3A_727] {strides = array<i32>} : memref<16x512xf32, #tpu.memory_space<vmem>>, vector<16xf32>,
    tpu.vector_store %arg7[%swap3A_726, %swap3A_727], %gather3A_724 {strides = array<i32>} : memref<16x512xf32, #tpu.memory_space<vmem>>, vector<16xf32>,
    %broadcast_in_dim3A_729 = arith.constant 5 : i32
    %broadcast_in_dim3A_730 = vector.broadcast %broadcast_in_dim3A_729 : i32 to vector<16xi32>
    %gather3A_731 = tpu.vector_load_idx %arg6[%broadcast_in_dim3A_693, %broadcast_in_dim3A_730, %add3A_691] : memref<3x16x2048xf32, #tpu.memory_space<vmem>>[vector<16xi32>, vector<16xi32>, vector<16xi32>], vector<16xf32>,
    %swap3A_732 = arith.constant 5 : i32
    %swap3A_733 = arith.index_cast %swap3A_732 : i32 to index
    %swap3A_734 = arith.constant 496 : index
    %swap3A_735 = tpu.vector_load %arg7[%swap3A_733, %swap3A_734] {strides = array<i32>} : memref<16x512xf32, #tpu.memory_space<vmem>>, vector<16xf32>,
    tpu.vector_store %arg7[%swap3A_733, %swap3A_734], %gather3A_731 {strides = array<i32>} : memref<16x512xf32, #tpu.memory_space<vmem>>, vector<16xf32>,
    %broadcast_in_dim3A_736 = arith.constant 6 : i32
    %broadcast_in_dim3A_737 = vector.broadcast %broadcast_in_dim3A_736 : i32 to vector<16xi32>
    %gather3A_738 = tpu.vector_load_idx %arg6[%broadcast_in_dim3A_693, %broadcast_in_dim3A_737, %add3A_691] : memref<3x16x2048xf32, #tpu.memory_space<vmem>>[vector<16xi32>, vector<16xi32>, vector<16xi32>], vector<16xf32>,
    %swap3A_739 = arith.constant 6 : i32
    %swap3A_740 = arith.index_cast %swap3A_739 : i32 to index
    %swap3A_741 = arith.constant 496 : index
    %swap3A_742 = tpu.vector_load %arg7[%swap3A_740, %swap3A_741] {strides = array<i32>} : memref<16x512xf32, #tpu.memory_space<vmem>>, vector<16xf32>,
    tpu.vector_store %arg7[%swap3A_740, %swap3A_741], %gather3A_738 {strides = array<i32>} : memref<16x512xf32, #tpu.memory_space<vmem>>, vector<16xf32>,
    %broadcast_in_dim3A_743 = arith.constant 7 : i32
    %broadcast_in_dim3A_744 = vector.broadcast %broadcast_in_dim3A_743 : i32 to vector<16xi32>
    %gather3A_745 = tpu.vector_load_idx %arg6[%broadcast_in_dim3A_693, %broadcast_in_dim3A_744, %add3A_691] : memref<3x16x2048xf32, #tpu.memory_space<vmem>>[vector<16xi32>, vector<16xi32>, vector<16xi32>], vector<16xf32>,
    %swap3A_746 = arith.constant 7 : i32
    %swap3A_747 = arith.index_cast %swap3A_746 : i32 to index
    %swap3A_748 = arith.constant 496 : index
    %swap3A_749 = tpu.vector_load %arg7[%swap3A_747, %swap3A_748] {strides = array<i32>} : memref<16x512xf32, #tpu.memory_space<vmem>>, vector<16xf32>,
    tpu.vector_store %arg7[%swap3A_747, %swap3A_748], %gather3A_745 {strides = array<i32>} : memref<16x512xf32, #tpu.memory_space<vmem>>, vector<16xf32>,
    %broadcast_in_dim3A_750 = arith.constant 8 : i32
    %broadcast_in_dim3A_751 = vector.broadcast %broadcast_in_dim3A_750 : i32 to vector<16xi32>
    %gather3A_752 = tpu.vector_load_idx %arg6[%broadcast_in_dim3A_693, %broadcast_in_dim3A_751, %add3A_691] : memref<3x16x2048xf32, #tpu.memory_space<vmem>>[vector<16xi32>, vector<16xi32>, vector<16xi32>], vector<16xf32>,
    %swap3A_753 = arith.constant 8 : i32
    %swap3A_754 = arith.index_cast %swap3A_753 : i32 to index
    %swap3A_755 = arith.constant 496 : index
    %swap3A_756 = tpu.vector_load %arg7[%swap3A_754, %swap3A_755] {strides = array<i32>} : memref<16x512xf32, #tpu.memory_space<vmem>>, vector<16xf32>,
    tpu.vector_store %arg7[%swap3A_754, %swap3A_755], %gather3A_752 {strides = array<i32>} : memref<16x512xf32, #tpu.memory_space<vmem>>, vector<16xf32>,
    %broadcast_in_dim3A_757 = arith.constant 9 : i32
    %broadcast_in_dim3A_758 = vector.broadcast %broadcast_in_dim3A_757 : i32 to vector<16xi32>
    %gather3A_759 = tpu.vector_load_idx %arg6[%broadcast_in_dim3A_693, %broadcast_in_dim3A_758, %add3A_691] : memref<3x16x2048xf32, #tpu.memory_space<vmem>>[vector<16xi32>, vector<16xi32>, vector<16xi32>], vector<16xf32>,
    %swap3A_760 = arith.constant 9 : i32
    %swap3A_761 = arith.index_cast %swap3A_760 : i32 to index
    %swap3A_762 = arith.constant 496 : index
    %swap3A_763 = tpu.vector_load %arg7[%swap3A_761, %swap3A_762] {strides = array<i32>} : memref<16x512xf32, #tpu.memory_space<vmem>>, vector<16xf32>,
    tpu.vector_store %arg7[%swap3A_761, %swap3A_762], %gather3A_759 {strides = array<i32>} : memref<16x512xf32, #tpu.memory_space<vmem>>, vector<16xf32>,
    %broadcast_in_dim3A_764 = arith.constant 10 : i32
    %broadcast_in_dim3A_765 = vector.broadcast %broadcast_in_dim3A_764 : i32 to vector<16xi32>
    %gather3A_766 = tpu.vector_load_idx %arg6[%broadcast_in_dim3A_693, %broadcast_in_dim3A_765, %add3A_691] : memref<3x16x2048xf32, #tpu.memory_space<vmem>>[vector<16xi32>, vector<16xi32>, vector<16xi32>], vector<16xf32>,
    %swap3A_767 = arith.constant 10 : i32
    %swap3A_768 = arith.index_cast %swap3A_767 : i32 to index
    %swap3A_769 = arith.constant 496 : index
    %swap3A_770 = tpu.vector_load %arg7[%swap3A_768, %swap3A_769] {strides = array<i32>} : memref<16x512xf32, #tpu.memory_space<vmem>>, vector<16xf32>,
    tpu.vector_store %arg7[%swap3A_768, %swap3A_769], %gather3A_766 {strides = array<i32>} : memref<16x512xf32, #tpu.memory_space<vmem>>, vector<16xf32>,
    %broadcast_in_dim3A_771 = arith.constant 11 : i32
    %broadcast_in_dim3A_772 = vector.broadcast %broadcast_in_dim3A_771 : i32 to vector<16xi32>
    %gather3A_773 = tpu.vector_load_idx %arg6[%broadcast_in_dim3A_693, %broadcast_in_dim3A_772, %add3A_691] : memref<3x16x2048xf32, #tpu.memory_space<vmem>>[vector<16xi32>, vector<16xi32>, vector<16xi32>], vector<16xf32>,
    %swap3A_774 = arith.constant 11 : i32
    %swap3A_775 = arith.index_cast %swap3A_774 : i32 to index
    %swap3A_776 = arith.constant 496 : index
    %swap3A_777 = tpu.vector_load %arg7[%swap3A_775, %swap3A_776] {strides = array<i32>} : memref<16x512xf32, #tpu.memory_space<vmem>>, vector<16xf32>,
    tpu.vector_store %arg7[%swap3A_775, %swap3A_776], %gather3A_773 {strides = array<i32>} : memref<16x512xf32, #tpu.memory_space<vmem>>, vector<16xf32>,
    %broadcast_in_dim3A_778 = arith.constant 12 : i32
    %broadcast_in_dim3A_779 = vector.broadcast %broadcast_in_dim3A_778 : i32 to vector<16xi32>
    %gather3A_780 = tpu.vector_load_idx %arg6[%broadcast_in_dim3A_693, %broadcast_in_dim3A_779, %add3A_691] : memref<3x16x2048xf32, #tpu.memory_space<vmem>>[vector<16xi32>, vector<16xi32>, vector<16xi32>], vector<16xf32>,
    %swap3A_781 = arith.constant 12 : i32
    %swap3A_782 = arith.index_cast %swap3A_781 : i32 to index
    %swap3A_783 = arith.constant 496 : index
    %swap3A_784 = tpu.vector_load %arg7[%swap3A_782, %swap3A_783] {strides = array<i32>} : memref<16x512xf32, #tpu.memory_space<vmem>>, vector<16xf32>,
    tpu.vector_store %arg7[%swap3A_782, %swap3A_783], %gather3A_780 {strides = array<i32>} : memref<16x512xf32, #tpu.memory_space<vmem>>, vector<16xf32>,
    %broadcast_in_dim3A_785 = arith.constant 13 : i32
    %broadcast_in_dim3A_786 = vector.broadcast %broadcast_in_dim3A_785 : i32 to vector<16xi32>
    %gather3A_787 = tpu.vector_load_idx %arg6[%broadcast_in_dim3A_693, %broadcast_in_dim3A_786, %add3A_691] : memref<3x16x2048xf32, #tpu.memory_space<vmem>>[vector<16xi32>, vector<16xi32>, vector<16xi32>], vector<16xf32>,
    %swap3A_788 = arith.constant 13 : i32
    %swap3A_789 = arith.index_cast %swap3A_788 : i32 to index
    %swap3A_790 = arith.constant 496 : index
    %swap3A_791 = tpu.vector_load %arg7[%swap3A_789, %swap3A_790] {strides = array<i32>} : memref<16x512xf32, #tpu.memory_space<vmem>>, vector<16xf32>,
    tpu.vector_store %arg7[%swap3A_789, %swap3A_790], %gather3A_787 {strides = array<i32>} : memref<16x512xf32, #tpu.memory_space<vmem>>, vector<16xf32>,
    %broadcast_in_dim3A_792 = arith.constant 14 : i32
    %broadcast_in_dim3A_793 = vector.broadcast %broadcast_in_dim3A_792 : i32 to vector<16xi32>
    %gather3A_794 = tpu.vector_load_idx %arg6[%broadcast_in_dim3A_693, %broadcast_in_dim3A_793, %add3A_691] : memref<3x16x2048xf32, #tpu.memory_space<vmem>>[vector<16xi32>, vector<16xi32>, vector<16xi32>], vector<16xf32>,
    %swap3A_795 = arith.constant 14 : i32
    %swap3A_796 = arith.index_cast %swap3A_795 : i32 to index
    %swap3A_797 = arith.constant 496 : index
    %swap3A_798 = tpu.vector_load %arg7[%swap3A_796, %swap3A_797] {strides = array<i32>} : memref<16x512xf32, #tpu.memory_space<vmem>>, vector<16xf32>,
    tpu.vector_store %arg7[%swap3A_796, %swap3A_797], %gather3A_794 {strides = array<i32>} : memref<16x512xf32, #tpu.memory_space<vmem>>, vector<16xf32>,
    %broadcast_in_dim3A_799 = arith.constant 15 : i32
    %broadcast_in_dim3A_800 = vector.broadcast %broadcast_in_dim3A_799 : i32 to vector<16xi32>
    %gather3A_801 = tpu.vector_load_idx %arg6[%broadcast_in_dim3A_693, %broadcast_in_dim3A_800, %add3A_691] : memref<3x16x2048xf32, #tpu.memory_space<vmem>>[vector<16xi32>, vector<16xi32>, vector<16xi32>], vector<16xf32>,
    %swap3A_802 = arith.constant 15 : i32
    %swap3A_803 = arith.index_cast %swap3A_802 : i32 to index
    %swap3A_804 = arith.constant 496 : index
    %swap3A_805 = tpu.vector_load %arg7[%swap3A_803, %swap3A_804] {strides = array<i32>} : memref<16x512xf32, #tpu.memory_space<vmem>>, vector<16xf32>,
    tpu.vector_store %arg7[%swap3A_803, %swap3A_804], %gather3A_801 {strides = array<i32>} : memref<16x512xf32, #tpu.memory_space<vmem>>, vector<16xf32>,
    "tpu.region"() ({
      %run_scoped3A = tpu.sem_alloc : memref<!tpu.dma_semaphore, #tpu.memory_space<semaphore_mem>>
      %dma_start3A_806 = arith.constant 0 : i32
      %dma_start3A_807 = tpu.memref_slice %arg4[%dma_start3A_806, %mul3A_2] : memref<16x16384xf32, #tpu.memory_space<hbm>> -> memref<16x512xf32, #tpu.memory_space<hbm>>
      %dma_start3A_808 = arith.constant 0 : i32
      %dma_start3A_809 = tpu.memref_slice %arg4[%dma_start3A_808, %mul3A_2] : memref<16x16384xf32, #tpu.memory_space<hbm>> -> memref<16x512xf32, #tpu.memory_space<hbm>>
      tpu.enqueue_dma source(%arg7 : memref<16x512xf32, #tpu.memory_space<vmem>>) target(%dma_start3A_809 : memref<16x512xf32, #tpu.memory_space<hbm>>) target_semaphore(%run_scoped3A : memref<!tpu.dma_semaphore, #tpu.memory_space<semaphore_mem>>)
      %dma_wait3A_810 = arith.constant 0 : i32
      %dma_wait3A_811 = tpu.memref_slice %arg4[%dma_wait3A_810, %mul3A_2] : memref<16x16384xf32, #tpu.memory_space<hbm>> -> memref<16x512xf32, #tpu.memory_space<hbm>>
      %dma_wait3A_812 = arith.constant 0 : i32
      %dma_wait3A_813 = tpu.memref_slice %arg4[%dma_wait3A_812, %mul3A_2] : memref<16x16384xf32, #tpu.memory_space<hbm>> -> memref<16x512xf32, #tpu.memory_space<hbm>>
      tpu.wait_dma2 semaphore(%run_scoped3A : memref<!tpu.dma_semaphore, #tpu.memory_space<semaphore_mem>>) src(%arg7 : memref<16x512xf32, #tpu.memory_space<vmem>>) dst(%dma_wait3A_813 : memref<16x512xf32, #tpu.memory_space<hbm>>)
      tpu.yield
    }) : () -> ()
    return
  }
}

</mosaic_0001>

<sc_bundles>
// kernel: kernel.3.cloned.1.call-start
scs
__scs_entry_jumppad:
0x0: {  	(pc) =	sbr.rel $0x88, $3  }
0x1: {  	(tag) =	ssettag $0x0;
	lr =	simm.s32 $0x1  }
0x2: {  	[smem:$0x3F9F] =	sst lr;
	_ =	strace $0xD0000000  }
0x3: {  	_ = 	snop  }
0x4: {  	_ = 	snop  }
0x5: {  	_ = 	snop  }
0x6: {  	_ = 	snop  }
0x7: {  	_ = 	snop  }
__scs_overlays_trampoline_lowered:
0x8: {  	[smem:$0x3FAE] =	sst s0  }
0x9: {  	[smem:$0x3FAF] =	sst s1  }
0xa: {  	[smem:$0x3FB0] =	sst s2  }
0xb: {  	[smem:$0x3FB1] =	sst s3  }
0xc: {  	[smem:$0x3FB2] =	sst s4  }
0xd: {  	[smem:$0x3FB3] =	sst s5  }
0xe: {  	[smem:$0x3FB4] =	sst s6  }
0xf: {  	[smem:$0x3FB5] =	sst s7  }
0x10: {  	[smem:$0x3FB6] =	sst s8  }
0x11: {  	[smem:$0x3FB7] =	sst s9;
	s0 =	simm.s32 @!p0 $0x0  }
0x12: {  	s1 =	sld [smem:$0x3F9D];
	s0 =	simm.s32 @p0 $0x1  }
0x13: {  	[smem:$0x3FB8] =	sst s0;
	s0 =	simm.s32 @!p1 $0x0  }
0x14: {  	s2 =	sld [smem:$0x3F9C];
	s0 =	simm.s32 @p1 $0x1  }
0x15: {  	[smem:$0x3FB9] =	sst s0;
	s0 =	simm.s32 @!p2 $0x0  }
0x16: {  	s3 =	sld [smem:$0x3FDB];
	s0 =	simm.s32 @p2 $0x1  }
0x17: {  	s4 =	simm.s32 $0x1BF5;
	[smem:$0x3FBB] =	sst s0  }
0x18: {  	s0 =	sld [smem:$0x3F9E];
	_ =	swait.ge [sflag:s4], $0x0  }
0x19: {  	s7 =	sld [smem:$0x3F9F]  }
0x1a: {  	s8 =	sadd.s32 $0xFFFFE003, lr  }
0x1b: {  	s9 =	sadd.s32 $0xFFFFFEF7, lr;
	s5 =	simm.s32 $0xFFFFFFFF;
	p2 =	slt.u32 s8, $0xFFFFF086  }
0x1c: {  	p1 =	slt.u32 s9, $0xF7A;
	s5 =	simm.s32 @!p2 $0x0  }
0x1d: {  	s5 =	simm.s32 @p1 $0x1;
	p0 =	seq.s32 s7, s2  }
0x1e: {  	s7 =	smul.u32 @!p0 $0xF7A, s2;
	p2 =	seq.s32 @!p0 s5, $0x0  }
0x1f: {  	s9 =	smul.u32 $0xF7A, s1;
	s8 =	simm.s32 @!p0 $0x1BF5;
	p2 =	por !p2, p0  }
0x20: {  	[sflag:s8] =	ssyncset.s32 @!p0 $0xFFFFF086;
	s6 =	sadd.s32 @!p0 s3, s7;
	s7 =	simm.s32 @!p0 $0x108  }
0x21: {  	s3 =	sadd.s32 s3, s9;
	s6 =	sadd.s32 @!p0 $0x88, s6;
	s7 =	simm.s32 @p2 $0x1082  }
0x22: {  	[simem:s7], [sflag:s8] =	dma.local @!p0 [hbm:s6], $0xF7A  }
0x23: {  	s9 =	sor.u32 $0xD0000000, s2;
	s6 =	simm.s32 $0x108;
	_ =	swait.ge @!p0 [sflag:s8], $0x0  }
0x24: {  	s3 =	sadd.s32 $0x88, s3;
	s6 =	simm.s32 @!p1 $0x1082;
	[sflag:s4] =	ssyncset.s32 $0xFFFFF086  }
0x25: {  	[simem:s6], [sflag:s4] =	dma.local [hbm:s3], $0xF7A  }
0x26: {  	[smem:$0x3F9F] =	sst s1;
	(tag) =	ssettag s2;
	_ =	strace s9  }
0x27: {  	s1 =	sld [smem:$0x3FAF]  }
0x28: {  	s2 =	sld [smem:$0x3FB0]  }
0x29: {  	s4 =	sld [smem:$0x3FB2]  }
0x2a: {  	p0 =	seq.s32 s5, $0x0;
	s5 =	sld [smem:$0x3FB3]  }
0x2b: {  	s6 =	sld [smem:$0x3FB4]  }
0x2c: {  	s7 =	sld [smem:$0x3FB5]  }
0x2d: {  	s3 =	simm.s32 $0x108;
	s8 =	sld [smem:$0x3FB6]  }
0x2e: {  	s3 =	simm.s32 @!p0 $0x1082;
	s9 =	sld [smem:$0x3FB7]  }
0x2f: {  	lr =	sadd.s32 s0, s3;
	s0 =	sld [smem:$0x3FAE]  }
0x30: {  	s3 =	sld [smem:$0x3FB1]  }
0x31: {  	[smem:$0x3FBA] =	sst s10  }
0x32: {  	s10 =	sld [smem:$0x3FB8];
	_ =	sdelay $0x3  }
0x33: {  	p0 =	seq.s32 s10, $0x1;
	s10 =	sld [smem:$0x3FBA];
	_ =	sdelay $0x3  }
0x34: {  	[smem:$0x3FBA] =	sst s10  }
0x35: {  	s10 =	sld [smem:$0x3FB9];
	_ =	sdelay $0x3  }
0x36: {  	p1 =	seq.s32 s10, $0x1;
	s10 =	sld [smem:$0x3FBA];
	_ =	sdelay $0x3  }
0x37: {  	[smem:$0x3FBA] =	sst s10  }
0x38: {  	s10 =	sld [smem:$0x3FBB]  }
0x39: {  	_ = 	snop;
	(pc) =	sbr.ind lr, $3  }
0x3a: {  	_ = 	snop  }
0x3b: {  	_ = 	snop  }
0x3c: {  	p2 =	seq.s32 s10, $0x1;
	s10 =	sld [smem:$0x3FBA]  }
0x3d: {  	_ =	shalt  }
0x3e: {  	_ =	shalt  }
0x3f: {  	_ =	shalt  }
0x40: {  	_ =	shalt  }
0x41: {  	_ =	shalt  }
0x42: {  	_ =	shalt  }
0x43: {  	_ =	shalt  }
0x44: {  	_ =	shalt  }
0x45: {  	_ =	shalt  }
0x46: {  	_ =	shalt  }
0x47: {  	_ =	shalt  }
0x48: {  	_ =	shalt  }
0x49: {  	_ =	shalt  }
0x4a: {  	_ =	shalt  }
0x4b: {  	_ =	shalt  }
0x4c: {  	_ =	shalt  }
0x4d: {  	_ =	shalt  }
0x4e: {  	_ =	shalt  }
0x4f: {  	_ =	shalt  }
0x50: {  	_ =	shalt  }
0x51: {  	_ =	shalt  }
0x52: {  	_ =	shalt  }
0x53: {  	_ =	shalt  }
0x54: {  	_ =	shalt  }
0x55: {  	_ =	shalt  }
0x56: {  	_ =	shalt  }
0x57: {  	_ =	shalt  }
0x58: {  	_ =	shalt  }
0x59: {  	_ =	shalt  }
0x5a: {  	_ =	shalt  }
0x5b: {  	_ =	shalt  }
0x5c: {  	_ =	shalt  }
0x5d: {  	_ =	shalt  }
0x5e: {  	_ =	shalt  }
0x5f: {  	_ =	shalt  }
0x60: {  	_ =	shalt  }
0x61: {  	_ =	shalt  }
0x62: {  	_ =	shalt  }
0x63: {  	_ =	shalt  }
0x64: {  	_ =	shalt  }
0x65: {  	_ =	shalt  }
0x66: {  	_ =	shalt  }
0x67: {  	_ =	shalt  }
0x68: {  	_ =	shalt  }
0x69: {  	_ =	shalt  }
0x6a: {  	_ =	shalt  }
0x6b: {  	_ =	shalt  }
0x6c: {  	_ =	shalt  }
0x6d: {  	_ =	shalt  }
0x6e: {  	_ =	shalt  }
0x6f: {  	_ =	shalt  }
0x70: {  	_ =	shalt  }
0x71: {  	_ =	shalt  }
0x72: {  	_ =	shalt  }
0x73: {  	_ =	shalt  }
0x74: {  	_ =	shalt  }
0x75: {  	_ =	shalt  }
0x76: {  	_ =	shalt  }
0x77: {  	_ =	shalt  }
0x78: {  	_ =	shalt  }
0x79: {  	_ =	shalt  }
0x7a: {  	_ =	shalt  }
0x7b: {  	_ =	shalt  }
0x7c: {  	_ =	shalt  }
0x7d: {  	_ =	shalt  }
0x7e: {  	_ =	shalt  }
0x7f: {  	_ =	shalt  }
0x80: {  	_ =	shalt  }
0x81: {  	_ =	shalt  }
0x82: {  	_ =	shalt  }
0x83: {  	_ =	shalt  }
0x84: {  	_ =	shalt  }
0x85: {  	_ =	shalt  }
0x86: {  	_ =	shalt  }
0x87: {  	_ =	shalt  }
.Lfunc_end0:
.L_simem_size_0:
called_computation_lowered:
.L_overlay_start_0:
0x88: {  	s2 =	sld [smem:$0x3FD9]  }
0x89: {  	s3 =	sld [smem:$0x3FFE];
	_ =	sdelay $0x1  }
0x8a: {  	s1 =	srdreg.scid  }
0x8b: {  	s0 =	sand.u32 $0x1, s1  }
0x8c: {  	s18 =	sshll.u32 s0, $0xA;
	s2 =	sadd.s32 s3, s2  }
0x8d: {  	s2 =	sadd.s32 s2, s18  }
0x8e: {  	[smem:$0x3FC6] =	sst s2  }
0x8f: {  	_ = 	snop  }
0x90: {  	s2 =	sld [smem:$0x3FC9]  }
0x91: {  	s19 =	sld [smem:$0x3FC8]  }
0x92: {  	s4 =	sld [smem:$0x3FD0];
	(tm) =	ssettm $0x1  }
0x93: {  	s5 =	sld [smem:$0x3FFB];
	_ =	sdelay $0x3  }
0x94: {  	_ =	strace s5  }
0x95: {  	s5 =	sld [smem:$0x3FFC];
	_ =	sdelay $0x3  }
0x96: {  	_ =	strace s5  }
0x97: {  	s5 =	sld [smem:$0x3FFD];
	_ =	sdelay $0x3  }
0x98: {  	_ =	strace s5  }
0x99: {  	_ =	strace $0x8FFFFFFF  }
0x9a: {  	s20 =	sld [smem:$0x3FDB];
	_ =	sdelay $0x1  }
0x9b: {  	s6 =	simm.s32 $_scs_section_size  }
0x9c: {  	s7 =	simm.s32 $_size__tile_overlayer_lowered;
	s8 =	simm.s32 $_tile_overlayer_lowered  }
0x9d: {  	s23 =	simm.s32 $0x1BFF;
	s22 =	sshll.u32 s8, $0x1;
	s5 =	sadd.s32 s6, s20  }
0x9e: {  	s9 =	simm.s32 $0x0;
	s21 =	sshll.u32 s7, $0x1;
	s7 =	sadd.s32 s22, s5  }
0x9f: {  	[timem:s9], [sflag:s23] =	dma.local [hbm:s7], s21  }
0xa0: {  	_ =	swait.ge [sflag:s23], s21  }
0xa1: {  	s6 =	ssub.s32 $0x0, s21;
	[sflag:s23] =	ssyncset.done $0x0  }
0xa2: {  	[sflag:s23] =	ssyncadd.s32 s6;
	_ =	sdelay $0x1  }
0xa3: {  	s24 =	simm.s32 $0x1B8B  }
0xa4: {  	_ =	swait.ge [sflag:s24], $0x1  }
0xa5: {  	[sflag:s24] =	ssyncset.done $0x0  }
0xa6: {  	s25 =	simm.s32 $0x1B8E;
	[sflag:s24] =	ssyncadd.s32 $0xFFFFFFFF  }
0xa7: {  	s26 =	simm.s32 $execute0_lowered;
	[smem:$0x3FD2] =	sst s25  }
0xa8: {  	s6 =	sshll.u32 s26, $0x1;
	_ =	strace $0x80000046;
	[dreg:$0x1] =	wrdreg $0xFFFFFFFF  }
0xa9: {  	s28 =	simm.s32 $_size_execute0_lowered;
	s5 =	sadd.s32 s5, s6;
	[dreg:$0x0] =	wrdreg $0x0  }
0xaa: {  	s6 =	sshll.u32 s28, $0x1;
	[dreg:$0x2] =	wrdreg s5  }
0xab: {  	[dreg:$0x3] =	wrdreg s6  }
0xac: {  	[dreg:$0x4] =	wrdreg $0xC0  }
0xad: {  	_ =	task [dreg:s9], $0x5FFFF  }
0xae: {  	[dreg:$0x1] =	wrdreg $0xFFFFFFFF  }
0xaf: {  	[dreg:$0x0] =	wrdreg $0x60  }
0xb0: {  	[dreg:$0x2] =	wrdreg s19  }
0xb1: {  	[dreg:$0x3] =	wrdreg s2  }
0xb2: {  	[dreg:$0x4] =	wrdreg s4  }
0xb3: {  	[dreg:$0x5] =	wrdreg $0x9  }
0xb4: {  	_ =	task.clear_ibuf [dreg:s9], $0x6FFFF;
	_ =	strace $0x90000046  }
0xb5: {  	s29 =	simm.s32 $0x9;
	_ =	strace $0x80000048  }
0xb6: {  	_ =	swait.ge [sflag:s29], $0x1  }
0xb7: {  	[sflag:s29] =	ssyncadd.s32 $0xFFFFFFFF  }
0xb8: {  	_ =	strace $0x90000048  }
0xb9: {  	_ =	sfence  }
0xba: {  	s30 =	sld [smem:$0x0];
	_ =	sdelay $0x2  }
0xbb: {  	s31 =	sshll.u32 s1, $0xD;
	s1 =	sshrl.u32 s1, $0x2  }
0xbc: {  	s3 =	sand.u32 $0x4000, s31;
	s1 =	sadd.s32 s1, s30  }
0xbd: {  	s0 =	sor.u32 s3, s0;
	s1 =	sshll.u32 s1, $0x11  }
0xbe: {  	s0 =	sor.u32 s1, s0  }
0xbf: {  	s0 =	sadd.s32 $0x8F2B, s0  }
0xc0: {  	[sflag:s0] =	ssyncadd.remote.s32 $0x1  }
0xc1: {  	_ =	sfence.sel $0xFFFF  }
0xc2: {  	[dreg:$0x0] =	wrdreg $0xFFFFFFFF;
	(pc) =	sbr.abs _section_cstart, $3  }
0xc3: {  	[dreg:$0x1] =	wrdreg $0xFFFFFFFF  }
0xc4: {  	_ =	task.clear_ibuf [dreg:s9], $0x2FFFF;
	_ =	strace $0x9FFFFFFF  }
0xc5: {  	(tm) =	ssettm $0x7FFFFFFF  }
tec
execute0_lowered:
.L_overlay_start_1:
0x0: {  	(tag) =	ssettag $0x1  }
0x1: {  	s1 =	rddreg [dreg:$0x0]  }
0x2: {  	s0 =	rddreg [dreg:$0x1]  }
0x3: {  	s3 =	rddreg [dreg:$0x2];
	s2 =	simm.s32 $0x0  }
0x4: {  	s4 =	simm.s32 $0x10200;
	[smem:$0x7FF] =	sst s2  }
0x5: {  	s11 =	simm.s32 $0x14200;
	_ =	strace $0x80000047;
	[dreg:$0x4] =	wrdreg s4  }
0x6: {  	s12 =	simm.s32 $0x10600;
	[dreg:$0x5] =	wrdreg s11  }
0x7: {  	s5 =	srdreg.scid;
	s13 =	simm.s32 $0x14600;
	[dreg:$0x6] =	wrdreg s12  }
0x8: {  	s8 =	stileid.u32;
	s14 =	simm.s32 $0x10A00;
	[dreg:$0x7] =	wrdreg s13  }
0x9: {  	s15 =	simm.s32 $0x14A00;
	s16 =	simm.s32 $0x10E00;
	[dreg:$0x8] =	wrdreg s14  }
0xa: {  	s17 =	simm.s32 $0x14E00;
	s18 =	simm.s32 $0x11200;
	[dreg:$0x9] =	wrdreg s15  }
0xb: {  	s20 =	simm.s32 $0x15200;
	s21 =	simm.s32 $0x11600;
	[dreg:$0xa] =	wrdreg s16  }
0xc: {  	s22 =	simm.s32 $0x15600;
	s23 =	simm.s32 $0x11A00;
	[dreg:$0xb] =	wrdreg s17  }
0xd: {  	s24 =	simm.s32 $0x15A00;
	s25 =	simm.s32 $0x11E00;
	[dreg:$0xc] =	wrdreg s18  }
0xe: {  	s9 =	simm.s32 $0x12A00;
	s10 =	simm.s32 $0x16A00;
	[dreg:$0xd] =	wrdreg s20  }
0xf: {  	s28 =	simm.s32 $0x2A00;
	s29 =	simm.s32 $0x6A00;
	[dreg:$0xe] =	wrdreg s21  }
0x10: {  	s30 =	simm.s32 $0x2E00;
	s31 =	simm.s32 $0x6E00;
	[dreg:$0xf] =	wrdreg s22  }
0x11: {  	s5 =	sand.u32 $0x1, s5;
	s19 =	sshll.u32 s8, $0xA;
	[dreg:$0x10] =	wrdreg s23  }
0x12: {  	s8 =	simm.s32 $0x200;
	s6 =	ssub.s32 $0x2, s5;
	[dreg:$0x11] =	wrdreg s24  }
0x13: {  	s5 =	sshll.u32 s5, $0x9;
	[dreg:$0x12] =	wrdreg s25;
	s20 =	simm.s32 $0x4  }
0x14: {  	s4 =	simm.s32 $0x12200;
	s21 =	simm.s32 $0x4200;
	[dreg:$0x18] =	wrdreg s9  }
0x15: {  	s22 =	simm.s32 $0x600;
	s23 =	simm.s32 $0x4600;
	[dreg:$0x19] =	wrdreg s10  }
0x16: {  	s24 =	simm.s32 $0xA00;
	s11 =	simm.s32 $0x12E00;
	[dreg:$0x14] =	wrdreg s4  }
0x17: {  	v0 =	vlaneseq.u32;
	s25 =	simm.s32 $0x4A00;
	s12 =	simm.s32 $0x16E00;
	[dreg:$0x1a] =	wrdreg s11  }
0x18: {  	v0 =	vmul.u32 $0x400, v0;
	s13 =	simm.s32 $0x13200;
	s14 =	simm.s32 $0x17200;
	[dreg:$0x1b] =	wrdreg s12  }
0x19: {  	s15 =	simm.s32 $0x13600;
	s16 =	simm.s32 $0x17600;
	[dreg:$0x1c] =	wrdreg s13  }
0x1a: {  	s9 =	simm.s32 $0x5600;
	s17 =	simm.s32 $0x13A00;
	[dreg:$0x1d] =	wrdreg s14;
	v1 =	vor.u32 $0x80, v0;
	v2 =	vor.u32 $0x100, v0  }
0x1b: {  	s10 =	simm.s32 $0x1A00;
	s18 =	simm.s32 $0x17A00;
	[dreg:$0x1e] =	wrdreg s15;
	v3 =	vor.u32 $0x180, v0;
	v4 =	vor.u32 $0x200, v0;
	v5 =	vor.u32 $0x280, v0  }
0x1c: {  	s7 =	sshrl.u32 s6, $0x1;
	s5 =	sor.u32 s5, s19;
	[dreg:$0x1f] =	wrdreg s16;
	v6 =	vor.u32 $0x300, v0;
	v7 =	vor.u32 $0x380, v0;
	v8 =	vor.u32 $0x4000, v0  }
0x1d: {  	s4 =	simm.s32 $0x4E00;
	[smem:$0x7F9] =	sst s17;
	s11 =	simm.s32 $0x5A00;
	v9 =	vor.u32 $0x4080, v0;
	v10 =	vor.u32 $0x4100, v0;
	v11 =	vor.u32 $0x4180, v0  }
0x1e: {  	[smem:$0x7FA] =	sst s18;
	s19 =	simm.s32 $0x13E00;
	s12 =	simm.s32 $0x1E00;
	v12 =	vor.u32 $0x4200, v0;
	v13 =	vor.u32 $0x4280, v0;
	v14 =	vor.u32 $0x4300, v0  }
0x1f: {  	v15 =	vor.u32 $0x4380, v0;
	v16 =	vor.u32 $0x8000, v0;
	v17 =	vor.u32 $0x8080, v0;
	s6 =	ssub.s32 s6, s7;
	s3 =	sadd.s32 s3, s5;
	[smem:$0x7FB] =	sst s19  }
0x20: {  	v18 =	vor.u32 $0x8100, v0;
	v19 =	vor.u32 $0x8180, v0;
	v20 =	vor.u32 $0x8200, v0;
	s7 =	sshrl.u32 s5, $0x3;
	s5 =	simm.s32 $0x16200;
	[smem:$0x7F7] =	sst s3  }
0x21: {  	s13 =	simm.s32 $0x5E00;
	v21 =	vor.u32 $0x8280, v0;
	v22 =	vor.u32 $0x8300, v0;
	v23 =	vor.u32 $0x8380, v0;
	s19 =	simm.s32 $0x0;
	[dreg:$0x15] =	wrdreg s5  }
0x22: {  	s14 =	simm.s32 $0x2200;
	v24 =	vor.u32 $0xC000, v0;
	v25 =	vor.u32 $0xC080, v0;
	v26 =	vor.u32 $0xC100, v0;
	s0 =	sadd.s32 s0, s7;
	[smem:$0x7FD] =	sst s19  }
0x23: {  	s15 =	simm.s32 $0x2600;
	v27 =	vor.u32 $0xC180, v0;
	v28 =	vor.u32 $0xC200, v0;
	v29 =	vor.u32 $0xC280, v0;
	s26 =	smax.u32 s6, $0x1;
	[smem:$0x7F6] =	sst s0  }
0x24: {  	v30 =	vor.u32 $0xC300, v0;
	v31 =	vor.u32 $0xC380, v0;
	v32 =	vor.u32 $0x10000, v0;
	s16 =	simm.s32 $0x1;
	s3 =	simm.s32 $0x15E00;
	[smem:$0x7F8] =	sst s26  }
0x25: {  	v33 =	vor.u32 $0x10080, v0;
	v34 =	vor.u32 $0x10100, v0;
	v35 =	vor.u32 $0x10180, v0;
	s17 =	simm.s32 $0x2;
	s6 =	simm.s32 $0x12600;
	[dreg:$0x13] =	wrdreg s3  }
0x26: {  	v36 =	vor.u32 $0x10200, v0;
	v37 =	vor.u32 $0x10280, v0;
	v38 =	vor.u32 $0x10300, v0;
	s18 =	simm.s32 $0x3;
	s7 =	simm.s32 $0x16600;
	[dreg:$0x16] =	wrdreg s6  }
0x27: {  	v39 =	vor.u32 $0x10380, v0;
	v40 =	vor.u32 $0x14000, v0;
	v41 =	vor.u32 $0x14080, v0;
	s5 =	simm.s32 $0x1200;
	[dreg:$0x17] =	wrdreg s7;
	s3 =	simm.s32 $0xE00  }
0x28: {  	v42 =	vor.u32 $0x14100, v0;
	v43 =	vor.u32 $0x14180, v0;
	v44 =	vor.u32 $0x14200, v0;
	s6 =	simm.s32 $0x5200;
	s7 =	simm.s32 $0x1600;
	s26 =	simm.s32 $0x17E00  }
0x29: {  	v45 =	vor.u32 $0x14280, v0;
	v46 =	vor.u32 $0x14300, v0;
	v47 =	vor.u32 $0x14380, v0;
	s0 =	simm.s32 $0x6200;
	[smem:$0x7FC] =	sst s26;
	s26 =	simm.s32 $0x6600  }
.LBB2_1:
0x2a: {  	s19 =	sld [smem:$0x7F6];
	_ =	sdelay $0x2  }
0x2b: {  	[tilespmem:s2], [sflag:$0x4] =	stream.linear.gather [hbm4b:s19+s2], $0x200, $0x38;
	[tilespmem:$0x1A200] =	vst v63  }
0x2c: {  	_ =	swait.ge [sflag:s20], $0x200  }
0x2d: {  	[sflag:s20] =	ssyncset.done $0x0  }
0x2e: {  	[sflag:s20] =	ssyncadd.s32 $0xFFFFFE00  }
0x2f: {  	v48 =	vld [tilespmem:$0x0];
	_ =	sdelay $0x4  }
0x30: {  	v48 =	vand.u32 $0xFFFFFF80, v48  }
0x31: {  	v48 =	vadd.s32 s1, v48  }
0x32: {  	(v2sf) =	vpush v48, $0x0;
	_ =	sdelay $0x3  }
0x33: {  	(v2sf) =	vpush v48, $0x1;
	_ =	sdelay $0x3  }
0x34: {  	(v2sf) =	vpush v48, $0x2;
	_ =	sdelay $0x3  }
0x35: {  	(v2sf) =	vpush v48, $0x3;
	_ =	sdelay $0x2  }
0x36: {  	s20 =	spop (v2sf)  }
0x37: {  	(v2sf) =	vpush v48, $0x4;
	[tilespmem:s8], [sflag:$0x1] =	stream.linear.gather [hbm4b:s20+s2], $0x400, $0x38;
	[tilespmem:$0x1A200] =	vst v63  }
0x38: {  	s19 =	sadd.s32 $0xF4280, s20  }
0x39: {  	[tilespmem:s21], [sflag:$0x1] =	stream.linear.gather [hbm4b:s19+s2], $0x400, $0x38;
	[tilespmem:$0x1A200] =	vst v63  }
0x3a: {  	s21 =	spop (v2sf)  }
0x3b: {  	(v2sf) =	vpush v48, $0x5;
	[tilespmem:s22], [sflag:$0x1] =	stream.linear.gather [hbm4b:s21+s2], $0x400, $0x38;
	[tilespmem:$0x1A200] =	vst v63  }
0x3c: {  	s19 =	sadd.s32 $0xF4280, s21  }
0x3d: {  	[tilespmem:s23], [sflag:$0x1] =	stream.linear.gather [hbm4b:s19+s2], $0x400, $0x38;
	[tilespmem:$0x1A200] =	vst v63  }
0x3e: {  	s23 =	spop (v2sf)  }
0x3f: {  	(v2sf) =	vpush v48, $0x6;
	[tilespmem:s24], [sflag:$0x1] =	stream.linear.gather [hbm4b:s23+s2], $0x400, $0x38;
	[tilespmem:$0x1A200] =	vst v63  }
0x40: {  	s19 =	sadd.s32 $0xF4280, s23  }
0x41: {  	[tilespmem:s25], [sflag:$0x1] =	stream.linear.gather [hbm4b:s19+s2], $0x400, $0x38;
	[tilespmem:$0x1A200] =	vst v63  }
0x42: {  	s20 =	spop (v2sf)  }
0x43: {  	(v2sf) =	vpush v48, $0x7;
	[tilespmem:s3], [sflag:$0x1] =	stream.linear.gather [hbm4b:s20+s2], $0x400, $0x38;
	[tilespmem:$0x1A200] =	vst v63  }
0x44: {  	s19 =	sadd.s32 $0xF4280, s20  }
0x45: {  	[tilespmem:s4], [sflag:$0x1] =	stream.linear.gather [hbm4b:s19+s2], $0x400, $0x38;
	[tilespmem:$0x1A200] =	vst v63  }
0x46: {  	s21 =	spop (v2sf)  }
0x47: {  	(v2sf) =	vpush v48, $0x8;
	[tilespmem:s5], [sflag:$0x1] =	stream.linear.gather [hbm4b:s21+s2], $0x400, $0x38;
	[tilespmem:$0x1A200] =	vst v63  }
0x48: {  	s19 =	sadd.s32 $0xF4280, s21  }
0x49: {  	[tilespmem:s6], [sflag:$0x1] =	stream.linear.gather [hbm4b:s19+s2], $0x400, $0x38;
	[tilespmem:$0x1A200] =	vst v63  }
0x4a: {  	s22 =	spop (v2sf)  }
0x4b: {  	(v2sf) =	vpush v48, $0x9;
	[tilespmem:s7], [sflag:$0x1] =	stream.linear.gather [hbm4b:s22+s2], $0x400, $0x38;
	[tilespmem:$0x1A200] =	vst v63  }
0x4c: {  	s19 =	sadd.s32 $0xF4280, s22  }
0x4d: {  	[tilespmem:s9], [sflag:$0x1] =	stream.linear.gather [hbm4b:s19+s2], $0x400, $0x38;
	[tilespmem:$0x1A200] =	vst v63  }
0x4e: {  	s23 =	spop (v2sf)  }
0x4f: {  	(v2sf) =	vpush v48, $0xA;
	[tilespmem:s10], [sflag:$0x1] =	stream.linear.gather [hbm4b:s23+s2], $0x400, $0x38;
	[tilespmem:$0x1A200] =	vst v63  }
0x50: {  	s19 =	sadd.s32 $0xF4280, s23  }
0x51: {  	[tilespmem:s11], [sflag:$0x1] =	stream.linear.gather [hbm4b:s19+s2], $0x400, $0x38;
	[tilespmem:$0x1A200] =	vst v63  }
0x52: {  	s24 =	spop (v2sf)  }
0x53: {  	(v2sf) =	vpush v48, $0xB;
	[tilespmem:s12], [sflag:$0x1] =	stream.linear.gather [hbm4b:s24+s2], $0x400, $0x38;
	[tilespmem:$0x1A200] =	vst v63  }
0x54: {  	s19 =	sadd.s32 $0xF4280, s24  }
0x55: {  	[tilespmem:s13], [sflag:$0x1] =	stream.linear.gather [hbm4b:s19+s2], $0x400, $0x38;
	[tilespmem:$0x1A200] =	vst v63  }
0x56: {  	s25 =	spop (v2sf)  }
0x57: {  	(v2sf) =	vpush v48, $0xC;
	[tilespmem:s14], [sflag:$0x1] =	stream.linear.gather [hbm4b:s25+s2], $0x400, $0x38;
	[tilespmem:$0x1A200] =	vst v63  }
0x58: {  	s19 =	sadd.s32 $0xF4280, s25  }
0x59: {  	[tilespmem:s0], [sflag:$0x1] =	stream.linear.gather [hbm4b:s19+s2], $0x400, $0x38;
	[tilespmem:$0x1A200] =	vst v63  }
0x5a: {  	s0 =	spop (v2sf)  }
0x5b: {  	(v2sf) =	vpush v48, $0xD;
	[tilespmem:s15], [sflag:$0x1] =	stream.linear.gather [hbm4b:s0+s2], $0x400, $0x38;
	[tilespmem:$0x1A200] =	vst v63  }
0x5c: {  	s19 =	sadd.s32 $0xF4280, s0  }
0x5d: {  	[tilespmem:s26], [sflag:$0x1] =	stream.linear.gather [hbm4b:s19+s2], $0x400, $0x38;
	[tilespmem:$0x1A200] =	vst v63  }
0x5e: {  	s3 =	spop (v2sf)  }
0x5f: {  	(v2sf) =	vpush v48, $0xE;
	[tilespmem:s28], [sflag:$0x1] =	stream.linear.gather [hbm4b:s3+s2], $0x400, $0x38;
	[tilespmem:$0x1A200] =	vst v63  }
0x60: {  	s19 =	sadd.s32 $0xF4280, s3  }
0x61: {  	[tilespmem:s29], [sflag:$0x1] =	stream.linear.gather [hbm4b:s19+s2], $0x400, $0x38;
	[tilespmem:$0x1A200] =	vst v63  }
0x62: {  	s4 =	spop (v2sf)  }
0x63: {  	(v2sf) =	vpush v48, $0xF;
	[tilespmem:s30], [sflag:$0x1] =	stream.linear.gather [hbm4b:s4+s2], $0x400, $0x38;
	[tilespmem:$0x1A200] =	vst v63  }
0x64: {  	s19 =	sadd.s32 $0xF4280, s4  }
0x65: {  	[tilespmem:s31], [sflag:$0x1] =	stream.linear.gather [hbm4b:s19+s2], $0x400, $0x38;
	[tilespmem:$0x1A200] =	vst v63  }
0x66: {  	s6 =	simm.s32 $0x3200;
	s5 =	spop (v2sf)  }
0x67: {  	[tilespmem:s6], [sflag:$0x1] =	stream.linear.gather [hbm4b:s5+s2], $0x400, $0x38;
	[tilespmem:$0x1A200] =	vst v63  }
0x68: {  	s7 =	simm.s32 $0x7200;
	s19 =	sadd.s32 $0xF4280, s5  }
0x69: {  	[tilespmem:s7], [sflag:$0x1] =	stream.linear.gather [hbm4b:s19+s2], $0x400, $0x38;
	[tilespmem:$0x1A200] =	vst v63  }
0x6a: {  	s10 =	simm.s32 $0x3600;
	s9 =	spop (v2sf)  }
0x6b: {  	[tilespmem:s10], [sflag:$0x1] =	stream.linear.gather [hbm4b:s9+s2], $0x400, $0x38;
	[tilespmem:$0x1A200] =	vst v63  }
0x6c: {  	s11 =	simm.s32 $0x7600;
	s19 =	sadd.s32 $0xF4280, s9  }
0x6d: {  	[tilespmem:s11], [sflag:$0x1] =	stream.linear.gather [hbm4b:s19+s2], $0x400, $0x38;
	[tilespmem:$0x1A200] =	vst v63  }
0x6e: {  	s13 =	simm.s32 $0x3A00;
	s12 =	spop (v2sf)  }
0x6f: {  	[tilespmem:s13], [sflag:$0x1] =	stream.linear.gather [hbm4b:s12+s2], $0x400, $0x38;
	[tilespmem:$0x1A200] =	vst v63  }
0x70: {  	s14 =	simm.s32 $0x7A00;
	s19 =	sadd.s32 $0xF4280, s12  }
0x71: {  	[tilespmem:s14], [sflag:$0x1] =	stream.linear.gather [hbm4b:s19+s2], $0x400, $0x38;
	[tilespmem:$0x1A200] =	vst v63  }
0x72: {  	s20 =	simm.s32 $0x3E00;
	s15 =	spop (v2sf)  }
0x73: {  	[tilespmem:s20], [sflag:$0x1] =	stream.linear.gather [hbm4b:s15+s2], $0x400, $0x38;
	[tilespmem:$0x1A200] =	vst v63  }
0x74: {  	s21 =	simm.s32 $0x7E00;
	s19 =	sadd.s32 $0xF4280, s15  }
0x75: {  	[tilespmem:s21], [sflag:$0x1] =	stream.linear.gather [hbm4b:s19+s2], $0x400, $0x38;
	[tilespmem:$0x1A200] =	vst v63  }
0x76: {  	v63 =	vld [tilespmem:$0x10];
	_ =	sdelay $0x4  }
0x77: {  	v48 =	vand.u32 $0xFFFFFF80, v63  }
0x78: {  	v48 =	vadd.s32 s1, v48  }
0x79: {  	(v2sf) =	vpush v48, $0x0;
	_ =	sdelay $0x3  }
0x7a: {  	(v2sf) =	vpush v48, $0x1;
	_ =	sdelay $0x3  }
0x7b: {  	(v2sf) =	vpush v48, $0x2;
	_ =	sdelay $0x3  }
0x7c: {  	(v2sf) =	vpush v48, $0x3;
	_ =	sdelay $0x2  }
0x7d: {  	s23 =	simm.s32 $0x8200;
	s22 =	spop (v2sf)  }
0x7e: {  	(v2sf) =	vpush v48, $0x4;
	[tilespmem:s23], [sflag:$0x2] =	stream.linear.gather [hbm4b:s22+s2], $0x400, $0x38;
	[tilespmem:$0x1A200] =	vst v63  }
0x7f: {  	s24 =	simm.s32 $0xC200;
	s19 =	sadd.s32 $0xF4280, s22  }
0x80: {  	[tilespmem:s24], [sflag:$0x2] =	stream.linear.gather [hbm4b:s19+s2], $0x400, $0x38;
	[tilespmem:$0x1A200] =	vst v63  }
0x81: {  	s26 =	simm.s32 $0x8600;
	s25 =	spop (v2sf)  }
0x82: {  	(v2sf) =	vpush v48, $0x5;
	[tilespmem:s26], [sflag:$0x2] =	stream.linear.gather [hbm4b:s25+s2], $0x400, $0x38;
	[tilespmem:$0x1A200] =	vst v63  }
0x83: {  	s3 =	simm.s32 $0xC600;
	s19 =	sadd.s32 $0xF4280, s25  }
0x84: {  	[tilespmem:s3], [sflag:$0x2] =	stream.linear.gather [hbm4b:s19+s2], $0x400, $0x38;
	[tilespmem:$0x1A200] =	vst v63  }
0x85: {  	s5 =	simm.s32 $0x8A00;
	s4 =	spop (v2sf)  }
0x86: {  	(v2sf) =	vpush v48, $0x6;
	[tilespmem:s5], [sflag:$0x2] =	stream.linear.gather [hbm4b:s4+s2], $0x400, $0x38;
	[tilespmem:$0x1A200] =	vst v63  }
0x87: {  	s6 =	simm.s32 $0xCA00;
	s19 =	sadd.s32 $0xF4280, s4  }
0x88: {  	[tilespmem:s6], [sflag:$0x2] =	stream.linear.gather [hbm4b:s19+s2], $0x400, $0x38;
	[tilespmem:$0x1A200] =	vst v63  }
0x89: {  	s9 =	simm.s32 $0x8E00;
	s7 =	spop (v2sf)  }
0x8a: {  	(v2sf) =	vpush v48, $0x7;
	[tilespmem:s9], [sflag:$0x2] =	stream.linear.gather [hbm4b:s7+s2], $0x400, $0x38;
	[tilespmem:$0x1A200] =	vst v63  }
0x8b: {  	s10 =	simm.s32 $0xCE00;
	s19 =	sadd.s32 $0xF4280, s7  }
0x8c: {  	[tilespmem:s10], [sflag:$0x2] =	stream.linear.gather [hbm4b:s19+s2], $0x400, $0x38;
	[tilespmem:$0x1A200] =	vst v63  }
0x8d: {  	s12 =	simm.s32 $0x9200;
	s11 =	spop (v2sf)  }
0x8e: {  	(v2sf) =	vpush v48, $0x8;
	[tilespmem:s12], [sflag:$0x2] =	stream.linear.gather [hbm4b:s11+s2], $0x400, $0x38;
	[tilespmem:$0x1A200] =	vst v63  }
0x8f: {  	s13 =	simm.s32 $0xD200;
	s19 =	sadd.s32 $0xF4280, s11  }
0x90: {  	[tilespmem:s13], [sflag:$0x2] =	stream.linear.gather [hbm4b:s19+s2], $0x400, $0x38;
	[tilespmem:$0x1A200] =	vst v63  }
0x91: {  	s15 =	simm.s32 $0x9600;
	s14 =	spop (v2sf)  }
0x92: {  	(v2sf) =	vpush v48, $0x9;
	[tilespmem:s15], [sflag:$0x2] =	stream.linear.gather [hbm4b:s14+s2], $0x400, $0x38;
	[tilespmem:$0x1A200] =	vst v63  }
0x93: {  	s20 =	simm.s32 $0xD600;
	s19 =	sadd.s32 $0xF4280, s14  }
0x94: {  	[tilespmem:s20], [sflag:$0x2] =	stream.linear.gather [hbm4b:s19+s2], $0x400, $0x38;
	[tilespmem:$0x1A200] =	vst v63  }
0x95: {  	s22 =	simm.s32 $0x9A00;
	s21 =	spop (v2sf)  }
0x96: {  	(v2sf) =	vpush v48, $0xA;
	[tilespmem:s22], [sflag:$0x2] =	stream.linear.gather [hbm4b:s21+s2], $0x400, $0x38;
	[tilespmem:$0x1A200] =	vst v63  }
0x97: {  	s23 =	simm.s32 $0xDA00;
	s19 =	sadd.s32 $0xF4280, s21  }
0x98: {  	[tilespmem:s23], [sflag:$0x2] =	stream.linear.gather [hbm4b:s19+s2], $0x400, $0x38;
	[tilespmem:$0x1A200] =	vst v63  }
0x99: {  	s25 =	simm.s32 $0x9E00;
	s24 =	spop (v2sf)  }
0x9a: {  	(v2sf) =	vpush v48, $0xB;
	[tilespmem:s25], [sflag:$0x2] =	stream.linear.gather [hbm4b:s24+s2], $0x400, $0x38;
	[tilespmem:$0x1A200] =	vst v63  }
0x9b: {  	s26 =	simm.s32 $0xDE00;
	s19 =	sadd.s32 $0xF4280, s24  }
0x9c: {  	[tilespmem:s26], [sflag:$0x2] =	stream.linear.gather [hbm4b:s19+s2], $0x400, $0x38;
	[tilespmem:$0x1A200] =	vst v63  }
0x9d: {  	s4 =	simm.s32 $0xA200;
	s3 =	spop (v2sf)  }
0x9e: {  	(v2sf) =	vpush v48, $0xC;
	[tilespmem:s4], [sflag:$0x2] =	stream.linear.gather [hbm4b:s3+s2], $0x400, $0x38;
	[tilespmem:$0x1A200] =	vst v63  }
0x9f: {  	s5 =	simm.s32 $0xE200;
	s19 =	sadd.s32 $0xF4280, s3  }
0xa0: {  	[tilespmem:s5], [sflag:$0x2] =	stream.linear.gather [hbm4b:s19+s2], $0x400, $0x38;
	[tilespmem:$0x1A200] =	vst v63  }
0xa1: {  	s0 =	simm.s32 $0x6E00;
	s7 =	simm.s32 $0xA600;
	s6 =	spop (v2sf)  }
0xa2: {  	(v2sf) =	vpush v48, $0xD;
	[tilespmem:s7], [sflag:$0x2] =	stream.linear.gather [hbm4b:s6+s2], $0x400, $0x38;
	[tilespmem:$0x1A200] =	vst v63  }
0xa3: {  	s28 =	simm.s32 $0xF600;
	s9 =	simm.s32 $0xE600;
	s19 =	sadd.s32 $0xF4280, s6  }
0xa4: {  	[tilespmem:s9], [sflag:$0x2] =	stream.linear.gather [hbm4b:s19+s2], $0x400, $0x38;
	[tilespmem:$0x1A200] =	vst v63  }
0xa5: {  	s29 =	simm.s32 $0x6600;
	s11 =	simm.s32 $0xAA00;
	s10 =	spop (v2sf)  }
0xa6: {  	(v2sf) =	vpush v48, $0xE;
	[tilespmem:s11], [sflag:$0x2] =	stream.linear.gather [hbm4b:s10+s2], $0x400, $0x38;
	[tilespmem:$0x1A200] =	vst v63  }
0xa7: {  	s30 =	simm.s32 $0xFA00;
	s12 =	simm.s32 $0xEA00;
	s19 =	sadd.s32 $0xF4280, s10  }
0xa8: {  	[tilespmem:s12], [sflag:$0x2] =	stream.linear.gather [hbm4b:s19+s2], $0x400, $0x38;
	[tilespmem:$0x1A200] =	vst v63  }
0xa9: {  	s31 =	simm.s32 $0x6A00;
	s14 =	simm.s32 $0xAE00;
	s13 =	spop (v2sf)  }
0xaa: {  	(v2sf) =	vpush v48, $0xF;
	[tilespmem:s14], [sflag:$0x2] =	stream.linear.gather [hbm4b:s13+s2], $0x400, $0x38;
	[tilespmem:$0x1A200] =	vst v63  }
0xab: {  	s15 =	simm.s32 $0xEE00;
	s21 =	simm.s32 $0xB200;
	s19 =	sadd.s32 $0xF4280, s13  }
0xac: {  	[tilespmem:s15], [sflag:$0x2] =	stream.linear.gather [hbm4b:s19+s2], $0x400, $0x38;
	[tilespmem:$0x1A200] =	vst v63  }
0xad: {  	s22 =	simm.s32 $0xF200;
	s24 =	simm.s32 $0xB600;
	s20 =	spop (v2sf)  }
0xae: {  	[tilespmem:s21], [sflag:$0x2] =	stream.linear.gather [hbm4b:s20+s2], $0x400, $0x38;
	[tilespmem:$0x1A200] =	vst v63  }
0xaf: {  	s3 =	simm.s32 $0xBE00;
	s4 =	simm.s32 $0xFE00;
	s19 =	sadd.s32 $0xF4280, s20  }
0xb0: {  	[tilespmem:s22], [sflag:$0x2] =	stream.linear.gather [hbm4b:s19+s2], $0x400, $0x38;
	[tilespmem:$0x1A200] =	vst v63  }
0xb1: {  	s5 =	simm.s32 $0x1200;
	s6 =	simm.s32 $0x5200;
	s23 =	spop (v2sf)  }
0xb2: {  	[tilespmem:s24], [sflag:$0x2] =	stream.linear.gather [hbm4b:s23+s2], $0x400, $0x38;
	[tilespmem:$0x1A200] =	vst v63  }
0xb3: {  	s7 =	simm.s32 $0x1600;
	s9 =	simm.s32 $0x5600;
	s19 =	sadd.s32 $0xF4280, s23  }
0xb4: {  	[tilespmem:s28], [sflag:$0x2] =	stream.linear.gather [hbm4b:s19+s2], $0x400, $0x38;
	[tilespmem:$0x1A200] =	vst v63  }
0xb5: {  	s10 =	simm.s32 $0x1A00;
	s25 =	spop (v2sf);
	s15 =	simm.s32 $0xBA00  }
0xb6: {  	[tilespmem:s15], [sflag:$0x2] =	stream.linear.gather [hbm4b:s25+s2], $0x400, $0x38;
	[tilespmem:$0x1A200] =	vst v63  }
0xb7: {  	s11 =	simm.s32 $0x5A00;
	s12 =	simm.s32 $0x1E00;
	s19 =	sadd.s32 $0xF4280, s25  }
0xb8: {  	[tilespmem:s30], [sflag:$0x2] =	stream.linear.gather [hbm4b:s19+s2], $0x400, $0x38;
	[tilespmem:$0x1A200] =	vst v63  }
0xb9: {  	s13 =	simm.s32 $0x5E00;
	s14 =	simm.s32 $0x2200;
	s26 =	spop (v2sf)  }
0xba: {  	[tilespmem:s3], [sflag:$0x2] =	stream.linear.gather [hbm4b:s26+s2], $0x400, $0x38;
	[tilespmem:$0x1A200] =	vst v63  }
0xbb: {  	s20 =	simm.s32 $0x2;
	s21 =	simm.s32 $0x1;
	s19 =	sadd.s32 $0xF4280, s26  }
0xbc: {  	[tilespmem:s4], [sflag:$0x2] =	stream.linear.gather [hbm4b:s19+s2], $0x400, $0x38;
	[tilespmem:$0x1A200] =	vst v63  }
0xbd: {  	s22 =	simm.s32 $0x20;
	s23 =	simm.s32 $0x0;
	s19 =	simm.s32 $0x20  }
.LBB2_2:
0xbe: {  	v48 =	vld [tilespmem:s19+$0x0];
	_ =	sdelay $0x4  }
0xbf: {  	v48 =	vand.u32 $0xFFFFFF80, v48  }
0xc0: {  	v48 =	vadd.s32 s1, v48  }
0xc1: {  	(v2sf) =	vpush v48, $0x0;
	_ =	sdelay $0x3  }
0xc2: {  	(v2sf) =	vpush v48, $0x1;
	_ =	sdelay $0x3  }
0xc3: {  	(v2sf) =	vpush v48, $0x2;
	_ =	sdelay $0x3  }
0xc4: {  	(v2sf) =	vpush v48, $0x3;
	_ =	sdelay $0x1  }
0xc5: {  	s24 =	rddreg [dreg:$0x4]  }
0xc6: {  	s26 =	rddreg [dreg:$0x5];
	s25 =	spop (v2sf)  }
0xc7: {  	(v2sf) =	vpush v48, $0x4;
	[tilespmem:s24], [sflag:$0x3] =	stream.linear.gather [hbm4b:s25+s2], $0x400, $0x38;
	[tilespmem:$0x1A200] =	vst v63  }
0xc8: {  	s24 =	sadd.s32 $0xF4280, s25;
	s25 =	rddreg [dreg:$0x6]  }
0xc9: {  	[tilespmem:s26], [sflag:$0x3] =	stream.linear.gather [hbm4b:s24+s2], $0x400, $0x38;
	[tilespmem:$0x1A200] =	vst v63  }
0xca: {  	s24 =	spop (v2sf);
	s26 =	rddreg [dreg:$0x7]  }
0xcb: {  	(v2sf) =	vpush v48, $0x5;
	[tilespmem:s25], [sflag:$0x3] =	stream.linear.gather [hbm4b:s24+s2], $0x400, $0x38;
	[tilespmem:$0x1A200] =	vst v63  }
0xcc: {  	s24 =	sadd.s32 $0xF4280, s24;
	s25 =	rddreg [dreg:$0x8]  }
0xcd: {  	[tilespmem:s26], [sflag:$0x3] =	stream.linear.gather [hbm4b:s24+s2], $0x400, $0x38;
	[tilespmem:$0x1A200] =	vst v63  }
0xce: {  	s24 =	spop (v2sf);
	s26 =	rddreg [dreg:$0x9]  }
0xcf: {  	(v2sf) =	vpush v48, $0x6;
	[tilespmem:s25], [sflag:$0x3] =	stream.linear.gather [hbm4b:s24+s2], $0x400, $0x38;
	[tilespmem:$0x1A200] =	vst v63  }
0xd0: {  	s24 =	sadd.s32 $0xF4280, s24;
	s25 =	rddreg [dreg:$0xa]  }
0xd1: {  	[tilespmem:s26], [sflag:$0x3] =	stream.linear.gather [hbm4b:s24+s2], $0x400, $0x38;
	[tilespmem:$0x1A200] =	vst v63  }
0xd2: {  	s24 =	spop (v2sf);
	s26 =	rddreg [dreg:$0xb]  }
0xd3: {  	(v2sf) =	vpush v48, $0x7;
	[tilespmem:s25], [sflag:$0x3] =	stream.linear.gather [hbm4b:s24+s2], $0x400, $0x38;
	[tilespmem:$0x1A200] =	vst v63  }
0xd4: {  	s24 =	sadd.s32 $0xF4280, s24;
	s25 =	rddreg [dreg:$0xc]  }
0xd5: {  	[tilespmem:s26], [sflag:$0x3] =	stream.linear.gather [hbm4b:s24+s2], $0x400, $0x38;
	[tilespmem:$0x1A200] =	vst v63  }
0xd6: {  	s24 =	spop (v2sf);
	s26 =	rddreg [dreg:$0xd]  }
0xd7: {  	(v2sf) =	vpush v48, $0x8;
	[tilespmem:s25], [sflag:$0x3] =	stream.linear.gather [hbm4b:s24+s2], $0x400, $0x38;
	[tilespmem:$0x1A200] =	vst v63  }
0xd8: {  	s24 =	sadd.s32 $0xF4280, s24;
	s25 =	rddreg [dreg:$0xe]  }
0xd9: {  	[tilespmem:s26], [sflag:$0x3] =	stream.linear.gather [hbm4b:s24+s2], $0x400, $0x38;
	[tilespmem:$0x1A200] =	vst v63  }
0xda: {  	s24 =	spop (v2sf);
	s26 =	rddreg [dreg:$0xf]  }
0xdb: {  	(v2sf) =	vpush v48, $0x9;
	[tilespmem:s25], [sflag:$0x3] =	stream.linear.gather [hbm4b:s24+s2], $0x400, $0x38;
	[tilespmem:$0x1A200] =	vst v63  }
0xdc: {  	s24 =	sadd.s32 $0xF4280, s24;
	s25 =	rddreg [dreg:$0x10]  }
0xdd: {  	[tilespmem:s26], [sflag:$0x3] =	stream.linear.gather [hbm4b:s24+s2], $0x400, $0x38;
	[tilespmem:$0x1A200] =	vst v63  }
0xde: {  	s24 =	spop (v2sf);
	s26 =	rddreg [dreg:$0x11]  }
0xdf: {  	(v2sf) =	vpush v48, $0xA;
	[tilespmem:s25], [sflag:$0x3] =	stream.linear.gather [hbm4b:s24+s2], $0x400, $0x38;
	[tilespmem:$0x1A200] =	vst v63  }
0xe0: {  	s24 =	sadd.s32 $0xF4280, s24;
	s25 =	rddreg [dreg:$0x12]  }
0xe1: {  	[tilespmem:s26], [sflag:$0x3] =	stream.linear.gather [hbm4b:s24+s2], $0x400, $0x38;
	[tilespmem:$0x1A200] =	vst v63  }
0xe2: {  	s24 =	spop (v2sf);
	s26 =	rddreg [dreg:$0x13]  }
0xe3: {  	(v2sf) =	vpush v48, $0xB;
	[tilespmem:s25], [sflag:$0x3] =	stream.linear.gather [hbm4b:s24+s2], $0x400, $0x38;
	[tilespmem:$0x1A200] =	vst v63  }
0xe4: {  	s24 =	sadd.s32 $0xF4280, s24;
	s25 =	rddreg [dreg:$0x14]  }
0xe5: {  	[tilespmem:s26], [sflag:$0x3] =	stream.linear.gather [hbm4b:s24+s2], $0x400, $0x38;
	[tilespmem:$0x1A200] =	vst v63  }
0xe6: {  	s24 =	spop (v2sf);
	s26 =	rddreg [dreg:$0x15]  }
0xe7: {  	(v2sf) =	vpush v48, $0xC;
	[tilespmem:s25], [sflag:$0x3] =	stream.linear.gather [hbm4b:s24+s2], $0x400, $0x38;
	[tilespmem:$0x1A200] =	vst v63  }
0xe8: {  	s24 =	sadd.s32 $0xF4280, s24;
	s25 =	rddreg [dreg:$0x16]  }
0xe9: {  	[tilespmem:s26], [sflag:$0x3] =	stream.linear.gather [hbm4b:s24+s2], $0x400, $0x38;
	[tilespmem:$0x1A200] =	vst v63  }
0xea: {  	s24 =	spop (v2sf);
	s26 =	rddreg [dreg:$0x17]  }
0xeb: {  	(v2sf) =	vpush v48, $0xD;
	[tilespmem:s25], [sflag:$0x3] =	stream.linear.gather [hbm4b:s24+s2], $0x400, $0x38;
	[tilespmem:$0x1A200] =	vst v63  }
0xec: {  	s24 =	sadd.s32 $0xF4280, s24;
	s25 =	rddreg [dreg:$0x18]  }
0xed: {  	[tilespmem:s26], [sflag:$0x3] =	stream.linear.gather [hbm4b:s24+s2], $0x400, $0x38;
	[tilespmem:$0x1A200] =	vst v63  }
0xee: {  	s24 =	spop (v2sf);
	s26 =	rddreg [dreg:$0x19]  }
0xef: {  	(v2sf) =	vpush v48, $0xE;
	[tilespmem:s25], [sflag:$0x3] =	stream.linear.gather [hbm4b:s24+s2], $0x400, $0x38;
	[tilespmem:$0x1A200] =	vst v63  }
0xf0: {  	s24 =	sadd.s32 $0xF4280, s24;
	s25 =	rddreg [dreg:$0x1a]  }
0xf1: {  	[tilespmem:s26], [sflag:$0x3] =	stream.linear.gather [hbm4b:s24+s2], $0x400, $0x38;
	[tilespmem:$0x1A200] =	vst v63  }
0xf2: {  	s24 =	spop (v2sf);
	s26 =	rddreg [dreg:$0x1b]  }
0xf3: {  	(v2sf) =	vpush v48, $0xF;
	[tilespmem:s25], [sflag:$0x3] =	stream.linear.gather [hbm4b:s24+s2], $0x400, $0x38;
	[tilespmem:$0x1A200] =	vst v63  }
0xf4: {  	s24 =	sadd.s32 $0xF4280, s24;
	s25 =	rddreg [dreg:$0x1c]  }
0xf5: {  	[tilespmem:s26], [sflag:$0x3] =	stream.linear.gather [hbm4b:s24+s2], $0x400, $0x38;
	[tilespmem:$0x1A200] =	vst v63  }
0xf6: {  	s24 =	spop (v2sf);
	s26 =	rddreg [dreg:$0x1d]  }
0xf7: {  	[tilespmem:s25], [sflag:$0x3] =	stream.linear.gather [hbm4b:s24+s2], $0x400, $0x38;
	[tilespmem:$0x1A200] =	vst v63  }
0xf8: {  	s24 =	sadd.s32 $0xF4280, s24;
	s25 =	rddreg [dreg:$0x1e]  }
0xf9: {  	[tilespmem:s26], [sflag:$0x3] =	stream.linear.gather [hbm4b:s24+s2], $0x400, $0x38;
	[tilespmem:$0x1A200] =	vst v63  }
0xfa: {  	s24 =	spop (v2sf);
	s26 =	rddreg [dreg:$0x1f]  }
0xfb: {  	[tilespmem:s25], [sflag:$0x3] =	stream.linear.gather [hbm4b:s24+s2], $0x400, $0x38;
	[tilespmem:$0x1A200] =	vst v63  }
0xfc: {  	s24 =	sadd.s32 $0xF4280, s24;
	s25 =	sld [smem:$0x7F9]  }
0xfd: {  	[tilespmem:s26], [sflag:$0x3] =	stream.linear.gather [hbm4b:s24+s2], $0x400, $0x38;
	[tilespmem:$0x1A200] =	vst v63  }
0xfe: {  	s24 =	spop (v2sf);
	s26 =	sld [smem:$0x7FA]  }
0xff: {  	[tilespmem:s25], [sflag:$0x3] =	stream.linear.gather [hbm4b:s24+s2], $0x400, $0x38;
	[tilespmem:$0x1A200] =	vst v63  }
0x100: {  	s24 =	sadd.s32 $0xF4280, s24;
	s25 =	sld [smem:$0x7FB]  }
0x101: {  	[tilespmem:s26], [sflag:$0x3] =	stream.linear.gather [hbm4b:s24+s2], $0x400, $0x38;
	[tilespmem:$0x1A200] =	vst v63  }
0x102: {  	s24 =	spop (v2sf);
	s26 =	sld [smem:$0x7FC]  }
0x103: {  	[tilespmem:s25], [sflag:$0x3] =	stream.linear.gather [hbm4b:s24+s2], $0x400, $0x38;
	[tilespmem:$0x1A200] =	vst v63  }
0x104: {  	s24 =	sadd.s32 $0xF4280, s24  }
0x105: {  	[tilespmem:s26], [sflag:$0x3] =	stream.linear.gather [hbm4b:s24+s2], $0x400, $0x38;
	[tilespmem:$0x1A200] =	vst v63  }
0x106: {  	_ =	swait.ge [sflag:s16], $0x8000  }
0x107: {  	[sflag:s16] =	ssyncset.done $0x0  }
0x108: {  	[sflag:s16] =	ssyncadd.s32 $0xFFFF8000  }
0x109: {  	v54 =	vld [tilespmem:s19+$0xFFFFFFE0];
	_ =	sdelay $0x4  }
0x10a: {  	v48 =	vand.u32 $0x7F, v54  }
0x10b: {  	v49 =	vor.u32 v0, v48;
	_ =	sdelay $0x4  }
0x10c: {  	v49 =	vld.idx.msk [tilespmem:v49+s8+$0x0], $0xffff  }
0x10d: {  	v50 =	vor.u32 v1, v48  }
0x10e: {  	s24 =	sadd.s32 $0xFFFFFFE0, s22  }
0x10f: {  	s26 =	sand.u32 $0x1C00, s23;
	s25 =	sand.u32 $0x70, s24  }
0x110: {  	s25 =	sor.u32 s25, s26  }
0x111: {  	[tilespmem:s25+$0x18200] =	vst v49  }
0x112: {  	v49 =	vld.idx.msk [tilespmem:v50+s8+$0x0], $0xffff  }
0x113: {  	v55 =	vor.u32 v2, v48;
	_ =	sdelay $0x3  }
0x114: {  	[tilespmem:s25+$0x18280] =	vst v49  }
0x115: {  	v49 =	vld.idx.msk [tilespmem:v55+s8+$0x0], $0xffff  }
0x116: {  	v56 =	vor.u32 v3, v48;
	_ =	sdelay $0x3  }
0x117: {  	[tilespmem:s25+$0x18300] =	vst v49  }
0x118: {  	v49 =	vld.idx.msk [tilespmem:v56+s8+$0x0], $0xffff  }
0x119: {  	v57 =	vor.u32 v4, v48;
	_ =	sdelay $0x3  }
0x11a: {  	[tilespmem:s25+$0x18380] =	vst v49  }
0x11b: {  	v49 =	vld.idx.msk [tilespmem:v57+s8+$0x0], $0xffff  }
0x11c: {  	v58 =	vor.u32 v5, v48;
	_ =	sdelay $0x3  }
0x11d: {  	[tilespmem:s25+$0x18400] =	vst v49  }
0x11e: {  	v49 =	vld.idx.msk [tilespmem:v58+s8+$0x0], $0xffff  }
0x11f: {  	v59 =	vor.u32 v6, v48;
	_ =	sdelay $0x3  }
0x120: {  	[tilespmem:s25+$0x18480] =	vst v49  }
0x121: {  	v49 =	vld.idx.msk [tilespmem:v59+s8+$0x0], $0xffff  }
0x122: {  	v60 =	vor.u32 v7, v48;
	_ =	sdelay $0x3  }
0x123: {  	[tilespmem:s25+$0x18500] =	vst v49  }
0x124: {  	v49 =	vld.idx.msk [tilespmem:v60+s8+$0x0], $0xffff  }
0x125: {  	v61 =	vor.u32 v8, v48;
	_ =	sdelay $0x1  }
0x126: {  	s24 =	sor.u32 s23, s24  }
0x127: {  	s24 =	sor.u32 $0x380, s24  }
0x128: {  	[tilespmem:s24+$0x18200] =	vst v49  }
0x129: {  	v49 =	vld.idx.msk [tilespmem:v61+s8+$0x0], $0xffff  }
0x12a: {  	v62 =	vor.u32 v9, v48;
	_ =	sdelay $0x3  }
0x12b: {  	[tilespmem:s25+$0x19200] =	vst v49  }
0x12c: {  	v49 =	vld.idx.msk [tilespmem:v62+s8+$0x0], $0xffff  }
0x12d: {  	v63 =	vor.u32 v10, v48;
	_ =	sdelay $0x3  }
0x12e: {  	[tilespmem:s25+$0x19280] =	vst v49  }
0x12f: {  	v49 =	vld.idx.msk [tilespmem:v63+s8+$0x0], $0xffff  }
0x130: {  	v52 =	vor.u32 v11, v48;
	_ =	sdelay $0x3  }
0x131: {  	[tilespmem:s25+$0x19300] =	vst v49  }
0x132: {  	v49 =	vld.idx.msk [tilespmem:v52+s8+$0x0], $0xffff  }
0x133: {  	v53 =	vor.u32 v12, v48;
	_ =	sdelay $0x3  }
0x134: {  	[tilespmem:s25+$0x19380] =	vst v49  }
0x135: {  	v49 =	vld.idx.msk [tilespmem:v53+s8+$0x0], $0xffff  }
0x136: {  	v54 =	vor.u32 v13, v48;
	_ =	sdelay $0x3  }
0x137: {  	[tilespmem:s25+$0x19400] =	vst v49  }
0x138: {  	v49 =	vld.idx.msk [tilespmem:v54+s8+$0x0], $0xffff  }
0x139: {  	v55 =	vor.u32 v14, v48;
	_ =	sdelay $0x3  }
0x13a: {  	[tilespmem:s25+$0x19480] =	vst v49  }
0x13b: {  	v49 =	vld.idx.msk [tilespmem:v55+s8+$0x0], $0xffff  }
0x13c: {  	v48 =	vor.u32 v15, v48;
	_ =	sdelay $0x3  }
0x13d: {  	[tilespmem:s25+$0x19500] =	vst v49  }
0x13e: {  	v48 =	vld.idx.msk [tilespmem:v48+s8+$0x0], $0xffff;
	_ =	sdelay $0x4  }
0x13f: {  	[tilespmem:s25+$0x19580] =	vst v48  }
0x140: {  	v48 =	vld [tilespmem:s19+$0x10];
	_ =	sdelay $0x4  }
0x141: {  	v48 =	vand.u32 $0xFFFFFF80, v48  }
0x142: {  	v48 =	vadd.s32 s1, v48  }
0x143: {  	(v2sf) =	vpush v48, $0x0;
	_ =	sdelay $0x3  }
0x144: {  	(v2sf) =	vpush v48, $0x1;
	_ =	sdelay $0x3  }
0x145: {  	(v2sf) =	vpush v48, $0x2;
	_ =	sdelay $0x3  }
0x146: {  	(v2sf) =	vpush v48, $0x3;
	_ =	sdelay $0x2  }
0x147: {  	s25 =	spop (v2sf)  }
0x148: {  	(v2sf) =	vpush v48, $0x4;
	[tilespmem:s8], [sflag:$0x1] =	stream.linear.gather [hbm4b:s25+s2], $0x400, $0x38;
	[tilespmem:$0x1A200] =	vst v63  }
0x149: {  	s26 =	simm.s32 $0x4200;
	s24 =	sadd.s32 $0xF4280, s25  }
0x14a: {  	[tilespmem:s26], [sflag:$0x1] =	stream.linear.gather [hbm4b:s24+s2], $0x400, $0x38;
	[tilespmem:$0x1A200] =	vst v63  }
0x14b: {  	s24 =	spop (v2sf);
	s26 =	simm.s32 $0x600  }
0x14c: {  	(v2sf) =	vpush v48, $0x5;
	[tilespmem:s26], [sflag:$0x1] =	stream.linear.gather [hbm4b:s24+s2], $0x400, $0x38;
	[tilespmem:$0x1A200] =	vst v63  }
0x14d: {  	s24 =	sadd.s32 $0xF4280, s24;
	s26 =	simm.s32 $0x4600  }
0x14e: {  	[tilespmem:s26], [sflag:$0x1] =	stream.linear.gather [hbm4b:s24+s2], $0x400, $0x38;
	[tilespmem:$0x1A200] =	vst v63  }
0x14f: {  	s24 =	spop (v2sf);
	s26 =	simm.s32 $0xA00  }
0x150: {  	(v2sf) =	vpush v48, $0x6;
	[tilespmem:s26], [sflag:$0x1] =	stream.linear.gather [hbm4b:s24+s2], $0x400, $0x38;
	[tilespmem:$0x1A200] =	vst v63  }
0x151: {  	s24 =	sadd.s32 $0xF4280, s24;
	s26 =	simm.s32 $0x4A00  }
0x152: {  	[tilespmem:s26], [sflag:$0x1] =	stream.linear.gather [hbm4b:s24+s2], $0x400, $0x38;
	[tilespmem:$0x1A200] =	vst v63  }
0x153: {  	s24 =	spop (v2sf);
	s26 =	simm.s32 $0xE00  }
0x154: {  	(v2sf) =	vpush v48, $0x7;
	[tilespmem:s26], [sflag:$0x1] =	stream.linear.gather [hbm4b:s24+s2], $0x400, $0x38;
	[tilespmem:$0x1A200] =	vst v63  }
0x155: {  	s24 =	sadd.s32 $0xF4280, s24;
	s26 =	simm.s32 $0x4E00  }
0x156: {  	[tilespmem:s26], [sflag:$0x1] =	stream.linear.gather [hbm4b:s24+s2], $0x400, $0x38;
	[tilespmem:$0x1A200] =	vst v63  }
0x157: {  	s25 =	spop (v2sf)  }
0x158: {  	(v2sf) =	vpush v48, $0x8;
	[tilespmem:s5], [sflag:$0x1] =	stream.linear.gather [hbm4b:s25+s2], $0x400, $0x38;
	[tilespmem:$0x1A200] =	vst v63  }
0x159: {  	s24 =	sadd.s32 $0xF4280, s25  }
0x15a: {  	[tilespmem:s6], [sflag:$0x1] =	stream.linear.gather [hbm4b:s24+s2], $0x400, $0x38;
	[tilespmem:$0x1A200] =	vst v63  }
0x15b: {  	s26 =	spop (v2sf)  }
0x15c: {  	(v2sf) =	vpush v48, $0x9;
	[tilespmem:s7], [sflag:$0x1] =	stream.linear.gather [hbm4b:s26+s2], $0x400, $0x38;
	[tilespmem:$0x1A200] =	vst v63  }
0x15d: {  	s24 =	sadd.s32 $0xF4280, s26  }
0x15e: {  	[tilespmem:s9], [sflag:$0x1] =	stream.linear.gather [hbm4b:s24+s2], $0x400, $0x38;
	[tilespmem:$0x1A200] =	vst v63  }
0x15f: {  	s25 =	spop (v2sf)  }
0x160: {  	(v2sf) =	vpush v48, $0xA;
	[tilespmem:s10], [sflag:$0x1] =	stream.linear.gather [hbm4b:s25+s2], $0x400, $0x38;
	[tilespmem:$0x1A200] =	vst v63  }
0x161: {  	s24 =	sadd.s32 $0xF4280, s25  }
0x162: {  	[tilespmem:s11], [sflag:$0x1] =	stream.linear.gather [hbm4b:s24+s2], $0x400, $0x38;
	[tilespmem:$0x1A200] =	vst v63  }
0x163: {  	s26 =	spop (v2sf)  }
0x164: {  	(v2sf) =	vpush v48, $0xB;
	[tilespmem:s12], [sflag:$0x1] =	stream.linear.gather [hbm4b:s26+s2], $0x400, $0x38;
	[tilespmem:$0x1A200] =	vst v63  }
0x165: {  	s24 =	sadd.s32 $0xF4280, s26  }
0x166: {  	[tilespmem:s13], [sflag:$0x1] =	stream.linear.gather [hbm4b:s24+s2], $0x400, $0x38;
	[tilespmem:$0x1A200] =	vst v63  }
0x167: {  	s25 =	spop (v2sf)  }
0x168: {  	(v2sf) =	vpush v48, $0xC;
	[tilespmem:s14], [sflag:$0x1] =	stream.linear.gather [hbm4b:s25+s2], $0x400, $0x38;
	[tilespmem:$0x1A200] =	vst v63  }
0x169: {  	s26 =	simm.s32 $0x6200;
	s24 =	sadd.s32 $0xF4280, s25  }
0x16a: {  	[tilespmem:s26], [sflag:$0x1] =	stream.linear.gather [hbm4b:s24+s2], $0x400, $0x38;
	[tilespmem:$0x1A200] =	vst v63  }
0x16b: {  	s24 =	spop (v2sf);
	s26 =	simm.s32 $0x2600  }
0x16c: {  	(v2sf) =	vpush v48, $0xD;
	[tilespmem:s26], [sflag:$0x1] =	stream.linear.gather [hbm4b:s24+s2], $0x400, $0x38;
	[tilespmem:$0x1A200] =	vst v63  }
0x16d: {  	s24 =	sadd.s32 $0xF4280, s24  }
0x16e: {  	[tilespmem:s29], [sflag:$0x1] =	stream.linear.gather [hbm4b:s24+s2], $0x400, $0x38;
	[tilespmem:$0x1A200] =	vst v63  }
0x16f: {  	s26 =	simm.s32 $0x2A00;
	s24 =	spop (v2sf)  }
0x170: {  	(v2sf) =	vpush v48, $0xE;
	[tilespmem:s26], [sflag:$0x1] =	stream.linear.gather [hbm4b:s24+s2], $0x400, $0x38;
	[tilespmem:$0x1A200] =	vst v63  }
0x171: {  	s24 =	sadd.s32 $0xF4280, s24  }
0x172: {  	[tilespmem:s31], [sflag:$0x1] =	stream.linear.gather [hbm4b:s24+s2], $0x400, $0x38;
	[tilespmem:$0x1A200] =	vst v63  }
0x173: {  	s26 =	simm.s32 $0x2E00;
	s24 =	spop (v2sf)  }
0x174: {  	(v2sf) =	vpush v48, $0xF;
	[tilespmem:s26], [sflag:$0x1] =	stream.linear.gather [hbm4b:s24+s2], $0x400, $0x38;
	[tilespmem:$0x1A200] =	vst v63  }
0x175: {  	s24 =	sadd.s32 $0xF4280, s24  }
0x176: {  	[tilespmem:s0], [sflag:$0x1] =	stream.linear.gather [hbm4b:s24+s2], $0x400, $0x38;
	[tilespmem:$0x1A200] =	vst v63  }
0x177: {  	s26 =	simm.s32 $0x3200;
	s24 =	spop (v2sf)  }
0x178: {  	[tilespmem:s26], [sflag:$0x1] =	stream.linear.gather [hbm4b:s24+s2], $0x400, $0x38;
	[tilespmem:$0x1A200] =	vst v63  }
0x179: {  	s24 =	sadd.s32 $0xF4280, s24;
	s26 =	simm.s32 $0x7200  }
0x17a: {  	[tilespmem:s26], [sflag:$0x1] =	stream.linear.gather [hbm4b:s24+s2], $0x400, $0x38;
	[tilespmem:$0x1A200] =	vst v63  }
0x17b: {  	s24 =	spop (v2sf);
	s26 =	simm.s32 $0x3600  }
0x17c: {  	[tilespmem:s26], [sflag:$0x1] =	stream.linear.gather [hbm4b:s24+s2], $0x400, $0x38;
	[tilespmem:$0x1A200] =	vst v63  }
0x17d: {  	s24 =	sadd.s32 $0xF4280, s24;
	s26 =	simm.s32 $0x7600  }
0x17e: {  	[tilespmem:s26], [sflag:$0x1] =	stream.linear.gather [hbm4b:s24+s2], $0x400, $0x38;
	[tilespmem:$0x1A200] =	vst v63  }
0x17f: {  	s24 =	spop (v2sf);
	s26 =	simm.s32 $0x3A00  }
0x180: {  	[tilespmem:s26], [sflag:$0x1] =	stream.linear.gather [hbm4b:s24+s2], $0x400, $0x38;
	[tilespmem:$0x1A200] =	vst v63  }
0x181: {  	s24 =	sadd.s32 $0xF4280, s24;
	s26 =	simm.s32 $0x7A00  }
0x182: {  	[tilespmem:s26], [sflag:$0x1] =	stream.linear.gather [hbm4b:s24+s2], $0x400, $0x38;
	[tilespmem:$0x1A200] =	vst v63  }
0x183: {  	s24 =	spop (v2sf);
	s26 =	simm.s32 $0x3E00  }
0x184: {  	[tilespmem:s26], [sflag:$0x1] =	stream.linear.gather [hbm4b:s24+s2], $0x400, $0x38;
	[tilespmem:$0x1A200] =	vst v63  }
0x185: {  	s24 =	sadd.s32 $0xF4280, s24;
	s26 =	simm.s32 $0x7E00  }
0x186: {  	[tilespmem:s26], [sflag:$0x1] =	stream.linear.gather [hbm4b:s24+s2], $0x400, $0x38;
	[tilespmem:$0x1A200] =	vst v63  }
0x187: {  	_ =	swait.ge [sflag:s17], $0x8000  }
0x188: {  	[sflag:s17] =	ssyncset.done $0x0  }
0x189: {  	[sflag:s17] =	ssyncadd.s32 $0xFFFF8000  }
0x18a: {  	v56 =	vld [tilespmem:s19+$0xFFFFFFF0];
	_ =	sdelay $0x4  }
0x18b: {  	v48 =	vand.u32 $0x7F, v56  }
0x18c: {  	v57 =	vor.u32 v16, v48;
	_ =	sdelay $0x4  }
0x18d: {  	v49 =	vld.idx.msk [tilespmem:v57+s8+$0x0], $0xffff  }
0x18e: {  	v58 =	vor.u32 v17, v48  }
0x18f: {  	s25 =	sadd.s32 $0x80, s23;
	s26 =	sadd.s32 $0xFFFFFFF0, s22  }
0x190: {  	s24 =	sand.u32 $0x70, s26;
	s26 =	sand.u32 $0x3C00, s25  }
0x191: {  	s24 =	sor.u32 s24, s26  }
0x192: {  	[tilespmem:s24+$0x18200] =	vst v49  }
0x193: {  	v49 =	vld.idx.msk [tilespmem:v58+s8+$0x0], $0xffff  }
0x194: {  	v59 =	vor.u32 v18, v48;
	_ =	sdelay $0x3  }
0x195: {  	[tilespmem:s24+$0x18280] =	vst v49  }
0x196: {  	v49 =	vld.idx.msk [tilespmem:v59+s8+$0x0], $0xffff  }
0x197: {  	v60 =	vor.u32 v19, v48;
	_ =	sdelay $0x3  }
0x198: {  	[tilespmem:s24+$0x18300] =	vst v49  }
0x199: {  	v49 =	vld.idx.msk [tilespmem:v60+s8+$0x0], $0xffff  }
0x19a: {  	v61 =	vor.u32 v20, v48;
	_ =	sdelay $0x3  }
0x19b: {  	[tilespmem:s24+$0x18380] =	vst v49  }
0x19c: {  	v49 =	vld.idx.msk [tilespmem:v61+s8+$0x0], $0xffff  }
0x19d: {  	v62 =	vor.u32 v21, v48;
	_ =	sdelay $0x3  }
0x19e: {  	[tilespmem:s24+$0x18400] =	vst v49  }
0x19f: {  	v49 =	vld.idx.msk [tilespmem:v62+s8+$0x0], $0xffff  }
0x1a0: {  	v63 =	vor.u32 v22, v48;
	_ =	sdelay $0x3  }
0x1a1: {  	[tilespmem:s24+$0x18480] =	vst v49  }
0x1a2: {  	v49 =	vld.idx.msk [tilespmem:v63+s8+$0x0], $0xffff  }
0x1a3: {  	v52 =	vor.u32 v23, v48;
	_ =	sdelay $0x3  }
0x1a4: {  	[tilespmem:s24+$0x18500] =	vst v49  }
0x1a5: {  	v49 =	vld.idx.msk [tilespmem:v52+s8+$0x0], $0xffff  }
0x1a6: {  	s26 =	sand.u32 $0x7, s21;
	v53 =	vor.u32 v24, v48  }
0x1a7: {  	s26 =	sshll.u32 s26, $0x4  }
0x1a8: {  	s25 =	sadd.s32 s26, s25  }
0x1a9: {  	s25 =	sor.u32 $0x380, s25  }
0x1aa: {  	[tilespmem:s25+$0x18200] =	vst v49  }
0x1ab: {  	v49 =	vld.idx.msk [tilespmem:v53+s8+$0x0], $0xffff  }
0x1ac: {  	v54 =	vor.u32 v25, v48;
	_ =	sdelay $0x3  }
0x1ad: {  	[tilespmem:s24+$0x19200] =	vst v49  }
0x1ae: {  	v49 =	vld.idx.msk [tilespmem:v54+s8+$0x0], $0xffff  }
0x1af: {  	v55 =	vor.u32 v26, v48;
	_ =	sdelay $0x3  }
0x1b0: {  	[tilespmem:s24+$0x19280] =	vst v49  }
0x1b1: {  	v49 =	vld.idx.msk [tilespmem:v55+s8+$0x0], $0xffff  }
0x1b2: {  	v56 =	vor.u32 v27, v48;
	_ =	sdelay $0x3  }
0x1b3: {  	[tilespmem:s24+$0x19300] =	vst v49  }
0x1b4: {  	v49 =	vld.idx.msk [tilespmem:v56+s8+$0x0], $0xffff  }
0x1b5: {  	v57 =	vor.u32 v28, v48;
	_ =	sdelay $0x3  }
0x1b6: {  	[tilespmem:s24+$0x19380] =	vst v49  }
0x1b7: {  	v49 =	vld.idx.msk [tilespmem:v57+s8+$0x0], $0xffff  }
0x1b8: {  	v58 =	vor.u32 v29, v48;
	_ =	sdelay $0x3  }
0x1b9: {  	[tilespmem:s24+$0x19400] =	vst v49  }
0x1ba: {  	v49 =	vld.idx.msk [tilespmem:v58+s8+$0x0], $0xffff  }
0x1bb: {  	v59 =	vor.u32 v30, v48;
	_ =	sdelay $0x3  }
0x1bc: {  	[tilespmem:s24+$0x19480] =	vst v49  }
0x1bd: {  	v49 =	vld.idx.msk [tilespmem:v59+s8+$0x0], $0xffff  }
0x1be: {  	v48 =	vor.u32 v31, v48;
	_ =	sdelay $0x3  }
0x1bf: {  	[tilespmem:s24+$0x19500] =	vst v49  }
0x1c0: {  	v48 =	vld.idx.msk [tilespmem:v48+s8+$0x0], $0xffff;
	_ =	sdelay $0x4  }
0x1c1: {  	[tilespmem:s24+$0x19580] =	vst v48  }
0x1c2: {  	v48 =	vld [tilespmem:s19+$0x20];
	_ =	sdelay $0x4  }
0x1c3: {  	v48 =	vand.u32 $0xFFFFFF80, v48  }
0x1c4: {  	v48 =	vadd.s32 s1, v48  }
0x1c5: {  	(v2sf) =	vpush v48, $0x0;
	_ =	sdelay $0x3  }
0x1c6: {  	(v2sf) =	vpush v48, $0x1;
	_ =	sdelay $0x3  }
0x1c7: {  	(v2sf) =	vpush v48, $0x2;
	_ =	sdelay $0x3  }
0x1c8: {  	(v2sf) =	vpush v48, $0x3;
	_ =	sdelay $0x2  }
0x1c9: {  	s26 =	simm.s32 $0x8200;
	s24 =	spop (v2sf)  }
0x1ca: {  	(v2sf) =	vpush v48, $0x4;
	[tilespmem:s26], [sflag:$0x2] =	stream.linear.gather [hbm4b:s24+s2], $0x400, $0x38;
	[tilespmem:$0x1A200] =	vst v63  }
0x1cb: {  	s24 =	sadd.s32 $0xF4280, s24;
	s26 =	simm.s32 $0xC200  }
0x1cc: {  	[tilespmem:s26], [sflag:$0x2] =	stream.linear.gather [hbm4b:s24+s2], $0x400, $0x38;
	[tilespmem:$0x1A200] =	vst v63  }
0x1cd: {  	s24 =	spop (v2sf);
	s26 =	simm.s32 $0x8600  }
0x1ce: {  	(v2sf) =	vpush v48, $0x5;
	[tilespmem:s26], [sflag:$0x2] =	stream.linear.gather [hbm4b:s24+s2], $0x400, $0x38;
	[tilespmem:$0x1A200] =	vst v63  }
0x1cf: {  	s24 =	sadd.s32 $0xF4280, s24;
	s26 =	simm.s32 $0xC600  }
0x1d0: {  	[tilespmem:s26], [sflag:$0x2] =	stream.linear.gather [hbm4b:s24+s2], $0x400, $0x38;
	[tilespmem:$0x1A200] =	vst v63  }
0x1d1: {  	s24 =	spop (v2sf);
	s26 =	simm.s32 $0x8A00  }
0x1d2: {  	(v2sf) =	vpush v48, $0x6;
	[tilespmem:s26], [sflag:$0x2] =	stream.linear.gather [hbm4b:s24+s2], $0x400, $0x38;
	[tilespmem:$0x1A200] =	vst v63  }
0x1d3: {  	s24 =	sadd.s32 $0xF4280, s24;
	s26 =	simm.s32 $0xCA00  }
0x1d4: {  	[tilespmem:s26], [sflag:$0x2] =	stream.linear.gather [hbm4b:s24+s2], $0x400, $0x38;
	[tilespmem:$0x1A200] =	vst v63  }
0x1d5: {  	s24 =	spop (v2sf);
	s26 =	simm.s32 $0x8E00  }
0x1d6: {  	(v2sf) =	vpush v48, $0x7;
	[tilespmem:s26], [sflag:$0x2] =	stream.linear.gather [hbm4b:s24+s2], $0x400, $0x38;
	[tilespmem:$0x1A200] =	vst v63  }
0x1d7: {  	s24 =	sadd.s32 $0xF4280, s24;
	s26 =	simm.s32 $0xCE00  }
0x1d8: {  	[tilespmem:s26], [sflag:$0x2] =	stream.linear.gather [hbm4b:s24+s2], $0x400, $0x38;
	[tilespmem:$0x1A200] =	vst v63  }
0x1d9: {  	s24 =	spop (v2sf);
	s26 =	simm.s32 $0x9200  }
0x1da: {  	(v2sf) =	vpush v48, $0x8;
	[tilespmem:s26], [sflag:$0x2] =	stream.linear.gather [hbm4b:s24+s2], $0x400, $0x38;
	[tilespmem:$0x1A200] =	vst v63  }
0x1db: {  	s24 =	sadd.s32 $0xF4280, s24;
	s26 =	simm.s32 $0xD200  }
0x1dc: {  	[tilespmem:s26], [sflag:$0x2] =	stream.linear.gather [hbm4b:s24+s2], $0x400, $0x38;
	[tilespmem:$0x1A200] =	vst v63  }
0x1dd: {  	s24 =	spop (v2sf);
	s26 =	simm.s32 $0x9600  }
0x1de: {  	(v2sf) =	vpush v48, $0x9;
	[tilespmem:s26], [sflag:$0x2] =	stream.linear.gather [hbm4b:s24+s2], $0x400, $0x38;
	[tilespmem:$0x1A200] =	vst v63  }
0x1df: {  	s24 =	sadd.s32 $0xF4280, s24;
	s26 =	simm.s32 $0xD600  }
0x1e0: {  	[tilespmem:s26], [sflag:$0x2] =	stream.linear.gather [hbm4b:s24+s2], $0x400, $0x38;
	[tilespmem:$0x1A200] =	vst v63  }
0x1e1: {  	s24 =	spop (v2sf);
	s26 =	simm.s32 $0x9A00  }
0x1e2: {  	(v2sf) =	vpush v48, $0xA;
	[tilespmem:s26], [sflag:$0x2] =	stream.linear.gather [hbm4b:s24+s2], $0x400, $0x38;
	[tilespmem:$0x1A200] =	vst v63  }
0x1e3: {  	s24 =	sadd.s32 $0xF4280, s24;
	s26 =	simm.s32 $0xDA00  }
0x1e4: {  	[tilespmem:s26], [sflag:$0x2] =	stream.linear.gather [hbm4b:s24+s2], $0x400, $0x38;
	[tilespmem:$0x1A200] =	vst v63  }
0x1e5: {  	s24 =	spop (v2sf);
	s26 =	simm.s32 $0x9E00  }
0x1e6: {  	(v2sf) =	vpush v48, $0xB;
	[tilespmem:s26], [sflag:$0x2] =	stream.linear.gather [hbm4b:s24+s2], $0x400, $0x38;
	[tilespmem:$0x1A200] =	vst v63  }
0x1e7: {  	s24 =	sadd.s32 $0xF4280, s24;
	s26 =	simm.s32 $0xDE00  }
0x1e8: {  	[tilespmem:s26], [sflag:$0x2] =	stream.linear.gather [hbm4b:s24+s2], $0x400, $0x38;
	[tilespmem:$0x1A200] =	vst v63  }
0x1e9: {  	s24 =	spop (v2sf);
	s26 =	simm.s32 $0xA200  }
0x1ea: {  	(v2sf) =	vpush v48, $0xC;
	[tilespmem:s26], [sflag:$0x2] =	stream.linear.gather [hbm4b:s24+s2], $0x400, $0x38;
	[tilespmem:$0x1A200] =	vst v63  }
0x1eb: {  	s24 =	sadd.s32 $0xF4280, s24;
	s26 =	simm.s32 $0xE200  }
0x1ec: {  	[tilespmem:s26], [sflag:$0x2] =	stream.linear.gather [hbm4b:s24+s2], $0x400, $0x38;
	[tilespmem:$0x1A200] =	vst v63  }
0x1ed: {  	s24 =	spop (v2sf);
	s26 =	simm.s32 $0xA600  }
0x1ee: {  	(v2sf) =	vpush v48, $0xD;
	[tilespmem:s26], [sflag:$0x2] =	stream.linear.gather [hbm4b:s24+s2], $0x400, $0x38;
	[tilespmem:$0x1A200] =	vst v63  }
0x1ef: {  	s24 =	sadd.s32 $0xF4280, s24;
	s26 =	simm.s32 $0xE600  }
0x1f0: {  	[tilespmem:s26], [sflag:$0x2] =	stream.linear.gather [hbm4b:s24+s2], $0x400, $0x38;
	[tilespmem:$0x1A200] =	vst v63  }
0x1f1: {  	s24 =	spop (v2sf);
	s26 =	simm.s32 $0xAA00  }
0x1f2: {  	(v2sf) =	vpush v48, $0xE;
	[tilespmem:s26], [sflag:$0x2] =	stream.linear.gather [hbm4b:s24+s2], $0x400, $0x38;
	[tilespmem:$0x1A200] =	vst v63  }
0x1f3: {  	s24 =	sadd.s32 $0xF4280, s24;
	s26 =	simm.s32 $0xEA00  }
0x1f4: {  	[tilespmem:s26], [sflag:$0x2] =	stream.linear.gather [hbm4b:s24+s2], $0x400, $0x38;
	[tilespmem:$0x1A200] =	vst v63  }
0x1f5: {  	s24 =	spop (v2sf);
	s26 =	simm.s32 $0xAE00  }
0x1f6: {  	(v2sf) =	vpush v48, $0xF;
	[tilespmem:s26], [sflag:$0x2] =	stream.linear.gather [hbm4b:s24+s2], $0x400, $0x38;
	[tilespmem:$0x1A200] =	vst v63  }
0x1f7: {  	s24 =	sadd.s32 $0xF4280, s24;
	s26 =	simm.s32 $0xEE00  }
0x1f8: {  	[tilespmem:s26], [sflag:$0x2] =	stream.linear.gather [hbm4b:s24+s2], $0x400, $0x38;
	[tilespmem:$0x1A200] =	vst v63  }
0x1f9: {  	s24 =	spop (v2sf);
	s26 =	simm.s32 $0xB200  }
0x1fa: {  	[tilespmem:s26], [sflag:$0x2] =	stream.linear.gather [hbm4b:s24+s2], $0x400, $0x38;
	[tilespmem:$0x1A200] =	vst v63  }
0x1fb: {  	s24 =	sadd.s32 $0xF4280, s24;
	s26 =	simm.s32 $0xF200  }
0x1fc: {  	[tilespmem:s26], [sflag:$0x2] =	stream.linear.gather [hbm4b:s24+s2], $0x400, $0x38;
	[tilespmem:$0x1A200] =	vst v63  }
0x1fd: {  	s24 =	spop (v2sf);
	s26 =	simm.s32 $0xB600  }
0x1fe: {  	[tilespmem:s26], [sflag:$0x2] =	stream.linear.gather [hbm4b:s24+s2], $0x400, $0x38;
	[tilespmem:$0x1A200] =	vst v63  }
0x1ff: {  	s24 =	sadd.s32 $0xF4280, s24  }
0x200: {  	[tilespmem:s28], [sflag:$0x2] =	stream.linear.gather [hbm4b:s24+s2], $0x400, $0x38;
	[tilespmem:$0x1A200] =	vst v63  }
0x201: {  	s25 =	spop (v2sf)  }
0x202: {  	[tilespmem:s15], [sflag:$0x2] =	stream.linear.gather [hbm4b:s25+s2], $0x400, $0x38;
	[tilespmem:$0x1A200] =	vst v63  }
0x203: {  	s24 =	sadd.s32 $0xF4280, s25  }
0x204: {  	[tilespmem:s30], [sflag:$0x2] =	stream.linear.gather [hbm4b:s24+s2], $0x400, $0x38;
	[tilespmem:$0x1A200] =	vst v63  }
0x205: {  	s26 =	spop (v2sf)  }
0x206: {  	[tilespmem:s3], [sflag:$0x2] =	stream.linear.gather [hbm4b:s26+s2], $0x400, $0x38;
	[tilespmem:$0x1A200] =	vst v63  }
0x207: {  	s24 =	sadd.s32 $0xF4280, s26  }
0x208: {  	[tilespmem:s4], [sflag:$0x2] =	stream.linear.gather [hbm4b:s24+s2], $0x400, $0x38;
	[tilespmem:$0x1A200] =	vst v63  }
0x209: {  	_ =	swait.ge [sflag:s18], $0x8000  }
0x20a: {  	[sflag:s18] =	ssyncset.done $0x0  }
0x20b: {  	[sflag:s18] =	ssyncadd.s32 $0xFFFF8000  }
0x20c: {  	v60 =	vld [tilespmem:s19+$0x0];
	_ =	sdelay $0x4  }
0x20d: {  	v48 =	vand.u32 $0x7F, v60  }
0x20e: {  	v61 =	vor.u32 v32, v48;
	_ =	sdelay $0x4  }
0x20f: {  	v49 =	vld.idx.msk [tilespmem:v61+s8+$0x0], $0xffff  }
0x210: {  	v62 =	vor.u32 v33, v48  }
0x211: {  	s24 =	sadd.s32 $0x100, s23  }
0x212: {  	s25 =	sand.u32 $0x70, s22;
	s26 =	sand.u32 $0x3C00, s24  }
0x213: {  	s25 =	sor.u32 s25, s26  }
0x214: {  	[tilespmem:s25+$0x18200] =	vst v49  }
0x215: {  	v49 =	vld.idx.msk [tilespmem:v62+s8+$0x0], $0xffff  }
0x216: {  	v63 =	vor.u32 v34, v48;
	_ =	sdelay $0x3  }
0x217: {  	[tilespmem:s25+$0x18280] =	vst v49  }
0x218: {  	v49 =	vld.idx.msk [tilespmem:v63+s8+$0x0], $0xffff  }
0x219: {  	v52 =	vor.u32 v35, v48;
	_ =	sdelay $0x3  }
0x21a: {  	[tilespmem:s25+$0x18300] =	vst v49  }
0x21b: {  	v49 =	vld.idx.msk [tilespmem:v52+s8+$0x0], $0xffff  }
0x21c: {  	v53 =	vor.u32 v36, v48;
	_ =	sdelay $0x3  }
0x21d: {  	[tilespmem:s25+$0x18380] =	vst v49  }
0x21e: {  	v49 =	vld.idx.msk [tilespmem:v53+s8+$0x0], $0xffff  }
0x21f: {  	v54 =	vor.u32 v37, v48;
	_ =	sdelay $0x3  }
0x220: {  	[tilespmem:s25+$0x18400] =	vst v49  }
0x221: {  	v49 =	vld.idx.msk [tilespmem:v54+s8+$0x0], $0xffff  }
0x222: {  	v55 =	vor.u32 v38, v48;
	_ =	sdelay $0x3  }
0x223: {  	[tilespmem:s25+$0x18480] =	vst v49  }
0x224: {  	v49 =	vld.idx.msk [tilespmem:v55+s8+$0x0], $0xffff  }
0x225: {  	v56 =	vor.u32 v39, v48;
	_ =	sdelay $0x3  }
0x226: {  	[tilespmem:s25+$0x18500] =	vst v49  }
0x227: {  	v49 =	vld.idx.msk [tilespmem:v56+s8+$0x0], $0xffff  }
0x228: {  	s26 =	sand.u32 $0x7, s20;
	v57 =	vor.u32 v40, v48  }
0x229: {  	s26 =	sshll.u32 s26, $0x4  }
0x22a: {  	s24 =	sadd.s32 s26, s24  }
0x22b: {  	s24 =	sor.u32 $0x380, s24  }
0x22c: {  	[tilespmem:s24+$0x18200] =	vst v49  }
0x22d: {  	v49 =	vld.idx.msk [tilespmem:v57+s8+$0x0], $0xffff  }
0x22e: {  	v58 =	vor.u32 v41, v48;
	_ =	sdelay $0x3  }
0x22f: {  	[tilespmem:s25+$0x19200] =	vst v49  }
0x230: {  	v49 =	vld.idx.msk [tilespmem:v58+s8+$0x0], $0xffff  }
0x231: {  	v59 =	vor.u32 v42, v48;
	_ =	sdelay $0x3  }
0x232: {  	[tilespmem:s25+$0x19280] =	vst v49  }
0x233: {  	v49 =	vld.idx.msk [tilespmem:v59+s8+$0x0], $0xffff  }
0x234: {  	v60 =	vor.u32 v43, v48;
	_ =	sdelay $0x3  }
0x235: {  	[tilespmem:s25+$0x19300] =	vst v49  }
0x236: {  	v49 =	vld.idx.msk [tilespmem:v60+s8+$0x0], $0xffff  }
0x237: {  	v61 =	vor.u32 v44, v48;
	_ =	sdelay $0x3  }
0x238: {  	[tilespmem:s25+$0x19380] =	vst v49  }
0x239: {  	v49 =	vld.idx.msk [tilespmem:v61+s8+$0x0], $0xffff  }
0x23a: {  	v62 =	vor.u32 v45, v48;
	_ =	sdelay $0x3  }
0x23b: {  	[tilespmem:s25+$0x19400] =	vst v49  }
0x23c: {  	v49 =	vld.idx.msk [tilespmem:v62+s8+$0x0], $0xffff  }
0x23d: {  	v63 =	vor.u32 v46, v48;
	_ =	sdelay $0x3  }
0x23e: {  	[tilespmem:s25+$0x19480] =	vst v49  }
0x23f: {  	v49 =	vld.idx.msk [tilespmem:v63+s8+$0x0], $0xffff  }
0x240: {  	v48 =	vor.u32 v47, v48;
	_ =	sdelay $0x3  }
0x241: {  	[tilespmem:s25+$0x19500] =	vst v49  }
0x242: {  	p0 =	sne.s32 s23, $0xD80;
	v48 =	vld.idx.msk [tilespmem:v48+s8+$0x0], $0xffff  }
.Ltmp0:
0x243: {  	_ = 	snop;
	(pc) =	sbr.rel @p0 .LBB2_2-.Ltmp0, $3  }
0x244: {  	_ =	sdelay $0x1  }
0x245: {  	s21 =	sadd.s32 $0x3, s21;
	s22 =	sadd.s32 $0x30, s22  }
0x246: {  	s23 =	sadd.s32 $0x180, s23;
	s20 =	sadd.s32 $0x3, s20;
	s19 =	sadd.s32 $0x30, s19;
	[tilespmem:s25+$0x19580] =	vst v48  }
0x247: {  	_ =	swait.ge [sflag:s16], $0x8000  }
0x248: {  	[sflag:s16] =	ssyncset.done $0x0  }
0x249: {  	[sflag:s16] =	ssyncadd.s32 $0xFFFF8000  }
0x24a: {  	v48 =	vld [tilespmem:$0x1E0];
	_ =	sdelay $0x4  }
0x24b: {  	v48 =	vand.u32 $0x7F, v48  }
0x24c: {  	v49 =	vor.u32 v0, v48;
	_ =	sdelay $0x4  }
0x24d: {  	v49 =	vld.idx.msk [tilespmem:v49+s8+$0x0], $0xffff  }
0x24e: {  	v50 =	vor.u32 v1, v48;
	_ =	sdelay $0x3  }
0x24f: {  	[tilespmem:$0x18E60] =	vst v49  }
0x250: {  	v49 =	vld.idx.msk [tilespmem:v50+s8+$0x0], $0xffff  }
0x251: {  	v59 =	vor.u32 v2, v48;
	_ =	sdelay $0x3  }
0x252: {  	[tilespmem:$0x18EE0] =	vst v49  }
0x253: {  	v49 =	vld.idx.msk [tilespmem:v59+s8+$0x0], $0xffff  }
0x254: {  	v60 =	vor.u32 v3, v48;
	_ =	sdelay $0x3  }
0x255: {  	[tilespmem:$0x18F60] =	vst v49  }
0x256: {  	v49 =	vld.idx.msk [tilespmem:v60+s8+$0x0], $0xffff  }
0x257: {  	v61 =	vor.u32 v4, v48;
	_ =	sdelay $0x3  }
0x258: {  	[tilespmem:$0x18FE0] =	vst v49  }
0x259: {  	v49 =	vld.idx.msk [tilespmem:v61+s8+$0x0], $0xffff  }
0x25a: {  	v62 =	vor.u32 v5, v48;
	_ =	sdelay $0x3  }
0x25b: {  	[tilespmem:$0x19060] =	vst v49  }
0x25c: {  	v49 =	vld.idx.msk [tilespmem:v62+s8+$0x0], $0xffff  }
0x25d: {  	v63 =	vor.u32 v6, v48;
	_ =	sdelay $0x3  }
0x25e: {  	[tilespmem:$0x190E0] =	vst v49  }
0x25f: {  	v49 =	vld.idx.msk [tilespmem:v63+s8+$0x0], $0xffff  }
0x260: {  	v52 =	vor.u32 v7, v48;
	_ =	sdelay $0x3  }
0x261: {  	[tilespmem:$0x19160] =	vst v49  }
0x262: {  	v49 =	vld.idx.msk [tilespmem:v52+s8+$0x0], $0xffff  }
0x263: {  	v53 =	vor.u32 v8, v48;
	_ =	sdelay $0x3  }
0x264: {  	[tilespmem:$0x191E0] =	vst v49  }
0x265: {  	v49 =	vld.idx.msk [tilespmem:v53+s8+$0x0], $0xffff  }
0x266: {  	v54 =	vor.u32 v9, v48;
	_ =	sdelay $0x3  }
0x267: {  	[tilespmem:$0x19E60] =	vst v49  }
0x268: {  	v49 =	vld.idx.msk [tilespmem:v54+s8+$0x0], $0xffff  }
0x269: {  	v55 =	vor.u32 v10, v48;
	_ =	sdelay $0x3  }
0x26a: {  	[tilespmem:$0x19EE0] =	vst v49  }
0x26b: {  	v49 =	vld.idx.msk [tilespmem:v55+s8+$0x0], $0xffff  }
0x26c: {  	v56 =	vor.u32 v11, v48;
	_ =	sdelay $0x3  }
0x26d: {  	[tilespmem:$0x19F60] =	vst v49  }
0x26e: {  	v49 =	vld.idx.msk [tilespmem:v56+s8+$0x0], $0xffff  }
0x26f: {  	v57 =	vor.u32 v12, v48;
	_ =	sdelay $0x3  }
0x270: {  	[tilespmem:$0x19FE0] =	vst v49  }
0x271: {  	v49 =	vld.idx.msk [tilespmem:v57+s8+$0x0], $0xffff  }
0x272: {  	v58 =	vor.u32 v13, v48;
	_ =	sdelay $0x3  }
0x273: {  	[tilespmem:$0x1A060] =	vst v49  }
0x274: {  	v49 =	vld.idx.msk [tilespmem:v58+s8+$0x0], $0xffff  }
0x275: {  	v59 =	vor.u32 v14, v48;
	_ =	sdelay $0x3  }
0x276: {  	[tilespmem:$0x1A0E0] =	vst v49  }
0x277: {  	v49 =	vld.idx.msk [tilespmem:v59+s8+$0x0], $0xffff  }
0x278: {  	v48 =	vor.u32 v15, v48;
	_ =	sdelay $0x3  }
0x279: {  	[tilespmem:$0x1A160] =	vst v49  }
0x27a: {  	v48 =	vld.idx.msk [tilespmem:v48+s8+$0x0], $0xffff;
	_ =	sdelay $0x4  }
0x27b: {  	[tilespmem:$0x1A1E0] =	vst v48  }
0x27c: {  	_ =	swait.ge [sflag:s17], $0x8000  }
0x27d: {  	[sflag:s17] =	ssyncset.done $0x0  }
0x27e: {  	[sflag:s17] =	ssyncadd.s32 $0xFFFF8000  }
0x27f: {  	v60 =	vld [tilespmem:$0x1F0];
	_ =	sdelay $0x4  }
0x280: {  	v48 =	vand.u32 $0x7F, v60  }
0x281: {  	v61 =	vor.u32 v16, v48;
	_ =	sdelay $0x4  }
0x282: {  	v49 =	vld.idx.msk [tilespmem:v61+s8+$0x0], $0xffff  }
0x283: {  	v62 =	vor.u32 v17, v48;
	_ =	sdelay $0x3  }
0x284: {  	[tilespmem:$0x18E70] =	vst v49  }
0x285: {  	v49 =	vld.idx.msk [tilespmem:v62+s8+$0x0], $0xffff  }
0x286: {  	v63 =	vor.u32 v18, v48;
	_ =	sdelay $0x3  }
0x287: {  	[tilespmem:$0x18EF0] =	vst v49  }
0x288: {  	v49 =	vld.idx.msk [tilespmem:v63+s8+$0x0], $0xffff  }
0x289: {  	v52 =	vor.u32 v19, v48;
	_ =	sdelay $0x3  }
0x28a: {  	[tilespmem:$0x18F70] =	vst v49  }
0x28b: {  	v49 =	vld.idx.msk [tilespmem:v52+s8+$0x0], $0xffff  }
0x28c: {  	v53 =	vor.u32 v20, v48;
	_ =	sdelay $0x3  }
0x28d: {  	[tilespmem:$0x18FF0] =	vst v49  }
0x28e: {  	v49 =	vld.idx.msk [tilespmem:v53+s8+$0x0], $0xffff  }
0x28f: {  	v54 =	vor.u32 v21, v48;
	_ =	sdelay $0x3  }
0x290: {  	[tilespmem:$0x19070] =	vst v49  }
0x291: {  	v49 =	vld.idx.msk [tilespmem:v54+s8+$0x0], $0xffff  }
0x292: {  	v55 =	vor.u32 v22, v48;
	_ =	sdelay $0x3  }
0x293: {  	[tilespmem:$0x190F0] =	vst v49  }
0x294: {  	v49 =	vld.idx.msk [tilespmem:v55+s8+$0x0], $0xffff  }
0x295: {  	v56 =	vor.u32 v23, v48;
	_ =	sdelay $0x3  }
0x296: {  	[tilespmem:$0x19170] =	vst v49  }
0x297: {  	v49 =	vld.idx.msk [tilespmem:v56+s8+$0x0], $0xffff  }
0x298: {  	v57 =	vor.u32 v24, v48;
	_ =	sdelay $0x3  }
0x299: {  	[tilespmem:$0x191F0] =	vst v49  }
0x29a: {  	v49 =	vld.idx.msk [tilespmem:v57+s8+$0x0], $0xffff  }
0x29b: {  	v58 =	vor.u32 v25, v48;
	_ =	sdelay $0x3  }
0x29c: {  	[tilespmem:$0x19E70] =	vst v49  }
0x29d: {  	v49 =	vld.idx.msk [tilespmem:v58+s8+$0x0], $0xffff  }
0x29e: {  	v59 =	vor.u32 v26, v48;
	_ =	sdelay $0x3  }
0x29f: {  	[tilespmem:$0x19EF0] =	vst v49  }
0x2a0: {  	v49 =	vld.idx.msk [tilespmem:v59+s8+$0x0], $0xffff  }
0x2a1: {  	v60 =	vor.u32 v27, v48;
	_ =	sdelay $0x3  }
0x2a2: {  	[tilespmem:$0x19F70] =	vst v49  }
0x2a3: {  	v49 =	vld.idx.msk [tilespmem:v60+s8+$0x0], $0xffff  }
0x2a4: {  	v61 =	vor.u32 v28, v48;
	_ =	sdelay $0x3  }
0x2a5: {  	[tilespmem:$0x19FF0] =	vst v49  }
0x2a6: {  	v49 =	vld.idx.msk [tilespmem:v61+s8+$0x0], $0xffff  }
0x2a7: {  	v62 =	vor.u32 v29, v48;
	_ =	sdelay $0x3  }
0x2a8: {  	[tilespmem:$0x1A070] =	vst v49  }
0x2a9: {  	v49 =	vld.idx.msk [tilespmem:v62+s8+$0x0], $0xffff  }
0x2aa: {  	v63 =	vor.u32 v30, v48;
	_ =	sdelay $0x3  }
0x2ab: {  	[tilespmem:$0x1A0F0] =	vst v49  }
0x2ac: {  	v49 =	vld.idx.msk [tilespmem:v63+s8+$0x0], $0xffff  }
0x2ad: {  	v48 =	vor.u32 v31, v48;
	_ =	sdelay $0x3  }
0x2ae: {  	[tilespmem:$0x1A170] =	vst v49  }
0x2af: {  	v48 =	vld.idx.msk [tilespmem:v48+s8+$0x0], $0xffff;
	_ =	sdelay $0x2  }
0x2b0: {  	s19 =	sld [smem:$0x7F7]  }
0x2b1: {  	s0 =	simm.s32 $0x1000  }
0x2b2: {  	s3 =	simm.s32 $0x20000;
	s4 =	simm.s32 $0x18200;
	s20 =	simm.s32 $0x4;
	[tilespmem:$0x1A1F0] =	vst v48  }
0x2b3: {  	[hbm4b:s19+s0] =	stream.strided.scatter [tilespmem:s4], [sflag:$0x4], $0x2000, s3, s0, $0x38;
	[tilespmem:$0x1A200] =	vst v63  }
0x2b4: {  	s21 =	simm.s32 $0x4200;
	_ =	swait.ge [sflag:s20], $0x2000  }
0x2b5: {  	s22 =	simm.s32 $0x600;
	s23 =	simm.s32 $0x4600;
	s25 =	sld [smem:$0x7FD]  }
0x2b6: {  	s24 =	simm.s32 $0xA00;
	s5 =	simm.s32 $0x1200;
	s26 =	sld [smem:$0x7F8]  }
0x2b7: {  	s6 =	simm.s32 $0x5200;
	s7 =	simm.s32 $0x1600;
	s9 =	simm.s32 $0x5600  }
0x2b8: {  	s10 =	simm.s32 $0x1A00;
	s11 =	simm.s32 $0x5A00;
	s0 =	sadd.s32 $0x1, s25  }
0x2b9: {  	s12 =	simm.s32 $0x1E00;
	s13 =	simm.s32 $0x5E00;
	p0 =	sne.s32 s0, s26  }
.Ltmp1:
0x2ba: {  	s14 =	simm.s32 $0x2200;
	s15 =	simm.s32 $0x2600;
	(pc) =	sbr.rel @p0 .LBB2_1-.Ltmp1, $4  }
0x2bb: {  	s28 =	simm.s32 $0x2A00;
	s29 =	simm.s32 $0x6A00;
	s30 =	simm.s32 $0x2E00  }
0x2bc: {  	s31 =	simm.s32 $0x6E00;
	s3 =	simm.s32 $0xE00;
	[sflag:s20] =	ssyncset.done $0x0  }
0x2bd: {  	s4 =	simm.s32 $0x4E00;
	[sflag:s20] =	ssyncadd.s32 $0xFFFFE000;
	s25 =	simm.s32 $0x4A00  }
0x2be: {  	[smem:$0x7FD] =	sst s0;
	s0 =	simm.s32 $0x6200;
	s26 =	simm.s32 $0x6600  }
0x2bf: {  	_ =	sfence.sel $0x180000  }
0x2c0: {  	[bflag:$0x0] =	sbarrier.arrive $0xFFFF  }
0x2c1: {  	_ =	strace $0x90000047  }
0x2c2: {  	s0 =	stileid.u32;
	[bflag:$0x2] =	sbarrier.arrive $0xFFFF  }
0x2c3: {  	p0 =	sne.s32 s0, $0x0;
	s0 =	rddreg [dreg:$0x3]  }
0x2c4: {  	s0 =	sadd.s32 @!p0 $0x100000, s0  }
0x2c5: {  	[sflag:s0] =	ssyncadd.tile.s32 @!p0 $0x1;
	_ =	shalt  }
.Lfunc_end2:
_tile_overlayer_lowered:
.L_overlay_start_2:
0x2c6: {  	(tag) =	ssettag $0x2  }
0x2c7: {  	s0 =	rddreg [dreg:$0x0];
	s2 =	stileid.u32  }
0x2c8: {  	s1 =	rddreg [dreg:$0x1];
	p0 =	sne.s32 s2, $0x0  }
0x2c9: {  	s3 =	rddreg [dreg:$0x2];
	[bflag:$0x3] =	sbarrier.arrive $0xFFFF;
	s2 =	simm.s32 @!p0 $0x1C04  }
0x2ca: {  	[timem:s3], [sflag:s2] =	dma.local @!p0 [hbm:s0], s1  }
0x2cb: {  	s0 =	simm.s32 @!p0 $0x4  }
0x2cc: {  	_ =	swait.ge @!p0 [sflag:s0], s1  }
0x2cd: {  	s1 =	ssub.s32 @!p0 $0x0, s1;
	[sflag:s0] =	ssyncset.done @!p0 $0x0  }
0x2ce: {  	[sflag:s0] =	ssyncadd.s32 @!p0 s1  }
0x2cf: {  	[bflag:$0x3] =	sbarrier.arrive $0xFFFF  }
0x2d0: {  	_ =	shalt  }

</sc_bundles>
